<compile_context>
chip_gen: v7x
topology: tpu7x:2x2x1
jax: 0.10.2.dev20260603
libtpu: 0.0.44.dev20260713+nightly
codegen_flags: <defaults>
</compile_context>

<pallas_src>
import functools

import jax
import jax.numpy as jnp
from jax import lax
from jax.experimental import pallas as pl
from jax.experimental.pallas import tpu as pltpu
from jax.experimental.pallas import tpu_sc as plsc

_B = 64
_S = 50
_T = _S - 2
_E = 32
_C = 32
_NB = 16
_NC, _NS = 2, 16
_NW = _NC * _NS
_PAIRS = _B * _T
_PPW = _PAIRS // _NW
_CHUNK = 128
_NCHUNK = _PPW * _NB // _CHUNK
_RC = 384
_NRC = _PAIRS // _RC


def _sc_body(qi_hbm, li_hbm, nbq_hbm, nbl_hbm, qe_hbm, le_hbm,
             out_qle, out_x4,
             idx_v, nbr_v, flat_a, flat_b, rows_v, erow_v, ebuf_v, sem, esem):
    wid = lax.axis_index("s") * _NC + lax.axis_index("c")
    base = wid * _PPW
    nflat = _PPW * _NB
    nch = nflat // _CHUNK

    def side(i_hbm, e_hbm, nb_hbm, emb_a, emb_b, qle_col, x4_col):
        pltpu.sync_copy(i_hbm.at[pl.ds(base, _PPW)], idx_v)
        ecp = pltpu.async_copy(e_hbm.at[idx_v], ebuf_v, esem)
        pltpu.async_copy(nb_hbm.at[idx_v], nbr_v, sem).wait()

        def flat_body(p, carry):
            flat_a[pl.ds(p * _NB, _NB)] = nbr_v[p, pl.ds(0, _NB)]
            flat_b[pl.ds(p * _NB, _NB)] = nbr_v[p, pl.ds(_NB, _NB)]
            return carry

        lax.fori_loop(0, _PPW, flat_body, 0)
        ecp.wait()
        pltpu.sync_copy(ebuf_v, out_qle.at[pl.ds(base, _PPW), pl.ds(qle_col, _E)])

        for half, (flat, emb) in enumerate(((flat_a, emb_a), (flat_b, emb_b))):
            copies = [
                pltpu.async_copy(emb.at[flat.at[pl.ds(c * _CHUNK, _CHUNK)]],
                                 rows_v.at[pl.ds(c * _CHUNK, _CHUNK)], sem)
                for c in range(nch)
            ]
            for cp in copies:
                cp.wait()

            col0 = half * _E

            def acc_body(p, carry):
                lo = rows_v[p * _NB, pl.ds(0, 16)]
                hi = rows_v[p * _NB, pl.ds(16, 16)]
                for j in range(1, _NB):
                    lo = lo + rows_v[p * _NB + j, pl.ds(0, 16)]
                    hi = hi + rows_v[p * _NB + j, pl.ds(16, 16)]
                nv = nbr_v[p, pl.ds(half * _NB, _NB)]
                cnt = jnp.int32(0)
                for j in range(_NB):
                    cnt = cnt + jnp.where(nv[j] != 0, 1, 0).astype(jnp.int32)
                inv = jnp.float32(1.0)
                for k in range(2, _NB + 1):
                    inv = jnp.where(cnt == k, jnp.float32(1.0 / k), inv)
                erow_v[p, pl.ds(col0, 16)] = lo * inv
                erow_v[p, pl.ds(col0 + 16, 16)] = hi * inv
                return carry

            lax.fori_loop(0, _PPW, acc_body, 0)

        pltpu.sync_copy(
            erow_v, out_x4.at[pl.ds(base, _PPW), pl.ds(x4_col, 2 * _E)])

    side(qi_hbm, qe_hbm, nbq_hbm, qe_hbm, le_hbm, 0, 0)
    side(li_hbm, le_hbm, nbl_hbm, le_hbm, qe_hbm, _E, 2 * _E)


@functools.cache
def _sc_gather_fn():
    return pl.kernel(
        _sc_body,
        out_type=[jax.ShapeDtypeStruct((_PAIRS, 2 * _E), jnp.float32),
                  jax.ShapeDtypeStruct((_PAIRS, 4 * _E), jnp.float32)],
        mesh=plsc.VectorSubcoreMesh(core_axis_name="c", subcore_axis_name="s",
                                    num_cores=_NC, num_subcores=_NS),
        compiler_params=pltpu.CompilerParams(use_tc_tiling_on_sc=False),
        scratch_types=[
            pltpu.VMEM((_PPW,), jnp.int32),
            pltpu.VMEM((_PPW, 2 * _NB), jnp.int32),
            pltpu.VMEM((_PPW * _NB,), jnp.int32),
            pltpu.VMEM((_PPW * _NB,), jnp.int32),
            pltpu.VMEM((_PPW * _NB, _E), jnp.float32),
            pltpu.VMEM((_PPW, 2 * _E), jnp.float32),
            pltpu.VMEM((_PPW, _E), jnp.float32),
            pltpu.SemaphoreType.DMA,
            pltpu.SemaphoreType.DMA,
        ],
    )


def _sig(x):
    return 1.0 / (1.0 + jnp.exp(-x))


def _tc_body(x4_r, qle_r, aux_r, aemb_r,
             wnb_r, wg2_r, bg2_r, wk2_r, bk2_r, keyt_r,
             weaq_r, beaq_r, weal_r, beal_r,
             tcat_r, wsq_r, bsum_r, wsr_r, wout_r, wtq_r, wtl_r, vmi_r,
             bout_r, btq_r, btl_r,
             out_r,
             w_s, er_s, ad_s, ps_s, rd_s):
    Wnb = wnb_r[...]; Wg2 = wg2_r[...]; bg2 = bg2_r[...]
    Wk2 = wk2_r[...]; bk2 = bk2_r[...]; keyT = keyt_r[...]
    WeaQ = weaq_r[...]; beaQ = beaq_r[...]
    WeaL = weal_r[...]; beaL = beal_r[...]
    Tcat = tcat_r[...]; Wsq = wsq_r[...]; bsum = bsum_r[...]; Wsr = wsr_r[...]
    wout = wout_r[...]; wtq = wtq_r[...]; wtl = wtl_r[...]
    bout = bout_r[0]; btq = btq_r[0]; btl = btl_r[0]
    a0 = aemb_r[0:1, :]
    a1 = aemb_r[1:2, :]

    def phase_a(i, carry):
        b0 = i * _RC
        x4 = x4_r[pl.ds(b0, _RC), :]
        qle = qle_r[pl.ds(b0, _RC), :]
        aux = aux_r[pl.ds(b0, _RC), :]
        iqc = aux[:, 0:1] > 0.5
        am = aux[:, 1:2]
        a_t = am * a1 + (1.0 - am) * a0
        y = jnp.dot(x4, Wnb)
        z = jnp.tanh(jnp.dot(qle + y, Wg2) + bg2)
        u = jnp.dot(z, Wk2) + bk2
        usel = jnp.where(iqc, u[:, :_E], u[:, _E:])
        klog = jnp.dot(usel, keyT)
        mx = jnp.max(klog, axis=1, keepdims=True)
        ex = jnp.exp(klog - mx)
        w = ex / jnp.sum(ex, axis=1, keepdims=True)
        q_t = z[:, :_E]
        eaq = jnp.dot(jnp.concatenate([q_t, a_t], axis=1), WeaQ) + beaQ
        eal = jnp.dot(z[:, _E:], WeaL) + beaL
        er = jnp.where(iqc, _sig(eaq[:, :_E]), _sig(eal[:, :_E]))
        ad = jnp.where(iqc, jnp.tanh(eaq[:, _E:]), jnp.tanh(eal[:, _E:]))
        ps = jnp.dot(q_t, Wsq) + bsum
        w_s[pl.ds(b0, _RC), :] = w
        er_s[pl.ds(b0, _RC), :] = er
        ad_s[pl.ds(b0, _RC), :] = ad
        ps_s[pl.ds(b0, _RC), :] = ps
        return carry

    lax.fori_loop(0, _NRC, phase_a, 0, unroll=False)

    def phase_b(t, vm):
        b0 = t * _B
        aux = aux_r[pl.ds(b0, _B), :]
        iq3 = aux[:, 0:1][:, :, None] > 0.5
        pq3 = aux[:, 2:3][:, :, None] > 0.5
        vm2 = vm.reshape(_B * _C, _E).astype(jnp.bfloat16)
        prod = jnp.dot(vm2, Tcat, preferred_element_type=jnp.float32)
        vqq = prod[:, 0:_E].reshape(_B, _C, _E)
        vql = prod[:, _E:2 * _E].reshape(_B, _C, _E)
        vlq = prod[:, 2 * _E:3 * _E].reshape(_B, _C, _E)
        vll = prod[:, 3 * _E:].reshape(_B, _C, _E)
        vm = jnp.where(pq3, jnp.where(iq3, vqq, vql), jnp.where(iq3, vlq, vll))
        w3 = w_s[pl.ds(b0, _B), :][:, :, None]
        read = jnp.sum(w3 * vm, axis=1)
        rd_s[pl.ds(b0, _B), :] = read
        er = er_s[pl.ds(b0, _B), :]
        ad = ad_s[pl.ds(b0, _B), :]
        return vm + w3 * (ad[:, None, :] - vm * er[:, None, :])

    lax.fori_loop(0, _T, phase_b,
                  jnp.broadcast_to(vmi_r[...], (_B, _C, _E)), unroll=4)

    def phase_c(i, carry):
        b0 = i * _RC
        read = rd_s[pl.ds(b0, _RC), :]
        aux = aux_r[pl.ds(b0, _RC), :]
        summ = jnp.tanh(jnp.dot(read, Wsr) + ps_s[pl.ds(b0, _RC), :])
        pred = _sig(jnp.sum(summ * wout, axis=1, keepdims=True) + bout)
        ptq = jnp.sum(read * wtq, axis=1, keepdims=True) + btq
        ptl = jnp.sum(read * wtl, axis=1, keepdims=True) + btl
        ptype = _sig(jnp.where(aux[:, 0:1] > 0.5, ptq, ptl))
        out_r[pl.ds(b0, _RC), :] = jnp.concatenate([pred, ptype], axis=1)
        return carry

    lax.fori_loop(0, _NRC, phase_c, 0, unroll=False)


_N_VMEM_IN = 22


@functools.cache
def _tc_scan_fn():
    return pl.pallas_call(
        _tc_body,
        out_shape=[jax.ShapeDtypeStruct((_PAIRS, 2), jnp.float32)],
        in_specs=[pl.BlockSpec(memory_space=pltpu.VMEM)] * _N_VMEM_IN
        + [pl.BlockSpec(memory_space=pltpu.SMEM)] * 3,
        scratch_shapes=[
            pltpu.VMEM((_PAIRS, _E), jnp.float32),
            pltpu.VMEM((_PAIRS, _E), jnp.float32),
            pltpu.VMEM((_PAIRS, _E), jnp.float32),
            pltpu.VMEM((_PAIRS, 2 * _E), jnp.float32),
            pltpu.VMEM((_PAIRS, _E), jnp.float32),
        ],
    )


def kernel(q_data, a_data, l_data, d_data, q_q_neighbors, q_l_neighbors,
           l_q_neighbors, l_l_neighbors, q_embed, l_embed, a_embed,
           key_matrix, value_matrix_init,
           W_QQ, W_QL, W_LL, W_LQ, W_GQ, b_GQ, W_GL, b_GL,
           W_kq, b_kq, W_kl, b_kl, W_eq, b_eq, W_el, b_el,
           W_aq, b_aq, W_al, b_al, T_QQ, T_QL, T_LQ, T_LL,
           W_sum, b_sum, W_out, b_out, W_tq, b_tq, W_tl, b_tl):
    f32 = jnp.float32
    qi = q_data[:, 1:_S - 1].T.reshape(-1).astype(jnp.int32)
    li = l_data[:, 1:_S - 1].T.reshape(-1).astype(jnp.int32)
    aux = jnp.stack([
        (d_data[:, 1:_S - 1].T == 0).astype(f32),
        a_data[:, 1:_S - 1].T.astype(f32),
        (d_data[:, 0:_S - 2].T == 0).astype(f32),
        jnp.zeros((_T, _B), f32),
    ], axis=-1).reshape(_PAIRS, 4)

    nbq = jnp.concatenate([q_q_neighbors, q_l_neighbors], axis=1)
    nbl = jnp.concatenate([l_l_neighbors, l_q_neighbors], axis=1)
    qle, x4 = _sc_gather_fn()(qi, li, nbq, nbl, q_embed, l_embed)

    z32 = jnp.zeros((_E, _E), f32)
    Wnb = jnp.concatenate([
        jnp.concatenate([W_QQ, z32], axis=1),
        jnp.concatenate([W_QL, z32], axis=1),
        jnp.concatenate([z32, W_LL], axis=1),
        jnp.concatenate([z32, W_LQ], axis=1),
    ], axis=0)
    bd = lambda a, b: jnp.concatenate([
        jnp.concatenate([a, z32], axis=1),
        jnp.concatenate([z32, b], axis=1)], axis=0)
    cat1 = lambda a, b: jnp.concatenate([a, b], axis=1)
    Wg2 = bd(W_GQ, W_GL)
    bg2 = cat1(b_GQ.reshape(1, _E), b_GL.reshape(1, _E))
    Wk2 = bd(W_kq, W_kl)
    bk2 = cat1(b_kq.reshape(1, _E), b_kl.reshape(1, _E))
    WeaQ = jnp.concatenate([cat1(W_eq[:_E], W_aq[:_E]),
                            cat1(W_eq[_E:], W_aq[_E:])], axis=0)
    beaQ = cat1(b_eq.reshape(1, _E), b_aq.reshape(1, _E))
    WeaL = cat1(W_el, W_al)
    beaL = cat1(b_el.reshape(1, _E), b_al.reshape(1, _E))
    Tcat = jnp.concatenate([T_QQ, T_QL, T_LQ, T_LL], axis=1)

    (out,) = _tc_scan_fn()(
        x4, qle, aux, a_embed,
        Wnb, Wg2, bg2, Wk2, bk2, key_matrix.T,
        WeaQ, beaQ, WeaL, beaL,
        Tcat.astype(jnp.bfloat16), W_sum[_E:], b_sum.reshape(1, -1), W_sum[:_E],
        W_out.T, W_tq.T, W_tl.T, value_matrix_init,
        b_out, b_tq, b_tl)

    return jnp.swapaxes(out.reshape(_T, _B, 2), 0, 1)

# --- scband reference (transcript-rebuilt; emitter-appended) ---
"""Pipeline reference for scband-gmkt-67267777790123 (READ-ONLY COPY).

The authoritative reference and input builder live on the scoring server;
editing this copy changes nothing except your own understanding.
"""

import jax, jax.numpy as jnp
import numpy as np

B, S = 64, 50
NQ, NL = 50000, 50000
EQ = EA = EL = 32
C, KD, VD, SD = 32, 32, 32, 64
NB = 16
STD = 0.02


def setup_inputs(seed: int = 0):
    key = jax.random.key(seed)
    ks = jax.random.split(key, 48)
    n = lambda i, shape: jax.random.normal(ks[i], shape, dtype=jnp.float32) * STD
    inp = {}
    inp["q_data"] = jax.random.randint(ks[0], (B, S), 0, NQ + 1)
    inp["a_data"] = jax.random.randint(ks[1], (B, S), 0, 2)
    inp["l_data"] = jax.random.randint(ks[2], (B, S), 0, NL + 1)
    inp["d_data"] = jax.random.randint(ks[3], (B, S), 0, 2)
    inp["q_q_neighbors"] = jax.random.randint(ks[4], (NQ + 1, NB), 0, NQ + 1).at[0].set(0)
    inp["q_l_neighbors"] = jax.random.randint(ks[5], (NQ + 1, NB), 0, NL + 1).at[0].set(0)
    inp["l_q_neighbors"] = jax.random.randint(ks[6], (NL + 1, NB), 0, NQ + 1).at[0].set(0)
    inp["l_l_neighbors"] = jax.random.randint(ks[7], (NL + 1, NB), 0, NL + 1).at[0].set(0)
    inp["q_embed"] = n(8, (NQ + 1, EQ)).at[0].set(0.0)
    inp["l_embed"] = n(9, (NL + 1, EL)).at[0].set(0.0)
    inp["a_embed"] = n(10, (3, EA)).at[2].set(0.0)
    inp["key_matrix"] = n(11, (C, KD))
    inp["value_matrix_init"] = n(12, (C, VD))
    inp["W_QQ"] = n(13, (EQ, EQ)); inp["W_QL"] = n(14, (EL, EQ))
    inp["W_LL"] = n(15, (EL, EL)); inp["W_LQ"] = n(16, (EQ, EL))
    inp["W_GQ"] = n(17, (EQ, EQ)); inp["b_GQ"] = n(18, (EQ,))
    inp["W_GL"] = n(19, (EL, EL)); inp["b_GL"] = n(20, (EL,))
    inp["W_kq"] = n(21, (EQ, KD)); inp["b_kq"] = n(22, (KD,))
    inp["W_kl"] = n(23, (EL, KD)); inp["b_kl"] = n(24, (KD,))
    inp["W_eq"] = n(25, (EQ + EA, VD)); inp["b_eq"] = n(26, (VD,))
    inp["W_el"] = n(27, (EL, VD)); inp["b_el"] = n(28, (VD,))
    inp["W_aq"] = n(29, (EQ + EA, VD)); inp["b_aq"] = n(30, (VD,))
    inp["W_al"] = n(31, (EL, VD)); inp["b_al"] = n(32, (VD,))
    inp["T_QQ"] = n(33, (VD, VD)); inp["T_QL"] = n(34, (VD, VD))
    inp["T_LQ"] = n(35, (VD, VD)); inp["T_LL"] = n(36, (VD, VD))
    inp["W_sum"] = n(37, (EQ + VD, SD)); inp["b_sum"] = n(38, (SD,))
    inp["W_out"] = n(39, (SD, 1)); inp["b_out"] = n(40, (1,))
    inp["W_tq"] = n(41, (VD, 1)); inp["b_tq"] = n(42, (1,))
    inp["W_tl"] = n(43, (VD, 1)); inp["b_tl"] = n(44, (1,))
    return inp


def _forward(q_data, a_data, l_data, d_data, q_q_neighbors, q_l_neighbors, l_q_neighbors, l_l_neighbors,
             q_embed, l_embed, a_embed, key_matrix, value_matrix_init,
             W_QQ, W_QL, W_LL, W_LQ, W_GQ, b_GQ, W_GL, b_GL,
             W_kq, b_kq, W_kl, b_kl, W_eq, b_eq, W_el, b_el, W_aq, b_aq, W_al, b_al,
             T_QQ, T_QL, T_LQ, T_LL, W_sum, b_sum, W_out, b_out, W_tq, b_tq, W_tl, b_tl):
    q_e = q_embed[q_data]
    a_e = a_embed[a_data]
    l_e = l_embed[l_data]
    qq_n = q_embed[q_q_neighbors[q_data]]
    ql_n = l_embed[q_l_neighbors[q_data]]
    ll_n = l_embed[l_l_neighbors[l_data]]
    lq_n = q_embed[l_q_neighbors[l_data]]
    qq_sz = jnp.maximum((q_q_neighbors != 0).sum(1), 1).astype(jnp.float32)[q_data]
    ql_sz = jnp.maximum((q_l_neighbors != 0).sum(1), 1).astype(jnp.float32)[q_data]
    ll_sz = jnp.maximum((l_l_neighbors != 0).sum(1), 1).astype(jnp.float32)[l_data]
    lq_sz = jnp.maximum((l_q_neighbors != 0).sum(1), 1).astype(jnp.float32)[l_data]
    vm0 = jnp.broadcast_to(value_matrix_init, (B, C, VD))
    sl = slice(1, S - 1)
    tm = lambda x: jnp.moveaxis(x[:, sl], 0, 1)
    xs = (tm(q_e), tm(a_e), tm(l_e), d_data[:, sl].T, d_data[:, 0:S - 2].T,
          tm(qq_n), tm(ql_n), tm(ll_n), tm(lq_n),
          qq_sz[:, sl].T, ql_sz[:, sl].T, ll_sz[:, sl].T, lq_sz[:, sl].T)

    def step(vm, xs_t):
        q, a, l, d_t, d_p, qqn, qln, lln, lqn, sqq, sql, sll, slq = xs_t
        q_t = jnp.tanh((q + qqn.sum(1) @ W_QQ / sqq[:, None] + qln.sum(1) @ W_QL / sql[:, None]) @ W_GQ + b_GQ)
        l_t = jnp.tanh((l + lln.sum(1) @ W_LL / sll[:, None] + lqn.sum(1) @ W_LQ / slq[:, None]) @ W_GL + b_GL)
        is_q = (d_t == 0)
        w_q = jax.nn.softmax((q_t @ W_kq + b_kq) @ key_matrix.T, axis=-1)
        w_l = jax.nn.softmax((l_t @ W_kl + b_kl) @ key_matrix.T, axis=-1)
        w = jnp.where(is_q[:, None], w_q, w_l)
        prev_q = (d_p == 0)
        vm = jnp.where(prev_q[:, None, None],
                       jnp.where(is_q[:, None, None], vm @ T_QQ, vm @ T_QL),
                       jnp.where(is_q[:, None, None], vm @ T_LQ, vm @ T_LL))
        read = (w[:, :, None] * vm).sum(1)
        summ = jnp.tanh(jnp.concatenate([read, q_t], axis=-1) @ W_sum + b_sum)
        pred = jax.nn.sigmoid(summ @ W_out + b_out)[:, 0]
        pt_q = (read @ W_tq + b_tq)[:, 0]
        pt_l = (read @ W_tl + b_tl)[:, 0]
        pred_type = jax.nn.sigmoid(jnp.where(is_q, pt_q, pt_l))
        qa = jnp.concatenate([q_t, a], axis=-1)
        erase = jnp.where(is_q[:, None], jax.nn.sigmoid(qa @ W_eq + b_eq), jax.nn.sigmoid(l_t @ W_el + b_el))
        add = jnp.where(is_q[:, None], jnp.tanh(qa @ W_aq + b_aq), jnp.tanh(l_t @ W_al + b_al))
        vm = vm * (1.0 - w[:, :, None] * erase[:, None, :]) + w[:, :, None] * add[:, None, :]
        return vm, (pred, pred_type)

    _, (preds, ptypes) = jax.lax.scan(step, vm0, xs)
    return jnp.stack([preds.T, ptypes.T], axis=-1)


def reference(q_data, a_data, l_data, d_data, q_q_neighbors, q_l_neighbors, l_q_neighbors, l_l_neighbors,
              q_embed, l_embed, a_embed, key_matrix, value_matrix_init,
              W_QQ, W_QL, W_LL, W_LQ, W_GQ, b_GQ, W_GL, b_GL,
              W_kq, b_kq, W_kl, b_kl, W_eq, b_eq, W_el, b_el, W_aq, b_aq, W_al, b_al,
              T_QQ, T_QL, T_LQ, T_LL, W_sum, b_sum, W_out, b_out, W_tq, b_tq, W_tl, b_tl):
    return _forward(
        q_data=q_data, a_data=a_data, l_data=l_data, d_data=d_data,
        q_q_neighbors=q_q_neighbors, q_l_neighbors=q_l_neighbors,
        l_q_neighbors=l_q_neighbors, l_l_neighbors=l_l_neighbors,
        q_embed=q_embed, l_embed=l_embed, a_embed=a_embed,
        key_matrix=key_matrix, value_matrix_init=value_matrix_init,
        W_QQ=W_QQ, W_QL=W_QL, W_LL=W_LL, W_LQ=W_LQ, W_GQ=W_GQ, b_GQ=b_GQ, W_GL=W_GL, b_GL=b_GL,
        W_kq=W_kq, b_kq=b_kq, W_kl=W_kl, b_kl=b_kl, W_eq=W_eq, b_eq=b_eq, W_el=W_el, b_el=b_el,
        W_aq=W_aq, b_aq=b_aq, W_al=W_al, b_al=b_al,
        T_QQ=T_QQ, T_QL=T_QL, T_LQ=T_LQ, T_LL=T_LL,
        W_sum=W_sum, b_sum=b_sum, W_out=W_out, b_out=b_out,
        W_tq=W_tq, b_tq=b_tq, W_tl=W_tl, b_tl=b_tl)

if __name__ == "__main__":
    import jax
    _d = setup_inputs()
    print(jax.jit(kernel)(*tuple(_d.values())))

</pallas_src>

<mosaic_0001>
#map = affine_map<(d0, d1) -> (0)>
#map1 = affine_map<(d0, d1) -> (0, 0)>
module attributes {stable_mosaic.version = 14 : i64} {
  func.func @_sc_body(%arg0: i32, %arg1: i32, %arg2: memref<3072xi32, #tpu.memory_space<hbm>>, %arg3: memref<3072xi32, #tpu.memory_space<hbm>>, %arg4: memref<50001x32xi32, #tpu.memory_space<hbm>>, %arg5: memref<50001x32xi32, #tpu.memory_space<hbm>>, %arg6: memref<50001x32xf32, #tpu.memory_space<hbm>>, %arg7: memref<50001x32xf32, #tpu.memory_space<hbm>>, %arg8: memref<3072x64xf32, #tpu.memory_space<hbm>>, %arg9: memref<3072x128xf32, #tpu.memory_space<hbm>>, %arg10: memref<96xi32, #tpu.memory_space<vmem>>, %arg11: memref<96x32xi32, #tpu.memory_space<vmem>>, %arg12: memref<1536xi32, #tpu.memory_space<vmem>>, %arg13: memref<1536xi32, #tpu.memory_space<vmem>>, %arg14: memref<1536x32xf32, #tpu.memory_space<vmem>>, %arg15: memref<96x64xf32, #tpu.memory_space<vmem>>, %arg16: memref<96x32xf32, #tpu.memory_space<vmem>>, %arg17: memref<!tpu.dma_semaphore, #tpu.memory_space<semaphore_mem>>, %arg18: memref<!tpu.dma_semaphore, #tpu.memory_space<semaphore_mem>>) attributes {dimension_semantics = [#tpu.dimension_semantics<core_parallel>, #tpu.dimension_semantics<subcore_parallel>], iteration_bounds = array<i64: 2, 16>, scalar_prefetch = 0 : i64, scratch_operands = 9 : i64, tpu.core_type = #tpu.core_type<sc_vector_subcore>, window_params = [{transform_indices = #map}, {transform_indices = #map}, {transform_indices = #map1}, {transform_indices = #map1}, {transform_indices = #map1}, {transform_indices = #map1}, {transform_indices = #map1}, {transform_indices = #map1}]} {
    %mul3A = arith.constant 2 : i32
    %mul3A_0 = arith.muli %arg1, %mul3A : i32
    %add3A = arith.addi %mul3A_0, %arg0 : i32
    %mul3A_1 = arith.constant 96 : i32
    %mul3A_2 = arith.muli %add3A, %mul3A_1 : i32
    "tpu.region"() ({
      %run_scoped3A = tpu.sem_alloc : memref<!tpu.dma_semaphore, #tpu.memory_space<semaphore_mem>>
      %dma_start3A_828 = tpu.memref_slice %arg2[%mul3A_2] : memref<3072xi32, #tpu.memory_space<hbm>> -> memref<96xi32, #tpu.memory_space<hbm>>
      %dma_start3A_829 = tpu.memref_slice %arg2[%mul3A_2] : memref<3072xi32, #tpu.memory_space<hbm>> -> memref<96xi32, #tpu.memory_space<hbm>>
      tpu.enqueue_dma source(%dma_start3A_829 : memref<96xi32, #tpu.memory_space<hbm>>) target(%arg10 : memref<96xi32, #tpu.memory_space<vmem>>) target_semaphore(%run_scoped3A : memref<!tpu.dma_semaphore, #tpu.memory_space<semaphore_mem>>)
      %dma_wait3A_830 = tpu.memref_slice %arg2[%mul3A_2] : memref<3072xi32, #tpu.memory_space<hbm>> -> memref<96xi32, #tpu.memory_space<hbm>>
      %dma_wait3A_831 = tpu.memref_slice %arg2[%mul3A_2] : memref<3072xi32, #tpu.memory_space<hbm>> -> memref<96xi32, #tpu.memory_space<hbm>>
      tpu.wait_dma2 semaphore(%run_scoped3A : memref<!tpu.dma_semaphore, #tpu.memory_space<semaphore_mem>>) src(%dma_wait3A_831 : memref<96xi32, #tpu.memory_space<hbm>>) dst(%arg10 : memref<96xi32, #tpu.memory_space<vmem>>)
      tpu.yield
    }) : () -> ()
    %dma_start3A = arith.constant 0 : i32
    %dma_start3A_3 = arith.constant 0 : i32
    %dma_start3A_4 = tpu.memref_slice %arg6[%dma_start3A, %dma_start3A_3] : memref<50001x32xf32, #tpu.memory_space<hbm>> -> memref<50001x32xf32, #tpu.memory_space<hbm>>
    tpu.enqueue_indirect_dma source(%dma_start3A_4 : memref<50001x32xf32, #tpu.memory_space<hbm>>) target(%arg16 : memref<96x32xf32, #tpu.memory_space<vmem>>) offsets(%arg10 : memref<96xi32, #tpu.memory_space<vmem>>) semaphore(%arg18 : memref<!tpu.dma_semaphore, #tpu.memory_space<semaphore_mem>>)
    %dma_start3A_5 = arith.constant 0 : i32
    %dma_start3A_6 = arith.constant 0 : i32
    %dma_start3A_7 = tpu.memref_slice %arg4[%dma_start3A_5, %dma_start3A_6] : memref<50001x32xi32, #tpu.memory_space<hbm>> -> memref<50001x32xi32, #tpu.memory_space<hbm>>
    tpu.enqueue_indirect_dma source(%dma_start3A_7 : memref<50001x32xi32, #tpu.memory_space<hbm>>) target(%arg11 : memref<96x32xi32, #tpu.memory_space<vmem>>) offsets(%arg10 : memref<96xi32, #tpu.memory_space<vmem>>) semaphore(%arg17 : memref<!tpu.dma_semaphore, #tpu.memory_space<semaphore_mem>>)
    %dma_wait3A = arith.constant 0 : i32
    %dma_wait3A_8 = arith.constant 0 : i32
    %dma_wait3A_9 = tpu.memref_slice %arg4[%dma_wait3A, %dma_wait3A_8] : memref<50001x32xi32, #tpu.memory_space<hbm>> -> memref<50001x32xi32, #tpu.memory_space<hbm>>
    tpu.wait_indirect_dma semaphore(%arg17 : memref<!tpu.dma_semaphore, #tpu.memory_space<semaphore_mem>>) src(%dma_wait3A_9 : memref<50001x32xi32, #tpu.memory_space<hbm>>) dst(%arg11 : memref<96x32xi32, #tpu.memory_space<vmem>>)
    %scan3A = arith.constant 0 : i32
    %scan3A_10 = arith.constant 0 : i32
    %scan3A_11 = arith.constant 96 : i32
    %scan3A_12 = arith.addi %scan3A_10, %scan3A_11 : i32
    %scan3A_13 = arith.constant 1 : i32
    scf.for %scan3A_828 = %scan3A_10 to %scan3A_12 step %scan3A_13  : i32 {
      %get3A = arith.index_cast %scan3A_828 : i32 to index
      %get3A_829 = arith.constant 0 : index
      %get3A_830 = tpu.vector_load %arg11[%get3A, %get3A_829] {strides = array<i32>} : memref<96x32xi32, #tpu.memory_space<vmem>>, vector<1x16xi32>,
      %get3A_831 = vector.shape_cast %get3A_830 : vector<1x16xi32> to vector<16xi32>
      %mul3A_832 = arith.constant 16 : i32
      %mul3A_833 = arith.muli %scan3A_828, %mul3A_832 : i32
      %swap3A = arith.index_cast %mul3A_833 : i32 to index
      %swap3A_834 = tpu.vector_load %arg12[%swap3A] {strides = array<i32>} : memref<1536xi32, #tpu.memory_space<vmem>>, vector<16xi32>,
      %swap3A_835 = vector.shape_cast %swap3A_834 : vector<16xi32> to vector<16xi32>
      %swap3A_836 = vector.shape_cast %get3A_831 : vector<16xi32> to vector<16xi32>
      tpu.vector_store %arg12[%swap3A], %swap3A_836 {strides = array<i32>} : memref<1536xi32, #tpu.memory_space<vmem>>, vector<16xi32>,
      %get3A_837 = arith.index_cast %scan3A_828 : i32 to index
      %get3A_838 = arith.constant 16 : index
      %get3A_839 = tpu.vector_load %arg11[%get3A_837, %get3A_838] {strides = array<i32>} : memref<96x32xi32, #tpu.memory_space<vmem>>, vector<1x16xi32>,
      %get3A_840 = vector.shape_cast %get3A_839 : vector<1x16xi32> to vector<16xi32>
      %mul3A_841 = arith.constant 16 : i32
      %mul3A_842 = arith.muli %scan3A_828, %mul3A_841 : i32
      %swap3A_843 = arith.index_cast %mul3A_842 : i32 to index
      %swap3A_844 = tpu.vector_load %arg13[%swap3A_843] {strides = array<i32>} : memref<1536xi32, #tpu.memory_space<vmem>>, vector<16xi32>,
      %swap3A_845 = vector.shape_cast %swap3A_844 : vector<16xi32> to vector<16xi32>
      %swap3A_846 = vector.shape_cast %get3A_840 : vector<16xi32> to vector<16xi32>
      tpu.vector_store %arg13[%swap3A_843], %swap3A_846 {strides = array<i32>} : memref<1536xi32, #tpu.memory_space<vmem>>, vector<16xi32>,
    }
    %scan3A_14 = arith.constant 96 : i32
    %dma_wait3A_15 = arith.constant 0 : i32
    %dma_wait3A_16 = arith.constant 0 : i32
    %dma_wait3A_17 = tpu.memref_slice %arg6[%dma_wait3A_15, %dma_wait3A_16] : memref<50001x32xf32, #tpu.memory_space<hbm>> -> memref<50001x32xf32, #tpu.memory_space<hbm>>
    tpu.wait_indirect_dma semaphore(%arg18 : memref<!tpu.dma_semaphore, #tpu.memory_space<semaphore_mem>>) src(%dma_wait3A_17 : memref<50001x32xf32, #tpu.memory_space<hbm>>) dst(%arg16 : memref<96x32xf32, #tpu.memory_space<vmem>>)
    "tpu.region"() ({
      %run_scoped3A = tpu.sem_alloc : memref<!tpu.dma_semaphore, #tpu.memory_space<semaphore_mem>>
      %dma_start3A_828 = arith.constant 0 : i32
      %dma_start3A_829 = tpu.memref_slice %arg8[%mul3A_2, %dma_start3A_828] : memref<3072x64xf32, #tpu.memory_space<hbm>> -> memref<96x32xf32, #tpu.memory_space<hbm>>
      %dma_start3A_830 = arith.constant 0 : i32
      %dma_start3A_831 = tpu.memref_slice %arg8[%mul3A_2, %dma_start3A_830] : memref<3072x64xf32, #tpu.memory_space<hbm>> -> memref<96x32xf32, #tpu.memory_space<hbm>>
      tpu.enqueue_dma source(%arg16 : memref<96x32xf32, #tpu.memory_space<vmem>>) target(%dma_start3A_831 : memref<96x32xf32, #tpu.memory_space<hbm>>) target_semaphore(%run_scoped3A : memref<!tpu.dma_semaphore, #tpu.memory_space<semaphore_mem>>)
      %dma_wait3A_832 = arith.constant 0 : i32
      %dma_wait3A_833 = tpu.memref_slice %arg8[%mul3A_2, %dma_wait3A_832] : memref<3072x64xf32, #tpu.memory_space<hbm>> -> memref<96x32xf32, #tpu.memory_space<hbm>>
      %dma_wait3A_834 = arith.constant 0 : i32
      %dma_wait3A_835 = tpu.memref_slice %arg8[%mul3A_2, %dma_wait3A_834] : memref<3072x64xf32, #tpu.memory_space<hbm>> -> memref<96x32xf32, #tpu.memory_space<hbm>>
      tpu.wait_dma2 semaphore(%run_scoped3A : memref<!tpu.dma_semaphore, #tpu.memory_space<semaphore_mem>>) src(%arg16 : memref<96x32xf32, #tpu.memory_space<vmem>>) dst(%dma_wait3A_835 : memref<96x32xf32, #tpu.memory_space<hbm>>)
      tpu.yield
    }) : () -> ()
    %dma_start3A_18 = arith.constant 0 : i32
    %dma_start3A_19 = arith.constant 0 : i32
    %dma_start3A_20 = tpu.memref_slice %arg14[%dma_start3A_18, %dma_start3A_19] : memref<1536x32xf32, #tpu.memory_space<vmem>> -> memref<128x32xf32, #tpu.memory_space<vmem>>
    %dma_start3A_21 = arith.constant 0 : i32
    %dma_start3A_22 = tpu.memref_slice %arg12[%dma_start3A_21] : memref<1536xi32, #tpu.memory_space<vmem>> -> memref<128xi32, #tpu.memory_space<vmem>>
    %dma_start3A_23 = arith.constant 0 : i32
    %dma_start3A_24 = arith.constant 0 : i32
    %dma_start3A_25 = tpu.memref_slice %arg6[%dma_start3A_23, %dma_start3A_24] : memref<50001x32xf32, #tpu.memory_space<hbm>> -> memref<50001x32xf32, #tpu.memory_space<hbm>>
    tpu.enqueue_indirect_dma source(%dma_start3A_25 : memref<50001x32xf32, #tpu.memory_space<hbm>>) target(%dma_start3A_20 : memref<128x32xf32, #tpu.memory_space<vmem>>) offsets(%dma_start3A_22 : memref<128xi32, #tpu.memory_space<vmem>>) semaphore(%arg17 : memref<!tpu.dma_semaphore, #tpu.memory_space<semaphore_mem>>)
    %dma_start3A_26 = arith.constant 128 : i32
    %dma_start3A_27 = arith.constant 0 : i32
    %dma_start3A_28 = tpu.memref_slice %arg14[%dma_start3A_26, %dma_start3A_27] : memref<1536x32xf32, #tpu.memory_space<vmem>> -> memref<128x32xf32, #tpu.memory_space<vmem>>
    %dma_start3A_29 = arith.constant 128 : i32
    %dma_start3A_30 = tpu.memref_slice %arg12[%dma_start3A_29] : memref<1536xi32, #tpu.memory_space<vmem>> -> memref<128xi32, #tpu.memory_space<vmem>>
    %dma_start3A_31 = arith.constant 0 : i32
    %dma_start3A_32 = arith.constant 0 : i32
    %dma_start3A_33 = tpu.memref_slice %arg6[%dma_start3A_31, %dma_start3A_32] : memref<50001x32xf32, #tpu.memory_space<hbm>> -> memref<50001x32xf32, #tpu.memory_space<hbm>>
    tpu.enqueue_indirect_dma source(%dma_start3A_33 : memref<50001x32xf32, #tpu.memory_space<hbm>>) target(%dma_start3A_28 : memref<128x32xf32, #tpu.memory_space<vmem>>) offsets(%dma_start3A_30 : memref<128xi32, #tpu.memory_space<vmem>>) semaphore(%arg17 : memref<!tpu.dma_semaphore, #tpu.memory_space<semaphore_mem>>)
    %dma_start3A_34 = arith.constant 256 : i32
    %dma_start3A_35 = arith.constant 0 : i32
    %dma_start3A_36 = tpu.memref_slice %arg14[%dma_start3A_34, %dma_start3A_35] : memref<1536x32xf32, #tpu.memory_space<vmem>> -> memref<128x32xf32, #tpu.memory_space<vmem>>
    %dma_start3A_37 = arith.constant 256 : i32
    %dma_start3A_38 = tpu.memref_slice %arg12[%dma_start3A_37] : memref<1536xi32, #tpu.memory_space<vmem>> -> memref<128xi32, #tpu.memory_space<vmem>>
    %dma_start3A_39 = arith.constant 0 : i32
    %dma_start3A_40 = arith.constant 0 : i32
    %dma_start3A_41 = tpu.memref_slice %arg6[%dma_start3A_39, %dma_start3A_40] : memref<50001x32xf32, #tpu.memory_space<hbm>> -> memref<50001x32xf32, #tpu.memory_space<hbm>>
    tpu.enqueue_indirect_dma source(%dma_start3A_41 : memref<50001x32xf32, #tpu.memory_space<hbm>>) target(%dma_start3A_36 : memref<128x32xf32, #tpu.memory_space<vmem>>) offsets(%dma_start3A_38 : memref<128xi32, #tpu.memory_space<vmem>>) semaphore(%arg17 : memref<!tpu.dma_semaphore, #tpu.memory_space<semaphore_mem>>)
    %dma_start3A_42 = arith.constant 384 : i32
    %dma_start3A_43 = arith.constant 0 : i32
    %dma_start3A_44 = tpu.memref_slice %arg14[%dma_start3A_42, %dma_start3A_43] : memref<1536x32xf32, #tpu.memory_space<vmem>> -> memref<128x32xf32, #tpu.memory_space<vmem>>
    %dma_start3A_45 = arith.constant 384 : i32
    %dma_start3A_46 = tpu.memref_slice %arg12[%dma_start3A_45] : memref<1536xi32, #tpu.memory_space<vmem>> -> memref<128xi32, #tpu.memory_space<vmem>>
    %dma_start3A_47 = arith.constant 0 : i32
    %dma_start3A_48 = arith.constant 0 : i32
    %dma_start3A_49 = tpu.memref_slice %arg6[%dma_start3A_47, %dma_start3A_48] : memref<50001x32xf32, #tpu.memory_space<hbm>> -> memref<50001x32xf32, #tpu.memory_space<hbm>>
    tpu.enqueue_indirect_dma source(%dma_start3A_49 : memref<50001x32xf32, #tpu.memory_space<hbm>>) target(%dma_start3A_44 : memref<128x32xf32, #tpu.memory_space<vmem>>) offsets(%dma_start3A_46 : memref<128xi32, #tpu.memory_space<vmem>>) semaphore(%arg17 : memref<!tpu.dma_semaphore, #tpu.memory_space<semaphore_mem>>)
    %dma_start3A_50 = arith.constant 512 : i32
    %dma_start3A_51 = arith.constant 0 : i32
    %dma_start3A_52 = tpu.memref_slice %arg14[%dma_start3A_50, %dma_start3A_51] : memref<1536x32xf32, #tpu.memory_space<vmem>> -> memref<128x32xf32, #tpu.memory_space<vmem>>
    %dma_start3A_53 = arith.constant 512 : i32
    %dma_start3A_54 = tpu.memref_slice %arg12[%dma_start3A_53] : memref<1536xi32, #tpu.memory_space<vmem>> -> memref<128xi32, #tpu.memory_space<vmem>>
    %dma_start3A_55 = arith.constant 0 : i32
    %dma_start3A_56 = arith.constant 0 : i32
    %dma_start3A_57 = tpu.memref_slice %arg6[%dma_start3A_55, %dma_start3A_56] : memref<50001x32xf32, #tpu.memory_space<hbm>> -> memref<50001x32xf32, #tpu.memory_space<hbm>>
    tpu.enqueue_indirect_dma source(%dma_start3A_57 : memref<50001x32xf32, #tpu.memory_space<hbm>>) target(%dma_start3A_52 : memref<128x32xf32, #tpu.memory_space<vmem>>) offsets(%dma_start3A_54 : memref<128xi32, #tpu.memory_space<vmem>>) semaphore(%arg17 : memref<!tpu.dma_semaphore, #tpu.memory_space<semaphore_mem>>)
    %dma_start3A_58 = arith.constant 640 : i32
    %dma_start3A_59 = arith.constant 0 : i32
    %dma_start3A_60 = tpu.memref_slice %arg14[%dma_start3A_58, %dma_start3A_59] : memref<1536x32xf32, #tpu.memory_space<vmem>> -> memref<128x32xf32, #tpu.memory_space<vmem>>
    %dma_start3A_61 = arith.constant 640 : i32
    %dma_start3A_62 = tpu.memref_slice %arg12[%dma_start3A_61] : memref<1536xi32, #tpu.memory_space<vmem>> -> memref<128xi32, #tpu.memory_space<vmem>>
    %dma_start3A_63 = arith.constant 0 : i32
    %dma_start3A_64 = arith.constant 0 : i32
    %dma_start3A_65 = tpu.memref_slice %arg6[%dma_start3A_63, %dma_start3A_64] : memref<50001x32xf32, #tpu.memory_space<hbm>> -> memref<50001x32xf32, #tpu.memory_space<hbm>>
    tpu.enqueue_indirect_dma source(%dma_start3A_65 : memref<50001x32xf32, #tpu.memory_space<hbm>>) target(%dma_start3A_60 : memref<128x32xf32, #tpu.memory_space<vmem>>) offsets(%dma_start3A_62 : memref<128xi32, #tpu.memory_space<vmem>>) semaphore(%arg17 : memref<!tpu.dma_semaphore, #tpu.memory_space<semaphore_mem>>)
    %dma_start3A_66 = arith.constant 768 : i32
    %dma_start3A_67 = arith.constant 0 : i32
    %dma_start3A_68 = tpu.memref_slice %arg14[%dma_start3A_66, %dma_start3A_67] : memref<1536x32xf32, #tpu.memory_space<vmem>> -> memref<128x32xf32, #tpu.memory_space<vmem>>
    %dma_start3A_69 = arith.constant 768 : i32
    %dma_start3A_70 = tpu.memref_slice %arg12[%dma_start3A_69] : memref<1536xi32, #tpu.memory_space<vmem>> -> memref<128xi32, #tpu.memory_space<vmem>>
    %dma_start3A_71 = arith.constant 0 : i32
    %dma_start3A_72 = arith.constant 0 : i32
    %dma_start3A_73 = tpu.memref_slice %arg6[%dma_start3A_71, %dma_start3A_72] : memref<50001x32xf32, #tpu.memory_space<hbm>> -> memref<50001x32xf32, #tpu.memory_space<hbm>>
    tpu.enqueue_indirect_dma source(%dma_start3A_73 : memref<50001x32xf32, #tpu.memory_space<hbm>>) target(%dma_start3A_68 : memref<128x32xf32, #tpu.memory_space<vmem>>) offsets(%dma_start3A_70 : memref<128xi32, #tpu.memory_space<vmem>>) semaphore(%arg17 : memref<!tpu.dma_semaphore, #tpu.memory_space<semaphore_mem>>)
    %dma_start3A_74 = arith.constant 896 : i32
    %dma_start3A_75 = arith.constant 0 : i32
    %dma_start3A_76 = tpu.memref_slice %arg14[%dma_start3A_74, %dma_start3A_75] : memref<1536x32xf32, #tpu.memory_space<vmem>> -> memref<128x32xf32, #tpu.memory_space<vmem>>
    %dma_start3A_77 = arith.constant 896 : i32
    %dma_start3A_78 = tpu.memref_slice %arg12[%dma_start3A_77] : memref<1536xi32, #tpu.memory_space<vmem>> -> memref<128xi32, #tpu.memory_space<vmem>>
    %dma_start3A_79 = arith.constant 0 : i32
    %dma_start3A_80 = arith.constant 0 : i32
    %dma_start3A_81 = tpu.memref_slice %arg6[%dma_start3A_79, %dma_start3A_80] : memref<50001x32xf32, #tpu.memory_space<hbm>> -> memref<50001x32xf32, #tpu.memory_space<hbm>>
    tpu.enqueue_indirect_dma source(%dma_start3A_81 : memref<50001x32xf32, #tpu.memory_space<hbm>>) target(%dma_start3A_76 : memref<128x32xf32, #tpu.memory_space<vmem>>) offsets(%dma_start3A_78 : memref<128xi32, #tpu.memory_space<vmem>>) semaphore(%arg17 : memref<!tpu.dma_semaphore, #tpu.memory_space<semaphore_mem>>)
    %dma_start3A_82 = arith.constant 1024 : i32
    %dma_start3A_83 = arith.constant 0 : i32
    %dma_start3A_84 = tpu.memref_slice %arg14[%dma_start3A_82, %dma_start3A_83] : memref<1536x32xf32, #tpu.memory_space<vmem>> -> memref<128x32xf32, #tpu.memory_space<vmem>>
    %dma_start3A_85 = arith.constant 1024 : i32
    %dma_start3A_86 = tpu.memref_slice %arg12[%dma_start3A_85] : memref<1536xi32, #tpu.memory_space<vmem>> -> memref<128xi32, #tpu.memory_space<vmem>>
    %dma_start3A_87 = arith.constant 0 : i32
    %dma_start3A_88 = arith.constant 0 : i32
    %dma_start3A_89 = tpu.memref_slice %arg6[%dma_start3A_87, %dma_start3A_88] : memref<50001x32xf32, #tpu.memory_space<hbm>> -> memref<50001x32xf32, #tpu.memory_space<hbm>>
    tpu.enqueue_indirect_dma source(%dma_start3A_89 : memref<50001x32xf32, #tpu.memory_space<hbm>>) target(%dma_start3A_84 : memref<128x32xf32, #tpu.memory_space<vmem>>) offsets(%dma_start3A_86 : memref<128xi32, #tpu.memory_space<vmem>>) semaphore(%arg17 : memref<!tpu.dma_semaphore, #tpu.memory_space<semaphore_mem>>)
    %dma_start3A_90 = arith.constant 1152 : i32
    %dma_start3A_91 = arith.constant 0 : i32
    %dma_start3A_92 = tpu.memref_slice %arg14[%dma_start3A_90, %dma_start3A_91] : memref<1536x32xf32, #tpu.memory_space<vmem>> -> memref<128x32xf32, #tpu.memory_space<vmem>>
    %dma_start3A_93 = arith.constant 1152 : i32
    %dma_start3A_94 = tpu.memref_slice %arg12[%dma_start3A_93] : memref<1536xi32, #tpu.memory_space<vmem>> -> memref<128xi32, #tpu.memory_space<vmem>>
    %dma_start3A_95 = arith.constant 0 : i32
    %dma_start3A_96 = arith.constant 0 : i32
    %dma_start3A_97 = tpu.memref_slice %arg6[%dma_start3A_95, %dma_start3A_96] : memref<50001x32xf32, #tpu.memory_space<hbm>> -> memref<50001x32xf32, #tpu.memory_space<hbm>>
    tpu.enqueue_indirect_dma source(%dma_start3A_97 : memref<50001x32xf32, #tpu.memory_space<hbm>>) target(%dma_start3A_92 : memref<128x32xf32, #tpu.memory_space<vmem>>) offsets(%dma_start3A_94 : memref<128xi32, #tpu.memory_space<vmem>>) semaphore(%arg17 : memref<!tpu.dma_semaphore, #tpu.memory_space<semaphore_mem>>)
    %dma_start3A_98 = arith.constant 1280 : i32
    %dma_start3A_99 = arith.constant 0 : i32
    %dma_start3A_100 = tpu.memref_slice %arg14[%dma_start3A_98, %dma_start3A_99] : memref<1536x32xf32, #tpu.memory_space<vmem>> -> memref<128x32xf32, #tpu.memory_space<vmem>>
    %dma_start3A_101 = arith.constant 1280 : i32
    %dma_start3A_102 = tpu.memref_slice %arg12[%dma_start3A_101] : memref<1536xi32, #tpu.memory_space<vmem>> -> memref<128xi32, #tpu.memory_space<vmem>>
    %dma_start3A_103 = arith.constant 0 : i32
    %dma_start3A_104 = arith.constant 0 : i32
    %dma_start3A_105 = tpu.memref_slice %arg6[%dma_start3A_103, %dma_start3A_104] : memref<50001x32xf32, #tpu.memory_space<hbm>> -> memref<50001x32xf32, #tpu.memory_space<hbm>>
    tpu.enqueue_indirect_dma source(%dma_start3A_105 : memref<50001x32xf32, #tpu.memory_space<hbm>>) target(%dma_start3A_100 : memref<128x32xf32, #tpu.memory_space<vmem>>) offsets(%dma_start3A_102 : memref<128xi32, #tpu.memory_space<vmem>>) semaphore(%arg17 : memref<!tpu.dma_semaphore, #tpu.memory_space<semaphore_mem>>)
    %dma_start3A_106 = arith.constant 1408 : i32
    %dma_start3A_107 = arith.constant 0 : i32
    %dma_start3A_108 = tpu.memref_slice %arg14[%dma_start3A_106, %dma_start3A_107] : memref<1536x32xf32, #tpu.memory_space<vmem>> -> memref<128x32xf32, #tpu.memory_space<vmem>>
    %dma_start3A_109 = arith.constant 1408 : i32
    %dma_start3A_110 = tpu.memref_slice %arg12[%dma_start3A_109] : memref<1536xi32, #tpu.memory_space<vmem>> -> memref<128xi32, #tpu.memory_space<vmem>>
    %dma_start3A_111 = arith.constant 0 : i32
    %dma_start3A_112 = arith.constant 0 : i32
    %dma_start3A_113 = tpu.memref_slice %arg6[%dma_start3A_111, %dma_start3A_112] : memref<50001x32xf32, #tpu.memory_space<hbm>> -> memref<50001x32xf32, #tpu.memory_space<hbm>>
    tpu.enqueue_indirect_dma source(%dma_start3A_113 : memref<50001x32xf32, #tpu.memory_space<hbm>>) target(%dma_start3A_108 : memref<128x32xf32, #tpu.memory_space<vmem>>) offsets(%dma_start3A_110 : memref<128xi32, #tpu.memory_space<vmem>>) semaphore(%arg17 : memref<!tpu.dma_semaphore, #tpu.memory_space<semaphore_mem>>)
    %dma_wait3A_114 = arith.constant 0 : i32
    %dma_wait3A_115 = arith.constant 0 : i32
    %dma_wait3A_116 = tpu.memref_slice %arg14[%dma_wait3A_114, %dma_wait3A_115] : memref<1536x32xf32, #tpu.memory_space<vmem>> -> memref<128x32xf32, #tpu.memory_space<vmem>>
    %dma_wait3A_117 = arith.constant 0 : i32
    %dma_wait3A_118 = tpu.memref_slice %arg12[%dma_wait3A_117] : memref<1536xi32, #tpu.memory_space<vmem>> -> memref<128xi32, #tpu.memory_space<vmem>>
    %dma_wait3A_119 = arith.constant 0 : i32
    %dma_wait3A_120 = arith.constant 0 : i32
    %dma_wait3A_121 = tpu.memref_slice %arg6[%dma_wait3A_119, %dma_wait3A_120] : memref<50001x32xf32, #tpu.memory_space<hbm>> -> memref<50001x32xf32, #tpu.memory_space<hbm>>
    tpu.wait_indirect_dma semaphore(%arg17 : memref<!tpu.dma_semaphore, #tpu.memory_space<semaphore_mem>>) src(%dma_wait3A_121 : memref<50001x32xf32, #tpu.memory_space<hbm>>) dst(%dma_wait3A_116 : memref<128x32xf32, #tpu.memory_space<vmem>>)
    %dma_wait3A_122 = arith.constant 128 : i32
    %dma_wait3A_123 = arith.constant 0 : i32
    %dma_wait3A_124 = tpu.memref_slice %arg14[%dma_wait3A_122, %dma_wait3A_123] : memref<1536x32xf32, #tpu.memory_space<vmem>> -> memref<128x32xf32, #tpu.memory_space<vmem>>
    %dma_wait3A_125 = arith.constant 128 : i32
    %dma_wait3A_126 = tpu.memref_slice %arg12[%dma_wait3A_125] : memref<1536xi32, #tpu.memory_space<vmem>> -> memref<128xi32, #tpu.memory_space<vmem>>
    %dma_wait3A_127 = arith.constant 0 : i32
    %dma_wait3A_128 = arith.constant 0 : i32
    %dma_wait3A_129 = tpu.memref_slice %arg6[%dma_wait3A_127, %dma_wait3A_128] : memref<50001x32xf32, #tpu.memory_space<hbm>> -> memref<50001x32xf32, #tpu.memory_space<hbm>>
    tpu.wait_indirect_dma semaphore(%arg17 : memref<!tpu.dma_semaphore, #tpu.memory_space<semaphore_mem>>) src(%dma_wait3A_129 : memref<50001x32xf32, #tpu.memory_space<hbm>>) dst(%dma_wait3A_124 : memref<128x32xf32, #tpu.memory_space<vmem>>)
    %dma_wait3A_130 = arith.constant 256 : i32
    %dma_wait3A_131 = arith.constant 0 : i32
    %dma_wait3A_132 = tpu.memref_slice %arg14[%dma_wait3A_130, %dma_wait3A_131] : memref<1536x32xf32, #tpu.memory_space<vmem>> -> memref<128x32xf32, #tpu.memory_space<vmem>>
    %dma_wait3A_133 = arith.constant 256 : i32
    %dma_wait3A_134 = tpu.memref_slice %arg12[%dma_wait3A_133] : memref<1536xi32, #tpu.memory_space<vmem>> -> memref<128xi32, #tpu.memory_space<vmem>>
    %dma_wait3A_135 = arith.constant 0 : i32
    %dma_wait3A_136 = arith.constant 0 : i32
    %dma_wait3A_137 = tpu.memref_slice %arg6[%dma_wait3A_135, %dma_wait3A_136] : memref<50001x32xf32, #tpu.memory_space<hbm>> -> memref<50001x32xf32, #tpu.memory_space<hbm>>
    tpu.wait_indirect_dma semaphore(%arg17 : memref<!tpu.dma_semaphore, #tpu.memory_space<semaphore_mem>>) src(%dma_wait3A_137 : memref<50001x32xf32, #tpu.memory_space<hbm>>) dst(%dma_wait3A_132 : memref<128x32xf32, #tpu.memory_space<vmem>>)
    %dma_wait3A_138 = arith.constant 384 : i32
    %dma_wait3A_139 = arith.constant 0 : i32
    %dma_wait3A_140 = tpu.memref_slice %arg14[%dma_wait3A_138, %dma_wait3A_139] : memref<1536x32xf32, #tpu.memory_space<vmem>> -> memref<128x32xf32, #tpu.memory_space<vmem>>
    %dma_wait3A_141 = arith.constant 384 : i32
    %dma_wait3A_142 = tpu.memref_slice %arg12[%dma_wait3A_141] : memref<1536xi32, #tpu.memory_space<vmem>> -> memref<128xi32, #tpu.memory_space<vmem>>
    %dma_wait3A_143 = arith.constant 0 : i32
    %dma_wait3A_144 = arith.constant 0 : i32
    %dma_wait3A_145 = tpu.memref_slice %arg6[%dma_wait3A_143, %dma_wait3A_144] : memref<50001x32xf32, #tpu.memory_space<hbm>> -> memref<50001x32xf32, #tpu.memory_space<hbm>>
    tpu.wait_indirect_dma semaphore(%arg17 : memref<!tpu.dma_semaphore, #tpu.memory_space<semaphore_mem>>) src(%dma_wait3A_145 : memref<50001x32xf32, #tpu.memory_space<hbm>>) dst(%dma_wait3A_140 : memref<128x32xf32, #tpu.memory_space<vmem>>)
    %dma_wait3A_146 = arith.constant 512 : i32
    %dma_wait3A_147 = arith.constant 0 : i32
    %dma_wait3A_148 = tpu.memref_slice %arg14[%dma_wait3A_146, %dma_wait3A_147] : memref<1536x32xf32, #tpu.memory_space<vmem>> -> memref<128x32xf32, #tpu.memory_space<vmem>>
    %dma_wait3A_149 = arith.constant 512 : i32
    %dma_wait3A_150 = tpu.memref_slice %arg12[%dma_wait3A_149] : memref<1536xi32, #tpu.memory_space<vmem>> -> memref<128xi32, #tpu.memory_space<vmem>>
    %dma_wait3A_151 = arith.constant 0 : i32
    %dma_wait3A_152 = arith.constant 0 : i32
    %dma_wait3A_153 = tpu.memref_slice %arg6[%dma_wait3A_151, %dma_wait3A_152] : memref<50001x32xf32, #tpu.memory_space<hbm>> -> memref<50001x32xf32, #tpu.memory_space<hbm>>
    tpu.wait_indirect_dma semaphore(%arg17 : memref<!tpu.dma_semaphore, #tpu.memory_space<semaphore_mem>>) src(%dma_wait3A_153 : memref<50001x32xf32, #tpu.memory_space<hbm>>) dst(%dma_wait3A_148 : memref<128x32xf32, #tpu.memory_space<vmem>>)
    %dma_wait3A_154 = arith.constant 640 : i32
    %dma_wait3A_155 = arith.constant 0 : i32
    %dma_wait3A_156 = tpu.memref_slice %arg14[%dma_wait3A_154, %dma_wait3A_155] : memref<1536x32xf32, #tpu.memory_space<vmem>> -> memref<128x32xf32, #tpu.memory_space<vmem>>
    %dma_wait3A_157 = arith.constant 640 : i32
    %dma_wait3A_158 = tpu.memref_slice %arg12[%dma_wait3A_157] : memref<1536xi32, #tpu.memory_space<vmem>> -> memref<128xi32, #tpu.memory_space<vmem>>
    %dma_wait3A_159 = arith.constant 0 : i32
    %dma_wait3A_160 = arith.constant 0 : i32
    %dma_wait3A_161 = tpu.memref_slice %arg6[%dma_wait3A_159, %dma_wait3A_160] : memref<50001x32xf32, #tpu.memory_space<hbm>> -> memref<50001x32xf32, #tpu.memory_space<hbm>>
    tpu.wait_indirect_dma semaphore(%arg17 : memref<!tpu.dma_semaphore, #tpu.memory_space<semaphore_mem>>) src(%dma_wait3A_161 : memref<50001x32xf32, #tpu.memory_space<hbm>>) dst(%dma_wait3A_156 : memref<128x32xf32, #tpu.memory_space<vmem>>)
    %dma_wait3A_162 = arith.constant 768 : i32
    %dma_wait3A_163 = arith.constant 0 : i32
    %dma_wait3A_164 = tpu.memref_slice %arg14[%dma_wait3A_162, %dma_wait3A_163] : memref<1536x32xf32, #tpu.memory_space<vmem>> -> memref<128x32xf32, #tpu.memory_space<vmem>>
    %dma_wait3A_165 = arith.constant 768 : i32
    %dma_wait3A_166 = tpu.memref_slice %arg12[%dma_wait3A_165] : memref<1536xi32, #tpu.memory_space<vmem>> -> memref<128xi32, #tpu.memory_space<vmem>>
    %dma_wait3A_167 = arith.constant 0 : i32
    %dma_wait3A_168 = arith.constant 0 : i32
    %dma_wait3A_169 = tpu.memref_slice %arg6[%dma_wait3A_167, %dma_wait3A_168] : memref<50001x32xf32, #tpu.memory_space<hbm>> -> memref<50001x32xf32, #tpu.memory_space<hbm>>
    tpu.wait_indirect_dma semaphore(%arg17 : memref<!tpu.dma_semaphore, #tpu.memory_space<semaphore_mem>>) src(%dma_wait3A_169 : memref<50001x32xf32, #tpu.memory_space<hbm>>) dst(%dma_wait3A_164 : memref<128x32xf32, #tpu.memory_space<vmem>>)
    %dma_wait3A_170 = arith.constant 896 : i32
    %dma_wait3A_171 = arith.constant 0 : i32
    %dma_wait3A_172 = tpu.memref_slice %arg14[%dma_wait3A_170, %dma_wait3A_171] : memref<1536x32xf32, #tpu.memory_space<vmem>> -> memref<128x32xf32, #tpu.memory_space<vmem>>
    %dma_wait3A_173 = arith.constant 896 : i32
    %dma_wait3A_174 = tpu.memref_slice %arg12[%dma_wait3A_173] : memref<1536xi32, #tpu.memory_space<vmem>> -> memref<128xi32, #tpu.memory_space<vmem>>
    %dma_wait3A_175 = arith.constant 0 : i32
    %dma_wait3A_176 = arith.constant 0 : i32
    %dma_wait3A_177 = tpu.memref_slice %arg6[%dma_wait3A_175, %dma_wait3A_176] : memref<50001x32xf32, #tpu.memory_space<hbm>> -> memref<50001x32xf32, #tpu.memory_space<hbm>>
    tpu.wait_indirect_dma semaphore(%arg17 : memref<!tpu.dma_semaphore, #tpu.memory_space<semaphore_mem>>) src(%dma_wait3A_177 : memref<50001x32xf32, #tpu.memory_space<hbm>>) dst(%dma_wait3A_172 : memref<128x32xf32, #tpu.memory_space<vmem>>)
    %dma_wait3A_178 = arith.constant 1024 : i32
    %dma_wait3A_179 = arith.constant 0 : i32
    %dma_wait3A_180 = tpu.memref_slice %arg14[%dma_wait3A_178, %dma_wait3A_179] : memref<1536x32xf32, #tpu.memory_space<vmem>> -> memref<128x32xf32, #tpu.memory_space<vmem>>
    %dma_wait3A_181 = arith.constant 1024 : i32
    %dma_wait3A_182 = tpu.memref_slice %arg12[%dma_wait3A_181] : memref<1536xi32, #tpu.memory_space<vmem>> -> memref<128xi32, #tpu.memory_space<vmem>>
    %dma_wait3A_183 = arith.constant 0 : i32
    %dma_wait3A_184 = arith.constant 0 : i32
    %dma_wait3A_185 = tpu.memref_slice %arg6[%dma_wait3A_183, %dma_wait3A_184] : memref<50001x32xf32, #tpu.memory_space<hbm>> -> memref<50001x32xf32, #tpu.memory_space<hbm>>
    tpu.wait_indirect_dma semaphore(%arg17 : memref<!tpu.dma_semaphore, #tpu.memory_space<semaphore_mem>>) src(%dma_wait3A_185 : memref<50001x32xf32, #tpu.memory_space<hbm>>) dst(%dma_wait3A_180 : memref<128x32xf32, #tpu.memory_space<vmem>>)
    %dma_wait3A_186 = arith.constant 1152 : i32
    %dma_wait3A_187 = arith.constant 0 : i32
    %dma_wait3A_188 = tpu.memref_slice %arg14[%dma_wait3A_186, %dma_wait3A_187] : memref<1536x32xf32, #tpu.memory_space<vmem>> -> memref<128x32xf32, #tpu.memory_space<vmem>>
    %dma_wait3A_189 = arith.constant 1152 : i32
    %dma_wait3A_190 = tpu.memref_slice %arg12[%dma_wait3A_189] : memref<1536xi32, #tpu.memory_space<vmem>> -> memref<128xi32, #tpu.memory_space<vmem>>
    %dma_wait3A_191 = arith.constant 0 : i32
    %dma_wait3A_192 = arith.constant 0 : i32
    %dma_wait3A_193 = tpu.memref_slice %arg6[%dma_wait3A_191, %dma_wait3A_192] : memref<50001x32xf32, #tpu.memory_space<hbm>> -> memref<50001x32xf32, #tpu.memory_space<hbm>>
    tpu.wait_indirect_dma semaphore(%arg17 : memref<!tpu.dma_semaphore, #tpu.memory_space<semaphore_mem>>) src(%dma_wait3A_193 : memref<50001x32xf32, #tpu.memory_space<hbm>>) dst(%dma_wait3A_188 : memref<128x32xf32, #tpu.memory_space<vmem>>)
    %dma_wait3A_194 = arith.constant 1280 : i32
    %dma_wait3A_195 = arith.constant 0 : i32
    %dma_wait3A_196 = tpu.memref_slice %arg14[%dma_wait3A_194, %dma_wait3A_195] : memref<1536x32xf32, #tpu.memory_space<vmem>> -> memref<128x32xf32, #tpu.memory_space<vmem>>
    %dma_wait3A_197 = arith.constant 1280 : i32
    %dma_wait3A_198 = tpu.memref_slice %arg12[%dma_wait3A_197] : memref<1536xi32, #tpu.memory_space<vmem>> -> memref<128xi32, #tpu.memory_space<vmem>>
    %dma_wait3A_199 = arith.constant 0 : i32
    %dma_wait3A_200 = arith.constant 0 : i32
    %dma_wait3A_201 = tpu.memref_slice %arg6[%dma_wait3A_199, %dma_wait3A_200] : memref<50001x32xf32, #tpu.memory_space<hbm>> -> memref<50001x32xf32, #tpu.memory_space<hbm>>
    tpu.wait_indirect_dma semaphore(%arg17 : memref<!tpu.dma_semaphore, #tpu.memory_space<semaphore_mem>>) src(%dma_wait3A_201 : memref<50001x32xf32, #tpu.memory_space<hbm>>) dst(%dma_wait3A_196 : memref<128x32xf32, #tpu.memory_space<vmem>>)
    %dma_wait3A_202 = arith.constant 1408 : i32
    %dma_wait3A_203 = arith.constant 0 : i32
    %dma_wait3A_204 = tpu.memref_slice %arg14[%dma_wait3A_202, %dma_wait3A_203] : memref<1536x32xf32, #tpu.memory_space<vmem>> -> memref<128x32xf32, #tpu.memory_space<vmem>>
    %dma_wait3A_205 = arith.constant 1408 : i32
    %dma_wait3A_206 = tpu.memref_slice %arg12[%dma_wait3A_205] : memref<1536xi32, #tpu.memory_space<vmem>> -> memref<128xi32, #tpu.memory_space<vmem>>
    %dma_wait3A_207 = arith.constant 0 : i32
    %dma_wait3A_208 = arith.constant 0 : i32
    %dma_wait3A_209 = tpu.memref_slice %arg6[%dma_wait3A_207, %dma_wait3A_208] : memref<50001x32xf32, #tpu.memory_space<hbm>> -> memref<50001x32xf32, #tpu.memory_space<hbm>>
    tpu.wait_indirect_dma semaphore(%arg17 : memref<!tpu.dma_semaphore, #tpu.memory_space<semaphore_mem>>) src(%dma_wait3A_209 : memref<50001x32xf32, #tpu.memory_space<hbm>>) dst(%dma_wait3A_204 : memref<128x32xf32, #tpu.memory_space<vmem>>)
    %scan3A_210 = arith.constant 0 : i32
    %scan3A_211 = arith.constant 0 : i32
    %scan3A_212 = arith.constant 96 : i32
    %scan3A_213 = arith.addi %scan3A_211, %scan3A_212 : i32
    %scan3A_214 = arith.constant 1 : i32
    scf.for %scan3A_828 = %scan3A_211 to %scan3A_213 step %scan3A_214  : i32 {
      %mul3A_829 = arith.constant 16 : i32
      %mul3A_830 = arith.muli %scan3A_828, %mul3A_829 : i32
      %get3A = arith.index_cast %mul3A_830 : i32 to index
      %get3A_831 = arith.constant 0 : index
      %get3A_832 = tpu.vector_load %arg14[%get3A, %get3A_831] {strides = array<i32>} : memref<1536x32xf32, #tpu.memory_space<vmem>>, vector<1x16xf32>,
      %get3A_833 = vector.shape_cast %get3A_832 : vector<1x16xf32> to vector<16xf32>
      %mul3A_834 = arith.constant 16 : i32
      %mul3A_835 = arith.muli %scan3A_828, %mul3A_834 : i32
      %get3A_836 = arith.index_cast %mul3A_835 : i32 to index
      %get3A_837 = arith.constant 16 : index
      %get3A_838 = tpu.vector_load %arg14[%get3A_836, %get3A_837] {strides = array<i32>} : memref<1536x32xf32, #tpu.memory_space<vmem>>, vector<1x16xf32>,
      %get3A_839 = vector.shape_cast %get3A_838 : vector<1x16xf32> to vector<16xf32>
      %mul3A_840 = arith.constant 16 : i32
      %mul3A_841 = arith.muli %scan3A_828, %mul3A_840 : i32
      %add3A_842 = arith.constant 1 : i32
      %add3A_843 = arith.addi %mul3A_841, %add3A_842 : i32
      %get3A_844 = arith.index_cast %add3A_843 : i32 to index
      %get3A_845 = arith.constant 0 : index
      %get3A_846 = tpu.vector_load %arg14[%get3A_844, %get3A_845] {strides = array<i32>} : memref<1536x32xf32, #tpu.memory_space<vmem>>, vector<1x16xf32>,
      %get3A_847 = vector.shape_cast %get3A_846 : vector<1x16xf32> to vector<16xf32>
      %add3A_848 = arith.addf %get3A_833, %get3A_847 : vector<16xf32>
      %mul3A_849 = arith.constant 16 : i32
      %mul3A_850 = arith.muli %scan3A_828, %mul3A_849 : i32
      %add3A_851 = arith.constant 1 : i32
      %add3A_852 = arith.addi %mul3A_850, %add3A_851 : i32
      %get3A_853 = arith.index_cast %add3A_852 : i32 to index
      %get3A_854 = arith.constant 16 : index
      %get3A_855 = tpu.vector_load %arg14[%get3A_853, %get3A_854] {strides = array<i32>} : memref<1536x32xf32, #tpu.memory_space<vmem>>, vector<1x16xf32>,
      %get3A_856 = vector.shape_cast %get3A_855 : vector<1x16xf32> to vector<16xf32>
      %add3A_857 = arith.addf %get3A_839, %get3A_856 : vector<16xf32>
      %mul3A_858 = arith.constant 16 : i32
      %mul3A_859 = arith.muli %scan3A_828, %mul3A_858 : i32
      %add3A_860 = arith.constant 2 : i32
      %add3A_861 = arith.addi %mul3A_859, %add3A_860 : i32
      %get3A_862 = arith.index_cast %add3A_861 : i32 to index
      %get3A_863 = arith.constant 0 : index
      %get3A_864 = tpu.vector_load %arg14[%get3A_862, %get3A_863] {strides = array<i32>} : memref<1536x32xf32, #tpu.memory_space<vmem>>, vector<1x16xf32>,
      %get3A_865 = vector.shape_cast %get3A_864 : vector<1x16xf32> to vector<16xf32>
      %add3A_866 = arith.addf %add3A_848, %get3A_865 : vector<16xf32>
      %mul3A_867 = arith.constant 16 : i32
      %mul3A_868 = arith.muli %scan3A_828, %mul3A_867 : i32
      %add3A_869 = arith.constant 2 : i32
      %add3A_870 = arith.addi %mul3A_868, %add3A_869 : i32
      %get3A_871 = arith.index_cast %add3A_870 : i32 to index
      %get3A_872 = arith.constant 16 : index
      %get3A_873 = tpu.vector_load %arg14[%get3A_871, %get3A_872] {strides = array<i32>} : memref<1536x32xf32, #tpu.memory_space<vmem>>, vector<1x16xf32>,
      %get3A_874 = vector.shape_cast %get3A_873 : vector<1x16xf32> to vector<16xf32>
      %add3A_875 = arith.addf %add3A_857, %get3A_874 : vector<16xf32>
      %mul3A_876 = arith.constant 16 : i32
      %mul3A_877 = arith.muli %scan3A_828, %mul3A_876 : i32
      %add3A_878 = arith.constant 3 : i32
      %add3A_879 = arith.addi %mul3A_877, %add3A_878 : i32
      %get3A_880 = arith.index_cast %add3A_879 : i32 to index
      %get3A_881 = arith.constant 0 : index
      %get3A_882 = tpu.vector_load %arg14[%get3A_880, %get3A_881] {strides = array<i32>} : memref<1536x32xf32, #tpu.memory_space<vmem>>, vector<1x16xf32>,
      %get3A_883 = vector.shape_cast %get3A_882 : vector<1x16xf32> to vector<16xf32>
      %add3A_884 = arith.addf %add3A_866, %get3A_883 : vector<16xf32>
      %mul3A_885 = arith.constant 16 : i32
      %mul3A_886 = arith.muli %scan3A_828, %mul3A_885 : i32
      %add3A_887 = arith.constant 3 : i32
      %add3A_888 = arith.addi %mul3A_886, %add3A_887 : i32
      %get3A_889 = arith.index_cast %add3A_888 : i32 to index
      %get3A_890 = arith.constant 16 : index
      %get3A_891 = tpu.vector_load %arg14[%get3A_889, %get3A_890] {strides = array<i32>} : memref<1536x32xf32, #tpu.memory_space<vmem>>, vector<1x16xf32>,
      %get3A_892 = vector.shape_cast %get3A_891 : vector<1x16xf32> to vector<16xf32>
      %add3A_893 = arith.addf %add3A_875, %get3A_892 : vector<16xf32>
      %mul3A_894 = arith.constant 16 : i32
      %mul3A_895 = arith.muli %scan3A_828, %mul3A_894 : i32
      %add3A_896 = arith.constant 4 : i32
      %add3A_897 = arith.addi %mul3A_895, %add3A_896 : i32
      %get3A_898 = arith.index_cast %add3A_897 : i32 to index
      %get3A_899 = arith.constant 0 : index
      %get3A_900 = tpu.vector_load %arg14[%get3A_898, %get3A_899] {strides = array<i32>} : memref<1536x32xf32, #tpu.memory_space<vmem>>, vector<1x16xf32>,
      %get3A_901 = vector.shape_cast %get3A_900 : vector<1x16xf32> to vector<16xf32>
      %add3A_902 = arith.addf %add3A_884, %get3A_901 : vector<16xf32>
      %mul3A_903 = arith.constant 16 : i32
      %mul3A_904 = arith.muli %scan3A_828, %mul3A_903 : i32
      %add3A_905 = arith.constant 4 : i32
      %add3A_906 = arith.addi %mul3A_904, %add3A_905 : i32
      %get3A_907 = arith.index_cast %add3A_906 : i32 to index
      %get3A_908 = arith.constant 16 : index
      %get3A_909 = tpu.vector_load %arg14[%get3A_907, %get3A_908] {strides = array<i32>} : memref<1536x32xf32, #tpu.memory_space<vmem>>, vector<1x16xf32>,
      %get3A_910 = vector.shape_cast %get3A_909 : vector<1x16xf32> to vector<16xf32>
      %add3A_911 = arith.addf %add3A_893, %get3A_910 : vector<16xf32>
      %mul3A_912 = arith.constant 16 : i32
      %mul3A_913 = arith.muli %scan3A_828, %mul3A_912 : i32
      %add3A_914 = arith.constant 5 : i32
      %add3A_915 = arith.addi %mul3A_913, %add3A_914 : i32
      %get3A_916 = arith.index_cast %add3A_915 : i32 to index
      %get3A_917 = arith.constant 0 : index
      %get3A_918 = tpu.vector_load %arg14[%get3A_916, %get3A_917] {strides = array<i32>} : memref<1536x32xf32, #tpu.memory_space<vmem>>, vector<1x16xf32>,
      %get3A_919 = vector.shape_cast %get3A_918 : vector<1x16xf32> to vector<16xf32>
      %add3A_920 = arith.addf %add3A_902, %get3A_919 : vector<16xf32>
      %mul3A_921 = arith.constant 16 : i32
      %mul3A_922 = arith.muli %scan3A_828, %mul3A_921 : i32
      %add3A_923 = arith.constant 5 : i32
      %add3A_924 = arith.addi %mul3A_922, %add3A_923 : i32
      %get3A_925 = arith.index_cast %add3A_924 : i32 to index
      %get3A_926 = arith.constant 16 : index
      %get3A_927 = tpu.vector_load %arg14[%get3A_925, %get3A_926] {strides = array<i32>} : memref<1536x32xf32, #tpu.memory_space<vmem>>, vector<1x16xf32>,
      %get3A_928 = vector.shape_cast %get3A_927 : vector<1x16xf32> to vector<16xf32>
      %add3A_929 = arith.addf %add3A_911, %get3A_928 : vector<16xf32>
      %mul3A_930 = arith.constant 16 : i32
      %mul3A_931 = arith.muli %scan3A_828, %mul3A_930 : i32
      %add3A_932 = arith.constant 6 : i32
      %add3A_933 = arith.addi %mul3A_931, %add3A_932 : i32
      %get3A_934 = arith.index_cast %add3A_933 : i32 to index
      %get3A_935 = arith.constant 0 : index
      %get3A_936 = tpu.vector_load %arg14[%get3A_934, %get3A_935] {strides = array<i32>} : memref<1536x32xf32, #tpu.memory_space<vmem>>, vector<1x16xf32>,
      %get3A_937 = vector.shape_cast %get3A_936 : vector<1x16xf32> to vector<16xf32>
      %add3A_938 = arith.addf %add3A_920, %get3A_937 : vector<16xf32>
      %mul3A_939 = arith.constant 16 : i32
      %mul3A_940 = arith.muli %scan3A_828, %mul3A_939 : i32
      %add3A_941 = arith.constant 6 : i32
      %add3A_942 = arith.addi %mul3A_940, %add3A_941 : i32
      %get3A_943 = arith.index_cast %add3A_942 : i32 to index
      %get3A_944 = arith.constant 16 : index
      %get3A_945 = tpu.vector_load %arg14[%get3A_943, %get3A_944] {strides = array<i32>} : memref<1536x32xf32, #tpu.memory_space<vmem>>, vector<1x16xf32>,
      %get3A_946 = vector.shape_cast %get3A_945 : vector<1x16xf32> to vector<16xf32>
      %add3A_947 = arith.addf %add3A_929, %get3A_946 : vector<16xf32>
      %mul3A_948 = arith.constant 16 : i32
      %mul3A_949 = arith.muli %scan3A_828, %mul3A_948 : i32
      %add3A_950 = arith.constant 7 : i32
      %add3A_951 = arith.addi %mul3A_949, %add3A_950 : i32
      %get3A_952 = arith.index_cast %add3A_951 : i32 to index
      %get3A_953 = arith.constant 0 : index
      %get3A_954 = tpu.vector_load %arg14[%get3A_952, %get3A_953] {strides = array<i32>} : memref<1536x32xf32, #tpu.memory_space<vmem>>, vector<1x16xf32>,
      %get3A_955 = vector.shape_cast %get3A_954 : vector<1x16xf32> to vector<16xf32>
      %add3A_956 = arith.addf %add3A_938, %get3A_955 : vector<16xf32>
      %mul3A_957 = arith.constant 16 : i32
      %mul3A_958 = arith.muli %scan3A_828, %mul3A_957 : i32
      %add3A_959 = arith.constant 7 : i32
      %add3A_960 = arith.addi %mul3A_958, %add3A_959 : i32
      %get3A_961 = arith.index_cast %add3A_960 : i32 to index
      %get3A_962 = arith.constant 16 : index
      %get3A_963 = tpu.vector_load %arg14[%get3A_961, %get3A_962] {strides = array<i32>} : memref<1536x32xf32, #tpu.memory_space<vmem>>, vector<1x16xf32>,
      %get3A_964 = vector.shape_cast %get3A_963 : vector<1x16xf32> to vector<16xf32>
      %add3A_965 = arith.addf %add3A_947, %get3A_964 : vector<16xf32>
      %mul3A_966 = arith.constant 16 : i32
      %mul3A_967 = arith.muli %scan3A_828, %mul3A_966 : i32
      %add3A_968 = arith.constant 8 : i32
      %add3A_969 = arith.addi %mul3A_967, %add3A_968 : i32
      %get3A_970 = arith.index_cast %add3A_969 : i32 to index
      %get3A_971 = arith.constant 0 : index
      %get3A_972 = tpu.vector_load %arg14[%get3A_970, %get3A_971] {strides = array<i32>} : memref<1536x32xf32, #tpu.memory_space<vmem>>, vector<1x16xf32>,
      %get3A_973 = vector.shape_cast %get3A_972 : vector<1x16xf32> to vector<16xf32>
      %add3A_974 = arith.addf %add3A_956, %get3A_973 : vector<16xf32>
      %mul3A_975 = arith.constant 16 : i32
      %mul3A_976 = arith.muli %scan3A_828, %mul3A_975 : i32
      %add3A_977 = arith.constant 8 : i32
      %add3A_978 = arith.addi %mul3A_976, %add3A_977 : i32
      %get3A_979 = arith.index_cast %add3A_978 : i32 to index
      %get3A_980 = arith.constant 16 : index
      %get3A_981 = tpu.vector_load %arg14[%get3A_979, %get3A_980] {strides = array<i32>} : memref<1536x32xf32, #tpu.memory_space<vmem>>, vector<1x16xf32>,
      %get3A_982 = vector.shape_cast %get3A_981 : vector<1x16xf32> to vector<16xf32>
      %add3A_983 = arith.addf %add3A_965, %get3A_982 : vector<16xf32>
      %mul3A_984 = arith.constant 16 : i32
      %mul3A_985 = arith.muli %scan3A_828, %mul3A_984 : i32
      %add3A_986 = arith.constant 9 : i32
      %add3A_987 = arith.addi %mul3A_985, %add3A_986 : i32
      %get3A_988 = arith.index_cast %add3A_987 : i32 to index
      %get3A_989 = arith.constant 0 : index
      %get3A_990 = tpu.vector_load %arg14[%get3A_988, %get3A_989] {strides = array<i32>} : memref<1536x32xf32, #tpu.memory_space<vmem>>, vector<1x16xf32>,
      %get3A_991 = vector.shape_cast %get3A_990 : vector<1x16xf32> to vector<16xf32>
      %add3A_992 = arith.addf %add3A_974, %get3A_991 : vector<16xf32>
      %mul3A_993 = arith.constant 16 : i32
      %mul3A_994 = arith.muli %scan3A_828, %mul3A_993 : i32
      %add3A_995 = arith.constant 9 : i32
      %add3A_996 = arith.addi %mul3A_994, %add3A_995 : i32
      %get3A_997 = arith.index_cast %add3A_996 : i32 to index
      %get3A_998 = arith.constant 16 : index
      %get3A_999 = tpu.vector_load %arg14[%get3A_997, %get3A_998] {strides = array<i32>} : memref<1536x32xf32, #tpu.memory_space<vmem>>, vector<1x16xf32>,
      %get3A_1000 = vector.shape_cast %get3A_999 : vector<1x16xf32> to vector<16xf32>
      %add3A_1001 = arith.addf %add3A_983, %get3A_1000 : vector<16xf32>
      %mul3A_1002 = arith.constant 16 : i32
      %mul3A_1003 = arith.muli %scan3A_828, %mul3A_1002 : i32
      %add3A_1004 = arith.constant 10 : i32
      %add3A_1005 = arith.addi %mul3A_1003, %add3A_1004 : i32
      %get3A_1006 = arith.index_cast %add3A_1005 : i32 to index
      %get3A_1007 = arith.constant 0 : index
      %get3A_1008 = tpu.vector_load %arg14[%get3A_1006, %get3A_1007] {strides = array<i32>} : memref<1536x32xf32, #tpu.memory_space<vmem>>, vector<1x16xf32>,
      %get3A_1009 = vector.shape_cast %get3A_1008 : vector<1x16xf32> to vector<16xf32>
      %add3A_1010 = arith.addf %add3A_992, %get3A_1009 : vector<16xf32>
      %mul3A_1011 = arith.constant 16 : i32
      %mul3A_1012 = arith.muli %scan3A_828, %mul3A_1011 : i32
      %add3A_1013 = arith.constant 10 : i32
      %add3A_1014 = arith.addi %mul3A_1012, %add3A_1013 : i32
      %get3A_1015 = arith.index_cast %add3A_1014 : i32 to index
      %get3A_1016 = arith.constant 16 : index
      %get3A_1017 = tpu.vector_load %arg14[%get3A_1015, %get3A_1016] {strides = array<i32>} : memref<1536x32xf32, #tpu.memory_space<vmem>>, vector<1x16xf32>,
      %get3A_1018 = vector.shape_cast %get3A_1017 : vector<1x16xf32> to vector<16xf32>
      %add3A_1019 = arith.addf %add3A_1001, %get3A_1018 : vector<16xf32>
      %mul3A_1020 = arith.constant 16 : i32
      %mul3A_1021 = arith.muli %scan3A_828, %mul3A_1020 : i32
      %add3A_1022 = arith.constant 11 : i32
      %add3A_1023 = arith.addi %mul3A_1021, %add3A_1022 : i32
      %get3A_1024 = arith.index_cast %add3A_1023 : i32 to index
      %get3A_1025 = arith.constant 0 : index
      %get3A_1026 = tpu.vector_load %arg14[%get3A_1024, %get3A_1025] {strides = array<i32>} : memref<1536x32xf32, #tpu.memory_space<vmem>>, vector<1x16xf32>,
      %get3A_1027 = vector.shape_cast %get3A_1026 : vector<1x16xf32> to vector<16xf32>
      %add3A_1028 = arith.addf %add3A_1010, %get3A_1027 : vector<16xf32>
      %mul3A_1029 = arith.constant 16 : i32
      %mul3A_1030 = arith.muli %scan3A_828, %mul3A_1029 : i32
      %add3A_1031 = arith.constant 11 : i32
      %add3A_1032 = arith.addi %mul3A_1030, %add3A_1031 : i32
      %get3A_1033 = arith.index_cast %add3A_1032 : i32 to index
      %get3A_1034 = arith.constant 16 : index
      %get3A_1035 = tpu.vector_load %arg14[%get3A_1033, %get3A_1034] {strides = array<i32>} : memref<1536x32xf32, #tpu.memory_space<vmem>>, vector<1x16xf32>,
      %get3A_1036 = vector.shape_cast %get3A_1035 : vector<1x16xf32> to vector<16xf32>
      %add3A_1037 = arith.addf %add3A_1019, %get3A_1036 : vector<16xf32>
      %mul3A_1038 = arith.constant 16 : i32
      %mul3A_1039 = arith.muli %scan3A_828, %mul3A_1038 : i32
      %add3A_1040 = arith.constant 12 : i32
      %add3A_1041 = arith.addi %mul3A_1039, %add3A_1040 : i32
      %get3A_1042 = arith.index_cast %add3A_1041 : i32 to index
      %get3A_1043 = arith.constant 0 : index
      %get3A_1044 = tpu.vector_load %arg14[%get3A_1042, %get3A_1043] {strides = array<i32>} : memref<1536x32xf32, #tpu.memory_space<vmem>>, vector<1x16xf32>,
      %get3A_1045 = vector.shape_cast %get3A_1044 : vector<1x16xf32> to vector<16xf32>
      %add3A_1046 = arith.addf %add3A_1028, %get3A_1045 : vector<16xf32>
      %mul3A_1047 = arith.constant 16 : i32
      %mul3A_1048 = arith.muli %scan3A_828, %mul3A_1047 : i32
      %add3A_1049 = arith.constant 12 : i32
      %add3A_1050 = arith.addi %mul3A_1048, %add3A_1049 : i32
      %get3A_1051 = arith.index_cast %add3A_1050 : i32 to index
      %get3A_1052 = arith.constant 16 : index
      %get3A_1053 = tpu.vector_load %arg14[%get3A_1051, %get3A_1052] {strides = array<i32>} : memref<1536x32xf32, #tpu.memory_space<vmem>>, vector<1x16xf32>,
      %get3A_1054 = vector.shape_cast %get3A_1053 : vector<1x16xf32> to vector<16xf32>
      %add3A_1055 = arith.addf %add3A_1037, %get3A_1054 : vector<16xf32>
      %mul3A_1056 = arith.constant 16 : i32
      %mul3A_1057 = arith.muli %scan3A_828, %mul3A_1056 : i32
      %add3A_1058 = arith.constant 13 : i32
      %add3A_1059 = arith.addi %mul3A_1057, %add3A_1058 : i32
      %get3A_1060 = arith.index_cast %add3A_1059 : i32 to index
      %get3A_1061 = arith.constant 0 : index
      %get3A_1062 = tpu.vector_load %arg14[%get3A_1060, %get3A_1061] {strides = array<i32>} : memref<1536x32xf32, #tpu.memory_space<vmem>>, vector<1x16xf32>,
      %get3A_1063 = vector.shape_cast %get3A_1062 : vector<1x16xf32> to vector<16xf32>
      %add3A_1064 = arith.addf %add3A_1046, %get3A_1063 : vector<16xf32>
      %mul3A_1065 = arith.constant 16 : i32
      %mul3A_1066 = arith.muli %scan3A_828, %mul3A_1065 : i32
      %add3A_1067 = arith.constant 13 : i32
      %add3A_1068 = arith.addi %mul3A_1066, %add3A_1067 : i32
      %get3A_1069 = arith.index_cast %add3A_1068 : i32 to index
      %get3A_1070 = arith.constant 16 : index
      %get3A_1071 = tpu.vector_load %arg14[%get3A_1069, %get3A_1070] {strides = array<i32>} : memref<1536x32xf32, #tpu.memory_space<vmem>>, vector<1x16xf32>,
      %get3A_1072 = vector.shape_cast %get3A_1071 : vector<1x16xf32> to vector<16xf32>
      %add3A_1073 = arith.addf %add3A_1055, %get3A_1072 : vector<16xf32>
      %mul3A_1074 = arith.constant 16 : i32
      %mul3A_1075 = arith.muli %scan3A_828, %mul3A_1074 : i32
      %add3A_1076 = arith.constant 14 : i32
      %add3A_1077 = arith.addi %mul3A_1075, %add3A_1076 : i32
      %get3A_1078 = arith.index_cast %add3A_1077 : i32 to index
      %get3A_1079 = arith.constant 0 : index
      %get3A_1080 = tpu.vector_load %arg14[%get3A_1078, %get3A_1079] {strides = array<i32>} : memref<1536x32xf32, #tpu.memory_space<vmem>>, vector<1x16xf32>,
      %get3A_1081 = vector.shape_cast %get3A_1080 : vector<1x16xf32> to vector<16xf32>
      %add3A_1082 = arith.addf %add3A_1064, %get3A_1081 : vector<16xf32>
      %mul3A_1083 = arith.constant 16 : i32
      %mul3A_1084 = arith.muli %scan3A_828, %mul3A_1083 : i32
      %add3A_1085 = arith.constant 14 : i32
      %add3A_1086 = arith.addi %mul3A_1084, %add3A_1085 : i32
      %get3A_1087 = arith.index_cast %add3A_1086 : i32 to index
      %get3A_1088 = arith.constant 16 : index
      %get3A_1089 = tpu.vector_load %arg14[%get3A_1087, %get3A_1088] {strides = array<i32>} : memref<1536x32xf32, #tpu.memory_space<vmem>>, vector<1x16xf32>,
      %get3A_1090 = vector.shape_cast %get3A_1089 : vector<1x16xf32> to vector<16xf32>
      %add3A_1091 = arith.addf %add3A_1073, %get3A_1090 : vector<16xf32>
      %mul3A_1092 = arith.constant 16 : i32
      %mul3A_1093 = arith.muli %scan3A_828, %mul3A_1092 : i32
      %add3A_1094 = arith.constant 15 : i32
      %add3A_1095 = arith.addi %mul3A_1093, %add3A_1094 : i32
      %get3A_1096 = arith.index_cast %add3A_1095 : i32 to index
      %get3A_1097 = arith.constant 0 : index
      %get3A_1098 = tpu.vector_load %arg14[%get3A_1096, %get3A_1097] {strides = array<i32>} : memref<1536x32xf32, #tpu.memory_space<vmem>>, vector<1x16xf32>,
      %get3A_1099 = vector.shape_cast %get3A_1098 : vector<1x16xf32> to vector<16xf32>
      %add3A_1100 = arith.addf %add3A_1082, %get3A_1099 : vector<16xf32>
      %mul3A_1101 = arith.constant 16 : i32
      %mul3A_1102 = arith.muli %scan3A_828, %mul3A_1101 : i32
      %add3A_1103 = arith.constant 15 : i32
      %add3A_1104 = arith.addi %mul3A_1102, %add3A_1103 : i32
      %get3A_1105 = arith.index_cast %add3A_1104 : i32 to index
      %get3A_1106 = arith.constant 16 : index
      %get3A_1107 = tpu.vector_load %arg14[%get3A_1105, %get3A_1106] {strides = array<i32>} : memref<1536x32xf32, #tpu.memory_space<vmem>>, vector<1x16xf32>,
      %get3A_1108 = vector.shape_cast %get3A_1107 : vector<1x16xf32> to vector<16xf32>
      %add3A_1109 = arith.addf %add3A_1091, %get3A_1108 : vector<16xf32>
      %get3A_1110 = arith.index_cast %scan3A_828 : i32 to index
      %get3A_1111 = arith.constant 0 : index
      %get3A_1112 = tpu.vector_load %arg11[%get3A_1110, %get3A_1111] {strides = array<i32>} : memref<96x32xi32, #tpu.memory_space<vmem>>, vector<1x16xi32>,
      %get3A_1113 = vector.shape_cast %get3A_1112 : vector<1x16xi32> to vector<16xi32>
      %slice3A = vector.extract_strided_slice %get3A_1113 {offsets = [0], sizes = [1], strides = [1]} : vector<16xi32> to vector<1xi32>
      %squeeze3A = vector.extract %slice3A[0] : i32 from vector<1xi32>
      %ne3A = arith.constant 0 : i32
      %ne3A_1114 = arith.cmpi ne, %squeeze3A, %ne3A : i32
      %jit3A = arith.constant 1 : i32
      %jit3A_1115 = arith.constant 0 : i32
      %select_n3A = arith.select %ne3A_1114, %jit3A, %jit3A_1115 : i32
      %add3A_1116 = arith.constant 0 : i32
      %add3A_1117 = arith.addi %add3A_1116, %select_n3A : i32
      %slice3A_1118 = vector.extract_strided_slice %get3A_1113 {offsets = [1], sizes = [1], strides = [1]} : vector<16xi32> to vector<1xi32>
      %squeeze3A_1119 = vector.extract %slice3A_1118[0] : i32 from vector<1xi32>
      %ne3A_1120 = arith.constant 0 : i32
      %ne3A_1121 = arith.cmpi ne, %squeeze3A_1119, %ne3A_1120 : i32
      %jit3A_1122 = arith.constant 1 : i32
      %jit3A_1123 = arith.constant 0 : i32
      %select_n3A_1124 = arith.select %ne3A_1121, %jit3A_1122, %jit3A_1123 : i32
      %add3A_1125 = arith.addi %add3A_1117, %select_n3A_1124 : i32
      %slice3A_1126 = vector.extract_strided_slice %get3A_1113 {offsets = [2], sizes = [1], strides = [1]} : vector<16xi32> to vector<1xi32>
      %squeeze3A_1127 = vector.extract %slice3A_1126[0] : i32 from vector<1xi32>
      %ne3A_1128 = arith.constant 0 : i32
      %ne3A_1129 = arith.cmpi ne, %squeeze3A_1127, %ne3A_1128 : i32
      %jit3A_1130 = arith.constant 1 : i32
      %jit3A_1131 = arith.constant 0 : i32
      %select_n3A_1132 = arith.select %ne3A_1129, %jit3A_1130, %jit3A_1131 : i32
      %add3A_1133 = arith.addi %add3A_1125, %select_n3A_1132 : i32
      %slice3A_1134 = vector.extract_strided_slice %get3A_1113 {offsets = [3], sizes = [1], strides = [1]} : vector<16xi32> to vector<1xi32>
      %squeeze3A_1135 = vector.extract %slice3A_1134[0] : i32 from vector<1xi32>
      %ne3A_1136 = arith.constant 0 : i32
      %ne3A_1137 = arith.cmpi ne, %squeeze3A_1135, %ne3A_1136 : i32
      %jit3A_1138 = arith.constant 1 : i32
      %jit3A_1139 = arith.constant 0 : i32
      %select_n3A_1140 = arith.select %ne3A_1137, %jit3A_1138, %jit3A_1139 : i32
      %add3A_1141 = arith.addi %add3A_1133, %select_n3A_1140 : i32
      %slice3A_1142 = vector.extract_strided_slice %get3A_1113 {offsets = [4], sizes = [1], strides = [1]} : vector<16xi32> to vector<1xi32>
      %squeeze3A_1143 = vector.extract %slice3A_1142[0] : i32 from vector<1xi32>
      %ne3A_1144 = arith.constant 0 : i32
      %ne3A_1145 = arith.cmpi ne, %squeeze3A_1143, %ne3A_1144 : i32
      %jit3A_1146 = arith.constant 1 : i32
      %jit3A_1147 = arith.constant 0 : i32
      %select_n3A_1148 = arith.select %ne3A_1145, %jit3A_1146, %jit3A_1147 : i32
      %add3A_1149 = arith.addi %add3A_1141, %select_n3A_1148 : i32
      %slice3A_1150 = vector.extract_strided_slice %get3A_1113 {offsets = [5], sizes = [1], strides = [1]} : vector<16xi32> to vector<1xi32>
      %squeeze3A_1151 = vector.extract %slice3A_1150[0] : i32 from vector<1xi32>
      %ne3A_1152 = arith.constant 0 : i32
      %ne3A_1153 = arith.cmpi ne, %squeeze3A_1151, %ne3A_1152 : i32
      %jit3A_1154 = arith.constant 1 : i32
      %jit3A_1155 = arith.constant 0 : i32
      %select_n3A_1156 = arith.select %ne3A_1153, %jit3A_1154, %jit3A_1155 : i32
      %add3A_1157 = arith.addi %add3A_1149, %select_n3A_1156 : i32
      %slice3A_1158 = vector.extract_strided_slice %get3A_1113 {offsets = [6], sizes = [1], strides = [1]} : vector<16xi32> to vector<1xi32>
      %squeeze3A_1159 = vector.extract %slice3A_1158[0] : i32 from vector<1xi32>
      %ne3A_1160 = arith.constant 0 : i32
      %ne3A_1161 = arith.cmpi ne, %squeeze3A_1159, %ne3A_1160 : i32
      %jit3A_1162 = arith.constant 1 : i32
      %jit3A_1163 = arith.constant 0 : i32
      %select_n3A_1164 = arith.select %ne3A_1161, %jit3A_1162, %jit3A_1163 : i32
      %add3A_1165 = arith.addi %add3A_1157, %select_n3A_1164 : i32
      %slice3A_1166 = vector.extract_strided_slice %get3A_1113 {offsets = [7], sizes = [1], strides = [1]} : vector<16xi32> to vector<1xi32>
      %squeeze3A_1167 = vector.extract %slice3A_1166[0] : i32 from vector<1xi32>
      %ne3A_1168 = arith.constant 0 : i32
      %ne3A_1169 = arith.cmpi ne, %squeeze3A_1167, %ne3A_1168 : i32
      %jit3A_1170 = arith.constant 1 : i32
      %jit3A_1171 = arith.constant 0 : i32
      %select_n3A_1172 = arith.select %ne3A_1169, %jit3A_1170, %jit3A_1171 : i32
      %add3A_1173 = arith.addi %add3A_1165, %select_n3A_1172 : i32
      %slice3A_1174 = vector.extract_strided_slice %get3A_1113 {offsets = [8], sizes = [1], strides = [1]} : vector<16xi32> to vector<1xi32>
      %squeeze3A_1175 = vector.extract %slice3A_1174[0] : i32 from vector<1xi32>
      %ne3A_1176 = arith.constant 0 : i32
      %ne3A_1177 = arith.cmpi ne, %squeeze3A_1175, %ne3A_1176 : i32
      %jit3A_1178 = arith.constant 1 : i32
      %jit3A_1179 = arith.constant 0 : i32
      %select_n3A_1180 = arith.select %ne3A_1177, %jit3A_1178, %jit3A_1179 : i32
      %add3A_1181 = arith.addi %add3A_1173, %select_n3A_1180 : i32
      %slice3A_1182 = vector.extract_strided_slice %get3A_1113 {offsets = [9], sizes = [1], strides = [1]} : vector<16xi32> to vector<1xi32>
      %squeeze3A_1183 = vector.extract %slice3A_1182[0] : i32 from vector<1xi32>
      %ne3A_1184 = arith.constant 0 : i32
      %ne3A_1185 = arith.cmpi ne, %squeeze3A_1183, %ne3A_1184 : i32
      %jit3A_1186 = arith.constant 1 : i32
      %jit3A_1187 = arith.constant 0 : i32
      %select_n3A_1188 = arith.select %ne3A_1185, %jit3A_1186, %jit3A_1187 : i32
      %add3A_1189 = arith.addi %add3A_1181, %select_n3A_1188 : i32
      %slice3A_1190 = vector.extract_strided_slice %get3A_1113 {offsets = [10], sizes = [1], strides = [1]} : vector<16xi32> to vector<1xi32>
      %squeeze3A_1191 = vector.extract %slice3A_1190[0] : i32 from vector<1xi32>
      %ne3A_1192 = arith.constant 0 : i32
      %ne3A_1193 = arith.cmpi ne, %squeeze3A_1191, %ne3A_1192 : i32
      %jit3A_1194 = arith.constant 1 : i32
      %jit3A_1195 = arith.constant 0 : i32
      %select_n3A_1196 = arith.select %ne3A_1193, %jit3A_1194, %jit3A_1195 : i32
      %add3A_1197 = arith.addi %add3A_1189, %select_n3A_1196 : i32
      %slice3A_1198 = vector.extract_strided_slice %get3A_1113 {offsets = [11], sizes = [1], strides = [1]} : vector<16xi32> to vector<1xi32>
      %squeeze3A_1199 = vector.extract %slice3A_1198[0] : i32 from vector<1xi32>
      %ne3A_1200 = arith.constant 0 : i32
      %ne3A_1201 = arith.cmpi ne, %squeeze3A_1199, %ne3A_1200 : i32
      %jit3A_1202 = arith.constant 1 : i32
      %jit3A_1203 = arith.constant 0 : i32
      %select_n3A_1204 = arith.select %ne3A_1201, %jit3A_1202, %jit3A_1203 : i32
      %add3A_1205 = arith.addi %add3A_1197, %select_n3A_1204 : i32
      %slice3A_1206 = vector.extract_strided_slice %get3A_1113 {offsets = [12], sizes = [1], strides = [1]} : vector<16xi32> to vector<1xi32>
      %squeeze3A_1207 = vector.extract %slice3A_1206[0] : i32 from vector<1xi32>
      %ne3A_1208 = arith.constant 0 : i32
      %ne3A_1209 = arith.cmpi ne, %squeeze3A_1207, %ne3A_1208 : i32
      %jit3A_1210 = arith.constant 1 : i32
      %jit3A_1211 = arith.constant 0 : i32
      %select_n3A_1212 = arith.select %ne3A_1209, %jit3A_1210, %jit3A_1211 : i32
      %add3A_1213 = arith.addi %add3A_1205, %select_n3A_1212 : i32
      %slice3A_1214 = vector.extract_strided_slice %get3A_1113 {offsets = [13], sizes = [1], strides = [1]} : vector<16xi32> to vector<1xi32>
      %squeeze3A_1215 = vector.extract %slice3A_1214[0] : i32 from vector<1xi32>
      %ne3A_1216 = arith.constant 0 : i32
      %ne3A_1217 = arith.cmpi ne, %squeeze3A_1215, %ne3A_1216 : i32
      %jit3A_1218 = arith.constant 1 : i32
      %jit3A_1219 = arith.constant 0 : i32
      %select_n3A_1220 = arith.select %ne3A_1217, %jit3A_1218, %jit3A_1219 : i32
      %add3A_1221 = arith.addi %add3A_1213, %select_n3A_1220 : i32
      %slice3A_1222 = vector.extract_strided_slice %get3A_1113 {offsets = [14], sizes = [1], strides = [1]} : vector<16xi32> to vector<1xi32>
      %squeeze3A_1223 = vector.extract %slice3A_1222[0] : i32 from vector<1xi32>
      %ne3A_1224 = arith.constant 0 : i32
      %ne3A_1225 = arith.cmpi ne, %squeeze3A_1223, %ne3A_1224 : i32
      %jit3A_1226 = arith.constant 1 : i32
      %jit3A_1227 = arith.constant 0 : i32
      %select_n3A_1228 = arith.select %ne3A_1225, %jit3A_1226, %jit3A_1227 : i32
      %add3A_1229 = arith.addi %add3A_1221, %select_n3A_1228 : i32
      %slice3A_1230 = vector.extract_strided_slice %get3A_1113 {offsets = [15], sizes = [1], strides = [1]} : vector<16xi32> to vector<1xi32>
      %squeeze3A_1231 = vector.extract %slice3A_1230[0] : i32 from vector<1xi32>
      %ne3A_1232 = arith.constant 0 : i32
      %ne3A_1233 = arith.cmpi ne, %squeeze3A_1231, %ne3A_1232 : i32
      %jit3A_1234 = arith.constant 1 : i32
      %jit3A_1235 = arith.constant 0 : i32
      %select_n3A_1236 = arith.select %ne3A_1233, %jit3A_1234, %jit3A_1235 : i32
      %add3A_1237 = arith.addi %add3A_1229, %select_n3A_1236 : i32
      %eq3A = arith.constant 2 : i32
      %eq3A_1238 = arith.cmpi eq, %add3A_1237, %eq3A : i32
      %jit3A_1239 = arith.constant 5.000000e-01 : f32
      %jit3A_1240 = arith.constant 1.000000e+00 : f32
      %select_n3A_1241 = arith.select %eq3A_1238, %jit3A_1239, %jit3A_1240 : f32
      %eq3A_1242 = arith.constant 3 : i32
      %eq3A_1243 = arith.cmpi eq, %add3A_1237, %eq3A_1242 : i32
      %jit3A_1244 = arith.constant 0.333333343 : f32
      %select_n3A_1245 = arith.select %eq3A_1243, %jit3A_1244, %select_n3A_1241 : f32
      %eq3A_1246 = arith.constant 4 : i32
      %eq3A_1247 = arith.cmpi eq, %add3A_1237, %eq3A_1246 : i32
      %jit3A_1248 = arith.constant 2.500000e-01 : f32
      %select_n3A_1249 = arith.select %eq3A_1247, %jit3A_1248, %select_n3A_1245 : f32
      %eq3A_1250 = arith.constant 5 : i32
      %eq3A_1251 = arith.cmpi eq, %add3A_1237, %eq3A_1250 : i32
      %jit3A_1252 = arith.constant 2.000000e-01 : f32
      %select_n3A_1253 = arith.select %eq3A_1251, %jit3A_1252, %select_n3A_1249 : f32
      %eq3A_1254 = arith.constant 6 : i32
      %eq3A_1255 = arith.cmpi eq, %add3A_1237, %eq3A_1254 : i32
      %jit3A_1256 = arith.constant 0.166666672 : f32
      %select_n3A_1257 = arith.select %eq3A_1255, %jit3A_1256, %select_n3A_1253 : f32
      %eq3A_1258 = arith.constant 7 : i32
      %eq3A_1259 = arith.cmpi eq, %add3A_1237, %eq3A_1258 : i32
      %jit3A_1260 = arith.constant 0.142857149 : f32
      %select_n3A_1261 = arith.select %eq3A_1259, %jit3A_1260, %select_n3A_1257 : f32
      %eq3A_1262 = arith.constant 8 : i32
      %eq3A_1263 = arith.cmpi eq, %add3A_1237, %eq3A_1262 : i32
      %jit3A_1264 = arith.constant 1.250000e-01 : f32
      %select_n3A_1265 = arith.select %eq3A_1263, %jit3A_1264, %select_n3A_1261 : f32
      %eq3A_1266 = arith.constant 9 : i32
      %eq3A_1267 = arith.cmpi eq, %add3A_1237, %eq3A_1266 : i32
      %jit3A_1268 = arith.constant 0.111111112 : f32
      %select_n3A_1269 = arith.select %eq3A_1267, %jit3A_1268, %select_n3A_1265 : f32
      %eq3A_1270 = arith.constant 10 : i32
      %eq3A_1271 = arith.cmpi eq, %add3A_1237, %eq3A_1270 : i32
      %jit3A_1272 = arith.constant 1.000000e-01 : f32
      %select_n3A_1273 = arith.select %eq3A_1271, %jit3A_1272, %select_n3A_1269 : f32
      %eq3A_1274 = arith.constant 11 : i32
      %eq3A_1275 = arith.cmpi eq, %add3A_1237, %eq3A_1274 : i32
      %jit3A_1276 = arith.constant 0.0909090936 : f32
      %select_n3A_1277 = arith.select %eq3A_1275, %jit3A_1276, %select_n3A_1273 : f32
      %eq3A_1278 = arith.constant 12 : i32
      %eq3A_1279 = arith.cmpi eq, %add3A_1237, %eq3A_1278 : i32
      %jit3A_1280 = arith.constant 0.0833333358 : f32
      %select_n3A_1281 = arith.select %eq3A_1279, %jit3A_1280, %select_n3A_1277 : f32
      %eq3A_1282 = arith.constant 13 : i32
      %eq3A_1283 = arith.cmpi eq, %add3A_1237, %eq3A_1282 : i32
      %jit3A_1284 = arith.constant 0.0769230798 : f32
      %select_n3A_1285 = arith.select %eq3A_1283, %jit3A_1284, %select_n3A_1281 : f32
      %eq3A_1286 = arith.constant 14 : i32
      %eq3A_1287 = arith.cmpi eq, %add3A_1237, %eq3A_1286 : i32
      %jit3A_1288 = arith.constant 0.0714285746 : f32
      %select_n3A_1289 = arith.select %eq3A_1287, %jit3A_1288, %select_n3A_1285 : f32
      %eq3A_1290 = arith.constant 15 : i32
      %eq3A_1291 = arith.cmpi eq, %add3A_1237, %eq3A_1290 : i32
      %jit3A_1292 = arith.constant 0.0666666701 : f32
      %select_n3A_1293 = arith.select %eq3A_1291, %jit3A_1292, %select_n3A_1289 : f32
      %eq3A_1294 = arith.constant 16 : i32
      %eq3A_1295 = arith.cmpi eq, %add3A_1237, %eq3A_1294 : i32
      %jit3A_1296 = arith.constant 6.250000e-02 : f32
      %select_n3A_1297 = arith.select %eq3A_1295, %jit3A_1296, %select_n3A_1293 : f32
      %mul3A_1298 = vector.broadcast %select_n3A_1297 : f32 to vector<16xf32>
      %mul3A_1299 = arith.mulf %add3A_1100, %mul3A_1298 : vector<16xf32>
      %swap3A = arith.index_cast %scan3A_828 : i32 to index
      %swap3A_1300 = arith.constant 0 : index
      %swap3A_1301 = tpu.vector_load %arg15[%swap3A, %swap3A_1300] {strides = array<i32>} : memref<96x64xf32, #tpu.memory_space<vmem>>, vector<1x16xf32>,
      %swap3A_1302 = vector.shape_cast %swap3A_1301 : vector<1x16xf32> to vector<16xf32>
      %swap3A_1303 = vector.shape_cast %mul3A_1299 : vector<16xf32> to vector<1x16xf32>
      tpu.vector_store %arg15[%swap3A, %swap3A_1300], %swap3A_1303 {strides = array<i32>} : memref<96x64xf32, #tpu.memory_space<vmem>>, vector<1x16xf32>,
      %mul3A_1304 = vector.broadcast %select_n3A_1297 : f32 to vector<16xf32>
      %mul3A_1305 = arith.mulf %add3A_1109, %mul3A_1304 : vector<16xf32>
      %swap3A_1306 = arith.index_cast %scan3A_828 : i32 to index
      %swap3A_1307 = arith.constant 16 : index
      %swap3A_1308 = tpu.vector_load %arg15[%swap3A_1306, %swap3A_1307] {strides = array<i32>} : memref<96x64xf32, #tpu.memory_space<vmem>>, vector<1x16xf32>,
      %swap3A_1309 = vector.shape_cast %swap3A_1308 : vector<1x16xf32> to vector<16xf32>
      %swap3A_1310 = vector.shape_cast %mul3A_1305 : vector<16xf32> to vector<1x16xf32>
      tpu.vector_store %arg15[%swap3A_1306, %swap3A_1307], %swap3A_1310 {strides = array<i32>} : memref<96x64xf32, #tpu.memory_space<vmem>>, vector<1x16xf32>,
    }
    %scan3A_215 = arith.constant 96 : i32
    %dma_start3A_216 = arith.constant 0 : i32
    %dma_start3A_217 = arith.constant 0 : i32
    %dma_start3A_218 = tpu.memref_slice %arg14[%dma_start3A_216, %dma_start3A_217] : memref<1536x32xf32, #tpu.memory_space<vmem>> -> memref<128x32xf32, #tpu.memory_space<vmem>>
    %dma_start3A_219 = arith.constant 0 : i32
    %dma_start3A_220 = tpu.memref_slice %arg13[%dma_start3A_219] : memref<1536xi32, #tpu.memory_space<vmem>> -> memref<128xi32, #tpu.memory_space<vmem>>
    %dma_start3A_221 = arith.constant 0 : i32
    %dma_start3A_222 = arith.constant 0 : i32
    %dma_start3A_223 = tpu.memref_slice %arg7[%dma_start3A_221, %dma_start3A_222] : memref<50001x32xf32, #tpu.memory_space<hbm>> -> memref<50001x32xf32, #tpu.memory_space<hbm>>
    tpu.enqueue_indirect_dma source(%dma_start3A_223 : memref<50001x32xf32, #tpu.memory_space<hbm>>) target(%dma_start3A_218 : memref<128x32xf32, #tpu.memory_space<vmem>>) offsets(%dma_start3A_220 : memref<128xi32, #tpu.memory_space<vmem>>) semaphore(%arg17 : memref<!tpu.dma_semaphore, #tpu.memory_space<semaphore_mem>>)
    %dma_start3A_224 = arith.constant 128 : i32
    %dma_start3A_225 = arith.constant 0 : i32
    %dma_start3A_226 = tpu.memref_slice %arg14[%dma_start3A_224, %dma_start3A_225] : memref<1536x32xf32, #tpu.memory_space<vmem>> -> memref<128x32xf32, #tpu.memory_space<vmem>>
    %dma_start3A_227 = arith.constant 128 : i32
    %dma_start3A_228 = tpu.memref_slice %arg13[%dma_start3A_227] : memref<1536xi32, #tpu.memory_space<vmem>> -> memref<128xi32, #tpu.memory_space<vmem>>
    %dma_start3A_229 = arith.constant 0 : i32
    %dma_start3A_230 = arith.constant 0 : i32
    %dma_start3A_231 = tpu.memref_slice %arg7[%dma_start3A_229, %dma_start3A_230] : memref<50001x32xf32, #tpu.memory_space<hbm>> -> memref<50001x32xf32, #tpu.memory_space<hbm>>
    tpu.enqueue_indirect_dma source(%dma_start3A_231 : memref<50001x32xf32, #tpu.memory_space<hbm>>) target(%dma_start3A_226 : memref<128x32xf32, #tpu.memory_space<vmem>>) offsets(%dma_start3A_228 : memref<128xi32, #tpu.memory_space<vmem>>) semaphore(%arg17 : memref<!tpu.dma_semaphore, #tpu.memory_space<semaphore_mem>>)
    %dma_start3A_232 = arith.constant 256 : i32
    %dma_start3A_233 = arith.constant 0 : i32
    %dma_start3A_234 = tpu.memref_slice %arg14[%dma_start3A_232, %dma_start3A_233] : memref<1536x32xf32, #tpu.memory_space<vmem>> -> memref<128x32xf32, #tpu.memory_space<vmem>>
    %dma_start3A_235 = arith.constant 256 : i32
    %dma_start3A_236 = tpu.memref_slice %arg13[%dma_start3A_235] : memref<1536xi32, #tpu.memory_space<vmem>> -> memref<128xi32, #tpu.memory_space<vmem>>
    %dma_start3A_237 = arith.constant 0 : i32
    %dma_start3A_238 = arith.constant 0 : i32
    %dma_start3A_239 = tpu.memref_slice %arg7[%dma_start3A_237, %dma_start3A_238] : memref<50001x32xf32, #tpu.memory_space<hbm>> -> memref<50001x32xf32, #tpu.memory_space<hbm>>
    tpu.enqueue_indirect_dma source(%dma_start3A_239 : memref<50001x32xf32, #tpu.memory_space<hbm>>) target(%dma_start3A_234 : memref<128x32xf32, #tpu.memory_space<vmem>>) offsets(%dma_start3A_236 : memref<128xi32, #tpu.memory_space<vmem>>) semaphore(%arg17 : memref<!tpu.dma_semaphore, #tpu.memory_space<semaphore_mem>>)
    %dma_start3A_240 = arith.constant 384 : i32
    %dma_start3A_241 = arith.constant 0 : i32
    %dma_start3A_242 = tpu.memref_slice %arg14[%dma_start3A_240, %dma_start3A_241] : memref<1536x32xf32, #tpu.memory_space<vmem>> -> memref<128x32xf32, #tpu.memory_space<vmem>>
    %dma_start3A_243 = arith.constant 384 : i32
    %dma_start3A_244 = tpu.memref_slice %arg13[%dma_start3A_243] : memref<1536xi32, #tpu.memory_space<vmem>> -> memref<128xi32, #tpu.memory_space<vmem>>
    %dma_start3A_245 = arith.constant 0 : i32
    %dma_start3A_246 = arith.constant 0 : i32
    %dma_start3A_247 = tpu.memref_slice %arg7[%dma_start3A_245, %dma_start3A_246] : memref<50001x32xf32, #tpu.memory_space<hbm>> -> memref<50001x32xf32, #tpu.memory_space<hbm>>
    tpu.enqueue_indirect_dma source(%dma_start3A_247 : memref<50001x32xf32, #tpu.memory_space<hbm>>) target(%dma_start3A_242 : memref<128x32xf32, #tpu.memory_space<vmem>>) offsets(%dma_start3A_244 : memref<128xi32, #tpu.memory_space<vmem>>) semaphore(%arg17 : memref<!tpu.dma_semaphore, #tpu.memory_space<semaphore_mem>>)
    %dma_start3A_248 = arith.constant 512 : i32
    %dma_start3A_249 = arith.constant 0 : i32
    %dma_start3A_250 = tpu.memref_slice %arg14[%dma_start3A_248, %dma_start3A_249] : memref<1536x32xf32, #tpu.memory_space<vmem>> -> memref<128x32xf32, #tpu.memory_space<vmem>>
    %dma_start3A_251 = arith.constant 512 : i32
    %dma_start3A_252 = tpu.memref_slice %arg13[%dma_start3A_251] : memref<1536xi32, #tpu.memory_space<vmem>> -> memref<128xi32, #tpu.memory_space<vmem>>
    %dma_start3A_253 = arith.constant 0 : i32
    %dma_start3A_254 = arith.constant 0 : i32
    %dma_start3A_255 = tpu.memref_slice %arg7[%dma_start3A_253, %dma_start3A_254] : memref<50001x32xf32, #tpu.memory_space<hbm>> -> memref<50001x32xf32, #tpu.memory_space<hbm>>
    tpu.enqueue_indirect_dma source(%dma_start3A_255 : memref<50001x32xf32, #tpu.memory_space<hbm>>) target(%dma_start3A_250 : memref<128x32xf32, #tpu.memory_space<vmem>>) offsets(%dma_start3A_252 : memref<128xi32, #tpu.memory_space<vmem>>) semaphore(%arg17 : memref<!tpu.dma_semaphore, #tpu.memory_space<semaphore_mem>>)
    %dma_start3A_256 = arith.constant 640 : i32
    %dma_start3A_257 = arith.constant 0 : i32
    %dma_start3A_258 = tpu.memref_slice %arg14[%dma_start3A_256, %dma_start3A_257] : memref<1536x32xf32, #tpu.memory_space<vmem>> -> memref<128x32xf32, #tpu.memory_space<vmem>>
    %dma_start3A_259 = arith.constant 640 : i32
    %dma_start3A_260 = tpu.memref_slice %arg13[%dma_start3A_259] : memref<1536xi32, #tpu.memory_space<vmem>> -> memref<128xi32, #tpu.memory_space<vmem>>
    %dma_start3A_261 = arith.constant 0 : i32
    %dma_start3A_262 = arith.constant 0 : i32
    %dma_start3A_263 = tpu.memref_slice %arg7[%dma_start3A_261, %dma_start3A_262] : memref<50001x32xf32, #tpu.memory_space<hbm>> -> memref<50001x32xf32, #tpu.memory_space<hbm>>
    tpu.enqueue_indirect_dma source(%dma_start3A_263 : memref<50001x32xf32, #tpu.memory_space<hbm>>) target(%dma_start3A_258 : memref<128x32xf32, #tpu.memory_space<vmem>>) offsets(%dma_start3A_260 : memref<128xi32, #tpu.memory_space<vmem>>) semaphore(%arg17 : memref<!tpu.dma_semaphore, #tpu.memory_space<semaphore_mem>>)
    %dma_start3A_264 = arith.constant 768 : i32
    %dma_start3A_265 = arith.constant 0 : i32
    %dma_start3A_266 = tpu.memref_slice %arg14[%dma_start3A_264, %dma_start3A_265] : memref<1536x32xf32, #tpu.memory_space<vmem>> -> memref<128x32xf32, #tpu.memory_space<vmem>>
    %dma_start3A_267 = arith.constant 768 : i32
    %dma_start3A_268 = tpu.memref_slice %arg13[%dma_start3A_267] : memref<1536xi32, #tpu.memory_space<vmem>> -> memref<128xi32, #tpu.memory_space<vmem>>
    %dma_start3A_269 = arith.constant 0 : i32
    %dma_start3A_270 = arith.constant 0 : i32
    %dma_start3A_271 = tpu.memref_slice %arg7[%dma_start3A_269, %dma_start3A_270] : memref<50001x32xf32, #tpu.memory_space<hbm>> -> memref<50001x32xf32, #tpu.memory_space<hbm>>
    tpu.enqueue_indirect_dma source(%dma_start3A_271 : memref<50001x32xf32, #tpu.memory_space<hbm>>) target(%dma_start3A_266 : memref<128x32xf32, #tpu.memory_space<vmem>>) offsets(%dma_start3A_268 : memref<128xi32, #tpu.memory_space<vmem>>) semaphore(%arg17 : memref<!tpu.dma_semaphore, #tpu.memory_space<semaphore_mem>>)
    %dma_start3A_272 = arith.constant 896 : i32
    %dma_start3A_273 = arith.constant 0 : i32
    %dma_start3A_274 = tpu.memref_slice %arg14[%dma_start3A_272, %dma_start3A_273] : memref<1536x32xf32, #tpu.memory_space<vmem>> -> memref<128x32xf32, #tpu.memory_space<vmem>>
    %dma_start3A_275 = arith.constant 896 : i32
    %dma_start3A_276 = tpu.memref_slice %arg13[%dma_start3A_275] : memref<1536xi32, #tpu.memory_space<vmem>> -> memref<128xi32, #tpu.memory_space<vmem>>
    %dma_start3A_277 = arith.constant 0 : i32
    %dma_start3A_278 = arith.constant 0 : i32
    %dma_start3A_279 = tpu.memref_slice %arg7[%dma_start3A_277, %dma_start3A_278] : memref<50001x32xf32, #tpu.memory_space<hbm>> -> memref<50001x32xf32, #tpu.memory_space<hbm>>
    tpu.enqueue_indirect_dma source(%dma_start3A_279 : memref<50001x32xf32, #tpu.memory_space<hbm>>) target(%dma_start3A_274 : memref<128x32xf32, #tpu.memory_space<vmem>>) offsets(%dma_start3A_276 : memref<128xi32, #tpu.memory_space<vmem>>) semaphore(%arg17 : memref<!tpu.dma_semaphore, #tpu.memory_space<semaphore_mem>>)
    %dma_start3A_280 = arith.constant 1024 : i32
    %dma_start3A_281 = arith.constant 0 : i32
    %dma_start3A_282 = tpu.memref_slice %arg14[%dma_start3A_280, %dma_start3A_281] : memref<1536x32xf32, #tpu.memory_space<vmem>> -> memref<128x32xf32, #tpu.memory_space<vmem>>
    %dma_start3A_283 = arith.constant 1024 : i32
    %dma_start3A_284 = tpu.memref_slice %arg13[%dma_start3A_283] : memref<1536xi32, #tpu.memory_space<vmem>> -> memref<128xi32, #tpu.memory_space<vmem>>
    %dma_start3A_285 = arith.constant 0 : i32
    %dma_start3A_286 = arith.constant 0 : i32
    %dma_start3A_287 = tpu.memref_slice %arg7[%dma_start3A_285, %dma_start3A_286] : memref<50001x32xf32, #tpu.memory_space<hbm>> -> memref<50001x32xf32, #tpu.memory_space<hbm>>
    tpu.enqueue_indirect_dma source(%dma_start3A_287 : memref<50001x32xf32, #tpu.memory_space<hbm>>) target(%dma_start3A_282 : memref<128x32xf32, #tpu.memory_space<vmem>>) offsets(%dma_start3A_284 : memref<128xi32, #tpu.memory_space<vmem>>) semaphore(%arg17 : memref<!tpu.dma_semaphore, #tpu.memory_space<semaphore_mem>>)
    %dma_start3A_288 = arith.constant 1152 : i32
    %dma_start3A_289 = arith.constant 0 : i32
    %dma_start3A_290 = tpu.memref_slice %arg14[%dma_start3A_288, %dma_start3A_289] : memref<1536x32xf32, #tpu.memory_space<vmem>> -> memref<128x32xf32, #tpu.memory_space<vmem>>
    %dma_start3A_291 = arith.constant 1152 : i32
    %dma_start3A_292 = tpu.memref_slice %arg13[%dma_start3A_291] : memref<1536xi32, #tpu.memory_space<vmem>> -> memref<128xi32, #tpu.memory_space<vmem>>
    %dma_start3A_293 = arith.constant 0 : i32
    %dma_start3A_294 = arith.constant 0 : i32
    %dma_start3A_295 = tpu.memref_slice %arg7[%dma_start3A_293, %dma_start3A_294] : memref<50001x32xf32, #tpu.memory_space<hbm>> -> memref<50001x32xf32, #tpu.memory_space<hbm>>
    tpu.enqueue_indirect_dma source(%dma_start3A_295 : memref<50001x32xf32, #tpu.memory_space<hbm>>) target(%dma_start3A_290 : memref<128x32xf32, #tpu.memory_space<vmem>>) offsets(%dma_start3A_292 : memref<128xi32, #tpu.memory_space<vmem>>) semaphore(%arg17 : memref<!tpu.dma_semaphore, #tpu.memory_space<semaphore_mem>>)
    %dma_start3A_296 = arith.constant 1280 : i32
    %dma_start3A_297 = arith.constant 0 : i32
    %dma_start3A_298 = tpu.memref_slice %arg14[%dma_start3A_296, %dma_start3A_297] : memref<1536x32xf32, #tpu.memory_space<vmem>> -> memref<128x32xf32, #tpu.memory_space<vmem>>
    %dma_start3A_299 = arith.constant 1280 : i32
    %dma_start3A_300 = tpu.memref_slice %arg13[%dma_start3A_299] : memref<1536xi32, #tpu.memory_space<vmem>> -> memref<128xi32, #tpu.memory_space<vmem>>
    %dma_start3A_301 = arith.constant 0 : i32
    %dma_start3A_302 = arith.constant 0 : i32
    %dma_start3A_303 = tpu.memref_slice %arg7[%dma_start3A_301, %dma_start3A_302] : memref<50001x32xf32, #tpu.memory_space<hbm>> -> memref<50001x32xf32, #tpu.memory_space<hbm>>
    tpu.enqueue_indirect_dma source(%dma_start3A_303 : memref<50001x32xf32, #tpu.memory_space<hbm>>) target(%dma_start3A_298 : memref<128x32xf32, #tpu.memory_space<vmem>>) offsets(%dma_start3A_300 : memref<128xi32, #tpu.memory_space<vmem>>) semaphore(%arg17 : memref<!tpu.dma_semaphore, #tpu.memory_space<semaphore_mem>>)
    %dma_start3A_304 = arith.constant 1408 : i32
    %dma_start3A_305 = arith.constant 0 : i32
    %dma_start3A_306 = tpu.memref_slice %arg14[%dma_start3A_304, %dma_start3A_305] : memref<1536x32xf32, #tpu.memory_space<vmem>> -> memref<128x32xf32, #tpu.memory_space<vmem>>
    %dma_start3A_307 = arith.constant 1408 : i32
    %dma_start3A_308 = tpu.memref_slice %arg13[%dma_start3A_307] : memref<1536xi32, #tpu.memory_space<vmem>> -> memref<128xi32, #tpu.memory_space<vmem>>
    %dma_start3A_309 = arith.constant 0 : i32
    %dma_start3A_310 = arith.constant 0 : i32
    %dma_start3A_311 = tpu.memref_slice %arg7[%dma_start3A_309, %dma_start3A_310] : memref<50001x32xf32, #tpu.memory_space<hbm>> -> memref<50001x32xf32, #tpu.memory_space<hbm>>
    tpu.enqueue_indirect_dma source(%dma_start3A_311 : memref<50001x32xf32, #tpu.memory_space<hbm>>) target(%dma_start3A_306 : memref<128x32xf32, #tpu.memory_space<vmem>>) offsets(%dma_start3A_308 : memref<128xi32, #tpu.memory_space<vmem>>) semaphore(%arg17 : memref<!tpu.dma_semaphore, #tpu.memory_space<semaphore_mem>>)
    %dma_wait3A_312 = arith.constant 0 : i32
    %dma_wait3A_313 = arith.constant 0 : i32
    %dma_wait3A_314 = tpu.memref_slice %arg14[%dma_wait3A_312, %dma_wait3A_313] : memref<1536x32xf32, #tpu.memory_space<vmem>> -> memref<128x32xf32, #tpu.memory_space<vmem>>
    %dma_wait3A_315 = arith.constant 0 : i32
    %dma_wait3A_316 = tpu.memref_slice %arg13[%dma_wait3A_315] : memref<1536xi32, #tpu.memory_space<vmem>> -> memref<128xi32, #tpu.memory_space<vmem>>
    %dma_wait3A_317 = arith.constant 0 : i32
    %dma_wait3A_318 = arith.constant 0 : i32
    %dma_wait3A_319 = tpu.memref_slice %arg7[%dma_wait3A_317, %dma_wait3A_318] : memref<50001x32xf32, #tpu.memory_space<hbm>> -> memref<50001x32xf32, #tpu.memory_space<hbm>>
    tpu.wait_indirect_dma semaphore(%arg17 : memref<!tpu.dma_semaphore, #tpu.memory_space<semaphore_mem>>) src(%dma_wait3A_319 : memref<50001x32xf32, #tpu.memory_space<hbm>>) dst(%dma_wait3A_314 : memref<128x32xf32, #tpu.memory_space<vmem>>)
    %dma_wait3A_320 = arith.constant 128 : i32
    %dma_wait3A_321 = arith.constant 0 : i32
    %dma_wait3A_322 = tpu.memref_slice %arg14[%dma_wait3A_320, %dma_wait3A_321] : memref<1536x32xf32, #tpu.memory_space<vmem>> -> memref<128x32xf32, #tpu.memory_space<vmem>>
    %dma_wait3A_323 = arith.constant 128 : i32
    %dma_wait3A_324 = tpu.memref_slice %arg13[%dma_wait3A_323] : memref<1536xi32, #tpu.memory_space<vmem>> -> memref<128xi32, #tpu.memory_space<vmem>>
    %dma_wait3A_325 = arith.constant 0 : i32
    %dma_wait3A_326 = arith.constant 0 : i32
    %dma_wait3A_327 = tpu.memref_slice %arg7[%dma_wait3A_325, %dma_wait3A_326] : memref<50001x32xf32, #tpu.memory_space<hbm>> -> memref<50001x32xf32, #tpu.memory_space<hbm>>
    tpu.wait_indirect_dma semaphore(%arg17 : memref<!tpu.dma_semaphore, #tpu.memory_space<semaphore_mem>>) src(%dma_wait3A_327 : memref<50001x32xf32, #tpu.memory_space<hbm>>) dst(%dma_wait3A_322 : memref<128x32xf32, #tpu.memory_space<vmem>>)
    %dma_wait3A_328 = arith.constant 256 : i32
    %dma_wait3A_329 = arith.constant 0 : i32
    %dma_wait3A_330 = tpu.memref_slice %arg14[%dma_wait3A_328, %dma_wait3A_329] : memref<1536x32xf32, #tpu.memory_space<vmem>> -> memref<128x32xf32, #tpu.memory_space<vmem>>
    %dma_wait3A_331 = arith.constant 256 : i32
    %dma_wait3A_332 = tpu.memref_slice %arg13[%dma_wait3A_331] : memref<1536xi32, #tpu.memory_space<vmem>> -> memref<128xi32, #tpu.memory_space<vmem>>
    %dma_wait3A_333 = arith.constant 0 : i32
    %dma_wait3A_334 = arith.constant 0 : i32
    %dma_wait3A_335 = tpu.memref_slice %arg7[%dma_wait3A_333, %dma_wait3A_334] : memref<50001x32xf32, #tpu.memory_space<hbm>> -> memref<50001x32xf32, #tpu.memory_space<hbm>>
    tpu.wait_indirect_dma semaphore(%arg17 : memref<!tpu.dma_semaphore, #tpu.memory_space<semaphore_mem>>) src(%dma_wait3A_335 : memref<50001x32xf32, #tpu.memory_space<hbm>>) dst(%dma_wait3A_330 : memref<128x32xf32, #tpu.memory_space<vmem>>)
    %dma_wait3A_336 = arith.constant 384 : i32
    %dma_wait3A_337 = arith.constant 0 : i32
    %dma_wait3A_338 = tpu.memref_slice %arg14[%dma_wait3A_336, %dma_wait3A_337] : memref<1536x32xf32, #tpu.memory_space<vmem>> -> memref<128x32xf32, #tpu.memory_space<vmem>>
    %dma_wait3A_339 = arith.constant 384 : i32
    %dma_wait3A_340 = tpu.memref_slice %arg13[%dma_wait3A_339] : memref<1536xi32, #tpu.memory_space<vmem>> -> memref<128xi32, #tpu.memory_space<vmem>>
    %dma_wait3A_341 = arith.constant 0 : i32
    %dma_wait3A_342 = arith.constant 0 : i32
    %dma_wait3A_343 = tpu.memref_slice %arg7[%dma_wait3A_341, %dma_wait3A_342] : memref<50001x32xf32, #tpu.memory_space<hbm>> -> memref<50001x32xf32, #tpu.memory_space<hbm>>
    tpu.wait_indirect_dma semaphore(%arg17 : memref<!tpu.dma_semaphore, #tpu.memory_space<semaphore_mem>>) src(%dma_wait3A_343 : memref<50001x32xf32, #tpu.memory_space<hbm>>) dst(%dma_wait3A_338 : memref<128x32xf32, #tpu.memory_space<vmem>>)
    %dma_wait3A_344 = arith.constant 512 : i32
    %dma_wait3A_345 = arith.constant 0 : i32
    %dma_wait3A_346 = tpu.memref_slice %arg14[%dma_wait3A_344, %dma_wait3A_345] : memref<1536x32xf32, #tpu.memory_space<vmem>> -> memref<128x32xf32, #tpu.memory_space<vmem>>
    %dma_wait3A_347 = arith.constant 512 : i32
    %dma_wait3A_348 = tpu.memref_slice %arg13[%dma_wait3A_347] : memref<1536xi32, #tpu.memory_space<vmem>> -> memref<128xi32, #tpu.memory_space<vmem>>
    %dma_wait3A_349 = arith.constant 0 : i32
    %dma_wait3A_350 = arith.constant 0 : i32
    %dma_wait3A_351 = tpu.memref_slice %arg7[%dma_wait3A_349, %dma_wait3A_350] : memref<50001x32xf32, #tpu.memory_space<hbm>> -> memref<50001x32xf32, #tpu.memory_space<hbm>>
    tpu.wait_indirect_dma semaphore(%arg17 : memref<!tpu.dma_semaphore, #tpu.memory_space<semaphore_mem>>) src(%dma_wait3A_351 : memref<50001x32xf32, #tpu.memory_space<hbm>>) dst(%dma_wait3A_346 : memref<128x32xf32, #tpu.memory_space<vmem>>)
    %dma_wait3A_352 = arith.constant 640 : i32
    %dma_wait3A_353 = arith.constant 0 : i32
    %dma_wait3A_354 = tpu.memref_slice %arg14[%dma_wait3A_352, %dma_wait3A_353] : memref<1536x32xf32, #tpu.memory_space<vmem>> -> memref<128x32xf32, #tpu.memory_space<vmem>>
    %dma_wait3A_355 = arith.constant 640 : i32
    %dma_wait3A_356 = tpu.memref_slice %arg13[%dma_wait3A_355] : memref<1536xi32, #tpu.memory_space<vmem>> -> memref<128xi32, #tpu.memory_space<vmem>>
    %dma_wait3A_357 = arith.constant 0 : i32
    %dma_wait3A_358 = arith.constant 0 : i32
    %dma_wait3A_359 = tpu.memref_slice %arg7[%dma_wait3A_357, %dma_wait3A_358] : memref<50001x32xf32, #tpu.memory_space<hbm>> -> memref<50001x32xf32, #tpu.memory_space<hbm>>
    tpu.wait_indirect_dma semaphore(%arg17 : memref<!tpu.dma_semaphore, #tpu.memory_space<semaphore_mem>>) src(%dma_wait3A_359 : memref<50001x32xf32, #tpu.memory_space<hbm>>) dst(%dma_wait3A_354 : memref<128x32xf32, #tpu.memory_space<vmem>>)
    %dma_wait3A_360 = arith.constant 768 : i32
    %dma_wait3A_361 = arith.constant 0 : i32
    %dma_wait3A_362 = tpu.memref_slice %arg14[%dma_wait3A_360, %dma_wait3A_361] : memref<1536x32xf32, #tpu.memory_space<vmem>> -> memref<128x32xf32, #tpu.memory_space<vmem>>
    %dma_wait3A_363 = arith.constant 768 : i32
    %dma_wait3A_364 = tpu.memref_slice %arg13[%dma_wait3A_363] : memref<1536xi32, #tpu.memory_space<vmem>> -> memref<128xi32, #tpu.memory_space<vmem>>
    %dma_wait3A_365 = arith.constant 0 : i32
    %dma_wait3A_366 = arith.constant 0 : i32
    %dma_wait3A_367 = tpu.memref_slice %arg7[%dma_wait3A_365, %dma_wait3A_366] : memref<50001x32xf32, #tpu.memory_space<hbm>> -> memref<50001x32xf32, #tpu.memory_space<hbm>>
    tpu.wait_indirect_dma semaphore(%arg17 : memref<!tpu.dma_semaphore, #tpu.memory_space<semaphore_mem>>) src(%dma_wait3A_367 : memref<50001x32xf32, #tpu.memory_space<hbm>>) dst(%dma_wait3A_362 : memref<128x32xf32, #tpu.memory_space<vmem>>)
    %dma_wait3A_368 = arith.constant 896 : i32
    %dma_wait3A_369 = arith.constant 0 : i32
    %dma_wait3A_370 = tpu.memref_slice %arg14[%dma_wait3A_368, %dma_wait3A_369] : memref<1536x32xf32, #tpu.memory_space<vmem>> -> memref<128x32xf32, #tpu.memory_space<vmem>>
    %dma_wait3A_371 = arith.constant 896 : i32
    %dma_wait3A_372 = tpu.memref_slice %arg13[%dma_wait3A_371] : memref<1536xi32, #tpu.memory_space<vmem>> -> memref<128xi32, #tpu.memory_space<vmem>>
    %dma_wait3A_373 = arith.constant 0 : i32
    %dma_wait3A_374 = arith.constant 0 : i32
    %dma_wait3A_375 = tpu.memref_slice %arg7[%dma_wait3A_373, %dma_wait3A_374] : memref<50001x32xf32, #tpu.memory_space<hbm>> -> memref<50001x32xf32, #tpu.memory_space<hbm>>
    tpu.wait_indirect_dma semaphore(%arg17 : memref<!tpu.dma_semaphore, #tpu.memory_space<semaphore_mem>>) src(%dma_wait3A_375 : memref<50001x32xf32, #tpu.memory_space<hbm>>) dst(%dma_wait3A_370 : memref<128x32xf32, #tpu.memory_space<vmem>>)
    %dma_wait3A_376 = arith.constant 1024 : i32
    %dma_wait3A_377 = arith.constant 0 : i32
    %dma_wait3A_378 = tpu.memref_slice %arg14[%dma_wait3A_376, %dma_wait3A_377] : memref<1536x32xf32, #tpu.memory_space<vmem>> -> memref<128x32xf32, #tpu.memory_space<vmem>>
    %dma_wait3A_379 = arith.constant 1024 : i32
    %dma_wait3A_380 = tpu.memref_slice %arg13[%dma_wait3A_379] : memref<1536xi32, #tpu.memory_space<vmem>> -> memref<128xi32, #tpu.memory_space<vmem>>
    %dma_wait3A_381 = arith.constant 0 : i32
    %dma_wait3A_382 = arith.constant 0 : i32
    %dma_wait3A_383 = tpu.memref_slice %arg7[%dma_wait3A_381, %dma_wait3A_382] : memref<50001x32xf32, #tpu.memory_space<hbm>> -> memref<50001x32xf32, #tpu.memory_space<hbm>>
    tpu.wait_indirect_dma semaphore(%arg17 : memref<!tpu.dma_semaphore, #tpu.memory_space<semaphore_mem>>) src(%dma_wait3A_383 : memref<50001x32xf32, #tpu.memory_space<hbm>>) dst(%dma_wait3A_378 : memref<128x32xf32, #tpu.memory_space<vmem>>)
    %dma_wait3A_384 = arith.constant 1152 : i32
    %dma_wait3A_385 = arith.constant 0 : i32
    %dma_wait3A_386 = tpu.memref_slice %arg14[%dma_wait3A_384, %dma_wait3A_385] : memref<1536x32xf32, #tpu.memory_space<vmem>> -> memref<128x32xf32, #tpu.memory_space<vmem>>
    %dma_wait3A_387 = arith.constant 1152 : i32
    %dma_wait3A_388 = tpu.memref_slice %arg13[%dma_wait3A_387] : memref<1536xi32, #tpu.memory_space<vmem>> -> memref<128xi32, #tpu.memory_space<vmem>>
    %dma_wait3A_389 = arith.constant 0 : i32
    %dma_wait3A_390 = arith.constant 0 : i32
    %dma_wait3A_391 = tpu.memref_slice %arg7[%dma_wait3A_389, %dma_wait3A_390] : memref<50001x32xf32, #tpu.memory_space<hbm>> -> memref<50001x32xf32, #tpu.memory_space<hbm>>
    tpu.wait_indirect_dma semaphore(%arg17 : memref<!tpu.dma_semaphore, #tpu.memory_space<semaphore_mem>>) src(%dma_wait3A_391 : memref<50001x32xf32, #tpu.memory_space<hbm>>) dst(%dma_wait3A_386 : memref<128x32xf32, #tpu.memory_space<vmem>>)
    %dma_wait3A_392 = arith.constant 1280 : i32
    %dma_wait3A_393 = arith.constant 0 : i32
    %dma_wait3A_394 = tpu.memref_slice %arg14[%dma_wait3A_392, %dma_wait3A_393] : memref<1536x32xf32, #tpu.memory_space<vmem>> -> memref<128x32xf32, #tpu.memory_space<vmem>>
    %dma_wait3A_395 = arith.constant 1280 : i32
    %dma_wait3A_396 = tpu.memref_slice %arg13[%dma_wait3A_395] : memref<1536xi32, #tpu.memory_space<vmem>> -> memref<128xi32, #tpu.memory_space<vmem>>
    %dma_wait3A_397 = arith.constant 0 : i32
    %dma_wait3A_398 = arith.constant 0 : i32
    %dma_wait3A_399 = tpu.memref_slice %arg7[%dma_wait3A_397, %dma_wait3A_398] : memref<50001x32xf32, #tpu.memory_space<hbm>> -> memref<50001x32xf32, #tpu.memory_space<hbm>>
    tpu.wait_indirect_dma semaphore(%arg17 : memref<!tpu.dma_semaphore, #tpu.memory_space<semaphore_mem>>) src(%dma_wait3A_399 : memref<50001x32xf32, #tpu.memory_space<hbm>>) dst(%dma_wait3A_394 : memref<128x32xf32, #tpu.memory_space<vmem>>)
    %dma_wait3A_400 = arith.constant 1408 : i32
    %dma_wait3A_401 = arith.constant 0 : i32
    %dma_wait3A_402 = tpu.memref_slice %arg14[%dma_wait3A_400, %dma_wait3A_401] : memref<1536x32xf32, #tpu.memory_space<vmem>> -> memref<128x32xf32, #tpu.memory_space<vmem>>
    %dma_wait3A_403 = arith.constant 1408 : i32
    %dma_wait3A_404 = tpu.memref_slice %arg13[%dma_wait3A_403] : memref<1536xi32, #tpu.memory_space<vmem>> -> memref<128xi32, #tpu.memory_space<vmem>>
    %dma_wait3A_405 = arith.constant 0 : i32
    %dma_wait3A_406 = arith.constant 0 : i32
    %dma_wait3A_407 = tpu.memref_slice %arg7[%dma_wait3A_405, %dma_wait3A_406] : memref<50001x32xf32, #tpu.memory_space<hbm>> -> memref<50001x32xf32, #tpu.memory_space<hbm>>
    tpu.wait_indirect_dma semaphore(%arg17 : memref<!tpu.dma_semaphore, #tpu.memory_space<semaphore_mem>>) src(%dma_wait3A_407 : memref<50001x32xf32, #tpu.memory_space<hbm>>) dst(%dma_wait3A_402 : memref<128x32xf32, #tpu.memory_space<vmem>>)
    %scan3A_408 = arith.constant 0 : i32
    %scan3A_409 = arith.constant 0 : i32
    %scan3A_410 = arith.constant 96 : i32
    %scan3A_411 = arith.addi %scan3A_409, %scan3A_410 : i32
    %scan3A_412 = arith.constant 1 : i32
    scf.for %scan3A_828 = %scan3A_409 to %scan3A_411 step %scan3A_412  : i32 {
      %mul3A_829 = arith.constant 16 : i32
      %mul3A_830 = arith.muli %scan3A_828, %mul3A_829 : i32
      %get3A = arith.index_cast %mul3A_830 : i32 to index
      %get3A_831 = arith.constant 0 : index
      %get3A_832 = tpu.vector_load %arg14[%get3A, %get3A_831] {strides = array<i32>} : memref<1536x32xf32, #tpu.memory_space<vmem>>, vector<1x16xf32>,
      %get3A_833 = vector.shape_cast %get3A_832 : vector<1x16xf32> to vector<16xf32>
      %mul3A_834 = arith.constant 16 : i32
      %mul3A_835 = arith.muli %scan3A_828, %mul3A_834 : i32
      %get3A_836 = arith.index_cast %mul3A_835 : i32 to index
      %get3A_837 = arith.constant 16 : index
      %get3A_838 = tpu.vector_load %arg14[%get3A_836, %get3A_837] {strides = array<i32>} : memref<1536x32xf32, #tpu.memory_space<vmem>>, vector<1x16xf32>,
      %get3A_839 = vector.shape_cast %get3A_838 : vector<1x16xf32> to vector<16xf32>
      %mul3A_840 = arith.constant 16 : i32
      %mul3A_841 = arith.muli %scan3A_828, %mul3A_840 : i32
      %add3A_842 = arith.constant 1 : i32
      %add3A_843 = arith.addi %mul3A_841, %add3A_842 : i32
      %get3A_844 = arith.index_cast %add3A_843 : i32 to index
      %get3A_845 = arith.constant 0 : index
      %get3A_846 = tpu.vector_load %arg14[%get3A_844, %get3A_845] {strides = array<i32>} : memref<1536x32xf32, #tpu.memory_space<vmem>>, vector<1x16xf32>,
      %get3A_847 = vector.shape_cast %get3A_846 : vector<1x16xf32> to vector<16xf32>
      %add3A_848 = arith.addf %get3A_833, %get3A_847 : vector<16xf32>
      %mul3A_849 = arith.constant 16 : i32
      %mul3A_850 = arith.muli %scan3A_828, %mul3A_849 : i32
      %add3A_851 = arith.constant 1 : i32
      %add3A_852 = arith.addi %mul3A_850, %add3A_851 : i32
      %get3A_853 = arith.index_cast %add3A_852 : i32 to index
      %get3A_854 = arith.constant 16 : index
      %get3A_855 = tpu.vector_load %arg14[%get3A_853, %get3A_854] {strides = array<i32>} : memref<1536x32xf32, #tpu.memory_space<vmem>>, vector<1x16xf32>,
      %get3A_856 = vector.shape_cast %get3A_855 : vector<1x16xf32> to vector<16xf32>
      %add3A_857 = arith.addf %get3A_839, %get3A_856 : vector<16xf32>
      %mul3A_858 = arith.constant 16 : i32
      %mul3A_859 = arith.muli %scan3A_828, %mul3A_858 : i32
      %add3A_860 = arith.constant 2 : i32
      %add3A_861 = arith.addi %mul3A_859, %add3A_860 : i32
      %get3A_862 = arith.index_cast %add3A_861 : i32 to index
      %get3A_863 = arith.constant 0 : index
      %get3A_864 = tpu.vector_load %arg14[%get3A_862, %get3A_863] {strides = array<i32>} : memref<1536x32xf32, #tpu.memory_space<vmem>>, vector<1x16xf32>,
      %get3A_865 = vector.shape_cast %get3A_864 : vector<1x16xf32> to vector<16xf32>
      %add3A_866 = arith.addf %add3A_848, %get3A_865 : vector<16xf32>
      %mul3A_867 = arith.constant 16 : i32
      %mul3A_868 = arith.muli %scan3A_828, %mul3A_867 : i32
      %add3A_869 = arith.constant 2 : i32
      %add3A_870 = arith.addi %mul3A_868, %add3A_869 : i32
      %get3A_871 = arith.index_cast %add3A_870 : i32 to index
      %get3A_872 = arith.constant 16 : index
      %get3A_873 = tpu.vector_load %arg14[%get3A_871, %get3A_872] {strides = array<i32>} : memref<1536x32xf32, #tpu.memory_space<vmem>>, vector<1x16xf32>,
      %get3A_874 = vector.shape_cast %get3A_873 : vector<1x16xf32> to vector<16xf32>
      %add3A_875 = arith.addf %add3A_857, %get3A_874 : vector<16xf32>
      %mul3A_876 = arith.constant 16 : i32
      %mul3A_877 = arith.muli %scan3A_828, %mul3A_876 : i32
      %add3A_878 = arith.constant 3 : i32
      %add3A_879 = arith.addi %mul3A_877, %add3A_878 : i32
      %get3A_880 = arith.index_cast %add3A_879 : i32 to index
      %get3A_881 = arith.constant 0 : index
      %get3A_882 = tpu.vector_load %arg14[%get3A_880, %get3A_881] {strides = array<i32>} : memref<1536x32xf32, #tpu.memory_space<vmem>>, vector<1x16xf32>,
      %get3A_883 = vector.shape_cast %get3A_882 : vector<1x16xf32> to vector<16xf32>
      %add3A_884 = arith.addf %add3A_866, %get3A_883 : vector<16xf32>
      %mul3A_885 = arith.constant 16 : i32
      %mul3A_886 = arith.muli %scan3A_828, %mul3A_885 : i32
      %add3A_887 = arith.constant 3 : i32
      %add3A_888 = arith.addi %mul3A_886, %add3A_887 : i32
      %get3A_889 = arith.index_cast %add3A_888 : i32 to index
      %get3A_890 = arith.constant 16 : index
      %get3A_891 = tpu.vector_load %arg14[%get3A_889, %get3A_890] {strides = array<i32>} : memref<1536x32xf32, #tpu.memory_space<vmem>>, vector<1x16xf32>,
      %get3A_892 = vector.shape_cast %get3A_891 : vector<1x16xf32> to vector<16xf32>
      %add3A_893 = arith.addf %add3A_875, %get3A_892 : vector<16xf32>
      %mul3A_894 = arith.constant 16 : i32
      %mul3A_895 = arith.muli %scan3A_828, %mul3A_894 : i32
      %add3A_896 = arith.constant 4 : i32
      %add3A_897 = arith.addi %mul3A_895, %add3A_896 : i32
      %get3A_898 = arith.index_cast %add3A_897 : i32 to index
      %get3A_899 = arith.constant 0 : index
      %get3A_900 = tpu.vector_load %arg14[%get3A_898, %get3A_899] {strides = array<i32>} : memref<1536x32xf32, #tpu.memory_space<vmem>>, vector<1x16xf32>,
      %get3A_901 = vector.shape_cast %get3A_900 : vector<1x16xf32> to vector<16xf32>
      %add3A_902 = arith.addf %add3A_884, %get3A_901 : vector<16xf32>
      %mul3A_903 = arith.constant 16 : i32
      %mul3A_904 = arith.muli %scan3A_828, %mul3A_903 : i32
      %add3A_905 = arith.constant 4 : i32
      %add3A_906 = arith.addi %mul3A_904, %add3A_905 : i32
      %get3A_907 = arith.index_cast %add3A_906 : i32 to index
      %get3A_908 = arith.constant 16 : index
      %get3A_909 = tpu.vector_load %arg14[%get3A_907, %get3A_908] {strides = array<i32>} : memref<1536x32xf32, #tpu.memory_space<vmem>>, vector<1x16xf32>,
      %get3A_910 = vector.shape_cast %get3A_909 : vector<1x16xf32> to vector<16xf32>
      %add3A_911 = arith.addf %add3A_893, %get3A_910 : vector<16xf32>
      %mul3A_912 = arith.constant 16 : i32
      %mul3A_913 = arith.muli %scan3A_828, %mul3A_912 : i32
      %add3A_914 = arith.constant 5 : i32
      %add3A_915 = arith.addi %mul3A_913, %add3A_914 : i32
      %get3A_916 = arith.index_cast %add3A_915 : i32 to index
      %get3A_917 = arith.constant 0 : index
      %get3A_918 = tpu.vector_load %arg14[%get3A_916, %get3A_917] {strides = array<i32>} : memref<1536x32xf32, #tpu.memory_space<vmem>>, vector<1x16xf32>,
      %get3A_919 = vector.shape_cast %get3A_918 : vector<1x16xf32> to vector<16xf32>
      %add3A_920 = arith.addf %add3A_902, %get3A_919 : vector<16xf32>
      %mul3A_921 = arith.constant 16 : i32
      %mul3A_922 = arith.muli %scan3A_828, %mul3A_921 : i32
      %add3A_923 = arith.constant 5 : i32
      %add3A_924 = arith.addi %mul3A_922, %add3A_923 : i32
      %get3A_925 = arith.index_cast %add3A_924 : i32 to index
      %get3A_926 = arith.constant 16 : index
      %get3A_927 = tpu.vector_load %arg14[%get3A_925, %get3A_926] {strides = array<i32>} : memref<1536x32xf32, #tpu.memory_space<vmem>>, vector<1x16xf32>,
      %get3A_928 = vector.shape_cast %get3A_927 : vector<1x16xf32> to vector<16xf32>
      %add3A_929 = arith.addf %add3A_911, %get3A_928 : vector<16xf32>
      %mul3A_930 = arith.constant 16 : i32
      %mul3A_931 = arith.muli %scan3A_828, %mul3A_930 : i32
      %add3A_932 = arith.constant 6 : i32
      %add3A_933 = arith.addi %mul3A_931, %add3A_932 : i32
      %get3A_934 = arith.index_cast %add3A_933 : i32 to index
      %get3A_935 = arith.constant 0 : index
      %get3A_936 = tpu.vector_load %arg14[%get3A_934, %get3A_935] {strides = array<i32>} : memref<1536x32xf32, #tpu.memory_space<vmem>>, vector<1x16xf32>,
      %get3A_937 = vector.shape_cast %get3A_936 : vector<1x16xf32> to vector<16xf32>
      %add3A_938 = arith.addf %add3A_920, %get3A_937 : vector<16xf32>
      %mul3A_939 = arith.constant 16 : i32
      %mul3A_940 = arith.muli %scan3A_828, %mul3A_939 : i32
      %add3A_941 = arith.constant 6 : i32
      %add3A_942 = arith.addi %mul3A_940, %add3A_941 : i32
      %get3A_943 = arith.index_cast %add3A_942 : i32 to index
      %get3A_944 = arith.constant 16 : index
      %get3A_945 = tpu.vector_load %arg14[%get3A_943, %get3A_944] {strides = array<i32>} : memref<1536x32xf32, #tpu.memory_space<vmem>>, vector<1x16xf32>,
      %get3A_946 = vector.shape_cast %get3A_945 : vector<1x16xf32> to vector<16xf32>
      %add3A_947 = arith.addf %add3A_929, %get3A_946 : vector<16xf32>
      %mul3A_948 = arith.constant 16 : i32
      %mul3A_949 = arith.muli %scan3A_828, %mul3A_948 : i32
      %add3A_950 = arith.constant 7 : i32
      %add3A_951 = arith.addi %mul3A_949, %add3A_950 : i32
      %get3A_952 = arith.index_cast %add3A_951 : i32 to index
      %get3A_953 = arith.constant 0 : index
      %get3A_954 = tpu.vector_load %arg14[%get3A_952, %get3A_953] {strides = array<i32>} : memref<1536x32xf32, #tpu.memory_space<vmem>>, vector<1x16xf32>,
      %get3A_955 = vector.shape_cast %get3A_954 : vector<1x16xf32> to vector<16xf32>
      %add3A_956 = arith.addf %add3A_938, %get3A_955 : vector<16xf32>
      %mul3A_957 = arith.constant 16 : i32
      %mul3A_958 = arith.muli %scan3A_828, %mul3A_957 : i32
      %add3A_959 = arith.constant 7 : i32
      %add3A_960 = arith.addi %mul3A_958, %add3A_959 : i32
      %get3A_961 = arith.index_cast %add3A_960 : i32 to index
      %get3A_962 = arith.constant 16 : index
      %get3A_963 = tpu.vector_load %arg14[%get3A_961, %get3A_962] {strides = array<i32>} : memref<1536x32xf32, #tpu.memory_space<vmem>>, vector<1x16xf32>,
      %get3A_964 = vector.shape_cast %get3A_963 : vector<1x16xf32> to vector<16xf32>
      %add3A_965 = arith.addf %add3A_947, %get3A_964 : vector<16xf32>
      %mul3A_966 = arith.constant 16 : i32
      %mul3A_967 = arith.muli %scan3A_828, %mul3A_966 : i32
      %add3A_968 = arith.constant 8 : i32
      %add3A_969 = arith.addi %mul3A_967, %add3A_968 : i32
      %get3A_970 = arith.index_cast %add3A_969 : i32 to index
      %get3A_971 = arith.constant 0 : index
      %get3A_972 = tpu.vector_load %arg14[%get3A_970, %get3A_971] {strides = array<i32>} : memref<1536x32xf32, #tpu.memory_space<vmem>>, vector<1x16xf32>,
      %get3A_973 = vector.shape_cast %get3A_972 : vector<1x16xf32> to vector<16xf32>
      %add3A_974 = arith.addf %add3A_956, %get3A_973 : vector<16xf32>
      %mul3A_975 = arith.constant 16 : i32
      %mul3A_976 = arith.muli %scan3A_828, %mul3A_975 : i32
      %add3A_977 = arith.constant 8 : i32
      %add3A_978 = arith.addi %mul3A_976, %add3A_977 : i32
      %get3A_979 = arith.index_cast %add3A_978 : i32 to index
      %get3A_980 = arith.constant 16 : index
      %get3A_981 = tpu.vector_load %arg14[%get3A_979, %get3A_980] {strides = array<i32>} : memref<1536x32xf32, #tpu.memory_space<vmem>>, vector<1x16xf32>,
      %get3A_982 = vector.shape_cast %get3A_981 : vector<1x16xf32> to vector<16xf32>
      %add3A_983 = arith.addf %add3A_965, %get3A_982 : vector<16xf32>
      %mul3A_984 = arith.constant 16 : i32
      %mul3A_985 = arith.muli %scan3A_828, %mul3A_984 : i32
      %add3A_986 = arith.constant 9 : i32
      %add3A_987 = arith.addi %mul3A_985, %add3A_986 : i32
      %get3A_988 = arith.index_cast %add3A_987 : i32 to index
      %get3A_989 = arith.constant 0 : index
      %get3A_990 = tpu.vector_load %arg14[%get3A_988, %get3A_989] {strides = array<i32>} : memref<1536x32xf32, #tpu.memory_space<vmem>>, vector<1x16xf32>,
      %get3A_991 = vector.shape_cast %get3A_990 : vector<1x16xf32> to vector<16xf32>
      %add3A_992 = arith.addf %add3A_974, %get3A_991 : vector<16xf32>
      %mul3A_993 = arith.constant 16 : i32
      %mul3A_994 = arith.muli %scan3A_828, %mul3A_993 : i32
      %add3A_995 = arith.constant 9 : i32
      %add3A_996 = arith.addi %mul3A_994, %add3A_995 : i32
      %get3A_997 = arith.index_cast %add3A_996 : i32 to index
      %get3A_998 = arith.constant 16 : index
      %get3A_999 = tpu.vector_load %arg14[%get3A_997, %get3A_998] {strides = array<i32>} : memref<1536x32xf32, #tpu.memory_space<vmem>>, vector<1x16xf32>,
      %get3A_1000 = vector.shape_cast %get3A_999 : vector<1x16xf32> to vector<16xf32>
      %add3A_1001 = arith.addf %add3A_983, %get3A_1000 : vector<16xf32>
      %mul3A_1002 = arith.constant 16 : i32
      %mul3A_1003 = arith.muli %scan3A_828, %mul3A_1002 : i32
      %add3A_1004 = arith.constant 10 : i32
      %add3A_1005 = arith.addi %mul3A_1003, %add3A_1004 : i32
      %get3A_1006 = arith.index_cast %add3A_1005 : i32 to index
      %get3A_1007 = arith.constant 0 : index
      %get3A_1008 = tpu.vector_load %arg14[%get3A_1006, %get3A_1007] {strides = array<i32>} : memref<1536x32xf32, #tpu.memory_space<vmem>>, vector<1x16xf32>,
      %get3A_1009 = vector.shape_cast %get3A_1008 : vector<1x16xf32> to vector<16xf32>
      %add3A_1010 = arith.addf %add3A_992, %get3A_1009 : vector<16xf32>
      %mul3A_1011 = arith.constant 16 : i32
      %mul3A_1012 = arith.muli %scan3A_828, %mul3A_1011 : i32
      %add3A_1013 = arith.constant 10 : i32
      %add3A_1014 = arith.addi %mul3A_1012, %add3A_1013 : i32
      %get3A_1015 = arith.index_cast %add3A_1014 : i32 to index
      %get3A_1016 = arith.constant 16 : index
      %get3A_1017 = tpu.vector_load %arg14[%get3A_1015, %get3A_1016] {strides = array<i32>} : memref<1536x32xf32, #tpu.memory_space<vmem>>, vector<1x16xf32>,
      %get3A_1018 = vector.shape_cast %get3A_1017 : vector<1x16xf32> to vector<16xf32>
      %add3A_1019 = arith.addf %add3A_1001, %get3A_1018 : vector<16xf32>
      %mul3A_1020 = arith.constant 16 : i32
      %mul3A_1021 = arith.muli %scan3A_828, %mul3A_1020 : i32
      %add3A_1022 = arith.constant 11 : i32
      %add3A_1023 = arith.addi %mul3A_1021, %add3A_1022 : i32
      %get3A_1024 = arith.index_cast %add3A_1023 : i32 to index
      %get3A_1025 = arith.constant 0 : index
      %get3A_1026 = tpu.vector_load %arg14[%get3A_1024, %get3A_1025] {strides = array<i32>} : memref<1536x32xf32, #tpu.memory_space<vmem>>, vector<1x16xf32>,
      %get3A_1027 = vector.shape_cast %get3A_1026 : vector<1x16xf32> to vector<16xf32>
      %add3A_1028 = arith.addf %add3A_1010, %get3A_1027 : vector<16xf32>
      %mul3A_1029 = arith.constant 16 : i32
      %mul3A_1030 = arith.muli %scan3A_828, %mul3A_1029 : i32
      %add3A_1031 = arith.constant 11 : i32
      %add3A_1032 = arith.addi %mul3A_1030, %add3A_1031 : i32
      %get3A_1033 = arith.index_cast %add3A_1032 : i32 to index
      %get3A_1034 = arith.constant 16 : index
      %get3A_1035 = tpu.vector_load %arg14[%get3A_1033, %get3A_1034] {strides = array<i32>} : memref<1536x32xf32, #tpu.memory_space<vmem>>, vector<1x16xf32>,
      %get3A_1036 = vector.shape_cast %get3A_1035 : vector<1x16xf32> to vector<16xf32>
      %add3A_1037 = arith.addf %add3A_1019, %get3A_1036 : vector<16xf32>
      %mul3A_1038 = arith.constant 16 : i32
      %mul3A_1039 = arith.muli %scan3A_828, %mul3A_1038 : i32
      %add3A_1040 = arith.constant 12 : i32
      %add3A_1041 = arith.addi %mul3A_1039, %add3A_1040 : i32
      %get3A_1042 = arith.index_cast %add3A_1041 : i32 to index
      %get3A_1043 = arith.constant 0 : index
      %get3A_1044 = tpu.vector_load %arg14[%get3A_1042, %get3A_1043] {strides = array<i32>} : memref<1536x32xf32, #tpu.memory_space<vmem>>, vector<1x16xf32>,
      %get3A_1045 = vector.shape_cast %get3A_1044 : vector<1x16xf32> to vector<16xf32>
      %add3A_1046 = arith.addf %add3A_1028, %get3A_1045 : vector<16xf32>
      %mul3A_1047 = arith.constant 16 : i32
      %mul3A_1048 = arith.muli %scan3A_828, %mul3A_1047 : i32
      %add3A_1049 = arith.constant 12 : i32
      %add3A_1050 = arith.addi %mul3A_1048, %add3A_1049 : i32
      %get3A_1051 = arith.index_cast %add3A_1050 : i32 to index
      %get3A_1052 = arith.constant 16 : index
      %get3A_1053 = tpu.vector_load %arg14[%get3A_1051, %get3A_1052] {strides = array<i32>} : memref<1536x32xf32, #tpu.memory_space<vmem>>, vector<1x16xf32>,
      %get3A_1054 = vector.shape_cast %get3A_1053 : vector<1x16xf32> to vector<16xf32>
      %add3A_1055 = arith.addf %add3A_1037, %get3A_1054 : vector<16xf32>
      %mul3A_1056 = arith.constant 16 : i32
      %mul3A_1057 = arith.muli %scan3A_828, %mul3A_1056 : i32
      %add3A_1058 = arith.constant 13 : i32
      %add3A_1059 = arith.addi %mul3A_1057, %add3A_1058 : i32
      %get3A_1060 = arith.index_cast %add3A_1059 : i32 to index
      %get3A_1061 = arith.constant 0 : index
      %get3A_1062 = tpu.vector_load %arg14[%get3A_1060, %get3A_1061] {strides = array<i32>} : memref<1536x32xf32, #tpu.memory_space<vmem>>, vector<1x16xf32>,
      %get3A_1063 = vector.shape_cast %get3A_1062 : vector<1x16xf32> to vector<16xf32>
      %add3A_1064 = arith.addf %add3A_1046, %get3A_1063 : vector<16xf32>
      %mul3A_1065 = arith.constant 16 : i32
      %mul3A_1066 = arith.muli %scan3A_828, %mul3A_1065 : i32
      %add3A_1067 = arith.constant 13 : i32
      %add3A_1068 = arith.addi %mul3A_1066, %add3A_1067 : i32
      %get3A_1069 = arith.index_cast %add3A_1068 : i32 to index
      %get3A_1070 = arith.constant 16 : index
      %get3A_1071 = tpu.vector_load %arg14[%get3A_1069, %get3A_1070] {strides = array<i32>} : memref<1536x32xf32, #tpu.memory_space<vmem>>, vector<1x16xf32>,
      %get3A_1072 = vector.shape_cast %get3A_1071 : vector<1x16xf32> to vector<16xf32>
      %add3A_1073 = arith.addf %add3A_1055, %get3A_1072 : vector<16xf32>
      %mul3A_1074 = arith.constant 16 : i32
      %mul3A_1075 = arith.muli %scan3A_828, %mul3A_1074 : i32
      %add3A_1076 = arith.constant 14 : i32
      %add3A_1077 = arith.addi %mul3A_1075, %add3A_1076 : i32
      %get3A_1078 = arith.index_cast %add3A_1077 : i32 to index
      %get3A_1079 = arith.constant 0 : index
      %get3A_1080 = tpu.vector_load %arg14[%get3A_1078, %get3A_1079] {strides = array<i32>} : memref<1536x32xf32, #tpu.memory_space<vmem>>, vector<1x16xf32>,
      %get3A_1081 = vector.shape_cast %get3A_1080 : vector<1x16xf32> to vector<16xf32>
      %add3A_1082 = arith.addf %add3A_1064, %get3A_1081 : vector<16xf32>
      %mul3A_1083 = arith.constant 16 : i32
      %mul3A_1084 = arith.muli %scan3A_828, %mul3A_1083 : i32
      %add3A_1085 = arith.constant 14 : i32
      %add3A_1086 = arith.addi %mul3A_1084, %add3A_1085 : i32
      %get3A_1087 = arith.index_cast %add3A_1086 : i32 to index
      %get3A_1088 = arith.constant 16 : index
      %get3A_1089 = tpu.vector_load %arg14[%get3A_1087, %get3A_1088] {strides = array<i32>} : memref<1536x32xf32, #tpu.memory_space<vmem>>, vector<1x16xf32>,
      %get3A_1090 = vector.shape_cast %get3A_1089 : vector<1x16xf32> to vector<16xf32>
      %add3A_1091 = arith.addf %add3A_1073, %get3A_1090 : vector<16xf32>
      %mul3A_1092 = arith.constant 16 : i32
      %mul3A_1093 = arith.muli %scan3A_828, %mul3A_1092 : i32
      %add3A_1094 = arith.constant 15 : i32
      %add3A_1095 = arith.addi %mul3A_1093, %add3A_1094 : i32
      %get3A_1096 = arith.index_cast %add3A_1095 : i32 to index
      %get3A_1097 = arith.constant 0 : index
      %get3A_1098 = tpu.vector_load %arg14[%get3A_1096, %get3A_1097] {strides = array<i32>} : memref<1536x32xf32, #tpu.memory_space<vmem>>, vector<1x16xf32>,
      %get3A_1099 = vector.shape_cast %get3A_1098 : vector<1x16xf32> to vector<16xf32>
      %add3A_1100 = arith.addf %add3A_1082, %get3A_1099 : vector<16xf32>
      %mul3A_1101 = arith.constant 16 : i32
      %mul3A_1102 = arith.muli %scan3A_828, %mul3A_1101 : i32
      %add3A_1103 = arith.constant 15 : i32
      %add3A_1104 = arith.addi %mul3A_1102, %add3A_1103 : i32
      %get3A_1105 = arith.index_cast %add3A_1104 : i32 to index
      %get3A_1106 = arith.constant 16 : index
      %get3A_1107 = tpu.vector_load %arg14[%get3A_1105, %get3A_1106] {strides = array<i32>} : memref<1536x32xf32, #tpu.memory_space<vmem>>, vector<1x16xf32>,
      %get3A_1108 = vector.shape_cast %get3A_1107 : vector<1x16xf32> to vector<16xf32>
      %add3A_1109 = arith.addf %add3A_1091, %get3A_1108 : vector<16xf32>
      %get3A_1110 = arith.index_cast %scan3A_828 : i32 to index
      %get3A_1111 = arith.constant 16 : index
      %get3A_1112 = tpu.vector_load %arg11[%get3A_1110, %get3A_1111] {strides = array<i32>} : memref<96x32xi32, #tpu.memory_space<vmem>>, vector<1x16xi32>,
      %get3A_1113 = vector.shape_cast %get3A_1112 : vector<1x16xi32> to vector<16xi32>
      %slice3A = vector.extract_strided_slice %get3A_1113 {offsets = [0], sizes = [1], strides = [1]} : vector<16xi32> to vector<1xi32>
      %squeeze3A = vector.extract %slice3A[0] : i32 from vector<1xi32>
      %ne3A = arith.constant 0 : i32
      %ne3A_1114 = arith.cmpi ne, %squeeze3A, %ne3A : i32
      %jit3A = arith.constant 1 : i32
      %jit3A_1115 = arith.constant 0 : i32
      %select_n3A = arith.select %ne3A_1114, %jit3A, %jit3A_1115 : i32
      %add3A_1116 = arith.constant 0 : i32
      %add3A_1117 = arith.addi %add3A_1116, %select_n3A : i32
      %slice3A_1118 = vector.extract_strided_slice %get3A_1113 {offsets = [1], sizes = [1], strides = [1]} : vector<16xi32> to vector<1xi32>
      %squeeze3A_1119 = vector.extract %slice3A_1118[0] : i32 from vector<1xi32>
      %ne3A_1120 = arith.constant 0 : i32
      %ne3A_1121 = arith.cmpi ne, %squeeze3A_1119, %ne3A_1120 : i32
      %jit3A_1122 = arith.constant 1 : i32
      %jit3A_1123 = arith.constant 0 : i32
      %select_n3A_1124 = arith.select %ne3A_1121, %jit3A_1122, %jit3A_1123 : i32
      %add3A_1125 = arith.addi %add3A_1117, %select_n3A_1124 : i32
      %slice3A_1126 = vector.extract_strided_slice %get3A_1113 {offsets = [2], sizes = [1], strides = [1]} : vector<16xi32> to vector<1xi32>
      %squeeze3A_1127 = vector.extract %slice3A_1126[0] : i32 from vector<1xi32>
      %ne3A_1128 = arith.constant 0 : i32
      %ne3A_1129 = arith.cmpi ne, %squeeze3A_1127, %ne3A_1128 : i32
      %jit3A_1130 = arith.constant 1 : i32
      %jit3A_1131 = arith.constant 0 : i32
      %select_n3A_1132 = arith.select %ne3A_1129, %jit3A_1130, %jit3A_1131 : i32
      %add3A_1133 = arith.addi %add3A_1125, %select_n3A_1132 : i32
      %slice3A_1134 = vector.extract_strided_slice %get3A_1113 {offsets = [3], sizes = [1], strides = [1]} : vector<16xi32> to vector<1xi32>
      %squeeze3A_1135 = vector.extract %slice3A_1134[0] : i32 from vector<1xi32>
      %ne3A_1136 = arith.constant 0 : i32
      %ne3A_1137 = arith.cmpi ne, %squeeze3A_1135, %ne3A_1136 : i32
      %jit3A_1138 = arith.constant 1 : i32
      %jit3A_1139 = arith.constant 0 : i32
      %select_n3A_1140 = arith.select %ne3A_1137, %jit3A_1138, %jit3A_1139 : i32
      %add3A_1141 = arith.addi %add3A_1133, %select_n3A_1140 : i32
      %slice3A_1142 = vector.extract_strided_slice %get3A_1113 {offsets = [4], sizes = [1], strides = [1]} : vector<16xi32> to vector<1xi32>
      %squeeze3A_1143 = vector.extract %slice3A_1142[0] : i32 from vector<1xi32>
      %ne3A_1144 = arith.constant 0 : i32
      %ne3A_1145 = arith.cmpi ne, %squeeze3A_1143, %ne3A_1144 : i32
      %jit3A_1146 = arith.constant 1 : i32
      %jit3A_1147 = arith.constant 0 : i32
      %select_n3A_1148 = arith.select %ne3A_1145, %jit3A_1146, %jit3A_1147 : i32
      %add3A_1149 = arith.addi %add3A_1141, %select_n3A_1148 : i32
      %slice3A_1150 = vector.extract_strided_slice %get3A_1113 {offsets = [5], sizes = [1], strides = [1]} : vector<16xi32> to vector<1xi32>
      %squeeze3A_1151 = vector.extract %slice3A_1150[0] : i32 from vector<1xi32>
      %ne3A_1152 = arith.constant 0 : i32
      %ne3A_1153 = arith.cmpi ne, %squeeze3A_1151, %ne3A_1152 : i32
      %jit3A_1154 = arith.constant 1 : i32
      %jit3A_1155 = arith.constant 0 : i32
      %select_n3A_1156 = arith.select %ne3A_1153, %jit3A_1154, %jit3A_1155 : i32
      %add3A_1157 = arith.addi %add3A_1149, %select_n3A_1156 : i32
      %slice3A_1158 = vector.extract_strided_slice %get3A_1113 {offsets = [6], sizes = [1], strides = [1]} : vector<16xi32> to vector<1xi32>
      %squeeze3A_1159 = vector.extract %slice3A_1158[0] : i32 from vector<1xi32>
      %ne3A_1160 = arith.constant 0 : i32
      %ne3A_1161 = arith.cmpi ne, %squeeze3A_1159, %ne3A_1160 : i32
      %jit3A_1162 = arith.constant 1 : i32
      %jit3A_1163 = arith.constant 0 : i32
      %select_n3A_1164 = arith.select %ne3A_1161, %jit3A_1162, %jit3A_1163 : i32
      %add3A_1165 = arith.addi %add3A_1157, %select_n3A_1164 : i32
      %slice3A_1166 = vector.extract_strided_slice %get3A_1113 {offsets = [7], sizes = [1], strides = [1]} : vector<16xi32> to vector<1xi32>
      %squeeze3A_1167 = vector.extract %slice3A_1166[0] : i32 from vector<1xi32>
      %ne3A_1168 = arith.constant 0 : i32
      %ne3A_1169 = arith.cmpi ne, %squeeze3A_1167, %ne3A_1168 : i32
      %jit3A_1170 = arith.constant 1 : i32
      %jit3A_1171 = arith.constant 0 : i32
      %select_n3A_1172 = arith.select %ne3A_1169, %jit3A_1170, %jit3A_1171 : i32
      %add3A_1173 = arith.addi %add3A_1165, %select_n3A_1172 : i32
      %slice3A_1174 = vector.extract_strided_slice %get3A_1113 {offsets = [8], sizes = [1], strides = [1]} : vector<16xi32> to vector<1xi32>
      %squeeze3A_1175 = vector.extract %slice3A_1174[0] : i32 from vector<1xi32>
      %ne3A_1176 = arith.constant 0 : i32
      %ne3A_1177 = arith.cmpi ne, %squeeze3A_1175, %ne3A_1176 : i32
      %jit3A_1178 = arith.constant 1 : i32
      %jit3A_1179 = arith.constant 0 : i32
      %select_n3A_1180 = arith.select %ne3A_1177, %jit3A_1178, %jit3A_1179 : i32
      %add3A_1181 = arith.addi %add3A_1173, %select_n3A_1180 : i32
      %slice3A_1182 = vector.extract_strided_slice %get3A_1113 {offsets = [9], sizes = [1], strides = [1]} : vector<16xi32> to vector<1xi32>
      %squeeze3A_1183 = vector.extract %slice3A_1182[0] : i32 from vector<1xi32>
      %ne3A_1184 = arith.constant 0 : i32
      %ne3A_1185 = arith.cmpi ne, %squeeze3A_1183, %ne3A_1184 : i32
      %jit3A_1186 = arith.constant 1 : i32
      %jit3A_1187 = arith.constant 0 : i32
      %select_n3A_1188 = arith.select %ne3A_1185, %jit3A_1186, %jit3A_1187 : i32
      %add3A_1189 = arith.addi %add3A_1181, %select_n3A_1188 : i32
      %slice3A_1190 = vector.extract_strided_slice %get3A_1113 {offsets = [10], sizes = [1], strides = [1]} : vector<16xi32> to vector<1xi32>
      %squeeze3A_1191 = vector.extract %slice3A_1190[0] : i32 from vector<1xi32>
      %ne3A_1192 = arith.constant 0 : i32
      %ne3A_1193 = arith.cmpi ne, %squeeze3A_1191, %ne3A_1192 : i32
      %jit3A_1194 = arith.constant 1 : i32
      %jit3A_1195 = arith.constant 0 : i32
      %select_n3A_1196 = arith.select %ne3A_1193, %jit3A_1194, %jit3A_1195 : i32
      %add3A_1197 = arith.addi %add3A_1189, %select_n3A_1196 : i32
      %slice3A_1198 = vector.extract_strided_slice %get3A_1113 {offsets = [11], sizes = [1], strides = [1]} : vector<16xi32> to vector<1xi32>
      %squeeze3A_1199 = vector.extract %slice3A_1198[0] : i32 from vector<1xi32>
      %ne3A_1200 = arith.constant 0 : i32
      %ne3A_1201 = arith.cmpi ne, %squeeze3A_1199, %ne3A_1200 : i32
      %jit3A_1202 = arith.constant 1 : i32
      %jit3A_1203 = arith.constant 0 : i32
      %select_n3A_1204 = arith.select %ne3A_1201, %jit3A_1202, %jit3A_1203 : i32
      %add3A_1205 = arith.addi %add3A_1197, %select_n3A_1204 : i32
      %slice3A_1206 = vector.extract_strided_slice %get3A_1113 {offsets = [12], sizes = [1], strides = [1]} : vector<16xi32> to vector<1xi32>
      %squeeze3A_1207 = vector.extract %slice3A_1206[0] : i32 from vector<1xi32>
      %ne3A_1208 = arith.constant 0 : i32
      %ne3A_1209 = arith.cmpi ne, %squeeze3A_1207, %ne3A_1208 : i32
      %jit3A_1210 = arith.constant 1 : i32
      %jit3A_1211 = arith.constant 0 : i32
      %select_n3A_1212 = arith.select %ne3A_1209, %jit3A_1210, %jit3A_1211 : i32
      %add3A_1213 = arith.addi %add3A_1205, %select_n3A_1212 : i32
      %slice3A_1214 = vector.extract_strided_slice %get3A_1113 {offsets = [13], sizes = [1], strides = [1]} : vector<16xi32> to vector<1xi32>
      %squeeze3A_1215 = vector.extract %slice3A_1214[0] : i32 from vector<1xi32>
      %ne3A_1216 = arith.constant 0 : i32
      %ne3A_1217 = arith.cmpi ne, %squeeze3A_1215, %ne3A_1216 : i32
      %jit3A_1218 = arith.constant 1 : i32
      %jit3A_1219 = arith.constant 0 : i32
      %select_n3A_1220 = arith.select %ne3A_1217, %jit3A_1218, %jit3A_1219 : i32
      %add3A_1221 = arith.addi %add3A_1213, %select_n3A_1220 : i32
      %slice3A_1222 = vector.extract_strided_slice %get3A_1113 {offsets = [14], sizes = [1], strides = [1]} : vector<16xi32> to vector<1xi32>
      %squeeze3A_1223 = vector.extract %slice3A_1222[0] : i32 from vector<1xi32>
      %ne3A_1224 = arith.constant 0 : i32
      %ne3A_1225 = arith.cmpi ne, %squeeze3A_1223, %ne3A_1224 : i32
      %jit3A_1226 = arith.constant 1 : i32
      %jit3A_1227 = arith.constant 0 : i32
      %select_n3A_1228 = arith.select %ne3A_1225, %jit3A_1226, %jit3A_1227 : i32
      %add3A_1229 = arith.addi %add3A_1221, %select_n3A_1228 : i32
      %slice3A_1230 = vector.extract_strided_slice %get3A_1113 {offsets = [15], sizes = [1], strides = [1]} : vector<16xi32> to vector<1xi32>
      %squeeze3A_1231 = vector.extract %slice3A_1230[0] : i32 from vector<1xi32>
      %ne3A_1232 = arith.constant 0 : i32
      %ne3A_1233 = arith.cmpi ne, %squeeze3A_1231, %ne3A_1232 : i32
      %jit3A_1234 = arith.constant 1 : i32
      %jit3A_1235 = arith.constant 0 : i32
      %select_n3A_1236 = arith.select %ne3A_1233, %jit3A_1234, %jit3A_1235 : i32
      %add3A_1237 = arith.addi %add3A_1229, %select_n3A_1236 : i32
      %eq3A = arith.constant 2 : i32
      %eq3A_1238 = arith.cmpi eq, %add3A_1237, %eq3A : i32
      %jit3A_1239 = arith.constant 5.000000e-01 : f32
      %jit3A_1240 = arith.constant 1.000000e+00 : f32
      %select_n3A_1241 = arith.select %eq3A_1238, %jit3A_1239, %jit3A_1240 : f32
      %eq3A_1242 = arith.constant 3 : i32
      %eq3A_1243 = arith.cmpi eq, %add3A_1237, %eq3A_1242 : i32
      %jit3A_1244 = arith.constant 0.333333343 : f32
      %select_n3A_1245 = arith.select %eq3A_1243, %jit3A_1244, %select_n3A_1241 : f32
      %eq3A_1246 = arith.constant 4 : i32
      %eq3A_1247 = arith.cmpi eq, %add3A_1237, %eq3A_1246 : i32
      %jit3A_1248 = arith.constant 2.500000e-01 : f32
      %select_n3A_1249 = arith.select %eq3A_1247, %jit3A_1248, %select_n3A_1245 : f32
      %eq3A_1250 = arith.constant 5 : i32
      %eq3A_1251 = arith.cmpi eq, %add3A_1237, %eq3A_1250 : i32
      %jit3A_1252 = arith.constant 2.000000e-01 : f32
      %select_n3A_1253 = arith.select %eq3A_1251, %jit3A_1252, %select_n3A_1249 : f32
      %eq3A_1254 = arith.constant 6 : i32
      %eq3A_1255 = arith.cmpi eq, %add3A_1237, %eq3A_1254 : i32
      %jit3A_1256 = arith.constant 0.166666672 : f32
      %select_n3A_1257 = arith.select %eq3A_1255, %jit3A_1256, %select_n3A_1253 : f32
      %eq3A_1258 = arith.constant 7 : i32
      %eq3A_1259 = arith.cmpi eq, %add3A_1237, %eq3A_1258 : i32
      %jit3A_1260 = arith.constant 0.142857149 : f32
      %select_n3A_1261 = arith.select %eq3A_1259, %jit3A_1260, %select_n3A_1257 : f32
      %eq3A_1262 = arith.constant 8 : i32
      %eq3A_1263 = arith.cmpi eq, %add3A_1237, %eq3A_1262 : i32
      %jit3A_1264 = arith.constant 1.250000e-01 : f32
      %select_n3A_1265 = arith.select %eq3A_1263, %jit3A_1264, %select_n3A_1261 : f32
      %eq3A_1266 = arith.constant 9 : i32
      %eq3A_1267 = arith.cmpi eq, %add3A_1237, %eq3A_1266 : i32
      %jit3A_1268 = arith.constant 0.111111112 : f32
      %select_n3A_1269 = arith.select %eq3A_1267, %jit3A_1268, %select_n3A_1265 : f32
      %eq3A_1270 = arith.constant 10 : i32
      %eq3A_1271 = arith.cmpi eq, %add3A_1237, %eq3A_1270 : i32
      %jit3A_1272 = arith.constant 1.000000e-01 : f32
      %select_n3A_1273 = arith.select %eq3A_1271, %jit3A_1272, %select_n3A_1269 : f32
      %eq3A_1274 = arith.constant 11 : i32
      %eq3A_1275 = arith.cmpi eq, %add3A_1237, %eq3A_1274 : i32
      %jit3A_1276 = arith.constant 0.0909090936 : f32
      %select_n3A_1277 = arith.select %eq3A_1275, %jit3A_1276, %select_n3A_1273 : f32
      %eq3A_1278 = arith.constant 12 : i32
      %eq3A_1279 = arith.cmpi eq, %add3A_1237, %eq3A_1278 : i32
      %jit3A_1280 = arith.constant 0.0833333358 : f32
      %select_n3A_1281 = arith.select %eq3A_1279, %jit3A_1280, %select_n3A_1277 : f32
      %eq3A_1282 = arith.constant 13 : i32
      %eq3A_1283 = arith.cmpi eq, %add3A_1237, %eq3A_1282 : i32
      %jit3A_1284 = arith.constant 0.0769230798 : f32
      %select_n3A_1285 = arith.select %eq3A_1283, %jit3A_1284, %select_n3A_1281 : f32
      %eq3A_1286 = arith.constant 14 : i32
      %eq3A_1287 = arith.cmpi eq, %add3A_1237, %eq3A_1286 : i32
      %jit3A_1288 = arith.constant 0.0714285746 : f32
      %select_n3A_1289 = arith.select %eq3A_1287, %jit3A_1288, %select_n3A_1285 : f32
      %eq3A_1290 = arith.constant 15 : i32
      %eq3A_1291 = arith.cmpi eq, %add3A_1237, %eq3A_1290 : i32
      %jit3A_1292 = arith.constant 0.0666666701 : f32
      %select_n3A_1293 = arith.select %eq3A_1291, %jit3A_1292, %select_n3A_1289 : f32
      %eq3A_1294 = arith.constant 16 : i32
      %eq3A_1295 = arith.cmpi eq, %add3A_1237, %eq3A_1294 : i32
      %jit3A_1296 = arith.constant 6.250000e-02 : f32
      %select_n3A_1297 = arith.select %eq3A_1295, %jit3A_1296, %select_n3A_1293 : f32
      %mul3A_1298 = vector.broadcast %select_n3A_1297 : f32 to vector<16xf32>
      %mul3A_1299 = arith.mulf %add3A_1100, %mul3A_1298 : vector<16xf32>
      %swap3A = arith.index_cast %scan3A_828 : i32 to index
      %swap3A_1300 = arith.constant 32 : index
      %swap3A_1301 = tpu.vector_load %arg15[%swap3A, %swap3A_1300] {strides = array<i32>} : memref<96x64xf32, #tpu.memory_space<vmem>>, vector<1x16xf32>,
      %swap3A_1302 = vector.shape_cast %swap3A_1301 : vector<1x16xf32> to vector<16xf32>
      %swap3A_1303 = vector.shape_cast %mul3A_1299 : vector<16xf32> to vector<1x16xf32>
      tpu.vector_store %arg15[%swap3A, %swap3A_1300], %swap3A_1303 {strides = array<i32>} : memref<96x64xf32, #tpu.memory_space<vmem>>, vector<1x16xf32>,
      %mul3A_1304 = vector.broadcast %select_n3A_1297 : f32 to vector<16xf32>
      %mul3A_1305 = arith.mulf %add3A_1109, %mul3A_1304 : vector<16xf32>
      %swap3A_1306 = arith.index_cast %scan3A_828 : i32 to index
      %swap3A_1307 = arith.constant 48 : index
      %swap3A_1308 = tpu.vector_load %arg15[%swap3A_1306, %swap3A_1307] {strides = array<i32>} : memref<96x64xf32, #tpu.memory_space<vmem>>, vector<1x16xf32>,
      %swap3A_1309 = vector.shape_cast %swap3A_1308 : vector<1x16xf32> to vector<16xf32>
      %swap3A_1310 = vector.shape_cast %mul3A_1305 : vector<16xf32> to vector<1x16xf32>
      tpu.vector_store %arg15[%swap3A_1306, %swap3A_1307], %swap3A_1310 {strides = array<i32>} : memref<96x64xf32, #tpu.memory_space<vmem>>, vector<1x16xf32>,
    }
    %scan3A_413 = arith.constant 96 : i32
    "tpu.region"() ({
      %run_scoped3A = tpu.sem_alloc : memref<!tpu.dma_semaphore, #tpu.memory_space<semaphore_mem>>
      %dma_start3A_828 = arith.constant 0 : i32
      %dma_start3A_829 = tpu.memref_slice %arg9[%mul3A_2, %dma_start3A_828] : memref<3072x128xf32, #tpu.memory_space<hbm>> -> memref<96x64xf32, #tpu.memory_space<hbm>>
      %dma_start3A_830 = arith.constant 0 : i32
      %dma_start3A_831 = tpu.memref_slice %arg9[%mul3A_2, %dma_start3A_830] : memref<3072x128xf32, #tpu.memory_space<hbm>> -> memref<96x64xf32, #tpu.memory_space<hbm>>
      tpu.enqueue_dma source(%arg15 : memref<96x64xf32, #tpu.memory_space<vmem>>) target(%dma_start3A_831 : memref<96x64xf32, #tpu.memory_space<hbm>>) target_semaphore(%run_scoped3A : memref<!tpu.dma_semaphore, #tpu.memory_space<semaphore_mem>>)
      %dma_wait3A_832 = arith.constant 0 : i32
      %dma_wait3A_833 = tpu.memref_slice %arg9[%mul3A_2, %dma_wait3A_832] : memref<3072x128xf32, #tpu.memory_space<hbm>> -> memref<96x64xf32, #tpu.memory_space<hbm>>
      %dma_wait3A_834 = arith.constant 0 : i32
      %dma_wait3A_835 = tpu.memref_slice %arg9[%mul3A_2, %dma_wait3A_834] : memref<3072x128xf32, #tpu.memory_space<hbm>> -> memref<96x64xf32, #tpu.memory_space<hbm>>
      tpu.wait_dma2 semaphore(%run_scoped3A : memref<!tpu.dma_semaphore, #tpu.memory_space<semaphore_mem>>) src(%arg15 : memref<96x64xf32, #tpu.memory_space<vmem>>) dst(%dma_wait3A_835 : memref<96x64xf32, #tpu.memory_space<hbm>>)
      tpu.yield
    }) : () -> ()
    "tpu.region"() ({
      %run_scoped3A = tpu.sem_alloc : memref<!tpu.dma_semaphore, #tpu.memory_space<semaphore_mem>>
      %dma_start3A_828 = tpu.memref_slice %arg3[%mul3A_2] : memref<3072xi32, #tpu.memory_space<hbm>> -> memref<96xi32, #tpu.memory_space<hbm>>
      %dma_start3A_829 = tpu.memref_slice %arg3[%mul3A_2] : memref<3072xi32, #tpu.memory_space<hbm>> -> memref<96xi32, #tpu.memory_space<hbm>>
      tpu.enqueue_dma source(%dma_start3A_829 : memref<96xi32, #tpu.memory_space<hbm>>) target(%arg10 : memref<96xi32, #tpu.memory_space<vmem>>) target_semaphore(%run_scoped3A : memref<!tpu.dma_semaphore, #tpu.memory_space<semaphore_mem>>)
      %dma_wait3A_830 = tpu.memref_slice %arg3[%mul3A_2] : memref<3072xi32, #tpu.memory_space<hbm>> -> memref<96xi32, #tpu.memory_space<hbm>>
      %dma_wait3A_831 = tpu.memref_slice %arg3[%mul3A_2] : memref<3072xi32, #tpu.memory_space<hbm>> -> memref<96xi32, #tpu.memory_space<hbm>>
      tpu.wait_dma2 semaphore(%run_scoped3A : memref<!tpu.dma_semaphore, #tpu.memory_space<semaphore_mem>>) src(%dma_wait3A_831 : memref<96xi32, #tpu.memory_space<hbm>>) dst(%arg10 : memref<96xi32, #tpu.memory_space<vmem>>)
      tpu.yield
    }) : () -> ()
    %dma_start3A_414 = arith.constant 0 : i32
    %dma_start3A_415 = arith.constant 0 : i32
    %dma_start3A_416 = tpu.memref_slice %arg7[%dma_start3A_414, %dma_start3A_415] : memref<50001x32xf32, #tpu.memory_space<hbm>> -> memref<50001x32xf32, #tpu.memory_space<hbm>>
    tpu.enqueue_indirect_dma source(%dma_start3A_416 : memref<50001x32xf32, #tpu.memory_space<hbm>>) target(%arg16 : memref<96x32xf32, #tpu.memory_space<vmem>>) offsets(%arg10 : memref<96xi32, #tpu.memory_space<vmem>>) semaphore(%arg18 : memref<!tpu.dma_semaphore, #tpu.memory_space<semaphore_mem>>)
    %dma_start3A_417 = arith.constant 0 : i32
    %dma_start3A_418 = arith.constant 0 : i32
    %dma_start3A_419 = tpu.memref_slice %arg5[%dma_start3A_417, %dma_start3A_418] : memref<50001x32xi32, #tpu.memory_space<hbm>> -> memref<50001x32xi32, #tpu.memory_space<hbm>>
    tpu.enqueue_indirect_dma source(%dma_start3A_419 : memref<50001x32xi32, #tpu.memory_space<hbm>>) target(%arg11 : memref<96x32xi32, #tpu.memory_space<vmem>>) offsets(%arg10 : memref<96xi32, #tpu.memory_space<vmem>>) semaphore(%arg17 : memref<!tpu.dma_semaphore, #tpu.memory_space<semaphore_mem>>)
    %dma_wait3A_420 = arith.constant 0 : i32
    %dma_wait3A_421 = arith.constant 0 : i32
    %dma_wait3A_422 = tpu.memref_slice %arg5[%dma_wait3A_420, %dma_wait3A_421] : memref<50001x32xi32, #tpu.memory_space<hbm>> -> memref<50001x32xi32, #tpu.memory_space<hbm>>
    tpu.wait_indirect_dma semaphore(%arg17 : memref<!tpu.dma_semaphore, #tpu.memory_space<semaphore_mem>>) src(%dma_wait3A_422 : memref<50001x32xi32, #tpu.memory_space<hbm>>) dst(%arg11 : memref<96x32xi32, #tpu.memory_space<vmem>>)
    %scan3A_423 = arith.constant 0 : i32
    %scan3A_424 = arith.constant 0 : i32
    %scan3A_425 = arith.constant 96 : i32
    %scan3A_426 = arith.addi %scan3A_424, %scan3A_425 : i32
    %scan3A_427 = arith.constant 1 : i32
    scf.for %scan3A_828 = %scan3A_424 to %scan3A_426 step %scan3A_427  : i32 {
      %get3A = arith.index_cast %scan3A_828 : i32 to index
      %get3A_829 = arith.constant 0 : index
      %get3A_830 = tpu.vector_load %arg11[%get3A, %get3A_829] {strides = array<i32>} : memref<96x32xi32, #tpu.memory_space<vmem>>, vector<1x16xi32>,
      %get3A_831 = vector.shape_cast %get3A_830 : vector<1x16xi32> to vector<16xi32>
      %mul3A_832 = arith.constant 16 : i32
      %mul3A_833 = arith.muli %scan3A_828, %mul3A_832 : i32
      %swap3A = arith.index_cast %mul3A_833 : i32 to index
      %swap3A_834 = tpu.vector_load %arg12[%swap3A] {strides = array<i32>} : memref<1536xi32, #tpu.memory_space<vmem>>, vector<16xi32>,
      %swap3A_835 = vector.shape_cast %swap3A_834 : vector<16xi32> to vector<16xi32>
      %swap3A_836 = vector.shape_cast %get3A_831 : vector<16xi32> to vector<16xi32>
      tpu.vector_store %arg12[%swap3A], %swap3A_836 {strides = array<i32>} : memref<1536xi32, #tpu.memory_space<vmem>>, vector<16xi32>,
      %get3A_837 = arith.index_cast %scan3A_828 : i32 to index
      %get3A_838 = arith.constant 16 : index
      %get3A_839 = tpu.vector_load %arg11[%get3A_837, %get3A_838] {strides = array<i32>} : memref<96x32xi32, #tpu.memory_space<vmem>>, vector<1x16xi32>,
      %get3A_840 = vector.shape_cast %get3A_839 : vector<1x16xi32> to vector<16xi32>
      %mul3A_841 = arith.constant 16 : i32
      %mul3A_842 = arith.muli %scan3A_828, %mul3A_841 : i32
      %swap3A_843 = arith.index_cast %mul3A_842 : i32 to index
      %swap3A_844 = tpu.vector_load %arg13[%swap3A_843] {strides = array<i32>} : memref<1536xi32, #tpu.memory_space<vmem>>, vector<16xi32>,
      %swap3A_845 = vector.shape_cast %swap3A_844 : vector<16xi32> to vector<16xi32>
      %swap3A_846 = vector.shape_cast %get3A_840 : vector<16xi32> to vector<16xi32>
      tpu.vector_store %arg13[%swap3A_843], %swap3A_846 {strides = array<i32>} : memref<1536xi32, #tpu.memory_space<vmem>>, vector<16xi32>,
    }
    %scan3A_428 = arith.constant 96 : i32
    %dma_wait3A_429 = arith.constant 0 : i32
    %dma_wait3A_430 = arith.constant 0 : i32
    %dma_wait3A_431 = tpu.memref_slice %arg7[%dma_wait3A_429, %dma_wait3A_430] : memref<50001x32xf32, #tpu.memory_space<hbm>> -> memref<50001x32xf32, #tpu.memory_space<hbm>>
    tpu.wait_indirect_dma semaphore(%arg18 : memref<!tpu.dma_semaphore, #tpu.memory_space<semaphore_mem>>) src(%dma_wait3A_431 : memref<50001x32xf32, #tpu.memory_space<hbm>>) dst(%arg16 : memref<96x32xf32, #tpu.memory_space<vmem>>)
    "tpu.region"() ({
      %run_scoped3A = tpu.sem_alloc : memref<!tpu.dma_semaphore, #tpu.memory_space<semaphore_mem>>
      %dma_start3A_828 = arith.constant 32 : i32
      %dma_start3A_829 = tpu.memref_slice %arg8[%mul3A_2, %dma_start3A_828] : memref<3072x64xf32, #tpu.memory_space<hbm>> -> memref<96x32xf32, #tpu.memory_space<hbm>>
      %dma_start3A_830 = arith.constant 32 : i32
      %dma_start3A_831 = tpu.memref_slice %arg8[%mul3A_2, %dma_start3A_830] : memref<3072x64xf32, #tpu.memory_space<hbm>> -> memref<96x32xf32, #tpu.memory_space<hbm>>
      tpu.enqueue_dma source(%arg16 : memref<96x32xf32, #tpu.memory_space<vmem>>) target(%dma_start3A_831 : memref<96x32xf32, #tpu.memory_space<hbm>>) target_semaphore(%run_scoped3A : memref<!tpu.dma_semaphore, #tpu.memory_space<semaphore_mem>>)
      %dma_wait3A_832 = arith.constant 32 : i32
      %dma_wait3A_833 = tpu.memref_slice %arg8[%mul3A_2, %dma_wait3A_832] : memref<3072x64xf32, #tpu.memory_space<hbm>> -> memref<96x32xf32, #tpu.memory_space<hbm>>
      %dma_wait3A_834 = arith.constant 32 : i32
      %dma_wait3A_835 = tpu.memref_slice %arg8[%mul3A_2, %dma_wait3A_834] : memref<3072x64xf32, #tpu.memory_space<hbm>> -> memref<96x32xf32, #tpu.memory_space<hbm>>
      tpu.wait_dma2 semaphore(%run_scoped3A : memref<!tpu.dma_semaphore, #tpu.memory_space<semaphore_mem>>) src(%arg16 : memref<96x32xf32, #tpu.memory_space<vmem>>) dst(%dma_wait3A_835 : memref<96x32xf32, #tpu.memory_space<hbm>>)
      tpu.yield
    }) : () -> ()
    %dma_start3A_432 = arith.constant 0 : i32
    %dma_start3A_433 = arith.constant 0 : i32
    %dma_start3A_434 = tpu.memref_slice %arg14[%dma_start3A_432, %dma_start3A_433] : memref<1536x32xf32, #tpu.memory_space<vmem>> -> memref<128x32xf32, #tpu.memory_space<vmem>>
    %dma_start3A_435 = arith.constant 0 : i32
    %dma_start3A_436 = tpu.memref_slice %arg12[%dma_start3A_435] : memref<1536xi32, #tpu.memory_space<vmem>> -> memref<128xi32, #tpu.memory_space<vmem>>
    %dma_start3A_437 = arith.constant 0 : i32
    %dma_start3A_438 = arith.constant 0 : i32
    %dma_start3A_439 = tpu.memref_slice %arg7[%dma_start3A_437, %dma_start3A_438] : memref<50001x32xf32, #tpu.memory_space<hbm>> -> memref<50001x32xf32, #tpu.memory_space<hbm>>
    tpu.enqueue_indirect_dma source(%dma_start3A_439 : memref<50001x32xf32, #tpu.memory_space<hbm>>) target(%dma_start3A_434 : memref<128x32xf32, #tpu.memory_space<vmem>>) offsets(%dma_start3A_436 : memref<128xi32, #tpu.memory_space<vmem>>) semaphore(%arg17 : memref<!tpu.dma_semaphore, #tpu.memory_space<semaphore_mem>>)
    %dma_start3A_440 = arith.constant 128 : i32
    %dma_start3A_441 = arith.constant 0 : i32
    %dma_start3A_442 = tpu.memref_slice %arg14[%dma_start3A_440, %dma_start3A_441] : memref<1536x32xf32, #tpu.memory_space<vmem>> -> memref<128x32xf32, #tpu.memory_space<vmem>>
    %dma_start3A_443 = arith.constant 128 : i32
    %dma_start3A_444 = tpu.memref_slice %arg12[%dma_start3A_443] : memref<1536xi32, #tpu.memory_space<vmem>> -> memref<128xi32, #tpu.memory_space<vmem>>
    %dma_start3A_445 = arith.constant 0 : i32
    %dma_start3A_446 = arith.constant 0 : i32
    %dma_start3A_447 = tpu.memref_slice %arg7[%dma_start3A_445, %dma_start3A_446] : memref<50001x32xf32, #tpu.memory_space<hbm>> -> memref<50001x32xf32, #tpu.memory_space<hbm>>
    tpu.enqueue_indirect_dma source(%dma_start3A_447 : memref<50001x32xf32, #tpu.memory_space<hbm>>) target(%dma_start3A_442 : memref<128x32xf32, #tpu.memory_space<vmem>>) offsets(%dma_start3A_444 : memref<128xi32, #tpu.memory_space<vmem>>) semaphore(%arg17 : memref<!tpu.dma_semaphore, #tpu.memory_space<semaphore_mem>>)
    %dma_start3A_448 = arith.constant 256 : i32
    %dma_start3A_449 = arith.constant 0 : i32
    %dma_start3A_450 = tpu.memref_slice %arg14[%dma_start3A_448, %dma_start3A_449] : memref<1536x32xf32, #tpu.memory_space<vmem>> -> memref<128x32xf32, #tpu.memory_space<vmem>>
    %dma_start3A_451 = arith.constant 256 : i32
    %dma_start3A_452 = tpu.memref_slice %arg12[%dma_start3A_451] : memref<1536xi32, #tpu.memory_space<vmem>> -> memref<128xi32, #tpu.memory_space<vmem>>
    %dma_start3A_453 = arith.constant 0 : i32
    %dma_start3A_454 = arith.constant 0 : i32
    %dma_start3A_455 = tpu.memref_slice %arg7[%dma_start3A_453, %dma_start3A_454] : memref<50001x32xf32, #tpu.memory_space<hbm>> -> memref<50001x32xf32, #tpu.memory_space<hbm>>
    tpu.enqueue_indirect_dma source(%dma_start3A_455 : memref<50001x32xf32, #tpu.memory_space<hbm>>) target(%dma_start3A_450 : memref<128x32xf32, #tpu.memory_space<vmem>>) offsets(%dma_start3A_452 : memref<128xi32, #tpu.memory_space<vmem>>) semaphore(%arg17 : memref<!tpu.dma_semaphore, #tpu.memory_space<semaphore_mem>>)
    %dma_start3A_456 = arith.constant 384 : i32
    %dma_start3A_457 = arith.constant 0 : i32
    %dma_start3A_458 = tpu.memref_slice %arg14[%dma_start3A_456, %dma_start3A_457] : memref<1536x32xf32, #tpu.memory_space<vmem>> -> memref<128x32xf32, #tpu.memory_space<vmem>>
    %dma_start3A_459 = arith.constant 384 : i32
    %dma_start3A_460 = tpu.memref_slice %arg12[%dma_start3A_459] : memref<1536xi32, #tpu.memory_space<vmem>> -> memref<128xi32, #tpu.memory_space<vmem>>
    %dma_start3A_461 = arith.constant 0 : i32
    %dma_start3A_462 = arith.constant 0 : i32
    %dma_start3A_463 = tpu.memref_slice %arg7[%dma_start3A_461, %dma_start3A_462] : memref<50001x32xf32, #tpu.memory_space<hbm>> -> memref<50001x32xf32, #tpu.memory_space<hbm>>
    tpu.enqueue_indirect_dma source(%dma_start3A_463 : memref<50001x32xf32, #tpu.memory_space<hbm>>) target(%dma_start3A_458 : memref<128x32xf32, #tpu.memory_space<vmem>>) offsets(%dma_start3A_460 : memref<128xi32, #tpu.memory_space<vmem>>) semaphore(%arg17 : memref<!tpu.dma_semaphore, #tpu.memory_space<semaphore_mem>>)
    %dma_start3A_464 = arith.constant 512 : i32
    %dma_start3A_465 = arith.constant 0 : i32
    %dma_start3A_466 = tpu.memref_slice %arg14[%dma_start3A_464, %dma_start3A_465] : memref<1536x32xf32, #tpu.memory_space<vmem>> -> memref<128x32xf32, #tpu.memory_space<vmem>>
    %dma_start3A_467 = arith.constant 512 : i32
    %dma_start3A_468 = tpu.memref_slice %arg12[%dma_start3A_467] : memref<1536xi32, #tpu.memory_space<vmem>> -> memref<128xi32, #tpu.memory_space<vmem>>
    %dma_start3A_469 = arith.constant 0 : i32
    %dma_start3A_470 = arith.constant 0 : i32
    %dma_start3A_471 = tpu.memref_slice %arg7[%dma_start3A_469, %dma_start3A_470] : memref<50001x32xf32, #tpu.memory_space<hbm>> -> memref<50001x32xf32, #tpu.memory_space<hbm>>
    tpu.enqueue_indirect_dma source(%dma_start3A_471 : memref<50001x32xf32, #tpu.memory_space<hbm>>) target(%dma_start3A_466 : memref<128x32xf32, #tpu.memory_space<vmem>>) offsets(%dma_start3A_468 : memref<128xi32, #tpu.memory_space<vmem>>) semaphore(%arg17 : memref<!tpu.dma_semaphore, #tpu.memory_space<semaphore_mem>>)
    %dma_start3A_472 = arith.constant 640 : i32
    %dma_start3A_473 = arith.constant 0 : i32
    %dma_start3A_474 = tpu.memref_slice %arg14[%dma_start3A_472, %dma_start3A_473] : memref<1536x32xf32, #tpu.memory_space<vmem>> -> memref<128x32xf32, #tpu.memory_space<vmem>>
    %dma_start3A_475 = arith.constant 640 : i32
    %dma_start3A_476 = tpu.memref_slice %arg12[%dma_start3A_475] : memref<1536xi32, #tpu.memory_space<vmem>> -> memref<128xi32, #tpu.memory_space<vmem>>
    %dma_start3A_477 = arith.constant 0 : i32
    %dma_start3A_478 = arith.constant 0 : i32
    %dma_start3A_479 = tpu.memref_slice %arg7[%dma_start3A_477, %dma_start3A_478] : memref<50001x32xf32, #tpu.memory_space<hbm>> -> memref<50001x32xf32, #tpu.memory_space<hbm>>
    tpu.enqueue_indirect_dma source(%dma_start3A_479 : memref<50001x32xf32, #tpu.memory_space<hbm>>) target(%dma_start3A_474 : memref<128x32xf32, #tpu.memory_space<vmem>>) offsets(%dma_start3A_476 : memref<128xi32, #tpu.memory_space<vmem>>) semaphore(%arg17 : memref<!tpu.dma_semaphore, #tpu.memory_space<semaphore_mem>>)
    %dma_start3A_480 = arith.constant 768 : i32
    %dma_start3A_481 = arith.constant 0 : i32
    %dma_start3A_482 = tpu.memref_slice %arg14[%dma_start3A_480, %dma_start3A_481] : memref<1536x32xf32, #tpu.memory_space<vmem>> -> memref<128x32xf32, #tpu.memory_space<vmem>>
    %dma_start3A_483 = arith.constant 768 : i32
    %dma_start3A_484 = tpu.memref_slice %arg12[%dma_start3A_483] : memref<1536xi32, #tpu.memory_space<vmem>> -> memref<128xi32, #tpu.memory_space<vmem>>
    %dma_start3A_485 = arith.constant 0 : i32
    %dma_start3A_486 = arith.constant 0 : i32
    %dma_start3A_487 = tpu.memref_slice %arg7[%dma_start3A_485, %dma_start3A_486] : memref<50001x32xf32, #tpu.memory_space<hbm>> -> memref<50001x32xf32, #tpu.memory_space<hbm>>
    tpu.enqueue_indirect_dma source(%dma_start3A_487 : memref<50001x32xf32, #tpu.memory_space<hbm>>) target(%dma_start3A_482 : memref<128x32xf32, #tpu.memory_space<vmem>>) offsets(%dma_start3A_484 : memref<128xi32, #tpu.memory_space<vmem>>) semaphore(%arg17 : memref<!tpu.dma_semaphore, #tpu.memory_space<semaphore_mem>>)
    %dma_start3A_488 = arith.constant 896 : i32
    %dma_start3A_489 = arith.constant 0 : i32
    %dma_start3A_490 = tpu.memref_slice %arg14[%dma_start3A_488, %dma_start3A_489] : memref<1536x32xf32, #tpu.memory_space<vmem>> -> memref<128x32xf32, #tpu.memory_space<vmem>>
    %dma_start3A_491 = arith.constant 896 : i32
    %dma_start3A_492 = tpu.memref_slice %arg12[%dma_start3A_491] : memref<1536xi32, #tpu.memory_space<vmem>> -> memref<128xi32, #tpu.memory_space<vmem>>
    %dma_start3A_493 = arith.constant 0 : i32
    %dma_start3A_494 = arith.constant 0 : i32
    %dma_start3A_495 = tpu.memref_slice %arg7[%dma_start3A_493, %dma_start3A_494] : memref<50001x32xf32, #tpu.memory_space<hbm>> -> memref<50001x32xf32, #tpu.memory_space<hbm>>
    tpu.enqueue_indirect_dma source(%dma_start3A_495 : memref<50001x32xf32, #tpu.memory_space<hbm>>) target(%dma_start3A_490 : memref<128x32xf32, #tpu.memory_space<vmem>>) offsets(%dma_start3A_492 : memref<128xi32, #tpu.memory_space<vmem>>) semaphore(%arg17 : memref<!tpu.dma_semaphore, #tpu.memory_space<semaphore_mem>>)
    %dma_start3A_496 = arith.constant 1024 : i32
    %dma_start3A_497 = arith.constant 0 : i32
    %dma_start3A_498 = tpu.memref_slice %arg14[%dma_start3A_496, %dma_start3A_497] : memref<1536x32xf32, #tpu.memory_space<vmem>> -> memref<128x32xf32, #tpu.memory_space<vmem>>
    %dma_start3A_499 = arith.constant 1024 : i32
    %dma_start3A_500 = tpu.memref_slice %arg12[%dma_start3A_499] : memref<1536xi32, #tpu.memory_space<vmem>> -> memref<128xi32, #tpu.memory_space<vmem>>
    %dma_start3A_501 = arith.constant 0 : i32
    %dma_start3A_502 = arith.constant 0 : i32
    %dma_start3A_503 = tpu.memref_slice %arg7[%dma_start3A_501, %dma_start3A_502] : memref<50001x32xf32, #tpu.memory_space<hbm>> -> memref<50001x32xf32, #tpu.memory_space<hbm>>
    tpu.enqueue_indirect_dma source(%dma_start3A_503 : memref<50001x32xf32, #tpu.memory_space<hbm>>) target(%dma_start3A_498 : memref<128x32xf32, #tpu.memory_space<vmem>>) offsets(%dma_start3A_500 : memref<128xi32, #tpu.memory_space<vmem>>) semaphore(%arg17 : memref<!tpu.dma_semaphore, #tpu.memory_space<semaphore_mem>>)
    %dma_start3A_504 = arith.constant 1152 : i32
    %dma_start3A_505 = arith.constant 0 : i32
    %dma_start3A_506 = tpu.memref_slice %arg14[%dma_start3A_504, %dma_start3A_505] : memref<1536x32xf32, #tpu.memory_space<vmem>> -> memref<128x32xf32, #tpu.memory_space<vmem>>
    %dma_start3A_507 = arith.constant 1152 : i32
    %dma_start3A_508 = tpu.memref_slice %arg12[%dma_start3A_507] : memref<1536xi32, #tpu.memory_space<vmem>> -> memref<128xi32, #tpu.memory_space<vmem>>
    %dma_start3A_509 = arith.constant 0 : i32
    %dma_start3A_510 = arith.constant 0 : i32
    %dma_start3A_511 = tpu.memref_slice %arg7[%dma_start3A_509, %dma_start3A_510] : memref<50001x32xf32, #tpu.memory_space<hbm>> -> memref<50001x32xf32, #tpu.memory_space<hbm>>
    tpu.enqueue_indirect_dma source(%dma_start3A_511 : memref<50001x32xf32, #tpu.memory_space<hbm>>) target(%dma_start3A_506 : memref<128x32xf32, #tpu.memory_space<vmem>>) offsets(%dma_start3A_508 : memref<128xi32, #tpu.memory_space<vmem>>) semaphore(%arg17 : memref<!tpu.dma_semaphore, #tpu.memory_space<semaphore_mem>>)
    %dma_start3A_512 = arith.constant 1280 : i32
    %dma_start3A_513 = arith.constant 0 : i32
    %dma_start3A_514 = tpu.memref_slice %arg14[%dma_start3A_512, %dma_start3A_513] : memref<1536x32xf32, #tpu.memory_space<vmem>> -> memref<128x32xf32, #tpu.memory_space<vmem>>
    %dma_start3A_515 = arith.constant 1280 : i32
    %dma_start3A_516 = tpu.memref_slice %arg12[%dma_start3A_515] : memref<1536xi32, #tpu.memory_space<vmem>> -> memref<128xi32, #tpu.memory_space<vmem>>
    %dma_start3A_517 = arith.constant 0 : i32
    %dma_start3A_518 = arith.constant 0 : i32
    %dma_start3A_519 = tpu.memref_slice %arg7[%dma_start3A_517, %dma_start3A_518] : memref<50001x32xf32, #tpu.memory_space<hbm>> -> memref<50001x32xf32, #tpu.memory_space<hbm>>
    tpu.enqueue_indirect_dma source(%dma_start3A_519 : memref<50001x32xf32, #tpu.memory_space<hbm>>) target(%dma_start3A_514 : memref<128x32xf32, #tpu.memory_space<vmem>>) offsets(%dma_start3A_516 : memref<128xi32, #tpu.memory_space<vmem>>) semaphore(%arg17 : memref<!tpu.dma_semaphore, #tpu.memory_space<semaphore_mem>>)
    %dma_start3A_520 = arith.constant 1408 : i32
    %dma_start3A_521 = arith.constant 0 : i32
    %dma_start3A_522 = tpu.memref_slice %arg14[%dma_start3A_520, %dma_start3A_521] : memref<1536x32xf32, #tpu.memory_space<vmem>> -> memref<128x32xf32, #tpu.memory_space<vmem>>
    %dma_start3A_523 = arith.constant 1408 : i32
    %dma_start3A_524 = tpu.memref_slice %arg12[%dma_start3A_523] : memref<1536xi32, #tpu.memory_space<vmem>> -> memref<128xi32, #tpu.memory_space<vmem>>
    %dma_start3A_525 = arith.constant 0 : i32
    %dma_start3A_526 = arith.constant 0 : i32
    %dma_start3A_527 = tpu.memref_slice %arg7[%dma_start3A_525, %dma_start3A_526] : memref<50001x32xf32, #tpu.memory_space<hbm>> -> memref<50001x32xf32, #tpu.memory_space<hbm>>
    tpu.enqueue_indirect_dma source(%dma_start3A_527 : memref<50001x32xf32, #tpu.memory_space<hbm>>) target(%dma_start3A_522 : memref<128x32xf32, #tpu.memory_space<vmem>>) offsets(%dma_start3A_524 : memref<128xi32, #tpu.memory_space<vmem>>) semaphore(%arg17 : memref<!tpu.dma_semaphore, #tpu.memory_space<semaphore_mem>>)
    %dma_wait3A_528 = arith.constant 0 : i32
    %dma_wait3A_529 = arith.constant 0 : i32
    %dma_wait3A_530 = tpu.memref_slice %arg14[%dma_wait3A_528, %dma_wait3A_529] : memref<1536x32xf32, #tpu.memory_space<vmem>> -> memref<128x32xf32, #tpu.memory_space<vmem>>
    %dma_wait3A_531 = arith.constant 0 : i32
    %dma_wait3A_532 = tpu.memref_slice %arg12[%dma_wait3A_531] : memref<1536xi32, #tpu.memory_space<vmem>> -> memref<128xi32, #tpu.memory_space<vmem>>
    %dma_wait3A_533 = arith.constant 0 : i32
    %dma_wait3A_534 = arith.constant 0 : i32
    %dma_wait3A_535 = tpu.memref_slice %arg7[%dma_wait3A_533, %dma_wait3A_534] : memref<50001x32xf32, #tpu.memory_space<hbm>> -> memref<50001x32xf32, #tpu.memory_space<hbm>>
    tpu.wait_indirect_dma semaphore(%arg17 : memref<!tpu.dma_semaphore, #tpu.memory_space<semaphore_mem>>) src(%dma_wait3A_535 : memref<50001x32xf32, #tpu.memory_space<hbm>>) dst(%dma_wait3A_530 : memref<128x32xf32, #tpu.memory_space<vmem>>)
    %dma_wait3A_536 = arith.constant 128 : i32
    %dma_wait3A_537 = arith.constant 0 : i32
    %dma_wait3A_538 = tpu.memref_slice %arg14[%dma_wait3A_536, %dma_wait3A_537] : memref<1536x32xf32, #tpu.memory_space<vmem>> -> memref<128x32xf32, #tpu.memory_space<vmem>>
    %dma_wait3A_539 = arith.constant 128 : i32
    %dma_wait3A_540 = tpu.memref_slice %arg12[%dma_wait3A_539] : memref<1536xi32, #tpu.memory_space<vmem>> -> memref<128xi32, #tpu.memory_space<vmem>>
    %dma_wait3A_541 = arith.constant 0 : i32
    %dma_wait3A_542 = arith.constant 0 : i32
    %dma_wait3A_543 = tpu.memref_slice %arg7[%dma_wait3A_541, %dma_wait3A_542] : memref<50001x32xf32, #tpu.memory_space<hbm>> -> memref<50001x32xf32, #tpu.memory_space<hbm>>
    tpu.wait_indirect_dma semaphore(%arg17 : memref<!tpu.dma_semaphore, #tpu.memory_space<semaphore_mem>>) src(%dma_wait3A_543 : memref<50001x32xf32, #tpu.memory_space<hbm>>) dst(%dma_wait3A_538 : memref<128x32xf32, #tpu.memory_space<vmem>>)
    %dma_wait3A_544 = arith.constant 256 : i32
    %dma_wait3A_545 = arith.constant 0 : i32
    %dma_wait3A_546 = tpu.memref_slice %arg14[%dma_wait3A_544, %dma_wait3A_545] : memref<1536x32xf32, #tpu.memory_space<vmem>> -> memref<128x32xf32, #tpu.memory_space<vmem>>
    %dma_wait3A_547 = arith.constant 256 : i32
    %dma_wait3A_548 = tpu.memref_slice %arg12[%dma_wait3A_547] : memref<1536xi32, #tpu.memory_space<vmem>> -> memref<128xi32, #tpu.memory_space<vmem>>
    %dma_wait3A_549 = arith.constant 0 : i32
    %dma_wait3A_550 = arith.constant 0 : i32
    %dma_wait3A_551 = tpu.memref_slice %arg7[%dma_wait3A_549, %dma_wait3A_550] : memref<50001x32xf32, #tpu.memory_space<hbm>> -> memref<50001x32xf32, #tpu.memory_space<hbm>>
    tpu.wait_indirect_dma semaphore(%arg17 : memref<!tpu.dma_semaphore, #tpu.memory_space<semaphore_mem>>) src(%dma_wait3A_551 : memref<50001x32xf32, #tpu.memory_space<hbm>>) dst(%dma_wait3A_546 : memref<128x32xf32, #tpu.memory_space<vmem>>)
    %dma_wait3A_552 = arith.constant 384 : i32
    %dma_wait3A_553 = arith.constant 0 : i32
    %dma_wait3A_554 = tpu.memref_slice %arg14[%dma_wait3A_552, %dma_wait3A_553] : memref<1536x32xf32, #tpu.memory_space<vmem>> -> memref<128x32xf32, #tpu.memory_space<vmem>>
    %dma_wait3A_555 = arith.constant 384 : i32
    %dma_wait3A_556 = tpu.memref_slice %arg12[%dma_wait3A_555] : memref<1536xi32, #tpu.memory_space<vmem>> -> memref<128xi32, #tpu.memory_space<vmem>>
    %dma_wait3A_557 = arith.constant 0 : i32
    %dma_wait3A_558 = arith.constant 0 : i32
    %dma_wait3A_559 = tpu.memref_slice %arg7[%dma_wait3A_557, %dma_wait3A_558] : memref<50001x32xf32, #tpu.memory_space<hbm>> -> memref<50001x32xf32, #tpu.memory_space<hbm>>
    tpu.wait_indirect_dma semaphore(%arg17 : memref<!tpu.dma_semaphore, #tpu.memory_space<semaphore_mem>>) src(%dma_wait3A_559 : memref<50001x32xf32, #tpu.memory_space<hbm>>) dst(%dma_wait3A_554 : memref<128x32xf32, #tpu.memory_space<vmem>>)
    %dma_wait3A_560 = arith.constant 512 : i32
    %dma_wait3A_561 = arith.constant 0 : i32
    %dma_wait3A_562 = tpu.memref_slice %arg14[%dma_wait3A_560, %dma_wait3A_561] : memref<1536x32xf32, #tpu.memory_space<vmem>> -> memref<128x32xf32, #tpu.memory_space<vmem>>
    %dma_wait3A_563 = arith.constant 512 : i32
    %dma_wait3A_564 = tpu.memref_slice %arg12[%dma_wait3A_563] : memref<1536xi32, #tpu.memory_space<vmem>> -> memref<128xi32, #tpu.memory_space<vmem>>
    %dma_wait3A_565 = arith.constant 0 : i32
    %dma_wait3A_566 = arith.constant 0 : i32
    %dma_wait3A_567 = tpu.memref_slice %arg7[%dma_wait3A_565, %dma_wait3A_566] : memref<50001x32xf32, #tpu.memory_space<hbm>> -> memref<50001x32xf32, #tpu.memory_space<hbm>>
    tpu.wait_indirect_dma semaphore(%arg17 : memref<!tpu.dma_semaphore, #tpu.memory_space<semaphore_mem>>) src(%dma_wait3A_567 : memref<50001x32xf32, #tpu.memory_space<hbm>>) dst(%dma_wait3A_562 : memref<128x32xf32, #tpu.memory_space<vmem>>)
    %dma_wait3A_568 = arith.constant 640 : i32
    %dma_wait3A_569 = arith.constant 0 : i32
    %dma_wait3A_570 = tpu.memref_slice %arg14[%dma_wait3A_568, %dma_wait3A_569] : memref<1536x32xf32, #tpu.memory_space<vmem>> -> memref<128x32xf32, #tpu.memory_space<vmem>>
    %dma_wait3A_571 = arith.constant 640 : i32
    %dma_wait3A_572 = tpu.memref_slice %arg12[%dma_wait3A_571] : memref<1536xi32, #tpu.memory_space<vmem>> -> memref<128xi32, #tpu.memory_space<vmem>>
    %dma_wait3A_573 = arith.constant 0 : i32
    %dma_wait3A_574 = arith.constant 0 : i32
    %dma_wait3A_575 = tpu.memref_slice %arg7[%dma_wait3A_573, %dma_wait3A_574] : memref<50001x32xf32, #tpu.memory_space<hbm>> -> memref<50001x32xf32, #tpu.memory_space<hbm>>
    tpu.wait_indirect_dma semaphore(%arg17 : memref<!tpu.dma_semaphore, #tpu.memory_space<semaphore_mem>>) src(%dma_wait3A_575 : memref<50001x32xf32, #tpu.memory_space<hbm>>) dst(%dma_wait3A_570 : memref<128x32xf32, #tpu.memory_space<vmem>>)
    %dma_wait3A_576 = arith.constant 768 : i32
    %dma_wait3A_577 = arith.constant 0 : i32
    %dma_wait3A_578 = tpu.memref_slice %arg14[%dma_wait3A_576, %dma_wait3A_577] : memref<1536x32xf32, #tpu.memory_space<vmem>> -> memref<128x32xf32, #tpu.memory_space<vmem>>
    %dma_wait3A_579 = arith.constant 768 : i32
    %dma_wait3A_580 = tpu.memref_slice %arg12[%dma_wait3A_579] : memref<1536xi32, #tpu.memory_space<vmem>> -> memref<128xi32, #tpu.memory_space<vmem>>
    %dma_wait3A_581 = arith.constant 0 : i32
    %dma_wait3A_582 = arith.constant 0 : i32
    %dma_wait3A_583 = tpu.memref_slice %arg7[%dma_wait3A_581, %dma_wait3A_582] : memref<50001x32xf32, #tpu.memory_space<hbm>> -> memref<50001x32xf32, #tpu.memory_space<hbm>>
    tpu.wait_indirect_dma semaphore(%arg17 : memref<!tpu.dma_semaphore, #tpu.memory_space<semaphore_mem>>) src(%dma_wait3A_583 : memref<50001x32xf32, #tpu.memory_space<hbm>>) dst(%dma_wait3A_578 : memref<128x32xf32, #tpu.memory_space<vmem>>)
    %dma_wait3A_584 = arith.constant 896 : i32
    %dma_wait3A_585 = arith.constant 0 : i32
    %dma_wait3A_586 = tpu.memref_slice %arg14[%dma_wait3A_584, %dma_wait3A_585] : memref<1536x32xf32, #tpu.memory_space<vmem>> -> memref<128x32xf32, #tpu.memory_space<vmem>>
    %dma_wait3A_587 = arith.constant 896 : i32
    %dma_wait3A_588 = tpu.memref_slice %arg12[%dma_wait3A_587] : memref<1536xi32, #tpu.memory_space<vmem>> -> memref<128xi32, #tpu.memory_space<vmem>>
    %dma_wait3A_589 = arith.constant 0 : i32
    %dma_wait3A_590 = arith.constant 0 : i32
    %dma_wait3A_591 = tpu.memref_slice %arg7[%dma_wait3A_589, %dma_wait3A_590] : memref<50001x32xf32, #tpu.memory_space<hbm>> -> memref<50001x32xf32, #tpu.memory_space<hbm>>
    tpu.wait_indirect_dma semaphore(%arg17 : memref<!tpu.dma_semaphore, #tpu.memory_space<semaphore_mem>>) src(%dma_wait3A_591 : memref<50001x32xf32, #tpu.memory_space<hbm>>) dst(%dma_wait3A_586 : memref<128x32xf32, #tpu.memory_space<vmem>>)
    %dma_wait3A_592 = arith.constant 1024 : i32
    %dma_wait3A_593 = arith.constant 0 : i32
    %dma_wait3A_594 = tpu.memref_slice %arg14[%dma_wait3A_592, %dma_wait3A_593] : memref<1536x32xf32, #tpu.memory_space<vmem>> -> memref<128x32xf32, #tpu.memory_space<vmem>>
    %dma_wait3A_595 = arith.constant 1024 : i32
    %dma_wait3A_596 = tpu.memref_slice %arg12[%dma_wait3A_595] : memref<1536xi32, #tpu.memory_space<vmem>> -> memref<128xi32, #tpu.memory_space<vmem>>
    %dma_wait3A_597 = arith.constant 0 : i32
    %dma_wait3A_598 = arith.constant 0 : i32
    %dma_wait3A_599 = tpu.memref_slice %arg7[%dma_wait3A_597, %dma_wait3A_598] : memref<50001x32xf32, #tpu.memory_space<hbm>> -> memref<50001x32xf32, #tpu.memory_space<hbm>>
    tpu.wait_indirect_dma semaphore(%arg17 : memref<!tpu.dma_semaphore, #tpu.memory_space<semaphore_mem>>) src(%dma_wait3A_599 : memref<50001x32xf32, #tpu.memory_space<hbm>>) dst(%dma_wait3A_594 : memref<128x32xf32, #tpu.memory_space<vmem>>)
    %dma_wait3A_600 = arith.constant 1152 : i32
    %dma_wait3A_601 = arith.constant 0 : i32
    %dma_wait3A_602 = tpu.memref_slice %arg14[%dma_wait3A_600, %dma_wait3A_601] : memref<1536x32xf32, #tpu.memory_space<vmem>> -> memref<128x32xf32, #tpu.memory_space<vmem>>
    %dma_wait3A_603 = arith.constant 1152 : i32
    %dma_wait3A_604 = tpu.memref_slice %arg12[%dma_wait3A_603] : memref<1536xi32, #tpu.memory_space<vmem>> -> memref<128xi32, #tpu.memory_space<vmem>>
    %dma_wait3A_605 = arith.constant 0 : i32
    %dma_wait3A_606 = arith.constant 0 : i32
    %dma_wait3A_607 = tpu.memref_slice %arg7[%dma_wait3A_605, %dma_wait3A_606] : memref<50001x32xf32, #tpu.memory_space<hbm>> -> memref<50001x32xf32, #tpu.memory_space<hbm>>
    tpu.wait_indirect_dma semaphore(%arg17 : memref<!tpu.dma_semaphore, #tpu.memory_space<semaphore_mem>>) src(%dma_wait3A_607 : memref<50001x32xf32, #tpu.memory_space<hbm>>) dst(%dma_wait3A_602 : memref<128x32xf32, #tpu.memory_space<vmem>>)
    %dma_wait3A_608 = arith.constant 1280 : i32
    %dma_wait3A_609 = arith.constant 0 : i32
    %dma_wait3A_610 = tpu.memref_slice %arg14[%dma_wait3A_608, %dma_wait3A_609] : memref<1536x32xf32, #tpu.memory_space<vmem>> -> memref<128x32xf32, #tpu.memory_space<vmem>>
    %dma_wait3A_611 = arith.constant 1280 : i32
    %dma_wait3A_612 = tpu.memref_slice %arg12[%dma_wait3A_611] : memref<1536xi32, #tpu.memory_space<vmem>> -> memref<128xi32, #tpu.memory_space<vmem>>
    %dma_wait3A_613 = arith.constant 0 : i32
    %dma_wait3A_614 = arith.constant 0 : i32
    %dma_wait3A_615 = tpu.memref_slice %arg7[%dma_wait3A_613, %dma_wait3A_614] : memref<50001x32xf32, #tpu.memory_space<hbm>> -> memref<50001x32xf32, #tpu.memory_space<hbm>>
    tpu.wait_indirect_dma semaphore(%arg17 : memref<!tpu.dma_semaphore, #tpu.memory_space<semaphore_mem>>) src(%dma_wait3A_615 : memref<50001x32xf32, #tpu.memory_space<hbm>>) dst(%dma_wait3A_610 : memref<128x32xf32, #tpu.memory_space<vmem>>)
    %dma_wait3A_616 = arith.constant 1408 : i32
    %dma_wait3A_617 = arith.constant 0 : i32
    %dma_wait3A_618 = tpu.memref_slice %arg14[%dma_wait3A_616, %dma_wait3A_617] : memref<1536x32xf32, #tpu.memory_space<vmem>> -> memref<128x32xf32, #tpu.memory_space<vmem>>
    %dma_wait3A_619 = arith.constant 1408 : i32
    %dma_wait3A_620 = tpu.memref_slice %arg12[%dma_wait3A_619] : memref<1536xi32, #tpu.memory_space<vmem>> -> memref<128xi32, #tpu.memory_space<vmem>>
    %dma_wait3A_621 = arith.constant 0 : i32
    %dma_wait3A_622 = arith.constant 0 : i32
    %dma_wait3A_623 = tpu.memref_slice %arg7[%dma_wait3A_621, %dma_wait3A_622] : memref<50001x32xf32, #tpu.memory_space<hbm>> -> memref<50001x32xf32, #tpu.memory_space<hbm>>
    tpu.wait_indirect_dma semaphore(%arg17 : memref<!tpu.dma_semaphore, #tpu.memory_space<semaphore_mem>>) src(%dma_wait3A_623 : memref<50001x32xf32, #tpu.memory_space<hbm>>) dst(%dma_wait3A_618 : memref<128x32xf32, #tpu.memory_space<vmem>>)
    %scan3A_624 = arith.constant 0 : i32
    %scan3A_625 = arith.constant 0 : i32
    %scan3A_626 = arith.constant 96 : i32
    %scan3A_627 = arith.addi %scan3A_625, %scan3A_626 : i32
    %scan3A_628 = arith.constant 1 : i32
    scf.for %scan3A_828 = %scan3A_625 to %scan3A_627 step %scan3A_628  : i32 {
      %mul3A_829 = arith.constant 16 : i32
      %mul3A_830 = arith.muli %scan3A_828, %mul3A_829 : i32
      %get3A = arith.index_cast %mul3A_830 : i32 to index
      %get3A_831 = arith.constant 0 : index
      %get3A_832 = tpu.vector_load %arg14[%get3A, %get3A_831] {strides = array<i32>} : memref<1536x32xf32, #tpu.memory_space<vmem>>, vector<1x16xf32>,
      %get3A_833 = vector.shape_cast %get3A_832 : vector<1x16xf32> to vector<16xf32>
      %mul3A_834 = arith.constant 16 : i32
      %mul3A_835 = arith.muli %scan3A_828, %mul3A_834 : i32
      %get3A_836 = arith.index_cast %mul3A_835 : i32 to index
      %get3A_837 = arith.constant 16 : index
      %get3A_838 = tpu.vector_load %arg14[%get3A_836, %get3A_837] {strides = array<i32>} : memref<1536x32xf32, #tpu.memory_space<vmem>>, vector<1x16xf32>,
      %get3A_839 = vector.shape_cast %get3A_838 : vector<1x16xf32> to vector<16xf32>
      %mul3A_840 = arith.constant 16 : i32
      %mul3A_841 = arith.muli %scan3A_828, %mul3A_840 : i32
      %add3A_842 = arith.constant 1 : i32
      %add3A_843 = arith.addi %mul3A_841, %add3A_842 : i32
      %get3A_844 = arith.index_cast %add3A_843 : i32 to index
      %get3A_845 = arith.constant 0 : index
      %get3A_846 = tpu.vector_load %arg14[%get3A_844, %get3A_845] {strides = array<i32>} : memref<1536x32xf32, #tpu.memory_space<vmem>>, vector<1x16xf32>,
      %get3A_847 = vector.shape_cast %get3A_846 : vector<1x16xf32> to vector<16xf32>
      %add3A_848 = arith.addf %get3A_833, %get3A_847 : vector<16xf32>
      %mul3A_849 = arith.constant 16 : i32
      %mul3A_850 = arith.muli %scan3A_828, %mul3A_849 : i32
      %add3A_851 = arith.constant 1 : i32
      %add3A_852 = arith.addi %mul3A_850, %add3A_851 : i32
      %get3A_853 = arith.index_cast %add3A_852 : i32 to index
      %get3A_854 = arith.constant 16 : index
      %get3A_855 = tpu.vector_load %arg14[%get3A_853, %get3A_854] {strides = array<i32>} : memref<1536x32xf32, #tpu.memory_space<vmem>>, vector<1x16xf32>,
      %get3A_856 = vector.shape_cast %get3A_855 : vector<1x16xf32> to vector<16xf32>
      %add3A_857 = arith.addf %get3A_839, %get3A_856 : vector<16xf32>
      %mul3A_858 = arith.constant 16 : i32
      %mul3A_859 = arith.muli %scan3A_828, %mul3A_858 : i32
      %add3A_860 = arith.constant 2 : i32
      %add3A_861 = arith.addi %mul3A_859, %add3A_860 : i32
      %get3A_862 = arith.index_cast %add3A_861 : i32 to index
      %get3A_863 = arith.constant 0 : index
      %get3A_864 = tpu.vector_load %arg14[%get3A_862, %get3A_863] {strides = array<i32>} : memref<1536x32xf32, #tpu.memory_space<vmem>>, vector<1x16xf32>,
      %get3A_865 = vector.shape_cast %get3A_864 : vector<1x16xf32> to vector<16xf32>
      %add3A_866 = arith.addf %add3A_848, %get3A_865 : vector<16xf32>
      %mul3A_867 = arith.constant 16 : i32
      %mul3A_868 = arith.muli %scan3A_828, %mul3A_867 : i32
      %add3A_869 = arith.constant 2 : i32
      %add3A_870 = arith.addi %mul3A_868, %add3A_869 : i32
      %get3A_871 = arith.index_cast %add3A_870 : i32 to index
      %get3A_872 = arith.constant 16 : index
      %get3A_873 = tpu.vector_load %arg14[%get3A_871, %get3A_872] {strides = array<i32>} : memref<1536x32xf32, #tpu.memory_space<vmem>>, vector<1x16xf32>,
      %get3A_874 = vector.shape_cast %get3A_873 : vector<1x16xf32> to vector<16xf32>
      %add3A_875 = arith.addf %add3A_857, %get3A_874 : vector<16xf32>
      %mul3A_876 = arith.constant 16 : i32
      %mul3A_877 = arith.muli %scan3A_828, %mul3A_876 : i32
      %add3A_878 = arith.constant 3 : i32
      %add3A_879 = arith.addi %mul3A_877, %add3A_878 : i32
      %get3A_880 = arith.index_cast %add3A_879 : i32 to index
      %get3A_881 = arith.constant 0 : index
      %get3A_882 = tpu.vector_load %arg14[%get3A_880, %get3A_881] {strides = array<i32>} : memref<1536x32xf32, #tpu.memory_space<vmem>>, vector<1x16xf32>,
      %get3A_883 = vector.shape_cast %get3A_882 : vector<1x16xf32> to vector<16xf32>
      %add3A_884 = arith.addf %add3A_866, %get3A_883 : vector<16xf32>
      %mul3A_885 = arith.constant 16 : i32
      %mul3A_886 = arith.muli %scan3A_828, %mul3A_885 : i32
      %add3A_887 = arith.constant 3 : i32
      %add3A_888 = arith.addi %mul3A_886, %add3A_887 : i32
      %get3A_889 = arith.index_cast %add3A_888 : i32 to index
      %get3A_890 = arith.constant 16 : index
      %get3A_891 = tpu.vector_load %arg14[%get3A_889, %get3A_890] {strides = array<i32>} : memref<1536x32xf32, #tpu.memory_space<vmem>>, vector<1x16xf32>,
      %get3A_892 = vector.shape_cast %get3A_891 : vector<1x16xf32> to vector<16xf32>
      %add3A_893 = arith.addf %add3A_875, %get3A_892 : vector<16xf32>
      %mul3A_894 = arith.constant 16 : i32
      %mul3A_895 = arith.muli %scan3A_828, %mul3A_894 : i32
      %add3A_896 = arith.constant 4 : i32
      %add3A_897 = arith.addi %mul3A_895, %add3A_896 : i32
      %get3A_898 = arith.index_cast %add3A_897 : i32 to index
      %get3A_899 = arith.constant 0 : index
      %get3A_900 = tpu.vector_load %arg14[%get3A_898, %get3A_899] {strides = array<i32>} : memref<1536x32xf32, #tpu.memory_space<vmem>>, vector<1x16xf32>,
      %get3A_901 = vector.shape_cast %get3A_900 : vector<1x16xf32> to vector<16xf32>
      %add3A_902 = arith.addf %add3A_884, %get3A_901 : vector<16xf32>
      %mul3A_903 = arith.constant 16 : i32
      %mul3A_904 = arith.muli %scan3A_828, %mul3A_903 : i32
      %add3A_905 = arith.constant 4 : i32
      %add3A_906 = arith.addi %mul3A_904, %add3A_905 : i32
      %get3A_907 = arith.index_cast %add3A_906 : i32 to index
      %get3A_908 = arith.constant 16 : index
      %get3A_909 = tpu.vector_load %arg14[%get3A_907, %get3A_908] {strides = array<i32>} : memref<1536x32xf32, #tpu.memory_space<vmem>>, vector<1x16xf32>,
      %get3A_910 = vector.shape_cast %get3A_909 : vector<1x16xf32> to vector<16xf32>
      %add3A_911 = arith.addf %add3A_893, %get3A_910 : vector<16xf32>
      %mul3A_912 = arith.constant 16 : i32
      %mul3A_913 = arith.muli %scan3A_828, %mul3A_912 : i32
      %add3A_914 = arith.constant 5 : i32
      %add3A_915 = arith.addi %mul3A_913, %add3A_914 : i32
      %get3A_916 = arith.index_cast %add3A_915 : i32 to index
      %get3A_917 = arith.constant 0 : index
      %get3A_918 = tpu.vector_load %arg14[%get3A_916, %get3A_917] {strides = array<i32>} : memref<1536x32xf32, #tpu.memory_space<vmem>>, vector<1x16xf32>,
      %get3A_919 = vector.shape_cast %get3A_918 : vector<1x16xf32> to vector<16xf32>
      %add3A_920 = arith.addf %add3A_902, %get3A_919 : vector<16xf32>
      %mul3A_921 = arith.constant 16 : i32
      %mul3A_922 = arith.muli %scan3A_828, %mul3A_921 : i32
      %add3A_923 = arith.constant 5 : i32
      %add3A_924 = arith.addi %mul3A_922, %add3A_923 : i32
      %get3A_925 = arith.index_cast %add3A_924 : i32 to index
      %get3A_926 = arith.constant 16 : index
      %get3A_927 = tpu.vector_load %arg14[%get3A_925, %get3A_926] {strides = array<i32>} : memref<1536x32xf32, #tpu.memory_space<vmem>>, vector<1x16xf32>,
      %get3A_928 = vector.shape_cast %get3A_927 : vector<1x16xf32> to vector<16xf32>
      %add3A_929 = arith.addf %add3A_911, %get3A_928 : vector<16xf32>
      %mul3A_930 = arith.constant 16 : i32
      %mul3A_931 = arith.muli %scan3A_828, %mul3A_930 : i32
      %add3A_932 = arith.constant 6 : i32
      %add3A_933 = arith.addi %mul3A_931, %add3A_932 : i32
      %get3A_934 = arith.index_cast %add3A_933 : i32 to index
      %get3A_935 = arith.constant 0 : index
      %get3A_936 = tpu.vector_load %arg14[%get3A_934, %get3A_935] {strides = array<i32>} : memref<1536x32xf32, #tpu.memory_space<vmem>>, vector<1x16xf32>,
      %get3A_937 = vector.shape_cast %get3A_936 : vector<1x16xf32> to vector<16xf32>
      %add3A_938 = arith.addf %add3A_920, %get3A_937 : vector<16xf32>
      %mul3A_939 = arith.constant 16 : i32
      %mul3A_940 = arith.muli %scan3A_828, %mul3A_939 : i32
      %add3A_941 = arith.constant 6 : i32
      %add3A_942 = arith.addi %mul3A_940, %add3A_941 : i32
      %get3A_943 = arith.index_cast %add3A_942 : i32 to index
      %get3A_944 = arith.constant 16 : index
      %get3A_945 = tpu.vector_load %arg14[%get3A_943, %get3A_944] {strides = array<i32>} : memref<1536x32xf32, #tpu.memory_space<vmem>>, vector<1x16xf32>,
      %get3A_946 = vector.shape_cast %get3A_945 : vector<1x16xf32> to vector<16xf32>
      %add3A_947 = arith.addf %add3A_929, %get3A_946 : vector<16xf32>
      %mul3A_948 = arith.constant 16 : i32
      %mul3A_949 = arith.muli %scan3A_828, %mul3A_948 : i32
      %add3A_950 = arith.constant 7 : i32
      %add3A_951 = arith.addi %mul3A_949, %add3A_950 : i32
      %get3A_952 = arith.index_cast %add3A_951 : i32 to index
      %get3A_953 = arith.constant 0 : index
      %get3A_954 = tpu.vector_load %arg14[%get3A_952, %get3A_953] {strides = array<i32>} : memref<1536x32xf32, #tpu.memory_space<vmem>>, vector<1x16xf32>,
      %get3A_955 = vector.shape_cast %get3A_954 : vector<1x16xf32> to vector<16xf32>
      %add3A_956 = arith.addf %add3A_938, %get3A_955 : vector<16xf32>
      %mul3A_957 = arith.constant 16 : i32
      %mul3A_958 = arith.muli %scan3A_828, %mul3A_957 : i32
      %add3A_959 = arith.constant 7 : i32
      %add3A_960 = arith.addi %mul3A_958, %add3A_959 : i32
      %get3A_961 = arith.index_cast %add3A_960 : i32 to index
      %get3A_962 = arith.constant 16 : index
      %get3A_963 = tpu.vector_load %arg14[%get3A_961, %get3A_962] {strides = array<i32>} : memref<1536x32xf32, #tpu.memory_space<vmem>>, vector<1x16xf32>,
      %get3A_964 = vector.shape_cast %get3A_963 : vector<1x16xf32> to vector<16xf32>
      %add3A_965 = arith.addf %add3A_947, %get3A_964 : vector<16xf32>
      %mul3A_966 = arith.constant 16 : i32
      %mul3A_967 = arith.muli %scan3A_828, %mul3A_966 : i32
      %add3A_968 = arith.constant 8 : i32
      %add3A_969 = arith.addi %mul3A_967, %add3A_968 : i32
      %get3A_970 = arith.index_cast %add3A_969 : i32 to index
      %get3A_971 = arith.constant 0 : index
      %get3A_972 = tpu.vector_load %arg14[%get3A_970, %get3A_971] {strides = array<i32>} : memref<1536x32xf32, #tpu.memory_space<vmem>>, vector<1x16xf32>,
      %get3A_973 = vector.shape_cast %get3A_972 : vector<1x16xf32> to vector<16xf32>
      %add3A_974 = arith.addf %add3A_956, %get3A_973 : vector<16xf32>
      %mul3A_975 = arith.constant 16 : i32
      %mul3A_976 = arith.muli %scan3A_828, %mul3A_975 : i32
      %add3A_977 = arith.constant 8 : i32
      %add3A_978 = arith.addi %mul3A_976, %add3A_977 : i32
      %get3A_979 = arith.index_cast %add3A_978 : i32 to index
      %get3A_980 = arith.constant 16 : index
      %get3A_981 = tpu.vector_load %arg14[%get3A_979, %get3A_980] {strides = array<i32>} : memref<1536x32xf32, #tpu.memory_space<vmem>>, vector<1x16xf32>,
      %get3A_982 = vector.shape_cast %get3A_981 : vector<1x16xf32> to vector<16xf32>
      %add3A_983 = arith.addf %add3A_965, %get3A_982 : vector<16xf32>
      %mul3A_984 = arith.constant 16 : i32
      %mul3A_985 = arith.muli %scan3A_828, %mul3A_984 : i32
      %add3A_986 = arith.constant 9 : i32
      %add3A_987 = arith.addi %mul3A_985, %add3A_986 : i32
      %get3A_988 = arith.index_cast %add3A_987 : i32 to index
      %get3A_989 = arith.constant 0 : index
      %get3A_990 = tpu.vector_load %arg14[%get3A_988, %get3A_989] {strides = array<i32>} : memref<1536x32xf32, #tpu.memory_space<vmem>>, vector<1x16xf32>,
      %get3A_991 = vector.shape_cast %get3A_990 : vector<1x16xf32> to vector<16xf32>
      %add3A_992 = arith.addf %add3A_974, %get3A_991 : vector<16xf32>
      %mul3A_993 = arith.constant 16 : i32
      %mul3A_994 = arith.muli %scan3A_828, %mul3A_993 : i32
      %add3A_995 = arith.constant 9 : i32
      %add3A_996 = arith.addi %mul3A_994, %add3A_995 : i32
      %get3A_997 = arith.index_cast %add3A_996 : i32 to index
      %get3A_998 = arith.constant 16 : index
      %get3A_999 = tpu.vector_load %arg14[%get3A_997, %get3A_998] {strides = array<i32>} : memref<1536x32xf32, #tpu.memory_space<vmem>>, vector<1x16xf32>,
      %get3A_1000 = vector.shape_cast %get3A_999 : vector<1x16xf32> to vector<16xf32>
      %add3A_1001 = arith.addf %add3A_983, %get3A_1000 : vector<16xf32>
      %mul3A_1002 = arith.constant 16 : i32
      %mul3A_1003 = arith.muli %scan3A_828, %mul3A_1002 : i32
      %add3A_1004 = arith.constant 10 : i32
      %add3A_1005 = arith.addi %mul3A_1003, %add3A_1004 : i32
      %get3A_1006 = arith.index_cast %add3A_1005 : i32 to index
      %get3A_1007 = arith.constant 0 : index
      %get3A_1008 = tpu.vector_load %arg14[%get3A_1006, %get3A_1007] {strides = array<i32>} : memref<1536x32xf32, #tpu.memory_space<vmem>>, vector<1x16xf32>,
      %get3A_1009 = vector.shape_cast %get3A_1008 : vector<1x16xf32> to vector<16xf32>
      %add3A_1010 = arith.addf %add3A_992, %get3A_1009 : vector<16xf32>
      %mul3A_1011 = arith.constant 16 : i32
      %mul3A_1012 = arith.muli %scan3A_828, %mul3A_1011 : i32
      %add3A_1013 = arith.constant 10 : i32
      %add3A_1014 = arith.addi %mul3A_1012, %add3A_1013 : i32
      %get3A_1015 = arith.index_cast %add3A_1014 : i32 to index
      %get3A_1016 = arith.constant 16 : index
      %get3A_1017 = tpu.vector_load %arg14[%get3A_1015, %get3A_1016] {strides = array<i32>} : memref<1536x32xf32, #tpu.memory_space<vmem>>, vector<1x16xf32>,
      %get3A_1018 = vector.shape_cast %get3A_1017 : vector<1x16xf32> to vector<16xf32>
      %add3A_1019 = arith.addf %add3A_1001, %get3A_1018 : vector<16xf32>
      %mul3A_1020 = arith.constant 16 : i32
      %mul3A_1021 = arith.muli %scan3A_828, %mul3A_1020 : i32
      %add3A_1022 = arith.constant 11 : i32
      %add3A_1023 = arith.addi %mul3A_1021, %add3A_1022 : i32
      %get3A_1024 = arith.index_cast %add3A_1023 : i32 to index
      %get3A_1025 = arith.constant 0 : index
      %get3A_1026 = tpu.vector_load %arg14[%get3A_1024, %get3A_1025] {strides = array<i32>} : memref<1536x32xf32, #tpu.memory_space<vmem>>, vector<1x16xf32>,
      %get3A_1027 = vector.shape_cast %get3A_1026 : vector<1x16xf32> to vector<16xf32>
      %add3A_1028 = arith.addf %add3A_1010, %get3A_1027 : vector<16xf32>
      %mul3A_1029 = arith.constant 16 : i32
      %mul3A_1030 = arith.muli %scan3A_828, %mul3A_1029 : i32
      %add3A_1031 = arith.constant 11 : i32
      %add3A_1032 = arith.addi %mul3A_1030, %add3A_1031 : i32
      %get3A_1033 = arith.index_cast %add3A_1032 : i32 to index
      %get3A_1034 = arith.constant 16 : index
      %get3A_1035 = tpu.vector_load %arg14[%get3A_1033, %get3A_1034] {strides = array<i32>} : memref<1536x32xf32, #tpu.memory_space<vmem>>, vector<1x16xf32>,
      %get3A_1036 = vector.shape_cast %get3A_1035 : vector<1x16xf32> to vector<16xf32>
      %add3A_1037 = arith.addf %add3A_1019, %get3A_1036 : vector<16xf32>
      %mul3A_1038 = arith.constant 16 : i32
      %mul3A_1039 = arith.muli %scan3A_828, %mul3A_1038 : i32
      %add3A_1040 = arith.constant 12 : i32
      %add3A_1041 = arith.addi %mul3A_1039, %add3A_1040 : i32
      %get3A_1042 = arith.index_cast %add3A_1041 : i32 to index
      %get3A_1043 = arith.constant 0 : index
      %get3A_1044 = tpu.vector_load %arg14[%get3A_1042, %get3A_1043] {strides = array<i32>} : memref<1536x32xf32, #tpu.memory_space<vmem>>, vector<1x16xf32>,
      %get3A_1045 = vector.shape_cast %get3A_1044 : vector<1x16xf32> to vector<16xf32>
      %add3A_1046 = arith.addf %add3A_1028, %get3A_1045 : vector<16xf32>
      %mul3A_1047 = arith.constant 16 : i32
      %mul3A_1048 = arith.muli %scan3A_828, %mul3A_1047 : i32
      %add3A_1049 = arith.constant 12 : i32
      %add3A_1050 = arith.addi %mul3A_1048, %add3A_1049 : i32
      %get3A_1051 = arith.index_cast %add3A_1050 : i32 to index
      %get3A_1052 = arith.constant 16 : index
      %get3A_1053 = tpu.vector_load %arg14[%get3A_1051, %get3A_1052] {strides = array<i32>} : memref<1536x32xf32, #tpu.memory_space<vmem>>, vector<1x16xf32>,
      %get3A_1054 = vector.shape_cast %get3A_1053 : vector<1x16xf32> to vector<16xf32>
      %add3A_1055 = arith.addf %add3A_1037, %get3A_1054 : vector<16xf32>
      %mul3A_1056 = arith.constant 16 : i32
      %mul3A_1057 = arith.muli %scan3A_828, %mul3A_1056 : i32
      %add3A_1058 = arith.constant 13 : i32
      %add3A_1059 = arith.addi %mul3A_1057, %add3A_1058 : i32
      %get3A_1060 = arith.index_cast %add3A_1059 : i32 to index
      %get3A_1061 = arith.constant 0 : index
      %get3A_1062 = tpu.vector_load %arg14[%get3A_1060, %get3A_1061] {strides = array<i32>} : memref<1536x32xf32, #tpu.memory_space<vmem>>, vector<1x16xf32>,
      %get3A_1063 = vector.shape_cast %get3A_1062 : vector<1x16xf32> to vector<16xf32>
      %add3A_1064 = arith.addf %add3A_1046, %get3A_1063 : vector<16xf32>
      %mul3A_1065 = arith.constant 16 : i32
      %mul3A_1066 = arith.muli %scan3A_828, %mul3A_1065 : i32
      %add3A_1067 = arith.constant 13 : i32
      %add3A_1068 = arith.addi %mul3A_1066, %add3A_1067 : i32
      %get3A_1069 = arith.index_cast %add3A_1068 : i32 to index
      %get3A_1070 = arith.constant 16 : index
      %get3A_1071 = tpu.vector_load %arg14[%get3A_1069, %get3A_1070] {strides = array<i32>} : memref<1536x32xf32, #tpu.memory_space<vmem>>, vector<1x16xf32>,
      %get3A_1072 = vector.shape_cast %get3A_1071 : vector<1x16xf32> to vector<16xf32>
      %add3A_1073 = arith.addf %add3A_1055, %get3A_1072 : vector<16xf32>
      %mul3A_1074 = arith.constant 16 : i32
      %mul3A_1075 = arith.muli %scan3A_828, %mul3A_1074 : i32
      %add3A_1076 = arith.constant 14 : i32
      %add3A_1077 = arith.addi %mul3A_1075, %add3A_1076 : i32
      %get3A_1078 = arith.index_cast %add3A_1077 : i32 to index
      %get3A_1079 = arith.constant 0 : index
      %get3A_1080 = tpu.vector_load %arg14[%get3A_1078, %get3A_1079] {strides = array<i32>} : memref<1536x32xf32, #tpu.memory_space<vmem>>, vector<1x16xf32>,
      %get3A_1081 = vector.shape_cast %get3A_1080 : vector<1x16xf32> to vector<16xf32>
      %add3A_1082 = arith.addf %add3A_1064, %get3A_1081 : vector<16xf32>
      %mul3A_1083 = arith.constant 16 : i32
      %mul3A_1084 = arith.muli %scan3A_828, %mul3A_1083 : i32
      %add3A_1085 = arith.constant 14 : i32
      %add3A_1086 = arith.addi %mul3A_1084, %add3A_1085 : i32
      %get3A_1087 = arith.index_cast %add3A_1086 : i32 to index
      %get3A_1088 = arith.constant 16 : index
      %get3A_1089 = tpu.vector_load %arg14[%get3A_1087, %get3A_1088] {strides = array<i32>} : memref<1536x32xf32, #tpu.memory_space<vmem>>, vector<1x16xf32>,
      %get3A_1090 = vector.shape_cast %get3A_1089 : vector<1x16xf32> to vector<16xf32>
      %add3A_1091 = arith.addf %add3A_1073, %get3A_1090 : vector<16xf32>
      %mul3A_1092 = arith.constant 16 : i32
      %mul3A_1093 = arith.muli %scan3A_828, %mul3A_1092 : i32
      %add3A_1094 = arith.constant 15 : i32
      %add3A_1095 = arith.addi %mul3A_1093, %add3A_1094 : i32
      %get3A_1096 = arith.index_cast %add3A_1095 : i32 to index
      %get3A_1097 = arith.constant 0 : index
      %get3A_1098 = tpu.vector_load %arg14[%get3A_1096, %get3A_1097] {strides = array<i32>} : memref<1536x32xf32, #tpu.memory_space<vmem>>, vector<1x16xf32>,
      %get3A_1099 = vector.shape_cast %get3A_1098 : vector<1x16xf32> to vector<16xf32>
      %add3A_1100 = arith.addf %add3A_1082, %get3A_1099 : vector<16xf32>
      %mul3A_1101 = arith.constant 16 : i32
      %mul3A_1102 = arith.muli %scan3A_828, %mul3A_1101 : i32
      %add3A_1103 = arith.constant 15 : i32
      %add3A_1104 = arith.addi %mul3A_1102, %add3A_1103 : i32
      %get3A_1105 = arith.index_cast %add3A_1104 : i32 to index
      %get3A_1106 = arith.constant 16 : index
      %get3A_1107 = tpu.vector_load %arg14[%get3A_1105, %get3A_1106] {strides = array<i32>} : memref<1536x32xf32, #tpu.memory_space<vmem>>, vector<1x16xf32>,
      %get3A_1108 = vector.shape_cast %get3A_1107 : vector<1x16xf32> to vector<16xf32>
      %add3A_1109 = arith.addf %add3A_1091, %get3A_1108 : vector<16xf32>
      %get3A_1110 = arith.index_cast %scan3A_828 : i32 to index
      %get3A_1111 = arith.constant 0 : index
      %get3A_1112 = tpu.vector_load %arg11[%get3A_1110, %get3A_1111] {strides = array<i32>} : memref<96x32xi32, #tpu.memory_space<vmem>>, vector<1x16xi32>,
      %get3A_1113 = vector.shape_cast %get3A_1112 : vector<1x16xi32> to vector<16xi32>
      %slice3A = vector.extract_strided_slice %get3A_1113 {offsets = [0], sizes = [1], strides = [1]} : vector<16xi32> to vector<1xi32>
      %squeeze3A = vector.extract %slice3A[0] : i32 from vector<1xi32>
      %ne3A = arith.constant 0 : i32
      %ne3A_1114 = arith.cmpi ne, %squeeze3A, %ne3A : i32
      %jit3A = arith.constant 1 : i32
      %jit3A_1115 = arith.constant 0 : i32
      %select_n3A = arith.select %ne3A_1114, %jit3A, %jit3A_1115 : i32
      %add3A_1116 = arith.constant 0 : i32
      %add3A_1117 = arith.addi %add3A_1116, %select_n3A : i32
      %slice3A_1118 = vector.extract_strided_slice %get3A_1113 {offsets = [1], sizes = [1], strides = [1]} : vector<16xi32> to vector<1xi32>
      %squeeze3A_1119 = vector.extract %slice3A_1118[0] : i32 from vector<1xi32>
      %ne3A_1120 = arith.constant 0 : i32
      %ne3A_1121 = arith.cmpi ne, %squeeze3A_1119, %ne3A_1120 : i32
      %jit3A_1122 = arith.constant 1 : i32
      %jit3A_1123 = arith.constant 0 : i32
      %select_n3A_1124 = arith.select %ne3A_1121, %jit3A_1122, %jit3A_1123 : i32
      %add3A_1125 = arith.addi %add3A_1117, %select_n3A_1124 : i32
      %slice3A_1126 = vector.extract_strided_slice %get3A_1113 {offsets = [2], sizes = [1], strides = [1]} : vector<16xi32> to vector<1xi32>
      %squeeze3A_1127 = vector.extract %slice3A_1126[0] : i32 from vector<1xi32>
      %ne3A_1128 = arith.constant 0 : i32
      %ne3A_1129 = arith.cmpi ne, %squeeze3A_1127, %ne3A_1128 : i32
      %jit3A_1130 = arith.constant 1 : i32
      %jit3A_1131 = arith.constant 0 : i32
      %select_n3A_1132 = arith.select %ne3A_1129, %jit3A_1130, %jit3A_1131 : i32
      %add3A_1133 = arith.addi %add3A_1125, %select_n3A_1132 : i32
      %slice3A_1134 = vector.extract_strided_slice %get3A_1113 {offsets = [3], sizes = [1], strides = [1]} : vector<16xi32> to vector<1xi32>
      %squeeze3A_1135 = vector.extract %slice3A_1134[0] : i32 from vector<1xi32>
      %ne3A_1136 = arith.constant 0 : i32
      %ne3A_1137 = arith.cmpi ne, %squeeze3A_1135, %ne3A_1136 : i32
      %jit3A_1138 = arith.constant 1 : i32
      %jit3A_1139 = arith.constant 0 : i32
      %select_n3A_1140 = arith.select %ne3A_1137, %jit3A_1138, %jit3A_1139 : i32
      %add3A_1141 = arith.addi %add3A_1133, %select_n3A_1140 : i32
      %slice3A_1142 = vector.extract_strided_slice %get3A_1113 {offsets = [4], sizes = [1], strides = [1]} : vector<16xi32> to vector<1xi32>
      %squeeze3A_1143 = vector.extract %slice3A_1142[0] : i32 from vector<1xi32>
      %ne3A_1144 = arith.constant 0 : i32
      %ne3A_1145 = arith.cmpi ne, %squeeze3A_1143, %ne3A_1144 : i32
      %jit3A_1146 = arith.constant 1 : i32
      %jit3A_1147 = arith.constant 0 : i32
      %select_n3A_1148 = arith.select %ne3A_1145, %jit3A_1146, %jit3A_1147 : i32
      %add3A_1149 = arith.addi %add3A_1141, %select_n3A_1148 : i32
      %slice3A_1150 = vector.extract_strided_slice %get3A_1113 {offsets = [5], sizes = [1], strides = [1]} : vector<16xi32> to vector<1xi32>
      %squeeze3A_1151 = vector.extract %slice3A_1150[0] : i32 from vector<1xi32>
      %ne3A_1152 = arith.constant 0 : i32
      %ne3A_1153 = arith.cmpi ne, %squeeze3A_1151, %ne3A_1152 : i32
      %jit3A_1154 = arith.constant 1 : i32
      %jit3A_1155 = arith.constant 0 : i32
      %select_n3A_1156 = arith.select %ne3A_1153, %jit3A_1154, %jit3A_1155 : i32
      %add3A_1157 = arith.addi %add3A_1149, %select_n3A_1156 : i32
      %slice3A_1158 = vector.extract_strided_slice %get3A_1113 {offsets = [6], sizes = [1], strides = [1]} : vector<16xi32> to vector<1xi32>
      %squeeze3A_1159 = vector.extract %slice3A_1158[0] : i32 from vector<1xi32>
      %ne3A_1160 = arith.constant 0 : i32
      %ne3A_1161 = arith.cmpi ne, %squeeze3A_1159, %ne3A_1160 : i32
      %jit3A_1162 = arith.constant 1 : i32
      %jit3A_1163 = arith.constant 0 : i32
      %select_n3A_1164 = arith.select %ne3A_1161, %jit3A_1162, %jit3A_1163 : i32
      %add3A_1165 = arith.addi %add3A_1157, %select_n3A_1164 : i32
      %slice3A_1166 = vector.extract_strided_slice %get3A_1113 {offsets = [7], sizes = [1], strides = [1]} : vector<16xi32> to vector<1xi32>
      %squeeze3A_1167 = vector.extract %slice3A_1166[0] : i32 from vector<1xi32>
      %ne3A_1168 = arith.constant 0 : i32
      %ne3A_1169 = arith.cmpi ne, %squeeze3A_1167, %ne3A_1168 : i32
      %jit3A_1170 = arith.constant 1 : i32
      %jit3A_1171 = arith.constant 0 : i32
      %select_n3A_1172 = arith.select %ne3A_1169, %jit3A_1170, %jit3A_1171 : i32
      %add3A_1173 = arith.addi %add3A_1165, %select_n3A_1172 : i32
      %slice3A_1174 = vector.extract_strided_slice %get3A_1113 {offsets = [8], sizes = [1], strides = [1]} : vector<16xi32> to vector<1xi32>
      %squeeze3A_1175 = vector.extract %slice3A_1174[0] : i32 from vector<1xi32>
      %ne3A_1176 = arith.constant 0 : i32
      %ne3A_1177 = arith.cmpi ne, %squeeze3A_1175, %ne3A_1176 : i32
      %jit3A_1178 = arith.constant 1 : i32
      %jit3A_1179 = arith.constant 0 : i32
      %select_n3A_1180 = arith.select %ne3A_1177, %jit3A_1178, %jit3A_1179 : i32
      %add3A_1181 = arith.addi %add3A_1173, %select_n3A_1180 : i32
      %slice3A_1182 = vector.extract_strided_slice %get3A_1113 {offsets = [9], sizes = [1], strides = [1]} : vector<16xi32> to vector<1xi32>
      %squeeze3A_1183 = vector.extract %slice3A_1182[0] : i32 from vector<1xi32>
      %ne3A_1184 = arith.constant 0 : i32
      %ne3A_1185 = arith.cmpi ne, %squeeze3A_1183, %ne3A_1184 : i32
      %jit3A_1186 = arith.constant 1 : i32
      %jit3A_1187 = arith.constant 0 : i32
      %select_n3A_1188 = arith.select %ne3A_1185, %jit3A_1186, %jit3A_1187 : i32
      %add3A_1189 = arith.addi %add3A_1181, %select_n3A_1188 : i32
      %slice3A_1190 = vector.extract_strided_slice %get3A_1113 {offsets = [10], sizes = [1], strides = [1]} : vector<16xi32> to vector<1xi32>
      %squeeze3A_1191 = vector.extract %slice3A_1190[0] : i32 from vector<1xi32>
      %ne3A_1192 = arith.constant 0 : i32
      %ne3A_1193 = arith.cmpi ne, %squeeze3A_1191, %ne3A_1192 : i32
      %jit3A_1194 = arith.constant 1 : i32
      %jit3A_1195 = arith.constant 0 : i32
      %select_n3A_1196 = arith.select %ne3A_1193, %jit3A_1194, %jit3A_1195 : i32
      %add3A_1197 = arith.addi %add3A_1189, %select_n3A_1196 : i32
      %slice3A_1198 = vector.extract_strided_slice %get3A_1113 {offsets = [11], sizes = [1], strides = [1]} : vector<16xi32> to vector<1xi32>
      %squeeze3A_1199 = vector.extract %slice3A_1198[0] : i32 from vector<1xi32>
      %ne3A_1200 = arith.constant 0 : i32
      %ne3A_1201 = arith.cmpi ne, %squeeze3A_1199, %ne3A_1200 : i32
      %jit3A_1202 = arith.constant 1 : i32
      %jit3A_1203 = arith.constant 0 : i32
      %select_n3A_1204 = arith.select %ne3A_1201, %jit3A_1202, %jit3A_1203 : i32
      %add3A_1205 = arith.addi %add3A_1197, %select_n3A_1204 : i32
      %slice3A_1206 = vector.extract_strided_slice %get3A_1113 {offsets = [12], sizes = [1], strides = [1]} : vector<16xi32> to vector<1xi32>
      %squeeze3A_1207 = vector.extract %slice3A_1206[0] : i32 from vector<1xi32>
      %ne3A_1208 = arith.constant 0 : i32
      %ne3A_1209 = arith.cmpi ne, %squeeze3A_1207, %ne3A_1208 : i32
      %jit3A_1210 = arith.constant 1 : i32
      %jit3A_1211 = arith.constant 0 : i32
      %select_n3A_1212 = arith.select %ne3A_1209, %jit3A_1210, %jit3A_1211 : i32
      %add3A_1213 = arith.addi %add3A_1205, %select_n3A_1212 : i32
      %slice3A_1214 = vector.extract_strided_slice %get3A_1113 {offsets = [13], sizes = [1], strides = [1]} : vector<16xi32> to vector<1xi32>
      %squeeze3A_1215 = vector.extract %slice3A_1214[0] : i32 from vector<1xi32>
      %ne3A_1216 = arith.constant 0 : i32
      %ne3A_1217 = arith.cmpi ne, %squeeze3A_1215, %ne3A_1216 : i32
      %jit3A_1218 = arith.constant 1 : i32
      %jit3A_1219 = arith.constant 0 : i32
      %select_n3A_1220 = arith.select %ne3A_1217, %jit3A_1218, %jit3A_1219 : i32
      %add3A_1221 = arith.addi %add3A_1213, %select_n3A_1220 : i32
      %slice3A_1222 = vector.extract_strided_slice %get3A_1113 {offsets = [14], sizes = [1], strides = [1]} : vector<16xi32> to vector<1xi32>
      %squeeze3A_1223 = vector.extract %slice3A_1222[0] : i32 from vector<1xi32>
      %ne3A_1224 = arith.constant 0 : i32
      %ne3A_1225 = arith.cmpi ne, %squeeze3A_1223, %ne3A_1224 : i32
      %jit3A_1226 = arith.constant 1 : i32
      %jit3A_1227 = arith.constant 0 : i32
      %select_n3A_1228 = arith.select %ne3A_1225, %jit3A_1226, %jit3A_1227 : i32
      %add3A_1229 = arith.addi %add3A_1221, %select_n3A_1228 : i32
      %slice3A_1230 = vector.extract_strided_slice %get3A_1113 {offsets = [15], sizes = [1], strides = [1]} : vector<16xi32> to vector<1xi32>
      %squeeze3A_1231 = vector.extract %slice3A_1230[0] : i32 from vector<1xi32>
      %ne3A_1232 = arith.constant 0 : i32
      %ne3A_1233 = arith.cmpi ne, %squeeze3A_1231, %ne3A_1232 : i32
      %jit3A_1234 = arith.constant 1 : i32
      %jit3A_1235 = arith.constant 0 : i32
      %select_n3A_1236 = arith.select %ne3A_1233, %jit3A_1234, %jit3A_1235 : i32
      %add3A_1237 = arith.addi %add3A_1229, %select_n3A_1236 : i32
      %eq3A = arith.constant 2 : i32
      %eq3A_1238 = arith.cmpi eq, %add3A_1237, %eq3A : i32
      %jit3A_1239 = arith.constant 5.000000e-01 : f32
      %jit3A_1240 = arith.constant 1.000000e+00 : f32
      %select_n3A_1241 = arith.select %eq3A_1238, %jit3A_1239, %jit3A_1240 : f32
      %eq3A_1242 = arith.constant 3 : i32
      %eq3A_1243 = arith.cmpi eq, %add3A_1237, %eq3A_1242 : i32
      %jit3A_1244 = arith.constant 0.333333343 : f32
      %select_n3A_1245 = arith.select %eq3A_1243, %jit3A_1244, %select_n3A_1241 : f32
      %eq3A_1246 = arith.constant 4 : i32
      %eq3A_1247 = arith.cmpi eq, %add3A_1237, %eq3A_1246 : i32
      %jit3A_1248 = arith.constant 2.500000e-01 : f32
      %select_n3A_1249 = arith.select %eq3A_1247, %jit3A_1248, %select_n3A_1245 : f32
      %eq3A_1250 = arith.constant 5 : i32
      %eq3A_1251 = arith.cmpi eq, %add3A_1237, %eq3A_1250 : i32
      %jit3A_1252 = arith.constant 2.000000e-01 : f32
      %select_n3A_1253 = arith.select %eq3A_1251, %jit3A_1252, %select_n3A_1249 : f32
      %eq3A_1254 = arith.constant 6 : i32
      %eq3A_1255 = arith.cmpi eq, %add3A_1237, %eq3A_1254 : i32
      %jit3A_1256 = arith.constant 0.166666672 : f32
      %select_n3A_1257 = arith.select %eq3A_1255, %jit3A_1256, %select_n3A_1253 : f32
      %eq3A_1258 = arith.constant 7 : i32
      %eq3A_1259 = arith.cmpi eq, %add3A_1237, %eq3A_1258 : i32
      %jit3A_1260 = arith.constant 0.142857149 : f32
      %select_n3A_1261 = arith.select %eq3A_1259, %jit3A_1260, %select_n3A_1257 : f32
      %eq3A_1262 = arith.constant 8 : i32
      %eq3A_1263 = arith.cmpi eq, %add3A_1237, %eq3A_1262 : i32
      %jit3A_1264 = arith.constant 1.250000e-01 : f32
      %select_n3A_1265 = arith.select %eq3A_1263, %jit3A_1264, %select_n3A_1261 : f32
      %eq3A_1266 = arith.constant 9 : i32
      %eq3A_1267 = arith.cmpi eq, %add3A_1237, %eq3A_1266 : i32
      %jit3A_1268 = arith.constant 0.111111112 : f32
      %select_n3A_1269 = arith.select %eq3A_1267, %jit3A_1268, %select_n3A_1265 : f32
      %eq3A_1270 = arith.constant 10 : i32
      %eq3A_1271 = arith.cmpi eq, %add3A_1237, %eq3A_1270 : i32
      %jit3A_1272 = arith.constant 1.000000e-01 : f32
      %select_n3A_1273 = arith.select %eq3A_1271, %jit3A_1272, %select_n3A_1269 : f32
      %eq3A_1274 = arith.constant 11 : i32
      %eq3A_1275 = arith.cmpi eq, %add3A_1237, %eq3A_1274 : i32
      %jit3A_1276 = arith.constant 0.0909090936 : f32
      %select_n3A_1277 = arith.select %eq3A_1275, %jit3A_1276, %select_n3A_1273 : f32
      %eq3A_1278 = arith.constant 12 : i32
      %eq3A_1279 = arith.cmpi eq, %add3A_1237, %eq3A_1278 : i32
      %jit3A_1280 = arith.constant 0.0833333358 : f32
      %select_n3A_1281 = arith.select %eq3A_1279, %jit3A_1280, %select_n3A_1277 : f32
      %eq3A_1282 = arith.constant 13 : i32
      %eq3A_1283 = arith.cmpi eq, %add3A_1237, %eq3A_1282 : i32
      %jit3A_1284 = arith.constant 0.0769230798 : f32
      %select_n3A_1285 = arith.select %eq3A_1283, %jit3A_1284, %select_n3A_1281 : f32
      %eq3A_1286 = arith.constant 14 : i32
      %eq3A_1287 = arith.cmpi eq, %add3A_1237, %eq3A_1286 : i32
      %jit3A_1288 = arith.constant 0.0714285746 : f32
      %select_n3A_1289 = arith.select %eq3A_1287, %jit3A_1288, %select_n3A_1285 : f32
      %eq3A_1290 = arith.constant 15 : i32
      %eq3A_1291 = arith.cmpi eq, %add3A_1237, %eq3A_1290 : i32
      %jit3A_1292 = arith.constant 0.0666666701 : f32
      %select_n3A_1293 = arith.select %eq3A_1291, %jit3A_1292, %select_n3A_1289 : f32
      %eq3A_1294 = arith.constant 16 : i32
      %eq3A_1295 = arith.cmpi eq, %add3A_1237, %eq3A_1294 : i32
      %jit3A_1296 = arith.constant 6.250000e-02 : f32
      %select_n3A_1297 = arith.select %eq3A_1295, %jit3A_1296, %select_n3A_1293 : f32
      %mul3A_1298 = vector.broadcast %select_n3A_1297 : f32 to vector<16xf32>
      %mul3A_1299 = arith.mulf %add3A_1100, %mul3A_1298 : vector<16xf32>
      %swap3A = arith.index_cast %scan3A_828 : i32 to index
      %swap3A_1300 = arith.constant 0 : index
      %swap3A_1301 = tpu.vector_load %arg15[%swap3A, %swap3A_1300] {strides = array<i32>} : memref<96x64xf32, #tpu.memory_space<vmem>>, vector<1x16xf32>,
      %swap3A_1302 = vector.shape_cast %swap3A_1301 : vector<1x16xf32> to vector<16xf32>
      %swap3A_1303 = vector.shape_cast %mul3A_1299 : vector<16xf32> to vector<1x16xf32>
      tpu.vector_store %arg15[%swap3A, %swap3A_1300], %swap3A_1303 {strides = array<i32>} : memref<96x64xf32, #tpu.memory_space<vmem>>, vector<1x16xf32>,
      %mul3A_1304 = vector.broadcast %select_n3A_1297 : f32 to vector<16xf32>
      %mul3A_1305 = arith.mulf %add3A_1109, %mul3A_1304 : vector<16xf32>
      %swap3A_1306 = arith.index_cast %scan3A_828 : i32 to index
      %swap3A_1307 = arith.constant 16 : index
      %swap3A_1308 = tpu.vector_load %arg15[%swap3A_1306, %swap3A_1307] {strides = array<i32>} : memref<96x64xf32, #tpu.memory_space<vmem>>, vector<1x16xf32>,
      %swap3A_1309 = vector.shape_cast %swap3A_1308 : vector<1x16xf32> to vector<16xf32>
      %swap3A_1310 = vector.shape_cast %mul3A_1305 : vector<16xf32> to vector<1x16xf32>
      tpu.vector_store %arg15[%swap3A_1306, %swap3A_1307], %swap3A_1310 {strides = array<i32>} : memref<96x64xf32, #tpu.memory_space<vmem>>, vector<1x16xf32>,
    }
    %scan3A_629 = arith.constant 96 : i32
    %dma_start3A_630 = arith.constant 0 : i32
    %dma_start3A_631 = arith.constant 0 : i32
    %dma_start3A_632 = tpu.memref_slice %arg14[%dma_start3A_630, %dma_start3A_631] : memref<1536x32xf32, #tpu.memory_space<vmem>> -> memref<128x32xf32, #tpu.memory_space<vmem>>
    %dma_start3A_633 = arith.constant 0 : i32
    %dma_start3A_634 = tpu.memref_slice %arg13[%dma_start3A_633] : memref<1536xi32, #tpu.memory_space<vmem>> -> memref<128xi32, #tpu.memory_space<vmem>>
    %dma_start3A_635 = arith.constant 0 : i32
    %dma_start3A_636 = arith.constant 0 : i32
    %dma_start3A_637 = tpu.memref_slice %arg6[%dma_start3A_635, %dma_start3A_636] : memref<50001x32xf32, #tpu.memory_space<hbm>> -> memref<50001x32xf32, #tpu.memory_space<hbm>>
    tpu.enqueue_indirect_dma source(%dma_start3A_637 : memref<50001x32xf32, #tpu.memory_space<hbm>>) target(%dma_start3A_632 : memref<128x32xf32, #tpu.memory_space<vmem>>) offsets(%dma_start3A_634 : memref<128xi32, #tpu.memory_space<vmem>>) semaphore(%arg17 : memref<!tpu.dma_semaphore, #tpu.memory_space<semaphore_mem>>)
    %dma_start3A_638 = arith.constant 128 : i32
    %dma_start3A_639 = arith.constant 0 : i32
    %dma_start3A_640 = tpu.memref_slice %arg14[%dma_start3A_638, %dma_start3A_639] : memref<1536x32xf32, #tpu.memory_space<vmem>> -> memref<128x32xf32, #tpu.memory_space<vmem>>
    %dma_start3A_641 = arith.constant 128 : i32
    %dma_start3A_642 = tpu.memref_slice %arg13[%dma_start3A_641] : memref<1536xi32, #tpu.memory_space<vmem>> -> memref<128xi32, #tpu.memory_space<vmem>>
    %dma_start3A_643 = arith.constant 0 : i32
    %dma_start3A_644 = arith.constant 0 : i32
    %dma_start3A_645 = tpu.memref_slice %arg6[%dma_start3A_643, %dma_start3A_644] : memref<50001x32xf32, #tpu.memory_space<hbm>> -> memref<50001x32xf32, #tpu.memory_space<hbm>>
    tpu.enqueue_indirect_dma source(%dma_start3A_645 : memref<50001x32xf32, #tpu.memory_space<hbm>>) target(%dma_start3A_640 : memref<128x32xf32, #tpu.memory_space<vmem>>) offsets(%dma_start3A_642 : memref<128xi32, #tpu.memory_space<vmem>>) semaphore(%arg17 : memref<!tpu.dma_semaphore, #tpu.memory_space<semaphore_mem>>)
    %dma_start3A_646 = arith.constant 256 : i32
    %dma_start3A_647 = arith.constant 0 : i32
    %dma_start3A_648 = tpu.memref_slice %arg14[%dma_start3A_646, %dma_start3A_647] : memref<1536x32xf32, #tpu.memory_space<vmem>> -> memref<128x32xf32, #tpu.memory_space<vmem>>
    %dma_start3A_649 = arith.constant 256 : i32
    %dma_start3A_650 = tpu.memref_slice %arg13[%dma_start3A_649] : memref<1536xi32, #tpu.memory_space<vmem>> -> memref<128xi32, #tpu.memory_space<vmem>>
    %dma_start3A_651 = arith.constant 0 : i32
    %dma_start3A_652 = arith.constant 0 : i32
    %dma_start3A_653 = tpu.memref_slice %arg6[%dma_start3A_651, %dma_start3A_652] : memref<50001x32xf32, #tpu.memory_space<hbm>> -> memref<50001x32xf32, #tpu.memory_space<hbm>>
    tpu.enqueue_indirect_dma source(%dma_start3A_653 : memref<50001x32xf32, #tpu.memory_space<hbm>>) target(%dma_start3A_648 : memref<128x32xf32, #tpu.memory_space<vmem>>) offsets(%dma_start3A_650 : memref<128xi32, #tpu.memory_space<vmem>>) semaphore(%arg17 : memref<!tpu.dma_semaphore, #tpu.memory_space<semaphore_mem>>)
    %dma_start3A_654 = arith.constant 384 : i32
    %dma_start3A_655 = arith.constant 0 : i32
    %dma_start3A_656 = tpu.memref_slice %arg14[%dma_start3A_654, %dma_start3A_655] : memref<1536x32xf32, #tpu.memory_space<vmem>> -> memref<128x32xf32, #tpu.memory_space<vmem>>
    %dma_start3A_657 = arith.constant 384 : i32
    %dma_start3A_658 = tpu.memref_slice %arg13[%dma_start3A_657] : memref<1536xi32, #tpu.memory_space<vmem>> -> memref<128xi32, #tpu.memory_space<vmem>>
    %dma_start3A_659 = arith.constant 0 : i32
    %dma_start3A_660 = arith.constant 0 : i32
    %dma_start3A_661 = tpu.memref_slice %arg6[%dma_start3A_659, %dma_start3A_660] : memref<50001x32xf32, #tpu.memory_space<hbm>> -> memref<50001x32xf32, #tpu.memory_space<hbm>>
    tpu.enqueue_indirect_dma source(%dma_start3A_661 : memref<50001x32xf32, #tpu.memory_space<hbm>>) target(%dma_start3A_656 : memref<128x32xf32, #tpu.memory_space<vmem>>) offsets(%dma_start3A_658 : memref<128xi32, #tpu.memory_space<vmem>>) semaphore(%arg17 : memref<!tpu.dma_semaphore, #tpu.memory_space<semaphore_mem>>)
    %dma_start3A_662 = arith.constant 512 : i32
    %dma_start3A_663 = arith.constant 0 : i32
    %dma_start3A_664 = tpu.memref_slice %arg14[%dma_start3A_662, %dma_start3A_663] : memref<1536x32xf32, #tpu.memory_space<vmem>> -> memref<128x32xf32, #tpu.memory_space<vmem>>
    %dma_start3A_665 = arith.constant 512 : i32
    %dma_start3A_666 = tpu.memref_slice %arg13[%dma_start3A_665] : memref<1536xi32, #tpu.memory_space<vmem>> -> memref<128xi32, #tpu.memory_space<vmem>>
    %dma_start3A_667 = arith.constant 0 : i32
    %dma_start3A_668 = arith.constant 0 : i32
    %dma_start3A_669 = tpu.memref_slice %arg6[%dma_start3A_667, %dma_start3A_668] : memref<50001x32xf32, #tpu.memory_space<hbm>> -> memref<50001x32xf32, #tpu.memory_space<hbm>>
    tpu.enqueue_indirect_dma source(%dma_start3A_669 : memref<50001x32xf32, #tpu.memory_space<hbm>>) target(%dma_start3A_664 : memref<128x32xf32, #tpu.memory_space<vmem>>) offsets(%dma_start3A_666 : memref<128xi32, #tpu.memory_space<vmem>>) semaphore(%arg17 : memref<!tpu.dma_semaphore, #tpu.memory_space<semaphore_mem>>)
    %dma_start3A_670 = arith.constant 640 : i32
    %dma_start3A_671 = arith.constant 0 : i32
    %dma_start3A_672 = tpu.memref_slice %arg14[%dma_start3A_670, %dma_start3A_671] : memref<1536x32xf32, #tpu.memory_space<vmem>> -> memref<128x32xf32, #tpu.memory_space<vmem>>
    %dma_start3A_673 = arith.constant 640 : i32
    %dma_start3A_674 = tpu.memref_slice %arg13[%dma_start3A_673] : memref<1536xi32, #tpu.memory_space<vmem>> -> memref<128xi32, #tpu.memory_space<vmem>>
    %dma_start3A_675 = arith.constant 0 : i32
    %dma_start3A_676 = arith.constant 0 : i32
    %dma_start3A_677 = tpu.memref_slice %arg6[%dma_start3A_675, %dma_start3A_676] : memref<50001x32xf32, #tpu.memory_space<hbm>> -> memref<50001x32xf32, #tpu.memory_space<hbm>>
    tpu.enqueue_indirect_dma source(%dma_start3A_677 : memref<50001x32xf32, #tpu.memory_space<hbm>>) target(%dma_start3A_672 : memref<128x32xf32, #tpu.memory_space<vmem>>) offsets(%dma_start3A_674 : memref<128xi32, #tpu.memory_space<vmem>>) semaphore(%arg17 : memref<!tpu.dma_semaphore, #tpu.memory_space<semaphore_mem>>)
    %dma_start3A_678 = arith.constant 768 : i32
    %dma_start3A_679 = arith.constant 0 : i32
    %dma_start3A_680 = tpu.memref_slice %arg14[%dma_start3A_678, %dma_start3A_679] : memref<1536x32xf32, #tpu.memory_space<vmem>> -> memref<128x32xf32, #tpu.memory_space<vmem>>
    %dma_start3A_681 = arith.constant 768 : i32
    %dma_start3A_682 = tpu.memref_slice %arg13[%dma_start3A_681] : memref<1536xi32, #tpu.memory_space<vmem>> -> memref<128xi32, #tpu.memory_space<vmem>>
    %dma_start3A_683 = arith.constant 0 : i32
    %dma_start3A_684 = arith.constant 0 : i32
    %dma_start3A_685 = tpu.memref_slice %arg6[%dma_start3A_683, %dma_start3A_684] : memref<50001x32xf32, #tpu.memory_space<hbm>> -> memref<50001x32xf32, #tpu.memory_space<hbm>>
    tpu.enqueue_indirect_dma source(%dma_start3A_685 : memref<50001x32xf32, #tpu.memory_space<hbm>>) target(%dma_start3A_680 : memref<128x32xf32, #tpu.memory_space<vmem>>) offsets(%dma_start3A_682 : memref<128xi32, #tpu.memory_space<vmem>>) semaphore(%arg17 : memref<!tpu.dma_semaphore, #tpu.memory_space<semaphore_mem>>)
    %dma_start3A_686 = arith.constant 896 : i32
    %dma_start3A_687 = arith.constant 0 : i32
    %dma_start3A_688 = tpu.memref_slice %arg14[%dma_start3A_686, %dma_start3A_687] : memref<1536x32xf32, #tpu.memory_space<vmem>> -> memref<128x32xf32, #tpu.memory_space<vmem>>
    %dma_start3A_689 = arith.constant 896 : i32
    %dma_start3A_690 = tpu.memref_slice %arg13[%dma_start3A_689] : memref<1536xi32, #tpu.memory_space<vmem>> -> memref<128xi32, #tpu.memory_space<vmem>>
    %dma_start3A_691 = arith.constant 0 : i32
    %dma_start3A_692 = arith.constant 0 : i32
    %dma_start3A_693 = tpu.memref_slice %arg6[%dma_start3A_691, %dma_start3A_692] : memref<50001x32xf32, #tpu.memory_space<hbm>> -> memref<50001x32xf32, #tpu.memory_space<hbm>>
    tpu.enqueue_indirect_dma source(%dma_start3A_693 : memref<50001x32xf32, #tpu.memory_space<hbm>>) target(%dma_start3A_688 : memref<128x32xf32, #tpu.memory_space<vmem>>) offsets(%dma_start3A_690 : memref<128xi32, #tpu.memory_space<vmem>>) semaphore(%arg17 : memref<!tpu.dma_semaphore, #tpu.memory_space<semaphore_mem>>)
    %dma_start3A_694 = arith.constant 1024 : i32
    %dma_start3A_695 = arith.constant 0 : i32
    %dma_start3A_696 = tpu.memref_slice %arg14[%dma_start3A_694, %dma_start3A_695] : memref<1536x32xf32, #tpu.memory_space<vmem>> -> memref<128x32xf32, #tpu.memory_space<vmem>>
    %dma_start3A_697 = arith.constant 1024 : i32
    %dma_start3A_698 = tpu.memref_slice %arg13[%dma_start3A_697] : memref<1536xi32, #tpu.memory_space<vmem>> -> memref<128xi32, #tpu.memory_space<vmem>>
    %dma_start3A_699 = arith.constant 0 : i32
    %dma_start3A_700 = arith.constant 0 : i32
    %dma_start3A_701 = tpu.memref_slice %arg6[%dma_start3A_699, %dma_start3A_700] : memref<50001x32xf32, #tpu.memory_space<hbm>> -> memref<50001x32xf32, #tpu.memory_space<hbm>>
    tpu.enqueue_indirect_dma source(%dma_start3A_701 : memref<50001x32xf32, #tpu.memory_space<hbm>>) target(%dma_start3A_696 : memref<128x32xf32, #tpu.memory_space<vmem>>) offsets(%dma_start3A_698 : memref<128xi32, #tpu.memory_space<vmem>>) semaphore(%arg17 : memref<!tpu.dma_semaphore, #tpu.memory_space<semaphore_mem>>)
    %dma_start3A_702 = arith.constant 1152 : i32
    %dma_start3A_703 = arith.constant 0 : i32
    %dma_start3A_704 = tpu.memref_slice %arg14[%dma_start3A_702, %dma_start3A_703] : memref<1536x32xf32, #tpu.memory_space<vmem>> -> memref<128x32xf32, #tpu.memory_space<vmem>>
    %dma_start3A_705 = arith.constant 1152 : i32
    %dma_start3A_706 = tpu.memref_slice %arg13[%dma_start3A_705] : memref<1536xi32, #tpu.memory_space<vmem>> -> memref<128xi32, #tpu.memory_space<vmem>>
    %dma_start3A_707 = arith.constant 0 : i32
    %dma_start3A_708 = arith.constant 0 : i32
    %dma_start3A_709 = tpu.memref_slice %arg6[%dma_start3A_707, %dma_start3A_708] : memref<50001x32xf32, #tpu.memory_space<hbm>> -> memref<50001x32xf32, #tpu.memory_space<hbm>>
    tpu.enqueue_indirect_dma source(%dma_start3A_709 : memref<50001x32xf32, #tpu.memory_space<hbm>>) target(%dma_start3A_704 : memref<128x32xf32, #tpu.memory_space<vmem>>) offsets(%dma_start3A_706 : memref<128xi32, #tpu.memory_space<vmem>>) semaphore(%arg17 : memref<!tpu.dma_semaphore, #tpu.memory_space<semaphore_mem>>)
    %dma_start3A_710 = arith.constant 1280 : i32
    %dma_start3A_711 = arith.constant 0 : i32
    %dma_start3A_712 = tpu.memref_slice %arg14[%dma_start3A_710, %dma_start3A_711] : memref<1536x32xf32, #tpu.memory_space<vmem>> -> memref<128x32xf32, #tpu.memory_space<vmem>>
    %dma_start3A_713 = arith.constant 1280 : i32
    %dma_start3A_714 = tpu.memref_slice %arg13[%dma_start3A_713] : memref<1536xi32, #tpu.memory_space<vmem>> -> memref<128xi32, #tpu.memory_space<vmem>>
    %dma_start3A_715 = arith.constant 0 : i32
    %dma_start3A_716 = arith.constant 0 : i32
    %dma_start3A_717 = tpu.memref_slice %arg6[%dma_start3A_715, %dma_start3A_716] : memref<50001x32xf32, #tpu.memory_space<hbm>> -> memref<50001x32xf32, #tpu.memory_space<hbm>>
    tpu.enqueue_indirect_dma source(%dma_start3A_717 : memref<50001x32xf32, #tpu.memory_space<hbm>>) target(%dma_start3A_712 : memref<128x32xf32, #tpu.memory_space<vmem>>) offsets(%dma_start3A_714 : memref<128xi32, #tpu.memory_space<vmem>>) semaphore(%arg17 : memref<!tpu.dma_semaphore, #tpu.memory_space<semaphore_mem>>)
    %dma_start3A_718 = arith.constant 1408 : i32
    %dma_start3A_719 = arith.constant 0 : i32
    %dma_start3A_720 = tpu.memref_slice %arg14[%dma_start3A_718, %dma_start3A_719] : memref<1536x32xf32, #tpu.memory_space<vmem>> -> memref<128x32xf32, #tpu.memory_space<vmem>>
    %dma_start3A_721 = arith.constant 1408 : i32
    %dma_start3A_722 = tpu.memref_slice %arg13[%dma_start3A_721] : memref<1536xi32, #tpu.memory_space<vmem>> -> memref<128xi32, #tpu.memory_space<vmem>>
    %dma_start3A_723 = arith.constant 0 : i32
    %dma_start3A_724 = arith.constant 0 : i32
    %dma_start3A_725 = tpu.memref_slice %arg6[%dma_start3A_723, %dma_start3A_724] : memref<50001x32xf32, #tpu.memory_space<hbm>> -> memref<50001x32xf32, #tpu.memory_space<hbm>>
    tpu.enqueue_indirect_dma source(%dma_start3A_725 : memref<50001x32xf32, #tpu.memory_space<hbm>>) target(%dma_start3A_720 : memref<128x32xf32, #tpu.memory_space<vmem>>) offsets(%dma_start3A_722 : memref<128xi32, #tpu.memory_space<vmem>>) semaphore(%arg17 : memref<!tpu.dma_semaphore, #tpu.memory_space<semaphore_mem>>)
    %dma_wait3A_726 = arith.constant 0 : i32
    %dma_wait3A_727 = arith.constant 0 : i32
    %dma_wait3A_728 = tpu.memref_slice %arg14[%dma_wait3A_726, %dma_wait3A_727] : memref<1536x32xf32, #tpu.memory_space<vmem>> -> memref<128x32xf32, #tpu.memory_space<vmem>>
    %dma_wait3A_729 = arith.constant 0 : i32
    %dma_wait3A_730 = tpu.memref_slice %arg13[%dma_wait3A_729] : memref<1536xi32, #tpu.memory_space<vmem>> -> memref<128xi32, #tpu.memory_space<vmem>>
    %dma_wait3A_731 = arith.constant 0 : i32
    %dma_wait3A_732 = arith.constant 0 : i32
    %dma_wait3A_733 = tpu.memref_slice %arg6[%dma_wait3A_731, %dma_wait3A_732] : memref<50001x32xf32, #tpu.memory_space<hbm>> -> memref<50001x32xf32, #tpu.memory_space<hbm>>
    tpu.wait_indirect_dma semaphore(%arg17 : memref<!tpu.dma_semaphore, #tpu.memory_space<semaphore_mem>>) src(%dma_wait3A_733 : memref<50001x32xf32, #tpu.memory_space<hbm>>) dst(%dma_wait3A_728 : memref<128x32xf32, #tpu.memory_space<vmem>>)
    %dma_wait3A_734 = arith.constant 128 : i32
    %dma_wait3A_735 = arith.constant 0 : i32
    %dma_wait3A_736 = tpu.memref_slice %arg14[%dma_wait3A_734, %dma_wait3A_735] : memref<1536x32xf32, #tpu.memory_space<vmem>> -> memref<128x32xf32, #tpu.memory_space<vmem>>
    %dma_wait3A_737 = arith.constant 128 : i32
    %dma_wait3A_738 = tpu.memref_slice %arg13[%dma_wait3A_737] : memref<1536xi32, #tpu.memory_space<vmem>> -> memref<128xi32, #tpu.memory_space<vmem>>
    %dma_wait3A_739 = arith.constant 0 : i32
    %dma_wait3A_740 = arith.constant 0 : i32
    %dma_wait3A_741 = tpu.memref_slice %arg6[%dma_wait3A_739, %dma_wait3A_740] : memref<50001x32xf32, #tpu.memory_space<hbm>> -> memref<50001x32xf32, #tpu.memory_space<hbm>>
    tpu.wait_indirect_dma semaphore(%arg17 : memref<!tpu.dma_semaphore, #tpu.memory_space<semaphore_mem>>) src(%dma_wait3A_741 : memref<50001x32xf32, #tpu.memory_space<hbm>>) dst(%dma_wait3A_736 : memref<128x32xf32, #tpu.memory_space<vmem>>)
    %dma_wait3A_742 = arith.constant 256 : i32
    %dma_wait3A_743 = arith.constant 0 : i32
    %dma_wait3A_744 = tpu.memref_slice %arg14[%dma_wait3A_742, %dma_wait3A_743] : memref<1536x32xf32, #tpu.memory_space<vmem>> -> memref<128x32xf32, #tpu.memory_space<vmem>>
    %dma_wait3A_745 = arith.constant 256 : i32
    %dma_wait3A_746 = tpu.memref_slice %arg13[%dma_wait3A_745] : memref<1536xi32, #tpu.memory_space<vmem>> -> memref<128xi32, #tpu.memory_space<vmem>>
    %dma_wait3A_747 = arith.constant 0 : i32
    %dma_wait3A_748 = arith.constant 0 : i32
    %dma_wait3A_749 = tpu.memref_slice %arg6[%dma_wait3A_747, %dma_wait3A_748] : memref<50001x32xf32, #tpu.memory_space<hbm>> -> memref<50001x32xf32, #tpu.memory_space<hbm>>
    tpu.wait_indirect_dma semaphore(%arg17 : memref<!tpu.dma_semaphore, #tpu.memory_space<semaphore_mem>>) src(%dma_wait3A_749 : memref<50001x32xf32, #tpu.memory_space<hbm>>) dst(%dma_wait3A_744 : memref<128x32xf32, #tpu.memory_space<vmem>>)
    %dma_wait3A_750 = arith.constant 384 : i32
    %dma_wait3A_751 = arith.constant 0 : i32
    %dma_wait3A_752 = tpu.memref_slice %arg14[%dma_wait3A_750, %dma_wait3A_751] : memref<1536x32xf32, #tpu.memory_space<vmem>> -> memref<128x32xf32, #tpu.memory_space<vmem>>
    %dma_wait3A_753 = arith.constant 384 : i32
    %dma_wait3A_754 = tpu.memref_slice %arg13[%dma_wait3A_753] : memref<1536xi32, #tpu.memory_space<vmem>> -> memref<128xi32, #tpu.memory_space<vmem>>
    %dma_wait3A_755 = arith.constant 0 : i32
    %dma_wait3A_756 = arith.constant 0 : i32
    %dma_wait3A_757 = tpu.memref_slice %arg6[%dma_wait3A_755, %dma_wait3A_756] : memref<50001x32xf32, #tpu.memory_space<hbm>> -> memref<50001x32xf32, #tpu.memory_space<hbm>>
    tpu.wait_indirect_dma semaphore(%arg17 : memref<!tpu.dma_semaphore, #tpu.memory_space<semaphore_mem>>) src(%dma_wait3A_757 : memref<50001x32xf32, #tpu.memory_space<hbm>>) dst(%dma_wait3A_752 : memref<128x32xf32, #tpu.memory_space<vmem>>)
    %dma_wait3A_758 = arith.constant 512 : i32
    %dma_wait3A_759 = arith.constant 0 : i32
    %dma_wait3A_760 = tpu.memref_slice %arg14[%dma_wait3A_758, %dma_wait3A_759] : memref<1536x32xf32, #tpu.memory_space<vmem>> -> memref<128x32xf32, #tpu.memory_space<vmem>>
    %dma_wait3A_761 = arith.constant 512 : i32
    %dma_wait3A_762 = tpu.memref_slice %arg13[%dma_wait3A_761] : memref<1536xi32, #tpu.memory_space<vmem>> -> memref<128xi32, #tpu.memory_space<vmem>>
    %dma_wait3A_763 = arith.constant 0 : i32
    %dma_wait3A_764 = arith.constant 0 : i32
    %dma_wait3A_765 = tpu.memref_slice %arg6[%dma_wait3A_763, %dma_wait3A_764] : memref<50001x32xf32, #tpu.memory_space<hbm>> -> memref<50001x32xf32, #tpu.memory_space<hbm>>
    tpu.wait_indirect_dma semaphore(%arg17 : memref<!tpu.dma_semaphore, #tpu.memory_space<semaphore_mem>>) src(%dma_wait3A_765 : memref<50001x32xf32, #tpu.memory_space<hbm>>) dst(%dma_wait3A_760 : memref<128x32xf32, #tpu.memory_space<vmem>>)
    %dma_wait3A_766 = arith.constant 640 : i32
    %dma_wait3A_767 = arith.constant 0 : i32
    %dma_wait3A_768 = tpu.memref_slice %arg14[%dma_wait3A_766, %dma_wait3A_767] : memref<1536x32xf32, #tpu.memory_space<vmem>> -> memref<128x32xf32, #tpu.memory_space<vmem>>
    %dma_wait3A_769 = arith.constant 640 : i32
    %dma_wait3A_770 = tpu.memref_slice %arg13[%dma_wait3A_769] : memref<1536xi32, #tpu.memory_space<vmem>> -> memref<128xi32, #tpu.memory_space<vmem>>
    %dma_wait3A_771 = arith.constant 0 : i32
    %dma_wait3A_772 = arith.constant 0 : i32
    %dma_wait3A_773 = tpu.memref_slice %arg6[%dma_wait3A_771, %dma_wait3A_772] : memref<50001x32xf32, #tpu.memory_space<hbm>> -> memref<50001x32xf32, #tpu.memory_space<hbm>>
    tpu.wait_indirect_dma semaphore(%arg17 : memref<!tpu.dma_semaphore, #tpu.memory_space<semaphore_mem>>) src(%dma_wait3A_773 : memref<50001x32xf32, #tpu.memory_space<hbm>>) dst(%dma_wait3A_768 : memref<128x32xf32, #tpu.memory_space<vmem>>)
    %dma_wait3A_774 = arith.constant 768 : i32
    %dma_wait3A_775 = arith.constant 0 : i32
    %dma_wait3A_776 = tpu.memref_slice %arg14[%dma_wait3A_774, %dma_wait3A_775] : memref<1536x32xf32, #tpu.memory_space<vmem>> -> memref<128x32xf32, #tpu.memory_space<vmem>>
    %dma_wait3A_777 = arith.constant 768 : i32
    %dma_wait3A_778 = tpu.memref_slice %arg13[%dma_wait3A_777] : memref<1536xi32, #tpu.memory_space<vmem>> -> memref<128xi32, #tpu.memory_space<vmem>>
    %dma_wait3A_779 = arith.constant 0 : i32
    %dma_wait3A_780 = arith.constant 0 : i32
    %dma_wait3A_781 = tpu.memref_slice %arg6[%dma_wait3A_779, %dma_wait3A_780] : memref<50001x32xf32, #tpu.memory_space<hbm>> -> memref<50001x32xf32, #tpu.memory_space<hbm>>
    tpu.wait_indirect_dma semaphore(%arg17 : memref<!tpu.dma_semaphore, #tpu.memory_space<semaphore_mem>>) src(%dma_wait3A_781 : memref<50001x32xf32, #tpu.memory_space<hbm>>) dst(%dma_wait3A_776 : memref<128x32xf32, #tpu.memory_space<vmem>>)
    %dma_wait3A_782 = arith.constant 896 : i32
    %dma_wait3A_783 = arith.constant 0 : i32
    %dma_wait3A_784 = tpu.memref_slice %arg14[%dma_wait3A_782, %dma_wait3A_783] : memref<1536x32xf32, #tpu.memory_space<vmem>> -> memref<128x32xf32, #tpu.memory_space<vmem>>
    %dma_wait3A_785 = arith.constant 896 : i32
    %dma_wait3A_786 = tpu.memref_slice %arg13[%dma_wait3A_785] : memref<1536xi32, #tpu.memory_space<vmem>> -> memref<128xi32, #tpu.memory_space<vmem>>
    %dma_wait3A_787 = arith.constant 0 : i32
    %dma_wait3A_788 = arith.constant 0 : i32
    %dma_wait3A_789 = tpu.memref_slice %arg6[%dma_wait3A_787, %dma_wait3A_788] : memref<50001x32xf32, #tpu.memory_space<hbm>> -> memref<50001x32xf32, #tpu.memory_space<hbm>>
    tpu.wait_indirect_dma semaphore(%arg17 : memref<!tpu.dma_semaphore, #tpu.memory_space<semaphore_mem>>) src(%dma_wait3A_789 : memref<50001x32xf32, #tpu.memory_space<hbm>>) dst(%dma_wait3A_784 : memref<128x32xf32, #tpu.memory_space<vmem>>)
    %dma_wait3A_790 = arith.constant 1024 : i32
    %dma_wait3A_791 = arith.constant 0 : i32
    %dma_wait3A_792 = tpu.memref_slice %arg14[%dma_wait3A_790, %dma_wait3A_791] : memref<1536x32xf32, #tpu.memory_space<vmem>> -> memref<128x32xf32, #tpu.memory_space<vmem>>
    %dma_wait3A_793 = arith.constant 1024 : i32
    %dma_wait3A_794 = tpu.memref_slice %arg13[%dma_wait3A_793] : memref<1536xi32, #tpu.memory_space<vmem>> -> memref<128xi32, #tpu.memory_space<vmem>>
    %dma_wait3A_795 = arith.constant 0 : i32
    %dma_wait3A_796 = arith.constant 0 : i32
    %dma_wait3A_797 = tpu.memref_slice %arg6[%dma_wait3A_795, %dma_wait3A_796] : memref<50001x32xf32, #tpu.memory_space<hbm>> -> memref<50001x32xf32, #tpu.memory_space<hbm>>
    tpu.wait_indirect_dma semaphore(%arg17 : memref<!tpu.dma_semaphore, #tpu.memory_space<semaphore_mem>>) src(%dma_wait3A_797 : memref<50001x32xf32, #tpu.memory_space<hbm>>) dst(%dma_wait3A_792 : memref<128x32xf32, #tpu.memory_space<vmem>>)
    %dma_wait3A_798 = arith.constant 1152 : i32
    %dma_wait3A_799 = arith.constant 0 : i32
    %dma_wait3A_800 = tpu.memref_slice %arg14[%dma_wait3A_798, %dma_wait3A_799] : memref<1536x32xf32, #tpu.memory_space<vmem>> -> memref<128x32xf32, #tpu.memory_space<vmem>>
    %dma_wait3A_801 = arith.constant 1152 : i32
    %dma_wait3A_802 = tpu.memref_slice %arg13[%dma_wait3A_801] : memref<1536xi32, #tpu.memory_space<vmem>> -> memref<128xi32, #tpu.memory_space<vmem>>
    %dma_wait3A_803 = arith.constant 0 : i32
    %dma_wait3A_804 = arith.constant 0 : i32
    %dma_wait3A_805 = tpu.memref_slice %arg6[%dma_wait3A_803, %dma_wait3A_804] : memref<50001x32xf32, #tpu.memory_space<hbm>> -> memref<50001x32xf32, #tpu.memory_space<hbm>>
    tpu.wait_indirect_dma semaphore(%arg17 : memref<!tpu.dma_semaphore, #tpu.memory_space<semaphore_mem>>) src(%dma_wait3A_805 : memref<50001x32xf32, #tpu.memory_space<hbm>>) dst(%dma_wait3A_800 : memref<128x32xf32, #tpu.memory_space<vmem>>)
    %dma_wait3A_806 = arith.constant 1280 : i32
    %dma_wait3A_807 = arith.constant 0 : i32
    %dma_wait3A_808 = tpu.memref_slice %arg14[%dma_wait3A_806, %dma_wait3A_807] : memref<1536x32xf32, #tpu.memory_space<vmem>> -> memref<128x32xf32, #tpu.memory_space<vmem>>
    %dma_wait3A_809 = arith.constant 1280 : i32
    %dma_wait3A_810 = tpu.memref_slice %arg13[%dma_wait3A_809] : memref<1536xi32, #tpu.memory_space<vmem>> -> memref<128xi32, #tpu.memory_space<vmem>>
    %dma_wait3A_811 = arith.constant 0 : i32
    %dma_wait3A_812 = arith.constant 0 : i32
    %dma_wait3A_813 = tpu.memref_slice %arg6[%dma_wait3A_811, %dma_wait3A_812] : memref<50001x32xf32, #tpu.memory_space<hbm>> -> memref<50001x32xf32, #tpu.memory_space<hbm>>
    tpu.wait_indirect_dma semaphore(%arg17 : memref<!tpu.dma_semaphore, #tpu.memory_space<semaphore_mem>>) src(%dma_wait3A_813 : memref<50001x32xf32, #tpu.memory_space<hbm>>) dst(%dma_wait3A_808 : memref<128x32xf32, #tpu.memory_space<vmem>>)
    %dma_wait3A_814 = arith.constant 1408 : i32
    %dma_wait3A_815 = arith.constant 0 : i32
    %dma_wait3A_816 = tpu.memref_slice %arg14[%dma_wait3A_814, %dma_wait3A_815] : memref<1536x32xf32, #tpu.memory_space<vmem>> -> memref<128x32xf32, #tpu.memory_space<vmem>>
    %dma_wait3A_817 = arith.constant 1408 : i32
    %dma_wait3A_818 = tpu.memref_slice %arg13[%dma_wait3A_817] : memref<1536xi32, #tpu.memory_space<vmem>> -> memref<128xi32, #tpu.memory_space<vmem>>
    %dma_wait3A_819 = arith.constant 0 : i32
    %dma_wait3A_820 = arith.constant 0 : i32
    %dma_wait3A_821 = tpu.memref_slice %arg6[%dma_wait3A_819, %dma_wait3A_820] : memref<50001x32xf32, #tpu.memory_space<hbm>> -> memref<50001x32xf32, #tpu.memory_space<hbm>>
    tpu.wait_indirect_dma semaphore(%arg17 : memref<!tpu.dma_semaphore, #tpu.memory_space<semaphore_mem>>) src(%dma_wait3A_821 : memref<50001x32xf32, #tpu.memory_space<hbm>>) dst(%dma_wait3A_816 : memref<128x32xf32, #tpu.memory_space<vmem>>)
    %scan3A_822 = arith.constant 0 : i32
    %scan3A_823 = arith.constant 0 : i32
    %scan3A_824 = arith.constant 96 : i32
    %scan3A_825 = arith.addi %scan3A_823, %scan3A_824 : i32
    %scan3A_826 = arith.constant 1 : i32
    scf.for %scan3A_828 = %scan3A_823 to %scan3A_825 step %scan3A_826  : i32 {
      %mul3A_829 = arith.constant 16 : i32
      %mul3A_830 = arith.muli %scan3A_828, %mul3A_829 : i32
      %get3A = arith.index_cast %mul3A_830 : i32 to index
      %get3A_831 = arith.constant 0 : index
      %get3A_832 = tpu.vector_load %arg14[%get3A, %get3A_831] {strides = array<i32>} : memref<1536x32xf32, #tpu.memory_space<vmem>>, vector<1x16xf32>,
      %get3A_833 = vector.shape_cast %get3A_832 : vector<1x16xf32> to vector<16xf32>
      %mul3A_834 = arith.constant 16 : i32
      %mul3A_835 = arith.muli %scan3A_828, %mul3A_834 : i32
      %get3A_836 = arith.index_cast %mul3A_835 : i32 to index
      %get3A_837 = arith.constant 16 : index
      %get3A_838 = tpu.vector_load %arg14[%get3A_836, %get3A_837] {strides = array<i32>} : memref<1536x32xf32, #tpu.memory_space<vmem>>, vector<1x16xf32>,
      %get3A_839 = vector.shape_cast %get3A_838 : vector<1x16xf32> to vector<16xf32>
      %mul3A_840 = arith.constant 16 : i32
      %mul3A_841 = arith.muli %scan3A_828, %mul3A_840 : i32
      %add3A_842 = arith.constant 1 : i32
      %add3A_843 = arith.addi %mul3A_841, %add3A_842 : i32
      %get3A_844 = arith.index_cast %add3A_843 : i32 to index
      %get3A_845 = arith.constant 0 : index
      %get3A_846 = tpu.vector_load %arg14[%get3A_844, %get3A_845] {strides = array<i32>} : memref<1536x32xf32, #tpu.memory_space<vmem>>, vector<1x16xf32>,
      %get3A_847 = vector.shape_cast %get3A_846 : vector<1x16xf32> to vector<16xf32>
      %add3A_848 = arith.addf %get3A_833, %get3A_847 : vector<16xf32>
      %mul3A_849 = arith.constant 16 : i32
      %mul3A_850 = arith.muli %scan3A_828, %mul3A_849 : i32
      %add3A_851 = arith.constant 1 : i32
      %add3A_852 = arith.addi %mul3A_850, %add3A_851 : i32
      %get3A_853 = arith.index_cast %add3A_852 : i32 to index
      %get3A_854 = arith.constant 16 : index
      %get3A_855 = tpu.vector_load %arg14[%get3A_853, %get3A_854] {strides = array<i32>} : memref<1536x32xf32, #tpu.memory_space<vmem>>, vector<1x16xf32>,
      %get3A_856 = vector.shape_cast %get3A_855 : vector<1x16xf32> to vector<16xf32>
      %add3A_857 = arith.addf %get3A_839, %get3A_856 : vector<16xf32>
      %mul3A_858 = arith.constant 16 : i32
      %mul3A_859 = arith.muli %scan3A_828, %mul3A_858 : i32
      %add3A_860 = arith.constant 2 : i32
      %add3A_861 = arith.addi %mul3A_859, %add3A_860 : i32
      %get3A_862 = arith.index_cast %add3A_861 : i32 to index
      %get3A_863 = arith.constant 0 : index
      %get3A_864 = tpu.vector_load %arg14[%get3A_862, %get3A_863] {strides = array<i32>} : memref<1536x32xf32, #tpu.memory_space<vmem>>, vector<1x16xf32>,
      %get3A_865 = vector.shape_cast %get3A_864 : vector<1x16xf32> to vector<16xf32>
      %add3A_866 = arith.addf %add3A_848, %get3A_865 : vector<16xf32>
      %mul3A_867 = arith.constant 16 : i32
      %mul3A_868 = arith.muli %scan3A_828, %mul3A_867 : i32
      %add3A_869 = arith.constant 2 : i32
      %add3A_870 = arith.addi %mul3A_868, %add3A_869 : i32
      %get3A_871 = arith.index_cast %add3A_870 : i32 to index
      %get3A_872 = arith.constant 16 : index
      %get3A_873 = tpu.vector_load %arg14[%get3A_871, %get3A_872] {strides = array<i32>} : memref<1536x32xf32, #tpu.memory_space<vmem>>, vector<1x16xf32>,
      %get3A_874 = vector.shape_cast %get3A_873 : vector<1x16xf32> to vector<16xf32>
      %add3A_875 = arith.addf %add3A_857, %get3A_874 : vector<16xf32>
      %mul3A_876 = arith.constant 16 : i32
      %mul3A_877 = arith.muli %scan3A_828, %mul3A_876 : i32
      %add3A_878 = arith.constant 3 : i32
      %add3A_879 = arith.addi %mul3A_877, %add3A_878 : i32
      %get3A_880 = arith.index_cast %add3A_879 : i32 to index
      %get3A_881 = arith.constant 0 : index
      %get3A_882 = tpu.vector_load %arg14[%get3A_880, %get3A_881] {strides = array<i32>} : memref<1536x32xf32, #tpu.memory_space<vmem>>, vector<1x16xf32>,
      %get3A_883 = vector.shape_cast %get3A_882 : vector<1x16xf32> to vector<16xf32>
      %add3A_884 = arith.addf %add3A_866, %get3A_883 : vector<16xf32>
      %mul3A_885 = arith.constant 16 : i32
      %mul3A_886 = arith.muli %scan3A_828, %mul3A_885 : i32
      %add3A_887 = arith.constant 3 : i32
      %add3A_888 = arith.addi %mul3A_886, %add3A_887 : i32
      %get3A_889 = arith.index_cast %add3A_888 : i32 to index
      %get3A_890 = arith.constant 16 : index
      %get3A_891 = tpu.vector_load %arg14[%get3A_889, %get3A_890] {strides = array<i32>} : memref<1536x32xf32, #tpu.memory_space<vmem>>, vector<1x16xf32>,
      %get3A_892 = vector.shape_cast %get3A_891 : vector<1x16xf32> to vector<16xf32>
      %add3A_893 = arith.addf %add3A_875, %get3A_892 : vector<16xf32>
      %mul3A_894 = arith.constant 16 : i32
      %mul3A_895 = arith.muli %scan3A_828, %mul3A_894 : i32
      %add3A_896 = arith.constant 4 : i32
      %add3A_897 = arith.addi %mul3A_895, %add3A_896 : i32
      %get3A_898 = arith.index_cast %add3A_897 : i32 to index
      %get3A_899 = arith.constant 0 : index
      %get3A_900 = tpu.vector_load %arg14[%get3A_898, %get3A_899] {strides = array<i32>} : memref<1536x32xf32, #tpu.memory_space<vmem>>, vector<1x16xf32>,
      %get3A_901 = vector.shape_cast %get3A_900 : vector<1x16xf32> to vector<16xf32>
      %add3A_902 = arith.addf %add3A_884, %get3A_901 : vector<16xf32>
      %mul3A_903 = arith.constant 16 : i32
      %mul3A_904 = arith.muli %scan3A_828, %mul3A_903 : i32
      %add3A_905 = arith.constant 4 : i32
      %add3A_906 = arith.addi %mul3A_904, %add3A_905 : i32
      %get3A_907 = arith.index_cast %add3A_906 : i32 to index
      %get3A_908 = arith.constant 16 : index
      %get3A_909 = tpu.vector_load %arg14[%get3A_907, %get3A_908] {strides = array<i32>} : memref<1536x32xf32, #tpu.memory_space<vmem>>, vector<1x16xf32>,
      %get3A_910 = vector.shape_cast %get3A_909 : vector<1x16xf32> to vector<16xf32>
      %add3A_911 = arith.addf %add3A_893, %get3A_910 : vector<16xf32>
      %mul3A_912 = arith.constant 16 : i32
      %mul3A_913 = arith.muli %scan3A_828, %mul3A_912 : i32
      %add3A_914 = arith.constant 5 : i32
      %add3A_915 = arith.addi %mul3A_913, %add3A_914 : i32
      %get3A_916 = arith.index_cast %add3A_915 : i32 to index
      %get3A_917 = arith.constant 0 : index
      %get3A_918 = tpu.vector_load %arg14[%get3A_916, %get3A_917] {strides = array<i32>} : memref<1536x32xf32, #tpu.memory_space<vmem>>, vector<1x16xf32>,
      %get3A_919 = vector.shape_cast %get3A_918 : vector<1x16xf32> to vector<16xf32>
      %add3A_920 = arith.addf %add3A_902, %get3A_919 : vector<16xf32>
      %mul3A_921 = arith.constant 16 : i32
      %mul3A_922 = arith.muli %scan3A_828, %mul3A_921 : i32
      %add3A_923 = arith.constant 5 : i32
      %add3A_924 = arith.addi %mul3A_922, %add3A_923 : i32
      %get3A_925 = arith.index_cast %add3A_924 : i32 to index
      %get3A_926 = arith.constant 16 : index
      %get3A_927 = tpu.vector_load %arg14[%get3A_925, %get3A_926] {strides = array<i32>} : memref<1536x32xf32, #tpu.memory_space<vmem>>, vector<1x16xf32>,
      %get3A_928 = vector.shape_cast %get3A_927 : vector<1x16xf32> to vector<16xf32>
      %add3A_929 = arith.addf %add3A_911, %get3A_928 : vector<16xf32>
      %mul3A_930 = arith.constant 16 : i32
      %mul3A_931 = arith.muli %scan3A_828, %mul3A_930 : i32
      %add3A_932 = arith.constant 6 : i32
      %add3A_933 = arith.addi %mul3A_931, %add3A_932 : i32
      %get3A_934 = arith.index_cast %add3A_933 : i32 to index
      %get3A_935 = arith.constant 0 : index
      %get3A_936 = tpu.vector_load %arg14[%get3A_934, %get3A_935] {strides = array<i32>} : memref<1536x32xf32, #tpu.memory_space<vmem>>, vector<1x16xf32>,
      %get3A_937 = vector.shape_cast %get3A_936 : vector<1x16xf32> to vector<16xf32>
      %add3A_938 = arith.addf %add3A_920, %get3A_937 : vector<16xf32>
      %mul3A_939 = arith.constant 16 : i32
      %mul3A_940 = arith.muli %scan3A_828, %mul3A_939 : i32
      %add3A_941 = arith.constant 6 : i32
      %add3A_942 = arith.addi %mul3A_940, %add3A_941 : i32
      %get3A_943 = arith.index_cast %add3A_942 : i32 to index
      %get3A_944 = arith.constant 16 : index
      %get3A_945 = tpu.vector_load %arg14[%get3A_943, %get3A_944] {strides = array<i32>} : memref<1536x32xf32, #tpu.memory_space<vmem>>, vector<1x16xf32>,
      %get3A_946 = vector.shape_cast %get3A_945 : vector<1x16xf32> to vector<16xf32>
      %add3A_947 = arith.addf %add3A_929, %get3A_946 : vector<16xf32>
      %mul3A_948 = arith.constant 16 : i32
      %mul3A_949 = arith.muli %scan3A_828, %mul3A_948 : i32
      %add3A_950 = arith.constant 7 : i32
      %add3A_951 = arith.addi %mul3A_949, %add3A_950 : i32
      %get3A_952 = arith.index_cast %add3A_951 : i32 to index
      %get3A_953 = arith.constant 0 : index
      %get3A_954 = tpu.vector_load %arg14[%get3A_952, %get3A_953] {strides = array<i32>} : memref<1536x32xf32, #tpu.memory_space<vmem>>, vector<1x16xf32>,
      %get3A_955 = vector.shape_cast %get3A_954 : vector<1x16xf32> to vector<16xf32>
      %add3A_956 = arith.addf %add3A_938, %get3A_955 : vector<16xf32>
      %mul3A_957 = arith.constant 16 : i32
      %mul3A_958 = arith.muli %scan3A_828, %mul3A_957 : i32
      %add3A_959 = arith.constant 7 : i32
      %add3A_960 = arith.addi %mul3A_958, %add3A_959 : i32
      %get3A_961 = arith.index_cast %add3A_960 : i32 to index
      %get3A_962 = arith.constant 16 : index
      %get3A_963 = tpu.vector_load %arg14[%get3A_961, %get3A_962] {strides = array<i32>} : memref<1536x32xf32, #tpu.memory_space<vmem>>, vector<1x16xf32>,
      %get3A_964 = vector.shape_cast %get3A_963 : vector<1x16xf32> to vector<16xf32>
      %add3A_965 = arith.addf %add3A_947, %get3A_964 : vector<16xf32>
      %mul3A_966 = arith.constant 16 : i32
      %mul3A_967 = arith.muli %scan3A_828, %mul3A_966 : i32
      %add3A_968 = arith.constant 8 : i32
      %add3A_969 = arith.addi %mul3A_967, %add3A_968 : i32
      %get3A_970 = arith.index_cast %add3A_969 : i32 to index
      %get3A_971 = arith.constant 0 : index
      %get3A_972 = tpu.vector_load %arg14[%get3A_970, %get3A_971] {strides = array<i32>} : memref<1536x32xf32, #tpu.memory_space<vmem>>, vector<1x16xf32>,
      %get3A_973 = vector.shape_cast %get3A_972 : vector<1x16xf32> to vector<16xf32>
      %add3A_974 = arith.addf %add3A_956, %get3A_973 : vector<16xf32>
      %mul3A_975 = arith.constant 16 : i32
      %mul3A_976 = arith.muli %scan3A_828, %mul3A_975 : i32
      %add3A_977 = arith.constant 8 : i32
      %add3A_978 = arith.addi %mul3A_976, %add3A_977 : i32
      %get3A_979 = arith.index_cast %add3A_978 : i32 to index
      %get3A_980 = arith.constant 16 : index
      %get3A_981 = tpu.vector_load %arg14[%get3A_979, %get3A_980] {strides = array<i32>} : memref<1536x32xf32, #tpu.memory_space<vmem>>, vector<1x16xf32>,
      %get3A_982 = vector.shape_cast %get3A_981 : vector<1x16xf32> to vector<16xf32>
      %add3A_983 = arith.addf %add3A_965, %get3A_982 : vector<16xf32>
      %mul3A_984 = arith.constant 16 : i32
      %mul3A_985 = arith.muli %scan3A_828, %mul3A_984 : i32
      %add3A_986 = arith.constant 9 : i32
      %add3A_987 = arith.addi %mul3A_985, %add3A_986 : i32
      %get3A_988 = arith.index_cast %add3A_987 : i32 to index
      %get3A_989 = arith.constant 0 : index
      %get3A_990 = tpu.vector_load %arg14[%get3A_988, %get3A_989] {strides = array<i32>} : memref<1536x32xf32, #tpu.memory_space<vmem>>, vector<1x16xf32>,
      %get3A_991 = vector.shape_cast %get3A_990 : vector<1x16xf32> to vector<16xf32>
      %add3A_992 = arith.addf %add3A_974, %get3A_991 : vector<16xf32>
      %mul3A_993 = arith.constant 16 : i32
      %mul3A_994 = arith.muli %scan3A_828, %mul3A_993 : i32
      %add3A_995 = arith.constant 9 : i32
      %add3A_996 = arith.addi %mul3A_994, %add3A_995 : i32
      %get3A_997 = arith.index_cast %add3A_996 : i32 to index
      %get3A_998 = arith.constant 16 : index
      %get3A_999 = tpu.vector_load %arg14[%get3A_997, %get3A_998] {strides = array<i32>} : memref<1536x32xf32, #tpu.memory_space<vmem>>, vector<1x16xf32>,
      %get3A_1000 = vector.shape_cast %get3A_999 : vector<1x16xf32> to vector<16xf32>
      %add3A_1001 = arith.addf %add3A_983, %get3A_1000 : vector<16xf32>
      %mul3A_1002 = arith.constant 16 : i32
      %mul3A_1003 = arith.muli %scan3A_828, %mul3A_1002 : i32
      %add3A_1004 = arith.constant 10 : i32
      %add3A_1005 = arith.addi %mul3A_1003, %add3A_1004 : i32
      %get3A_1006 = arith.index_cast %add3A_1005 : i32 to index
      %get3A_1007 = arith.constant 0 : index
      %get3A_1008 = tpu.vector_load %arg14[%get3A_1006, %get3A_1007] {strides = array<i32>} : memref<1536x32xf32, #tpu.memory_space<vmem>>, vector<1x16xf32>,
      %get3A_1009 = vector.shape_cast %get3A_1008 : vector<1x16xf32> to vector<16xf32>
      %add3A_1010 = arith.addf %add3A_992, %get3A_1009 : vector<16xf32>
      %mul3A_1011 = arith.constant 16 : i32
      %mul3A_1012 = arith.muli %scan3A_828, %mul3A_1011 : i32
      %add3A_1013 = arith.constant 10 : i32
      %add3A_1014 = arith.addi %mul3A_1012, %add3A_1013 : i32
      %get3A_1015 = arith.index_cast %add3A_1014 : i32 to index
      %get3A_1016 = arith.constant 16 : index
      %get3A_1017 = tpu.vector_load %arg14[%get3A_1015, %get3A_1016] {strides = array<i32>} : memref<1536x32xf32, #tpu.memory_space<vmem>>, vector<1x16xf32>,
      %get3A_1018 = vector.shape_cast %get3A_1017 : vector<1x16xf32> to vector<16xf32>
      %add3A_1019 = arith.addf %add3A_1001, %get3A_1018 : vector<16xf32>
      %mul3A_1020 = arith.constant 16 : i32
      %mul3A_1021 = arith.muli %scan3A_828, %mul3A_1020 : i32
      %add3A_1022 = arith.constant 11 : i32
      %add3A_1023 = arith.addi %mul3A_1021, %add3A_1022 : i32
      %get3A_1024 = arith.index_cast %add3A_1023 : i32 to index
      %get3A_1025 = arith.constant 0 : index
      %get3A_1026 = tpu.vector_load %arg14[%get3A_1024, %get3A_1025] {strides = array<i32>} : memref<1536x32xf32, #tpu.memory_space<vmem>>, vector<1x16xf32>,
      %get3A_1027 = vector.shape_cast %get3A_1026 : vector<1x16xf32> to vector<16xf32>
      %add3A_1028 = arith.addf %add3A_1010, %get3A_1027 : vector<16xf32>
      %mul3A_1029 = arith.constant 16 : i32
      %mul3A_1030 = arith.muli %scan3A_828, %mul3A_1029 : i32
      %add3A_1031 = arith.constant 11 : i32
      %add3A_1032 = arith.addi %mul3A_1030, %add3A_1031 : i32
      %get3A_1033 = arith.index_cast %add3A_1032 : i32 to index
      %get3A_1034 = arith.constant 16 : index
      %get3A_1035 = tpu.vector_load %arg14[%get3A_1033, %get3A_1034] {strides = array<i32>} : memref<1536x32xf32, #tpu.memory_space<vmem>>, vector<1x16xf32>,
      %get3A_1036 = vector.shape_cast %get3A_1035 : vector<1x16xf32> to vector<16xf32>
      %add3A_1037 = arith.addf %add3A_1019, %get3A_1036 : vector<16xf32>
      %mul3A_1038 = arith.constant 16 : i32
      %mul3A_1039 = arith.muli %scan3A_828, %mul3A_1038 : i32
      %add3A_1040 = arith.constant 12 : i32
      %add3A_1041 = arith.addi %mul3A_1039, %add3A_1040 : i32
      %get3A_1042 = arith.index_cast %add3A_1041 : i32 to index
      %get3A_1043 = arith.constant 0 : index
      %get3A_1044 = tpu.vector_load %arg14[%get3A_1042, %get3A_1043] {strides = array<i32>} : memref<1536x32xf32, #tpu.memory_space<vmem>>, vector<1x16xf32>,
      %get3A_1045 = vector.shape_cast %get3A_1044 : vector<1x16xf32> to vector<16xf32>
      %add3A_1046 = arith.addf %add3A_1028, %get3A_1045 : vector<16xf32>
      %mul3A_1047 = arith.constant 16 : i32
      %mul3A_1048 = arith.muli %scan3A_828, %mul3A_1047 : i32
      %add3A_1049 = arith.constant 12 : i32
      %add3A_1050 = arith.addi %mul3A_1048, %add3A_1049 : i32
      %get3A_1051 = arith.index_cast %add3A_1050 : i32 to index
      %get3A_1052 = arith.constant 16 : index
      %get3A_1053 = tpu.vector_load %arg14[%get3A_1051, %get3A_1052] {strides = array<i32>} : memref<1536x32xf32, #tpu.memory_space<vmem>>, vector<1x16xf32>,
      %get3A_1054 = vector.shape_cast %get3A_1053 : vector<1x16xf32> to vector<16xf32>
      %add3A_1055 = arith.addf %add3A_1037, %get3A_1054 : vector<16xf32>
      %mul3A_1056 = arith.constant 16 : i32
      %mul3A_1057 = arith.muli %scan3A_828, %mul3A_1056 : i32
      %add3A_1058 = arith.constant 13 : i32
      %add3A_1059 = arith.addi %mul3A_1057, %add3A_1058 : i32
      %get3A_1060 = arith.index_cast %add3A_1059 : i32 to index
      %get3A_1061 = arith.constant 0 : index
      %get3A_1062 = tpu.vector_load %arg14[%get3A_1060, %get3A_1061] {strides = array<i32>} : memref<1536x32xf32, #tpu.memory_space<vmem>>, vector<1x16xf32>,
      %get3A_1063 = vector.shape_cast %get3A_1062 : vector<1x16xf32> to vector<16xf32>
      %add3A_1064 = arith.addf %add3A_1046, %get3A_1063 : vector<16xf32>
      %mul3A_1065 = arith.constant 16 : i32
      %mul3A_1066 = arith.muli %scan3A_828, %mul3A_1065 : i32
      %add3A_1067 = arith.constant 13 : i32
      %add3A_1068 = arith.addi %mul3A_1066, %add3A_1067 : i32
      %get3A_1069 = arith.index_cast %add3A_1068 : i32 to index
      %get3A_1070 = arith.constant 16 : index
      %get3A_1071 = tpu.vector_load %arg14[%get3A_1069, %get3A_1070] {strides = array<i32>} : memref<1536x32xf32, #tpu.memory_space<vmem>>, vector<1x16xf32>,
      %get3A_1072 = vector.shape_cast %get3A_1071 : vector<1x16xf32> to vector<16xf32>
      %add3A_1073 = arith.addf %add3A_1055, %get3A_1072 : vector<16xf32>
      %mul3A_1074 = arith.constant 16 : i32
      %mul3A_1075 = arith.muli %scan3A_828, %mul3A_1074 : i32
      %add3A_1076 = arith.constant 14 : i32
      %add3A_1077 = arith.addi %mul3A_1075, %add3A_1076 : i32
      %get3A_1078 = arith.index_cast %add3A_1077 : i32 to index
      %get3A_1079 = arith.constant 0 : index
      %get3A_1080 = tpu.vector_load %arg14[%get3A_1078, %get3A_1079] {strides = array<i32>} : memref<1536x32xf32, #tpu.memory_space<vmem>>, vector<1x16xf32>,
      %get3A_1081 = vector.shape_cast %get3A_1080 : vector<1x16xf32> to vector<16xf32>
      %add3A_1082 = arith.addf %add3A_1064, %get3A_1081 : vector<16xf32>
      %mul3A_1083 = arith.constant 16 : i32
      %mul3A_1084 = arith.muli %scan3A_828, %mul3A_1083 : i32
      %add3A_1085 = arith.constant 14 : i32
      %add3A_1086 = arith.addi %mul3A_1084, %add3A_1085 : i32
      %get3A_1087 = arith.index_cast %add3A_1086 : i32 to index
      %get3A_1088 = arith.constant 16 : index
      %get3A_1089 = tpu.vector_load %arg14[%get3A_1087, %get3A_1088] {strides = array<i32>} : memref<1536x32xf32, #tpu.memory_space<vmem>>, vector<1x16xf32>,
      %get3A_1090 = vector.shape_cast %get3A_1089 : vector<1x16xf32> to vector<16xf32>
      %add3A_1091 = arith.addf %add3A_1073, %get3A_1090 : vector<16xf32>
      %mul3A_1092 = arith.constant 16 : i32
      %mul3A_1093 = arith.muli %scan3A_828, %mul3A_1092 : i32
      %add3A_1094 = arith.constant 15 : i32
      %add3A_1095 = arith.addi %mul3A_1093, %add3A_1094 : i32
      %get3A_1096 = arith.index_cast %add3A_1095 : i32 to index
      %get3A_1097 = arith.constant 0 : index
      %get3A_1098 = tpu.vector_load %arg14[%get3A_1096, %get3A_1097] {strides = array<i32>} : memref<1536x32xf32, #tpu.memory_space<vmem>>, vector<1x16xf32>,
      %get3A_1099 = vector.shape_cast %get3A_1098 : vector<1x16xf32> to vector<16xf32>
      %add3A_1100 = arith.addf %add3A_1082, %get3A_1099 : vector<16xf32>
      %mul3A_1101 = arith.constant 16 : i32
      %mul3A_1102 = arith.muli %scan3A_828, %mul3A_1101 : i32
      %add3A_1103 = arith.constant 15 : i32
      %add3A_1104 = arith.addi %mul3A_1102, %add3A_1103 : i32
      %get3A_1105 = arith.index_cast %add3A_1104 : i32 to index
      %get3A_1106 = arith.constant 16 : index
      %get3A_1107 = tpu.vector_load %arg14[%get3A_1105, %get3A_1106] {strides = array<i32>} : memref<1536x32xf32, #tpu.memory_space<vmem>>, vector<1x16xf32>,
      %get3A_1108 = vector.shape_cast %get3A_1107 : vector<1x16xf32> to vector<16xf32>
      %add3A_1109 = arith.addf %add3A_1091, %get3A_1108 : vector<16xf32>
      %get3A_1110 = arith.index_cast %scan3A_828 : i32 to index
      %get3A_1111 = arith.constant 16 : index
      %get3A_1112 = tpu.vector_load %arg11[%get3A_1110, %get3A_1111] {strides = array<i32>} : memref<96x32xi32, #tpu.memory_space<vmem>>, vector<1x16xi32>,
      %get3A_1113 = vector.shape_cast %get3A_1112 : vector<1x16xi32> to vector<16xi32>
      %slice3A = vector.extract_strided_slice %get3A_1113 {offsets = [0], sizes = [1], strides = [1]} : vector<16xi32> to vector<1xi32>
      %squeeze3A = vector.extract %slice3A[0] : i32 from vector<1xi32>
      %ne3A = arith.constant 0 : i32
      %ne3A_1114 = arith.cmpi ne, %squeeze3A, %ne3A : i32
      %jit3A = arith.constant 1 : i32
      %jit3A_1115 = arith.constant 0 : i32
      %select_n3A = arith.select %ne3A_1114, %jit3A, %jit3A_1115 : i32
      %add3A_1116 = arith.constant 0 : i32
      %add3A_1117 = arith.addi %add3A_1116, %select_n3A : i32
      %slice3A_1118 = vector.extract_strided_slice %get3A_1113 {offsets = [1], sizes = [1], strides = [1]} : vector<16xi32> to vector<1xi32>
      %squeeze3A_1119 = vector.extract %slice3A_1118[0] : i32 from vector<1xi32>
      %ne3A_1120 = arith.constant 0 : i32
      %ne3A_1121 = arith.cmpi ne, %squeeze3A_1119, %ne3A_1120 : i32
      %jit3A_1122 = arith.constant 1 : i32
      %jit3A_1123 = arith.constant 0 : i32
      %select_n3A_1124 = arith.select %ne3A_1121, %jit3A_1122, %jit3A_1123 : i32
      %add3A_1125 = arith.addi %add3A_1117, %select_n3A_1124 : i32
      %slice3A_1126 = vector.extract_strided_slice %get3A_1113 {offsets = [2], sizes = [1], strides = [1]} : vector<16xi32> to vector<1xi32>
      %squeeze3A_1127 = vector.extract %slice3A_1126[0] : i32 from vector<1xi32>
      %ne3A_1128 = arith.constant 0 : i32
      %ne3A_1129 = arith.cmpi ne, %squeeze3A_1127, %ne3A_1128 : i32
      %jit3A_1130 = arith.constant 1 : i32
      %jit3A_1131 = arith.constant 0 : i32
      %select_n3A_1132 = arith.select %ne3A_1129, %jit3A_1130, %jit3A_1131 : i32
      %add3A_1133 = arith.addi %add3A_1125, %select_n3A_1132 : i32
      %slice3A_1134 = vector.extract_strided_slice %get3A_1113 {offsets = [3], sizes = [1], strides = [1]} : vector<16xi32> to vector<1xi32>
      %squeeze3A_1135 = vector.extract %slice3A_1134[0] : i32 from vector<1xi32>
      %ne3A_1136 = arith.constant 0 : i32
      %ne3A_1137 = arith.cmpi ne, %squeeze3A_1135, %ne3A_1136 : i32
      %jit3A_1138 = arith.constant 1 : i32
      %jit3A_1139 = arith.constant 0 : i32
      %select_n3A_1140 = arith.select %ne3A_1137, %jit3A_1138, %jit3A_1139 : i32
      %add3A_1141 = arith.addi %add3A_1133, %select_n3A_1140 : i32
      %slice3A_1142 = vector.extract_strided_slice %get3A_1113 {offsets = [4], sizes = [1], strides = [1]} : vector<16xi32> to vector<1xi32>
      %squeeze3A_1143 = vector.extract %slice3A_1142[0] : i32 from vector<1xi32>
      %ne3A_1144 = arith.constant 0 : i32
      %ne3A_1145 = arith.cmpi ne, %squeeze3A_1143, %ne3A_1144 : i32
      %jit3A_1146 = arith.constant 1 : i32
      %jit3A_1147 = arith.constant 0 : i32
      %select_n3A_1148 = arith.select %ne3A_1145, %jit3A_1146, %jit3A_1147 : i32
      %add3A_1149 = arith.addi %add3A_1141, %select_n3A_1148 : i32
      %slice3A_1150 = vector.extract_strided_slice %get3A_1113 {offsets = [5], sizes = [1], strides = [1]} : vector<16xi32> to vector<1xi32>
      %squeeze3A_1151 = vector.extract %slice3A_1150[0] : i32 from vector<1xi32>
      %ne3A_1152 = arith.constant 0 : i32
      %ne3A_1153 = arith.cmpi ne, %squeeze3A_1151, %ne3A_1152 : i32
      %jit3A_1154 = arith.constant 1 : i32
      %jit3A_1155 = arith.constant 0 : i32
      %select_n3A_1156 = arith.select %ne3A_1153, %jit3A_1154, %jit3A_1155 : i32
      %add3A_1157 = arith.addi %add3A_1149, %select_n3A_1156 : i32
      %slice3A_1158 = vector.extract_strided_slice %get3A_1113 {offsets = [6], sizes = [1], strides = [1]} : vector<16xi32> to vector<1xi32>
      %squeeze3A_1159 = vector.extract %slice3A_1158[0] : i32 from vector<1xi32>
      %ne3A_1160 = arith.constant 0 : i32
      %ne3A_1161 = arith.cmpi ne, %squeeze3A_1159, %ne3A_1160 : i32
      %jit3A_1162 = arith.constant 1 : i32
      %jit3A_1163 = arith.constant 0 : i32
      %select_n3A_1164 = arith.select %ne3A_1161, %jit3A_1162, %jit3A_1163 : i32
      %add3A_1165 = arith.addi %add3A_1157, %select_n3A_1164 : i32
      %slice3A_1166 = vector.extract_strided_slice %get3A_1113 {offsets = [7], sizes = [1], strides = [1]} : vector<16xi32> to vector<1xi32>
      %squeeze3A_1167 = vector.extract %slice3A_1166[0] : i32 from vector<1xi32>
      %ne3A_1168 = arith.constant 0 : i32
      %ne3A_1169 = arith.cmpi ne, %squeeze3A_1167, %ne3A_1168 : i32
      %jit3A_1170 = arith.constant 1 : i32
      %jit3A_1171 = arith.constant 0 : i32
      %select_n3A_1172 = arith.select %ne3A_1169, %jit3A_1170, %jit3A_1171 : i32
      %add3A_1173 = arith.addi %add3A_1165, %select_n3A_1172 : i32
      %slice3A_1174 = vector.extract_strided_slice %get3A_1113 {offsets = [8], sizes = [1], strides = [1]} : vector<16xi32> to vector<1xi32>
      %squeeze3A_1175 = vector.extract %slice3A_1174[0] : i32 from vector<1xi32>
      %ne3A_1176 = arith.constant 0 : i32
      %ne3A_1177 = arith.cmpi ne, %squeeze3A_1175, %ne3A_1176 : i32
      %jit3A_1178 = arith.constant 1 : i32
      %jit3A_1179 = arith.constant 0 : i32
      %select_n3A_1180 = arith.select %ne3A_1177, %jit3A_1178, %jit3A_1179 : i32
      %add3A_1181 = arith.addi %add3A_1173, %select_n3A_1180 : i32
      %slice3A_1182 = vector.extract_strided_slice %get3A_1113 {offsets = [9], sizes = [1], strides = [1]} : vector<16xi32> to vector<1xi32>
      %squeeze3A_1183 = vector.extract %slice3A_1182[0] : i32 from vector<1xi32>
      %ne3A_1184 = arith.constant 0 : i32
      %ne3A_1185 = arith.cmpi ne, %squeeze3A_1183, %ne3A_1184 : i32
      %jit3A_1186 = arith.constant 1 : i32
      %jit3A_1187 = arith.constant 0 : i32
      %select_n3A_1188 = arith.select %ne3A_1185, %jit3A_1186, %jit3A_1187 : i32
      %add3A_1189 = arith.addi %add3A_1181, %select_n3A_1188 : i32
      %slice3A_1190 = vector.extract_strided_slice %get3A_1113 {offsets = [10], sizes = [1], strides = [1]} : vector<16xi32> to vector<1xi32>
      %squeeze3A_1191 = vector.extract %slice3A_1190[0] : i32 from vector<1xi32>
      %ne3A_1192 = arith.constant 0 : i32
      %ne3A_1193 = arith.cmpi ne, %squeeze3A_1191, %ne3A_1192 : i32
      %jit3A_1194 = arith.constant 1 : i32
      %jit3A_1195 = arith.constant 0 : i32
      %select_n3A_1196 = arith.select %ne3A_1193, %jit3A_1194, %jit3A_1195 : i32
      %add3A_1197 = arith.addi %add3A_1189, %select_n3A_1196 : i32
      %slice3A_1198 = vector.extract_strided_slice %get3A_1113 {offsets = [11], sizes = [1], strides = [1]} : vector<16xi32> to vector<1xi32>
      %squeeze3A_1199 = vector.extract %slice3A_1198[0] : i32 from vector<1xi32>
      %ne3A_1200 = arith.constant 0 : i32
      %ne3A_1201 = arith.cmpi ne, %squeeze3A_1199, %ne3A_1200 : i32
      %jit3A_1202 = arith.constant 1 : i32
      %jit3A_1203 = arith.constant 0 : i32
      %select_n3A_1204 = arith.select %ne3A_1201, %jit3A_1202, %jit3A_1203 : i32
      %add3A_1205 = arith.addi %add3A_1197, %select_n3A_1204 : i32
      %slice3A_1206 = vector.extract_strided_slice %get3A_1113 {offsets = [12], sizes = [1], strides = [1]} : vector<16xi32> to vector<1xi32>
      %squeeze3A_1207 = vector.extract %slice3A_1206[0] : i32 from vector<1xi32>
      %ne3A_1208 = arith.constant 0 : i32
      %ne3A_1209 = arith.cmpi ne, %squeeze3A_1207, %ne3A_1208 : i32
      %jit3A_1210 = arith.constant 1 : i32
      %jit3A_1211 = arith.constant 0 : i32
      %select_n3A_1212 = arith.select %ne3A_1209, %jit3A_1210, %jit3A_1211 : i32
      %add3A_1213 = arith.addi %add3A_1205, %select_n3A_1212 : i32
      %slice3A_1214 = vector.extract_strided_slice %get3A_1113 {offsets = [13], sizes = [1], strides = [1]} : vector<16xi32> to vector<1xi32>
      %squeeze3A_1215 = vector.extract %slice3A_1214[0] : i32 from vector<1xi32>
      %ne3A_1216 = arith.constant 0 : i32
      %ne3A_1217 = arith.cmpi ne, %squeeze3A_1215, %ne3A_1216 : i32
      %jit3A_1218 = arith.constant 1 : i32
      %jit3A_1219 = arith.constant 0 : i32
      %select_n3A_1220 = arith.select %ne3A_1217, %jit3A_1218, %jit3A_1219 : i32
      %add3A_1221 = arith.addi %add3A_1213, %select_n3A_1220 : i32
      %slice3A_1222 = vector.extract_strided_slice %get3A_1113 {offsets = [14], sizes = [1], strides = [1]} : vector<16xi32> to vector<1xi32>
      %squeeze3A_1223 = vector.extract %slice3A_1222[0] : i32 from vector<1xi32>
      %ne3A_1224 = arith.constant 0 : i32
      %ne3A_1225 = arith.cmpi ne, %squeeze3A_1223, %ne3A_1224 : i32
      %jit3A_1226 = arith.constant 1 : i32
      %jit3A_1227 = arith.constant 0 : i32
      %select_n3A_1228 = arith.select %ne3A_1225, %jit3A_1226, %jit3A_1227 : i32
      %add3A_1229 = arith.addi %add3A_1221, %select_n3A_1228 : i32
      %slice3A_1230 = vector.extract_strided_slice %get3A_1113 {offsets = [15], sizes = [1], strides = [1]} : vector<16xi32> to vector<1xi32>
      %squeeze3A_1231 = vector.extract %slice3A_1230[0] : i32 from vector<1xi32>
      %ne3A_1232 = arith.constant 0 : i32
      %ne3A_1233 = arith.cmpi ne, %squeeze3A_1231, %ne3A_1232 : i32
      %jit3A_1234 = arith.constant 1 : i32
      %jit3A_1235 = arith.constant 0 : i32
      %select_n3A_1236 = arith.select %ne3A_1233, %jit3A_1234, %jit3A_1235 : i32
      %add3A_1237 = arith.addi %add3A_1229, %select_n3A_1236 : i32
      %eq3A = arith.constant 2 : i32
      %eq3A_1238 = arith.cmpi eq, %add3A_1237, %eq3A : i32
      %jit3A_1239 = arith.constant 5.000000e-01 : f32
      %jit3A_1240 = arith.constant 1.000000e+00 : f32
      %select_n3A_1241 = arith.select %eq3A_1238, %jit3A_1239, %jit3A_1240 : f32
      %eq3A_1242 = arith.constant 3 : i32
      %eq3A_1243 = arith.cmpi eq, %add3A_1237, %eq3A_1242 : i32
      %jit3A_1244 = arith.constant 0.333333343 : f32
      %select_n3A_1245 = arith.select %eq3A_1243, %jit3A_1244, %select_n3A_1241 : f32
      %eq3A_1246 = arith.constant 4 : i32
      %eq3A_1247 = arith.cmpi eq, %add3A_1237, %eq3A_1246 : i32
      %jit3A_1248 = arith.constant 2.500000e-01 : f32
      %select_n3A_1249 = arith.select %eq3A_1247, %jit3A_1248, %select_n3A_1245 : f32
      %eq3A_1250 = arith.constant 5 : i32
      %eq3A_1251 = arith.cmpi eq, %add3A_1237, %eq3A_1250 : i32
      %jit3A_1252 = arith.constant 2.000000e-01 : f32
      %select_n3A_1253 = arith.select %eq3A_1251, %jit3A_1252, %select_n3A_1249 : f32
      %eq3A_1254 = arith.constant 6 : i32
      %eq3A_1255 = arith.cmpi eq, %add3A_1237, %eq3A_1254 : i32
      %jit3A_1256 = arith.constant 0.166666672 : f32
      %select_n3A_1257 = arith.select %eq3A_1255, %jit3A_1256, %select_n3A_1253 : f32
      %eq3A_1258 = arith.constant 7 : i32
      %eq3A_1259 = arith.cmpi eq, %add3A_1237, %eq3A_1258 : i32
      %jit3A_1260 = arith.constant 0.142857149 : f32
      %select_n3A_1261 = arith.select %eq3A_1259, %jit3A_1260, %select_n3A_1257 : f32
      %eq3A_1262 = arith.constant 8 : i32
      %eq3A_1263 = arith.cmpi eq, %add3A_1237, %eq3A_1262 : i32
      %jit3A_1264 = arith.constant 1.250000e-01 : f32
      %select_n3A_1265 = arith.select %eq3A_1263, %jit3A_1264, %select_n3A_1261 : f32
      %eq3A_1266 = arith.constant 9 : i32
      %eq3A_1267 = arith.cmpi eq, %add3A_1237, %eq3A_1266 : i32
      %jit3A_1268 = arith.constant 0.111111112 : f32
      %select_n3A_1269 = arith.select %eq3A_1267, %jit3A_1268, %select_n3A_1265 : f32
      %eq3A_1270 = arith.constant 10 : i32
      %eq3A_1271 = arith.cmpi eq, %add3A_1237, %eq3A_1270 : i32
      %jit3A_1272 = arith.constant 1.000000e-01 : f32
      %select_n3A_1273 = arith.select %eq3A_1271, %jit3A_1272, %select_n3A_1269 : f32
      %eq3A_1274 = arith.constant 11 : i32
      %eq3A_1275 = arith.cmpi eq, %add3A_1237, %eq3A_1274 : i32
      %jit3A_1276 = arith.constant 0.0909090936 : f32
      %select_n3A_1277 = arith.select %eq3A_1275, %jit3A_1276, %select_n3A_1273 : f32
      %eq3A_1278 = arith.constant 12 : i32
      %eq3A_1279 = arith.cmpi eq, %add3A_1237, %eq3A_1278 : i32
      %jit3A_1280 = arith.constant 0.0833333358 : f32
      %select_n3A_1281 = arith.select %eq3A_1279, %jit3A_1280, %select_n3A_1277 : f32
      %eq3A_1282 = arith.constant 13 : i32
      %eq3A_1283 = arith.cmpi eq, %add3A_1237, %eq3A_1282 : i32
      %jit3A_1284 = arith.constant 0.0769230798 : f32
      %select_n3A_1285 = arith.select %eq3A_1283, %jit3A_1284, %select_n3A_1281 : f32
      %eq3A_1286 = arith.constant 14 : i32
      %eq3A_1287 = arith.cmpi eq, %add3A_1237, %eq3A_1286 : i32
      %jit3A_1288 = arith.constant 0.0714285746 : f32
      %select_n3A_1289 = arith.select %eq3A_1287, %jit3A_1288, %select_n3A_1285 : f32
      %eq3A_1290 = arith.constant 15 : i32
      %eq3A_1291 = arith.cmpi eq, %add3A_1237, %eq3A_1290 : i32
      %jit3A_1292 = arith.constant 0.0666666701 : f32
      %select_n3A_1293 = arith.select %eq3A_1291, %jit3A_1292, %select_n3A_1289 : f32
      %eq3A_1294 = arith.constant 16 : i32
      %eq3A_1295 = arith.cmpi eq, %add3A_1237, %eq3A_1294 : i32
      %jit3A_1296 = arith.constant 6.250000e-02 : f32
      %select_n3A_1297 = arith.select %eq3A_1295, %jit3A_1296, %select_n3A_1293 : f32
      %mul3A_1298 = vector.broadcast %select_n3A_1297 : f32 to vector<16xf32>
      %mul3A_1299 = arith.mulf %add3A_1100, %mul3A_1298 : vector<16xf32>
      %swap3A = arith.index_cast %scan3A_828 : i32 to index
      %swap3A_1300 = arith.constant 32 : index
      %swap3A_1301 = tpu.vector_load %arg15[%swap3A, %swap3A_1300] {strides = array<i32>} : memref<96x64xf32, #tpu.memory_space<vmem>>, vector<1x16xf32>,
      %swap3A_1302 = vector.shape_cast %swap3A_1301 : vector<1x16xf32> to vector<16xf32>
      %swap3A_1303 = vector.shape_cast %mul3A_1299 : vector<16xf32> to vector<1x16xf32>
      tpu.vector_store %arg15[%swap3A, %swap3A_1300], %swap3A_1303 {strides = array<i32>} : memref<96x64xf32, #tpu.memory_space<vmem>>, vector<1x16xf32>,
      %mul3A_1304 = vector.broadcast %select_n3A_1297 : f32 to vector<16xf32>
      %mul3A_1305 = arith.mulf %add3A_1109, %mul3A_1304 : vector<16xf32>
      %swap3A_1306 = arith.index_cast %scan3A_828 : i32 to index
      %swap3A_1307 = arith.constant 48 : index
      %swap3A_1308 = tpu.vector_load %arg15[%swap3A_1306, %swap3A_1307] {strides = array<i32>} : memref<96x64xf32, #tpu.memory_space<vmem>>, vector<1x16xf32>,
      %swap3A_1309 = vector.shape_cast %swap3A_1308 : vector<1x16xf32> to vector<16xf32>
      %swap3A_1310 = vector.shape_cast %mul3A_1305 : vector<16xf32> to vector<1x16xf32>
      tpu.vector_store %arg15[%swap3A_1306, %swap3A_1307], %swap3A_1310 {strides = array<i32>} : memref<96x64xf32, #tpu.memory_space<vmem>>, vector<1x16xf32>,
    }
    %scan3A_827 = arith.constant 96 : i32
    "tpu.region"() ({
      %run_scoped3A = tpu.sem_alloc : memref<!tpu.dma_semaphore, #tpu.memory_space<semaphore_mem>>
      %dma_start3A_828 = arith.constant 64 : i32
      %dma_start3A_829 = tpu.memref_slice %arg9[%mul3A_2, %dma_start3A_828] : memref<3072x128xf32, #tpu.memory_space<hbm>> -> memref<96x64xf32, #tpu.memory_space<hbm>>
      %dma_start3A_830 = arith.constant 64 : i32
      %dma_start3A_831 = tpu.memref_slice %arg9[%mul3A_2, %dma_start3A_830] : memref<3072x128xf32, #tpu.memory_space<hbm>> -> memref<96x64xf32, #tpu.memory_space<hbm>>
      tpu.enqueue_dma source(%arg15 : memref<96x64xf32, #tpu.memory_space<vmem>>) target(%dma_start3A_831 : memref<96x64xf32, #tpu.memory_space<hbm>>) target_semaphore(%run_scoped3A : memref<!tpu.dma_semaphore, #tpu.memory_space<semaphore_mem>>)
      %dma_wait3A_832 = arith.constant 64 : i32
      %dma_wait3A_833 = tpu.memref_slice %arg9[%mul3A_2, %dma_wait3A_832] : memref<3072x128xf32, #tpu.memory_space<hbm>> -> memref<96x64xf32, #tpu.memory_space<hbm>>
      %dma_wait3A_834 = arith.constant 64 : i32
      %dma_wait3A_835 = tpu.memref_slice %arg9[%mul3A_2, %dma_wait3A_834] : memref<3072x128xf32, #tpu.memory_space<hbm>> -> memref<96x64xf32, #tpu.memory_space<hbm>>
      tpu.wait_dma2 semaphore(%run_scoped3A : memref<!tpu.dma_semaphore, #tpu.memory_space<semaphore_mem>>) src(%arg15 : memref<96x64xf32, #tpu.memory_space<vmem>>) dst(%dma_wait3A_835 : memref<96x64xf32, #tpu.memory_space<hbm>>)
      tpu.yield
    }) : () -> ()
    return
  }
}

module attributes {stable_mosaic.version = 14 : i64} {
  func.func @_tc_body(%arg0: memref<3072x128xf32, #tpu.memory_space<vmem>>, %arg1: memref<3072x64xf32, #tpu.memory_space<vmem>>, %arg2: memref<3072x4xf32, #tpu.memory_space<vmem>>, %arg3: memref<3x32xf32, #tpu.memory_space<vmem>>, %arg4: memref<128x64xf32, #tpu.memory_space<vmem>>, %arg5: memref<64x64xf32, #tpu.memory_space<vmem>>, %arg6: memref<1x64xf32, #tpu.memory_space<vmem>>, %arg7: memref<64x64xf32, #tpu.memory_space<vmem>>, %arg8: memref<1x64xf32, #tpu.memory_space<vmem>>, %arg9: memref<32x32xf32, #tpu.memory_space<vmem>>, %arg10: memref<64x64xf32, #tpu.memory_space<vmem>>, %arg11: memref<1x64xf32, #tpu.memory_space<vmem>>, %arg12: memref<32x64xf32, #tpu.memory_space<vmem>>, %arg13: memref<1x64xf32, #tpu.memory_space<vmem>>, %arg14: memref<32x128xbf16, #tpu.memory_space<vmem>>, %arg15: memref<32x64xf32, #tpu.memory_space<vmem>>, %arg16: memref<1x64xf32, #tpu.memory_space<vmem>>, %arg17: memref<32x64xf32, #tpu.memory_space<vmem>>, %arg18: memref<1x64xf32, #tpu.memory_space<vmem>>, %arg19: memref<1x32xf32, #tpu.memory_space<vmem>>, %arg20: memref<1x32xf32, #tpu.memory_space<vmem>>, %arg21: memref<32x32xf32, #tpu.memory_space<vmem>>, %arg22: memref<1xf32, #tpu.memory_space<smem>>, %arg23: memref<1xf32, #tpu.memory_space<smem>>, %arg24: memref<1xf32, #tpu.memory_space<smem>>, %arg25: memref<3072x2xf32, #tpu.memory_space<vmem>>, %arg26: memref<3072x32xf32, #tpu.memory_space<vmem>>, %arg27: memref<3072x32xf32, #tpu.memory_space<vmem>>, %arg28: memref<3072x32xf32, #tpu.memory_space<vmem>>, %arg29: memref<3072x64xf32, #tpu.memory_space<vmem>>, %arg30: memref<3072x32xf32, #tpu.memory_space<vmem>>) attributes {dimension_semantics = [], scalar_prefetch = 0 : i64, scratch_operands = 5 : i64, tpu.core_type = #tpu.core_type<tc>} {
    %get3A = arith.constant 0 : index
    %get3A_0 = arith.constant 0 : index
    %get3A_1 = vector.load %arg4[%get3A, %get3A_0] : memref<128x64xf32, #tpu.memory_space<vmem>>, vector<128x64xf32>
    %get3A_2 = arith.constant 0 : index
    %get3A_3 = arith.constant 0 : index
    %get3A_4 = vector.load %arg5[%get3A_2, %get3A_3] : memref<64x64xf32, #tpu.memory_space<vmem>>, vector<64x64xf32>
    %get3A_5 = arith.constant 0 : index
    %get3A_6 = arith.constant 0 : index
    %get3A_7 = vector.load %arg6[%get3A_5, %get3A_6] : memref<1x64xf32, #tpu.memory_space<vmem>>, vector<1x64xf32>
    %get3A_8 = arith.constant 0 : index
    %get3A_9 = arith.constant 0 : index
    %get3A_10 = vector.load %arg7[%get3A_8, %get3A_9] : memref<64x64xf32, #tpu.memory_space<vmem>>, vector<64x64xf32>
    %get3A_11 = arith.constant 0 : index
    %get3A_12 = arith.constant 0 : index
    %get3A_13 = vector.load %arg8[%get3A_11, %get3A_12] : memref<1x64xf32, #tpu.memory_space<vmem>>, vector<1x64xf32>
    %get3A_14 = arith.constant 0 : index
    %get3A_15 = arith.constant 0 : index
    %get3A_16 = vector.load %arg9[%get3A_14, %get3A_15] : memref<32x32xf32, #tpu.memory_space<vmem>>, vector<32x32xf32>
    %get3A_17 = arith.constant 0 : index
    %get3A_18 = arith.constant 0 : index
    %get3A_19 = vector.load %arg10[%get3A_17, %get3A_18] : memref<64x64xf32, #tpu.memory_space<vmem>>, vector<64x64xf32>
    %get3A_20 = arith.constant 0 : index
    %get3A_21 = arith.constant 0 : index
    %get3A_22 = vector.load %arg11[%get3A_20, %get3A_21] : memref<1x64xf32, #tpu.memory_space<vmem>>, vector<1x64xf32>
    %get3A_23 = arith.constant 0 : index
    %get3A_24 = arith.constant 0 : index
    %get3A_25 = vector.load %arg12[%get3A_23, %get3A_24] : memref<32x64xf32, #tpu.memory_space<vmem>>, vector<32x64xf32>
    %get3A_26 = arith.constant 0 : index
    %get3A_27 = arith.constant 0 : index
    %get3A_28 = vector.load %arg13[%get3A_26, %get3A_27] : memref<1x64xf32, #tpu.memory_space<vmem>>, vector<1x64xf32>
    %get3A_29 = arith.constant 0 : index
    %get3A_30 = arith.constant 0 : index
    %get3A_31 = vector.load %arg14[%get3A_29, %get3A_30] : memref<32x128xbf16, #tpu.memory_space<vmem>>, vector<32x128xbf16>
    %get3A_32 = arith.constant 0 : index
    %get3A_33 = arith.constant 0 : index
    %get3A_34 = vector.load %arg15[%get3A_32, %get3A_33] : memref<32x64xf32, #tpu.memory_space<vmem>>, vector<32x64xf32>
    %get3A_35 = arith.constant 0 : index
    %get3A_36 = arith.constant 0 : index
    %get3A_37 = vector.load %arg16[%get3A_35, %get3A_36] : memref<1x64xf32, #tpu.memory_space<vmem>>, vector<1x64xf32>
    %get3A_38 = arith.constant 0 : index
    %get3A_39 = arith.constant 0 : index
    %get3A_40 = vector.load %arg17[%get3A_38, %get3A_39] : memref<32x64xf32, #tpu.memory_space<vmem>>, vector<32x64xf32>
    %get3A_41 = arith.constant 0 : index
    %get3A_42 = arith.constant 0 : index
    %get3A_43 = vector.load %arg18[%get3A_41, %get3A_42] : memref<1x64xf32, #tpu.memory_space<vmem>>, vector<1x64xf32>
    %get3A_44 = arith.constant 0 : index
    %get3A_45 = arith.constant 0 : index
    %get3A_46 = vector.load %arg19[%get3A_44, %get3A_45] : memref<1x32xf32, #tpu.memory_space<vmem>>, vector<1x32xf32>
    %get3A_47 = arith.constant 0 : index
    %get3A_48 = arith.constant 0 : index
    %get3A_49 = vector.load %arg20[%get3A_47, %get3A_48] : memref<1x32xf32, #tpu.memory_space<vmem>>, vector<1x32xf32>
    %get3A_50 = arith.constant 0 : index
    %get3A_51 = memref.load %arg22[%get3A_50] : memref<1xf32, #tpu.memory_space<smem>>
    %get3A_52 = arith.constant 0 : index
    %get3A_53 = memref.load %arg23[%get3A_52] : memref<1xf32, #tpu.memory_space<smem>>
    %get3A_54 = arith.constant 0 : index
    %get3A_55 = memref.load %arg24[%get3A_54] : memref<1xf32, #tpu.memory_space<smem>>
    %get3A_56 = arith.constant 0 : index
    %get3A_57 = arith.constant 0 : index
    %get3A_58 = vector.load %arg3[%get3A_56, %get3A_57] : memref<3x32xf32, #tpu.memory_space<vmem>>, vector<1x32xf32>
    %get3A_59 = arith.constant 1 : index
    %get3A_60 = arith.constant 0 : index
    %get3A_61 = vector.load %arg3[%get3A_59, %get3A_60] : memref<3x32xf32, #tpu.memory_space<vmem>>, vector<1x32xf32>
    %scan3A = arith.constant 0 : i32
    %scan3A_62 = arith.constant 8 : i32
    %scan3A_63 = arith.addi %scan3A, %scan3A_62 : i32
    %scan3A_64 = arith.constant 1 : i32
    scf.for %scan3A_81 = %scan3A to %scan3A_63 step %scan3A_64  : i32 {
      %mul3A = arith.constant 384 : i32
      %mul3A_82 = arith.muli %scan3A_81, %mul3A : i32
      %get3A_83 = arith.index_cast %mul3A_82 : i32 to index
      %get3A_84 = arith.constant 0 : index
      %get3A_85 = vector.load %arg0[%get3A_83, %get3A_84] : memref<3072x128xf32, #tpu.memory_space<vmem>>, vector<384x128xf32>
      %get3A_86 = arith.index_cast %mul3A_82 : i32 to index
      %get3A_87 = arith.constant 0 : index
      %get3A_88 = vector.load %arg1[%get3A_86, %get3A_87] : memref<3072x64xf32, #tpu.memory_space<vmem>>, vector<384x64xf32>
      %get3A_89 = arith.index_cast %mul3A_82 : i32 to index
      %get3A_90 = arith.constant 0 : index
      %get3A_91 = vector.load %arg2[%get3A_89, %get3A_90] : memref<3072x4xf32, #tpu.memory_space<vmem>>, vector<384x4xf32>
      %slice3A = vector.extract_strided_slice %get3A_91 {offsets = [0, 0], sizes = [384, 1], strides = [1, 1]} : vector<384x4xf32> to vector<384x1xf32>
      %gt3A = arith.constant 5.000000e-01 : f32
      %gt3A_92 = vector.broadcast %gt3A : f32 to vector<384x1xf32>
      %gt3A_93 = arith.cmpf ogt, %slice3A, %gt3A_92 : vector<384x1xf32>
      %slice3A_94 = vector.extract_strided_slice %get3A_91 {offsets = [0, 1], sizes = [384, 1], strides = [1, 1]} : vector<384x4xf32> to vector<384x1xf32>
      %mul3A_95 = vector.broadcast %slice3A_94 : vector<384x1xf32> to vector<384x32xf32>
      %mul3A_96 = vector.broadcast %get3A_61 : vector<1x32xf32> to vector<384x32xf32>
      %mul3A_97 = arith.mulf %mul3A_95, %mul3A_96 : vector<384x32xf32>
      %sub3A = arith.constant 1.000000e+00 : f32
      %sub3A_98 = vector.broadcast %sub3A : f32 to vector<384x1xf32>
      %sub3A_99 = arith.subf %sub3A_98, %slice3A_94 : vector<384x1xf32>
      %mul3A_100 = vector.broadcast %sub3A_99 : vector<384x1xf32> to vector<384x32xf32>
      %mul3A_101 = vector.broadcast %get3A_58 : vector<1x32xf32> to vector<384x32xf32>
      %mul3A_102 = arith.mulf %mul3A_100, %mul3A_101 : vector<384x32xf32>
      %add3A = arith.addf %mul3A_97, %mul3A_102 : vector<384x32xf32>
      %dot_general3A = arith.constant dense<0.000000e+00> : vector<384x64xf32>
      %dot_general3A_103 = tpu.matmul %get3A_85, %get3A_1, %dot_general3A {dimension_numbers = #tpu.dot_dimension_numbers<[1], [0], [0], [1], [0, 0, 1, 1], [], []>, transpose_lhs_hint = false} : vector<384x128xf32>, vector<128x64xf32>, vector<384x64xf32> -> vector<384x64xf32>
      %add3A_104 = arith.addf %get3A_88, %dot_general3A_103 : vector<384x64xf32>
      %dot_general3A_105 = arith.constant dense<0.000000e+00> : vector<384x64xf32>
      %dot_general3A_106 = tpu.matmul %add3A_104, %get3A_4, %dot_general3A_105 {dimension_numbers = #tpu.dot_dimension_numbers<[1], [0], [0], [1], [0, 0, 1, 1], [], []>, transpose_lhs_hint = false} : vector<384x64xf32>, vector<64x64xf32>, vector<384x64xf32> -> vector<384x64xf32>
      %add3A_107 = vector.broadcast %get3A_7 : vector<1x64xf32> to vector<384x64xf32>
      %add3A_108 = arith.addf %dot_general3A_106, %add3A_107 : vector<384x64xf32>
      %tanh3A = math.tanh %add3A_108 : vector<384x64xf32>
      %dot_general3A_109 = arith.constant dense<0.000000e+00> : vector<384x64xf32>
      %dot_general3A_110 = tpu.matmul %tanh3A, %get3A_10, %dot_general3A_109 {dimension_numbers = #tpu.dot_dimension_numbers<[1], [0], [0], [1], [0, 0, 1, 1], [], []>, transpose_lhs_hint = false} : vector<384x64xf32>, vector<64x64xf32>, vector<384x64xf32> -> vector<384x64xf32>
      %add3A_111 = vector.broadcast %get3A_13 : vector<1x64xf32> to vector<384x64xf32>
      %add3A_112 = arith.addf %dot_general3A_110, %add3A_111 : vector<384x64xf32>
      %slice3A_113 = vector.extract_strided_slice %add3A_112 {offsets = [0, 0], sizes = [384, 32], strides = [1, 1]} : vector<384x64xf32> to vector<384x32xf32>
      %slice3A_114 = vector.extract_strided_slice %add3A_112 {offsets = [0, 32], sizes = [384, 32], strides = [1, 1]} : vector<384x64xf32> to vector<384x32xf32>
      %broadcast_in_dim3A_115 = vector.shape_cast %gt3A_93 : vector<384x1xi1> to vector<384x1xi1>
      %broadcast_in_dim3A_116 = vector.broadcast %broadcast_in_dim3A_115 : vector<384x1xi1> to vector<384x32xi1>
      %select_n3A = arith.select %broadcast_in_dim3A_116, %slice3A_113, %slice3A_114 : vector<384x32xi1>, vector<384x32xf32>
      %dot_general3A_117 = arith.constant dense<0.000000e+00> : vector<384x32xf32>
      %dot_general3A_118 = tpu.matmul %select_n3A, %get3A_16, %dot_general3A_117 {dimension_numbers = #tpu.dot_dimension_numbers<[1], [0], [0], [1], [0, 0, 1, 1], [], []>, transpose_lhs_hint = false} : vector<384x32xf32>, vector<32x32xf32>, vector<384x32xf32> -> vector<384x32xf32>
      %reduce_max3A = arith.constant dense<0xFF800000> : vector<384xf32>
      %reduce_max3A_119 = vector.multi_reduction <maximumf>, %dot_general3A_118, %reduce_max3A [1] : vector<384x32xf32> to vector<384xf32>
      %broadcast_in_dim3A_120 = vector.shape_cast %reduce_max3A_119 : vector<384xf32> to vector<384x1xf32>
      %sub3A_121 = vector.broadcast %broadcast_in_dim3A_120 : vector<384x1xf32> to vector<384x32xf32>
      %sub3A_122 = arith.subf %dot_general3A_118, %sub3A_121 : vector<384x32xf32>
      %exp3A = math.exp %sub3A_122 : vector<384x32xf32>
      %reduce_sum3A = arith.constant dense<0.000000e+00> : vector<384xf32>
      %reduce_sum3A_123 = vector.multi_reduction <add>, %exp3A, %reduce_sum3A [1] : vector<384x32xf32> to vector<384xf32>
      %broadcast_in_dim3A_124 = vector.shape_cast %reduce_sum3A_123 : vector<384xf32> to vector<384x1xf32>
      %div3A = vector.broadcast %broadcast_in_dim3A_124 : vector<384x1xf32> to vector<384x32xf32>
      %div3A_125 = arith.divf %exp3A, %div3A : vector<384x32xf32>
      %slice3A_126 = vector.extract_strided_slice %tanh3A {offsets = [0, 0], sizes = [384, 32], strides = [1, 1]} : vector<384x64xf32> to vector<384x32xf32>
      %concatenate3A = tpu.concatenate %slice3A_126, %add3A in 1 : vector<384x32xf32>, vector<384x32xf32> -> vector<384x64xf32>
      %dot_general3A_127 = arith.constant dense<0.000000e+00> : vector<384x64xf32>
      %dot_general3A_128 = tpu.matmul %concatenate3A, %get3A_19, %dot_general3A_127 {dimension_numbers = #tpu.dot_dimension_numbers<[1], [0], [0], [1], [0, 0, 1, 1], [], []>, transpose_lhs_hint = false} : vector<384x64xf32>, vector<64x64xf32>, vector<384x64xf32> -> vector<384x64xf32>
      %add3A_129 = vector.broadcast %get3A_22 : vector<1x64xf32> to vector<384x64xf32>
      %add3A_130 = arith.addf %dot_general3A_128, %add3A_129 : vector<384x64xf32>
      %slice3A_131 = vector.extract_strided_slice %tanh3A {offsets = [0, 32], sizes = [384, 32], strides = [1, 1]} : vector<384x64xf32> to vector<384x32xf32>
      %dot_general3A_132 = arith.constant dense<0.000000e+00> : vector<384x64xf32>
      %dot_general3A_133 = tpu.matmul %slice3A_131, %get3A_25, %dot_general3A_132 {dimension_numbers = #tpu.dot_dimension_numbers<[1], [0], [0], [1], [0, 0, 1, 1], [], []>, transpose_lhs_hint = false} : vector<384x32xf32>, vector<32x64xf32>, vector<384x64xf32> -> vector<384x64xf32>
      %add3A_134 = vector.broadcast %get3A_28 : vector<1x64xf32> to vector<384x64xf32>
      %add3A_135 = arith.addf %dot_general3A_133, %add3A_134 : vector<384x64xf32>
      %slice3A_136 = vector.extract_strided_slice %add3A_130 {offsets = [0, 0], sizes = [384, 32], strides = [1, 1]} : vector<384x64xf32> to vector<384x32xf32>
      %neg3A = arith.constant 0.000000e+00 : f32
      %neg3A_137 = vector.broadcast %neg3A : f32 to vector<384x32xf32>
      %neg3A_138 = arith.subf %neg3A_137, %slice3A_136 : vector<384x32xf32>
      %exp3A_139 = math.exp %neg3A_138 : vector<384x32xf32>
      %add3A_140 = arith.constant 1.000000e+00 : f32
      %add3A_141 = vector.broadcast %add3A_140 : f32 to vector<384x32xf32>
      %add3A_142 = arith.addf %add3A_141, %exp3A_139 : vector<384x32xf32>
      %div3A_143 = arith.constant 1.000000e+00 : f32
      %div3A_144 = vector.broadcast %div3A_143 : f32 to vector<384x32xf32>
      %div3A_145 = arith.divf %div3A_144, %add3A_142 : vector<384x32xf32>
      %slice3A_146 = vector.extract_strided_slice %add3A_135 {offsets = [0, 0], sizes = [384, 32], strides = [1, 1]} : vector<384x64xf32> to vector<384x32xf32>
      %neg3A_147 = arith.constant 0.000000e+00 : f32
      %neg3A_148 = vector.broadcast %neg3A_147 : f32 to vector<384x32xf32>
      %neg3A_149 = arith.subf %neg3A_148, %slice3A_146 : vector<384x32xf32>
      %exp3A_150 = math.exp %neg3A_149 : vector<384x32xf32>
      %add3A_151 = arith.constant 1.000000e+00 : f32
      %add3A_152 = vector.broadcast %add3A_151 : f32 to vector<384x32xf32>
      %add3A_153 = arith.addf %add3A_152, %exp3A_150 : vector<384x32xf32>
      %div3A_154 = arith.constant 1.000000e+00 : f32
      %div3A_155 = vector.broadcast %div3A_154 : f32 to vector<384x32xf32>
      %div3A_156 = arith.divf %div3A_155, %add3A_153 : vector<384x32xf32>
      %broadcast_in_dim3A_157 = vector.shape_cast %gt3A_93 : vector<384x1xi1> to vector<384x1xi1>
      %broadcast_in_dim3A_158 = vector.broadcast %broadcast_in_dim3A_157 : vector<384x1xi1> to vector<384x32xi1>
      %select_n3A_159 = arith.select %broadcast_in_dim3A_158, %div3A_145, %div3A_156 : vector<384x32xi1>, vector<384x32xf32>
      %slice3A_160 = vector.extract_strided_slice %add3A_130 {offsets = [0, 32], sizes = [384, 32], strides = [1, 1]} : vector<384x64xf32> to vector<384x32xf32>
      %tanh3A_161 = math.tanh %slice3A_160 : vector<384x32xf32>
      %slice3A_162 = vector.extract_strided_slice %add3A_135 {offsets = [0, 32], sizes = [384, 32], strides = [1, 1]} : vector<384x64xf32> to vector<384x32xf32>
      %tanh3A_163 = math.tanh %slice3A_162 : vector<384x32xf32>
      %broadcast_in_dim3A_164 = vector.shape_cast %gt3A_93 : vector<384x1xi1> to vector<384x1xi1>
      %broadcast_in_dim3A_165 = vector.broadcast %broadcast_in_dim3A_164 : vector<384x1xi1> to vector<384x32xi1>
      %select_n3A_166 = arith.select %broadcast_in_dim3A_165, %tanh3A_161, %tanh3A_163 : vector<384x32xi1>, vector<384x32xf32>
      %dot_general3A_167 = arith.constant dense<0.000000e+00> : vector<384x64xf32>
      %dot_general3A_168 = tpu.matmul %slice3A_126, %get3A_34, %dot_general3A_167 {dimension_numbers = #tpu.dot_dimension_numbers<[1], [0], [0], [1], [0, 0, 1, 1], [], []>, transpose_lhs_hint = false} : vector<384x32xf32>, vector<32x64xf32>, vector<384x64xf32> -> vector<384x64xf32>
      %add3A_169 = vector.broadcast %get3A_37 : vector<1x64xf32> to vector<384x64xf32>
      %add3A_170 = arith.addf %dot_general3A_168, %add3A_169 : vector<384x64xf32>
      %swap3A = arith.index_cast %mul3A_82 : i32 to index
      %swap3A_171 = arith.constant 0 : index
      %swap3A_172 = vector.load %arg26[%swap3A, %swap3A_171] : memref<3072x32xf32, #tpu.memory_space<vmem>>, vector<384x32xf32>
      tpu.vector_store %arg26[%swap3A, %swap3A_171], %div3A_125 {strides = array<i32>} : memref<3072x32xf32, #tpu.memory_space<vmem>>, vector<384x32xf32>,
      %swap3A_173 = arith.index_cast %mul3A_82 : i32 to index
      %swap3A_174 = arith.constant 0 : index
      %swap3A_175 = vector.load %arg27[%swap3A_173, %swap3A_174] : memref<3072x32xf32, #tpu.memory_space<vmem>>, vector<384x32xf32>
      tpu.vector_store %arg27[%swap3A_173, %swap3A_174], %select_n3A_159 {strides = array<i32>} : memref<3072x32xf32, #tpu.memory_space<vmem>>, vector<384x32xf32>,
      %swap3A_176 = arith.index_cast %mul3A_82 : i32 to index
      %swap3A_177 = arith.constant 0 : index
      %swap3A_178 = vector.load %arg28[%swap3A_176, %swap3A_177] : memref<3072x32xf32, #tpu.memory_space<vmem>>, vector<384x32xf32>
      tpu.vector_store %arg28[%swap3A_176, %swap3A_177], %select_n3A_166 {strides = array<i32>} : memref<3072x32xf32, #tpu.memory_space<vmem>>, vector<384x32xf32>,
      %swap3A_179 = arith.index_cast %mul3A_82 : i32 to index
      %swap3A_180 = arith.constant 0 : index
      %swap3A_181 = vector.load %arg29[%swap3A_179, %swap3A_180] : memref<3072x64xf32, #tpu.memory_space<vmem>>, vector<384x64xf32>
      tpu.vector_store %arg29[%swap3A_179, %swap3A_180], %add3A_170 {strides = array<i32>} : memref<3072x64xf32, #tpu.memory_space<vmem>>, vector<384x64xf32>,
    }
    %scan3A_65 = arith.constant 8 : i32
    %get3A_66 = arith.constant 0 : index
    %get3A_67 = arith.constant 0 : index
    %get3A_68 = vector.load %arg21[%get3A_66, %get3A_67] : memref<32x32xf32, #tpu.memory_space<vmem>>, vector<32x32xf32>
    %broadcast_in_dim3A = vector.shape_cast %get3A_68 : vector<32x32xf32> to vector<1x32x32xf32>
    %broadcast_in_dim3A_69 = vector.broadcast %broadcast_in_dim3A : vector<1x32x32xf32> to vector<64x32x32xf32>
    %scan3A_70 = arith.constant 0 : i32
    %scan3A_71 = arith.constant 48 : i32
    %scan3A_72 = arith.addi %scan3A_70, %scan3A_71 : i32
    %scan3A_73 = arith.constant 4 : i32
    %scan3A_74 = scf.for %scan3A_81 = %scan3A_70 to %scan3A_72 step %scan3A_73 iter_args(%scan3A_82 = %broadcast_in_dim3A_69) -> (vector<64x32x32xf32>)  : i32 {
      %mul3A = arith.constant 64 : i32
      %mul3A_83 = arith.muli %scan3A_81, %mul3A : i32
      %get3A_84 = arith.index_cast %mul3A_83 : i32 to index
      %get3A_85 = arith.constant 0 : index
      %get3A_86 = vector.load %arg2[%get3A_84, %get3A_85] : memref<3072x4xf32, #tpu.memory_space<vmem>>, vector<64x4xf32>
      %slice3A = vector.extract_strided_slice %get3A_86 {offsets = [0, 0], sizes = [64, 1], strides = [1, 1]} : vector<64x4xf32> to vector<64x1xf32>
      %broadcast_in_dim3A_87 = vector.shape_cast %slice3A : vector<64x1xf32> to vector<64x1x1xf32>
      %gt3A = arith.constant 5.000000e-01 : f32
      %gt3A_88 = vector.broadcast %gt3A : f32 to vector<64x1x1xf32>
      %gt3A_89 = arith.cmpf ogt, %broadcast_in_dim3A_87, %gt3A_88 : vector<64x1x1xf32>
      %slice3A_90 = vector.extract_strided_slice %get3A_86 {offsets = [0, 2], sizes = [64, 1], strides = [1, 1]} : vector<64x4xf32> to vector<64x1xf32>
      %broadcast_in_dim3A_91 = vector.shape_cast %slice3A_90 : vector<64x1xf32> to vector<64x1x1xf32>
      %gt3A_92 = arith.constant 5.000000e-01 : f32
      %gt3A_93 = vector.broadcast %gt3A_92 : f32 to vector<64x1x1xf32>
      %gt3A_94 = arith.cmpf ogt, %broadcast_in_dim3A_91, %gt3A_93 : vector<64x1x1xf32>
      %reshape3A = vector.shape_cast %scan3A_82 : vector<64x32x32xf32> to vector<2048x32xf32>
      %convert_element_type3A = arith.truncf %reshape3A : vector<2048x32xf32> to vector<2048x32xbf16>
      %dot_general3A = arith.constant dense<0.000000e+00> : vector<2048x128xf32>
      %dot_general3A_95 = tpu.matmul %convert_element_type3A, %get3A_31, %dot_general3A {dimension_numbers = #tpu.dot_dimension_numbers<[1], [0], [0], [1], [0, 0, 1, 1], [], []>, transpose_lhs_hint = false} : vector<2048x32xbf16>, vector<32x128xbf16>, vector<2048x128xf32> -> vector<2048x128xf32>
      %slice3A_96 = vector.extract_strided_slice %dot_general3A_95 {offsets = [0, 0], sizes = [2048, 32], strides = [1, 1]} : vector<2048x128xf32> to vector<2048x32xf32>
      %reshape3A_97 = vector.shape_cast %slice3A_96 : vector<2048x32xf32> to vector<64x32x32xf32>
      %slice3A_98 = vector.extract_strided_slice %dot_general3A_95 {offsets = [0, 32], sizes = [2048, 32], strides = [1, 1]} : vector<2048x128xf32> to vector<2048x32xf32>
      %reshape3A_99 = vector.shape_cast %slice3A_98 : vector<2048x32xf32> to vector<64x32x32xf32>
      %slice3A_100 = vector.extract_strided_slice %dot_general3A_95 {offsets = [0, 64], sizes = [2048, 32], strides = [1, 1]} : vector<2048x128xf32> to vector<2048x32xf32>
      %reshape3A_101 = vector.shape_cast %slice3A_100 : vector<2048x32xf32> to vector<64x32x32xf32>
      %slice3A_102 = vector.extract_strided_slice %dot_general3A_95 {offsets = [0, 96], sizes = [2048, 32], strides = [1, 1]} : vector<2048x128xf32> to vector<2048x32xf32>
      %reshape3A_103 = vector.shape_cast %slice3A_102 : vector<2048x32xf32> to vector<64x32x32xf32>
      %broadcast_in_dim3A_104 = vector.shape_cast %gt3A_89 : vector<64x1x1xi1> to vector<64x1x1xi1>
      %broadcast_in_dim3A_105 = vector.broadcast %broadcast_in_dim3A_104 : vector<64x1x1xi1> to vector<64x32x32xi1>
      %select_n3A = arith.select %broadcast_in_dim3A_105, %reshape3A_97, %reshape3A_99 : vector<64x32x32xi1>, vector<64x32x32xf32>
      %broadcast_in_dim3A_106 = vector.shape_cast %gt3A_89 : vector<64x1x1xi1> to vector<64x1x1xi1>
      %broadcast_in_dim3A_107 = vector.broadcast %broadcast_in_dim3A_106 : vector<64x1x1xi1> to vector<64x32x32xi1>
      %select_n3A_108 = arith.select %broadcast_in_dim3A_107, %reshape3A_101, %reshape3A_103 : vector<64x32x32xi1>, vector<64x32x32xf32>
      %broadcast_in_dim3A_109 = vector.shape_cast %gt3A_94 : vector<64x1x1xi1> to vector<64x1x1xi1>
      %broadcast_in_dim3A_110 = vector.broadcast %broadcast_in_dim3A_109 : vector<64x1x1xi1> to vector<64x32x32xi1>
      %select_n3A_111 = arith.select %broadcast_in_dim3A_110, %select_n3A, %select_n3A_108 : vector<64x32x32xi1>, vector<64x32x32xf32>
      %get3A_112 = arith.index_cast %mul3A_83 : i32 to index
      %get3A_113 = arith.constant 0 : index
      %get3A_114 = vector.load %arg26[%get3A_112, %get3A_113] : memref<3072x32xf32, #tpu.memory_space<vmem>>, vector<64x32xf32>
      %broadcast_in_dim3A_115 = vector.shape_cast %get3A_114 : vector<64x32xf32> to vector<64x32x1xf32>
      %mul3A_116 = vector.broadcast %broadcast_in_dim3A_115 : vector<64x32x1xf32> to vector<64x32x32xf32>
      %mul3A_117 = arith.mulf %mul3A_116, %select_n3A_111 : vector<64x32x32xf32>
      %reduce_sum3A = arith.constant dense<0.000000e+00> : vector<64x32xf32>
      %reduce_sum3A_118 = vector.multi_reduction <add>, %mul3A_117, %reduce_sum3A [1] : vector<64x32x32xf32> to vector<64x32xf32>
      %swap3A = arith.index_cast %mul3A_83 : i32 to index
      %swap3A_119 = arith.constant 0 : index
      %swap3A_120 = vector.load %arg30[%swap3A, %swap3A_119] : memref<3072x32xf32, #tpu.memory_space<vmem>>, vector<64x32xf32>
      tpu.vector_store %arg30[%swap3A, %swap3A_119], %reduce_sum3A_118 {strides = array<i32>} : memref<3072x32xf32, #tpu.memory_space<vmem>>, vector<64x32xf32>,
      %get3A_121 = arith.index_cast %mul3A_83 : i32 to index
      %get3A_122 = arith.constant 0 : index
      %get3A_123 = vector.load %arg27[%get3A_121, %get3A_122] : memref<3072x32xf32, #tpu.memory_space<vmem>>, vector<64x32xf32>
      %get3A_124 = arith.index_cast %mul3A_83 : i32 to index
      %get3A_125 = arith.constant 0 : index
      %get3A_126 = vector.load %arg28[%get3A_124, %get3A_125] : memref<3072x32xf32, #tpu.memory_space<vmem>>, vector<64x32xf32>
      %broadcast_in_dim3A_127 = vector.shape_cast %get3A_126 : vector<64x32xf32> to vector<64x1x32xf32>
      %broadcast_in_dim3A_128 = vector.shape_cast %get3A_123 : vector<64x32xf32> to vector<64x1x32xf32>
      %mul3A_129 = vector.broadcast %broadcast_in_dim3A_128 : vector<64x1x32xf32> to vector<64x32x32xf32>
      %mul3A_130 = arith.mulf %select_n3A_111, %mul3A_129 : vector<64x32x32xf32>
      %sub3A = vector.broadcast %broadcast_in_dim3A_127 : vector<64x1x32xf32> to vector<64x32x32xf32>
      %sub3A_131 = arith.subf %sub3A, %mul3A_130 : vector<64x32x32xf32>
      %mul3A_132 = vector.broadcast %broadcast_in_dim3A_115 : vector<64x32x1xf32> to vector<64x32x32xf32>
      %mul3A_133 = arith.mulf %mul3A_132, %sub3A_131 : vector<64x32x32xf32>
      %add3A = arith.addf %select_n3A_111, %mul3A_133 : vector<64x32x32xf32>
      %scan3A_134 = arith.constant 1 : i32
      %scan3A_135 = arith.addi %scan3A_81, %scan3A_134 : i32
      %mul3A_136 = arith.constant 64 : i32
      %mul3A_137 = arith.muli %scan3A_135, %mul3A_136 : i32
      %get3A_138 = arith.index_cast %mul3A_137 : i32 to index
      %get3A_139 = arith.constant 0 : index
      %get3A_140 = vector.load %arg2[%get3A_138, %get3A_139] : memref<3072x4xf32, #tpu.memory_space<vmem>>, vector<64x4xf32>
      %slice3A_141 = vector.extract_strided_slice %get3A_140 {offsets = [0, 0], sizes = [64, 1], strides = [1, 1]} : vector<64x4xf32> to vector<64x1xf32>
      %broadcast_in_dim3A_142 = vector.shape_cast %slice3A_141 : vector<64x1xf32> to vector<64x1x1xf32>
      %gt3A_143 = arith.constant 5.000000e-01 : f32
      %gt3A_144 = vector.broadcast %gt3A_143 : f32 to vector<64x1x1xf32>
      %gt3A_145 = arith.cmpf ogt, %broadcast_in_dim3A_142, %gt3A_144 : vector<64x1x1xf32>
      %slice3A_146 = vector.extract_strided_slice %get3A_140 {offsets = [0, 2], sizes = [64, 1], strides = [1, 1]} : vector<64x4xf32> to vector<64x1xf32>
      %broadcast_in_dim3A_147 = vector.shape_cast %slice3A_146 : vector<64x1xf32> to vector<64x1x1xf32>
      %gt3A_148 = arith.constant 5.000000e-01 : f32
      %gt3A_149 = vector.broadcast %gt3A_148 : f32 to vector<64x1x1xf32>
      %gt3A_150 = arith.cmpf ogt, %broadcast_in_dim3A_147, %gt3A_149 : vector<64x1x1xf32>
      %reshape3A_151 = vector.shape_cast %add3A : vector<64x32x32xf32> to vector<2048x32xf32>
      %convert_element_type3A_152 = arith.truncf %reshape3A_151 : vector<2048x32xf32> to vector<2048x32xbf16>
      %dot_general3A_153 = arith.constant dense<0.000000e+00> : vector<2048x128xf32>
      %dot_general3A_154 = tpu.matmul %convert_element_type3A_152, %get3A_31, %dot_general3A_153 {dimension_numbers = #tpu.dot_dimension_numbers<[1], [0], [0], [1], [0, 0, 1, 1], [], []>, transpose_lhs_hint = false} : vector<2048x32xbf16>, vector<32x128xbf16>, vector<2048x128xf32> -> vector<2048x128xf32>
      %slice3A_155 = vector.extract_strided_slice %dot_general3A_154 {offsets = [0, 0], sizes = [2048, 32], strides = [1, 1]} : vector<2048x128xf32> to vector<2048x32xf32>
      %reshape3A_156 = vector.shape_cast %slice3A_155 : vector<2048x32xf32> to vector<64x32x32xf32>
      %slice3A_157 = vector.extract_strided_slice %dot_general3A_154 {offsets = [0, 32], sizes = [2048, 32], strides = [1, 1]} : vector<2048x128xf32> to vector<2048x32xf32>
      %reshape3A_158 = vector.shape_cast %slice3A_157 : vector<2048x32xf32> to vector<64x32x32xf32>
      %slice3A_159 = vector.extract_strided_slice %dot_general3A_154 {offsets = [0, 64], sizes = [2048, 32], strides = [1, 1]} : vector<2048x128xf32> to vector<2048x32xf32>
      %reshape3A_160 = vector.shape_cast %slice3A_159 : vector<2048x32xf32> to vector<64x32x32xf32>
      %slice3A_161 = vector.extract_strided_slice %dot_general3A_154 {offsets = [0, 96], sizes = [2048, 32], strides = [1, 1]} : vector<2048x128xf32> to vector<2048x32xf32>
      %reshape3A_162 = vector.shape_cast %slice3A_161 : vector<2048x32xf32> to vector<64x32x32xf32>
      %broadcast_in_dim3A_163 = vector.shape_cast %gt3A_145 : vector<64x1x1xi1> to vector<64x1x1xi1>
      %broadcast_in_dim3A_164 = vector.broadcast %broadcast_in_dim3A_163 : vector<64x1x1xi1> to vector<64x32x32xi1>
      %select_n3A_165 = arith.select %broadcast_in_dim3A_164, %reshape3A_156, %reshape3A_158 : vector<64x32x32xi1>, vector<64x32x32xf32>
      %broadcast_in_dim3A_166 = vector.shape_cast %gt3A_145 : vector<64x1x1xi1> to vector<64x1x1xi1>
      %broadcast_in_dim3A_167 = vector.broadcast %broadcast_in_dim3A_166 : vector<64x1x1xi1> to vector<64x32x32xi1>
      %select_n3A_168 = arith.select %broadcast_in_dim3A_167, %reshape3A_160, %reshape3A_162 : vector<64x32x32xi1>, vector<64x32x32xf32>
      %broadcast_in_dim3A_169 = vector.shape_cast %gt3A_150 : vector<64x1x1xi1> to vector<64x1x1xi1>
      %broadcast_in_dim3A_170 = vector.broadcast %broadcast_in_dim3A_169 : vector<64x1x1xi1> to vector<64x32x32xi1>
      %select_n3A_171 = arith.select %broadcast_in_dim3A_170, %select_n3A_165, %select_n3A_168 : vector<64x32x32xi1>, vector<64x32x32xf32>
      %get3A_172 = arith.index_cast %mul3A_137 : i32 to index
      %get3A_173 = arith.constant 0 : index
      %get3A_174 = vector.load %arg26[%get3A_172, %get3A_173] : memref<3072x32xf32, #tpu.memory_space<vmem>>, vector<64x32xf32>
      %broadcast_in_dim3A_175 = vector.shape_cast %get3A_174 : vector<64x32xf32> to vector<64x32x1xf32>
      %mul3A_176 = vector.broadcast %broadcast_in_dim3A_175 : vector<64x32x1xf32> to vector<64x32x32xf32>
      %mul3A_177 = arith.mulf %mul3A_176, %select_n3A_171 : vector<64x32x32xf32>
      %reduce_sum3A_178 = arith.constant dense<0.000000e+00> : vector<64x32xf32>
      %reduce_sum3A_179 = vector.multi_reduction <add>, %mul3A_177, %reduce_sum3A_178 [1] : vector<64x32x32xf32> to vector<64x32xf32>
      %swap3A_180 = arith.index_cast %mul3A_137 : i32 to index
      %swap3A_181 = arith.constant 0 : index
      %swap3A_182 = vector.load %arg30[%swap3A_180, %swap3A_181] : memref<3072x32xf32, #tpu.memory_space<vmem>>, vector<64x32xf32>
      tpu.vector_store %arg30[%swap3A_180, %swap3A_181], %reduce_sum3A_179 {strides = array<i32>} : memref<3072x32xf32, #tpu.memory_space<vmem>>, vector<64x32xf32>,
      %get3A_183 = arith.index_cast %mul3A_137 : i32 to index
      %get3A_184 = arith.constant 0 : index
      %get3A_185 = vector.load %arg27[%get3A_183, %get3A_184] : memref<3072x32xf32, #tpu.memory_space<vmem>>, vector<64x32xf32>
      %get3A_186 = arith.index_cast %mul3A_137 : i32 to index
      %get3A_187 = arith.constant 0 : index
      %get3A_188 = vector.load %arg28[%get3A_186, %get3A_187] : memref<3072x32xf32, #tpu.memory_space<vmem>>, vector<64x32xf32>
      %broadcast_in_dim3A_189 = vector.shape_cast %get3A_188 : vector<64x32xf32> to vector<64x1x32xf32>
      %broadcast_in_dim3A_190 = vector.shape_cast %get3A_185 : vector<64x32xf32> to vector<64x1x32xf32>
      %mul3A_191 = vector.broadcast %broadcast_in_dim3A_190 : vector<64x1x32xf32> to vector<64x32x32xf32>
      %mul3A_192 = arith.mulf %select_n3A_171, %mul3A_191 : vector<64x32x32xf32>
      %sub3A_193 = vector.broadcast %broadcast_in_dim3A_189 : vector<64x1x32xf32> to vector<64x32x32xf32>
      %sub3A_194 = arith.subf %sub3A_193, %mul3A_192 : vector<64x32x32xf32>
      %mul3A_195 = vector.broadcast %broadcast_in_dim3A_175 : vector<64x32x1xf32> to vector<64x32x32xf32>
      %mul3A_196 = arith.mulf %mul3A_195, %sub3A_194 : vector<64x32x32xf32>
      %add3A_197 = arith.addf %select_n3A_171, %mul3A_196 : vector<64x32x32xf32>
      %scan3A_198 = arith.constant 2 : i32
      %scan3A_199 = arith.addi %scan3A_81, %scan3A_198 : i32
      %mul3A_200 = arith.constant 64 : i32
      %mul3A_201 = arith.muli %scan3A_199, %mul3A_200 : i32
      %get3A_202 = arith.index_cast %mul3A_201 : i32 to index
      %get3A_203 = arith.constant 0 : index
      %get3A_204 = vector.load %arg2[%get3A_202, %get3A_203] : memref<3072x4xf32, #tpu.memory_space<vmem>>, vector<64x4xf32>
      %slice3A_205 = vector.extract_strided_slice %get3A_204 {offsets = [0, 0], sizes = [64, 1], strides = [1, 1]} : vector<64x4xf32> to vector<64x1xf32>
      %broadcast_in_dim3A_206 = vector.shape_cast %slice3A_205 : vector<64x1xf32> to vector<64x1x1xf32>
      %gt3A_207 = arith.constant 5.000000e-01 : f32
      %gt3A_208 = vector.broadcast %gt3A_207 : f32 to vector<64x1x1xf32>
      %gt3A_209 = arith.cmpf ogt, %broadcast_in_dim3A_206, %gt3A_208 : vector<64x1x1xf32>
      %slice3A_210 = vector.extract_strided_slice %get3A_204 {offsets = [0, 2], sizes = [64, 1], strides = [1, 1]} : vector<64x4xf32> to vector<64x1xf32>
      %broadcast_in_dim3A_211 = vector.shape_cast %slice3A_210 : vector<64x1xf32> to vector<64x1x1xf32>
      %gt3A_212 = arith.constant 5.000000e-01 : f32
      %gt3A_213 = vector.broadcast %gt3A_212 : f32 to vector<64x1x1xf32>
      %gt3A_214 = arith.cmpf ogt, %broadcast_in_dim3A_211, %gt3A_213 : vector<64x1x1xf32>
      %reshape3A_215 = vector.shape_cast %add3A_197 : vector<64x32x32xf32> to vector<2048x32xf32>
      %convert_element_type3A_216 = arith.truncf %reshape3A_215 : vector<2048x32xf32> to vector<2048x32xbf16>
      %dot_general3A_217 = arith.constant dense<0.000000e+00> : vector<2048x128xf32>
      %dot_general3A_218 = tpu.matmul %convert_element_type3A_216, %get3A_31, %dot_general3A_217 {dimension_numbers = #tpu.dot_dimension_numbers<[1], [0], [0], [1], [0, 0, 1, 1], [], []>, transpose_lhs_hint = false} : vector<2048x32xbf16>, vector<32x128xbf16>, vector<2048x128xf32> -> vector<2048x128xf32>
      %slice3A_219 = vector.extract_strided_slice %dot_general3A_218 {offsets = [0, 0], sizes = [2048, 32], strides = [1, 1]} : vector<2048x128xf32> to vector<2048x32xf32>
      %reshape3A_220 = vector.shape_cast %slice3A_219 : vector<2048x32xf32> to vector<64x32x32xf32>
      %slice3A_221 = vector.extract_strided_slice %dot_general3A_218 {offsets = [0, 32], sizes = [2048, 32], strides = [1, 1]} : vector<2048x128xf32> to vector<2048x32xf32>
      %reshape3A_222 = vector.shape_cast %slice3A_221 : vector<2048x32xf32> to vector<64x32x32xf32>
      %slice3A_223 = vector.extract_strided_slice %dot_general3A_218 {offsets = [0, 64], sizes = [2048, 32], strides = [1, 1]} : vector<2048x128xf32> to vector<2048x32xf32>
      %reshape3A_224 = vector.shape_cast %slice3A_223 : vector<2048x32xf32> to vector<64x32x32xf32>
      %slice3A_225 = vector.extract_strided_slice %dot_general3A_218 {offsets = [0, 96], sizes = [2048, 32], strides = [1, 1]} : vector<2048x128xf32> to vector<2048x32xf32>
      %reshape3A_226 = vector.shape_cast %slice3A_225 : vector<2048x32xf32> to vector<64x32x32xf32>
      %broadcast_in_dim3A_227 = vector.shape_cast %gt3A_209 : vector<64x1x1xi1> to vector<64x1x1xi1>
      %broadcast_in_dim3A_228 = vector.broadcast %broadcast_in_dim3A_227 : vector<64x1x1xi1> to vector<64x32x32xi1>
      %select_n3A_229 = arith.select %broadcast_in_dim3A_228, %reshape3A_220, %reshape3A_222 : vector<64x32x32xi1>, vector<64x32x32xf32>
      %broadcast_in_dim3A_230 = vector.shape_cast %gt3A_209 : vector<64x1x1xi1> to vector<64x1x1xi1>
      %broadcast_in_dim3A_231 = vector.broadcast %broadcast_in_dim3A_230 : vector<64x1x1xi1> to vector<64x32x32xi1>
      %select_n3A_232 = arith.select %broadcast_in_dim3A_231, %reshape3A_224, %reshape3A_226 : vector<64x32x32xi1>, vector<64x32x32xf32>
      %broadcast_in_dim3A_233 = vector.shape_cast %gt3A_214 : vector<64x1x1xi1> to vector<64x1x1xi1>
      %broadcast_in_dim3A_234 = vector.broadcast %broadcast_in_dim3A_233 : vector<64x1x1xi1> to vector<64x32x32xi1>
      %select_n3A_235 = arith.select %broadcast_in_dim3A_234, %select_n3A_229, %select_n3A_232 : vector<64x32x32xi1>, vector<64x32x32xf32>
      %get3A_236 = arith.index_cast %mul3A_201 : i32 to index
      %get3A_237 = arith.constant 0 : index
      %get3A_238 = vector.load %arg26[%get3A_236, %get3A_237] : memref<3072x32xf32, #tpu.memory_space<vmem>>, vector<64x32xf32>
      %broadcast_in_dim3A_239 = vector.shape_cast %get3A_238 : vector<64x32xf32> to vector<64x32x1xf32>
      %mul3A_240 = vector.broadcast %broadcast_in_dim3A_239 : vector<64x32x1xf32> to vector<64x32x32xf32>
      %mul3A_241 = arith.mulf %mul3A_240, %select_n3A_235 : vector<64x32x32xf32>
      %reduce_sum3A_242 = arith.constant dense<0.000000e+00> : vector<64x32xf32>
      %reduce_sum3A_243 = vector.multi_reduction <add>, %mul3A_241, %reduce_sum3A_242 [1] : vector<64x32x32xf32> to vector<64x32xf32>
      %swap3A_244 = arith.index_cast %mul3A_201 : i32 to index
      %swap3A_245 = arith.constant 0 : index
      %swap3A_246 = vector.load %arg30[%swap3A_244, %swap3A_245] : memref<3072x32xf32, #tpu.memory_space<vmem>>, vector<64x32xf32>
      tpu.vector_store %arg30[%swap3A_244, %swap3A_245], %reduce_sum3A_243 {strides = array<i32>} : memref<3072x32xf32, #tpu.memory_space<vmem>>, vector<64x32xf32>,
      %get3A_247 = arith.index_cast %mul3A_201 : i32 to index
      %get3A_248 = arith.constant 0 : index
      %get3A_249 = vector.load %arg27[%get3A_247, %get3A_248] : memref<3072x32xf32, #tpu.memory_space<vmem>>, vector<64x32xf32>
      %get3A_250 = arith.index_cast %mul3A_201 : i32 to index
      %get3A_251 = arith.constant 0 : index
      %get3A_252 = vector.load %arg28[%get3A_250, %get3A_251] : memref<3072x32xf32, #tpu.memory_space<vmem>>, vector<64x32xf32>
      %broadcast_in_dim3A_253 = vector.shape_cast %get3A_252 : vector<64x32xf32> to vector<64x1x32xf32>
      %broadcast_in_dim3A_254 = vector.shape_cast %get3A_249 : vector<64x32xf32> to vector<64x1x32xf32>
      %mul3A_255 = vector.broadcast %broadcast_in_dim3A_254 : vector<64x1x32xf32> to vector<64x32x32xf32>
      %mul3A_256 = arith.mulf %select_n3A_235, %mul3A_255 : vector<64x32x32xf32>
      %sub3A_257 = vector.broadcast %broadcast_in_dim3A_253 : vector<64x1x32xf32> to vector<64x32x32xf32>
      %sub3A_258 = arith.subf %sub3A_257, %mul3A_256 : vector<64x32x32xf32>
      %mul3A_259 = vector.broadcast %broadcast_in_dim3A_239 : vector<64x32x1xf32> to vector<64x32x32xf32>
      %mul3A_260 = arith.mulf %mul3A_259, %sub3A_258 : vector<64x32x32xf32>
      %add3A_261 = arith.addf %select_n3A_235, %mul3A_260 : vector<64x32x32xf32>
      %scan3A_262 = arith.constant 3 : i32
      %scan3A_263 = arith.addi %scan3A_81, %scan3A_262 : i32
      %mul3A_264 = arith.constant 64 : i32
      %mul3A_265 = arith.muli %scan3A_263, %mul3A_264 : i32
      %get3A_266 = arith.index_cast %mul3A_265 : i32 to index
      %get3A_267 = arith.constant 0 : index
      %get3A_268 = vector.load %arg2[%get3A_266, %get3A_267] : memref<3072x4xf32, #tpu.memory_space<vmem>>, vector<64x4xf32>
      %slice3A_269 = vector.extract_strided_slice %get3A_268 {offsets = [0, 0], sizes = [64, 1], strides = [1, 1]} : vector<64x4xf32> to vector<64x1xf32>
      %broadcast_in_dim3A_270 = vector.shape_cast %slice3A_269 : vector<64x1xf32> to vector<64x1x1xf32>
      %gt3A_271 = arith.constant 5.000000e-01 : f32
      %gt3A_272 = vector.broadcast %gt3A_271 : f32 to vector<64x1x1xf32>
      %gt3A_273 = arith.cmpf ogt, %broadcast_in_dim3A_270, %gt3A_272 : vector<64x1x1xf32>
      %slice3A_274 = vector.extract_strided_slice %get3A_268 {offsets = [0, 2], sizes = [64, 1], strides = [1, 1]} : vector<64x4xf32> to vector<64x1xf32>
      %broadcast_in_dim3A_275 = vector.shape_cast %slice3A_274 : vector<64x1xf32> to vector<64x1x1xf32>
      %gt3A_276 = arith.constant 5.000000e-01 : f32
      %gt3A_277 = vector.broadcast %gt3A_276 : f32 to vector<64x1x1xf32>
      %gt3A_278 = arith.cmpf ogt, %broadcast_in_dim3A_275, %gt3A_277 : vector<64x1x1xf32>
      %reshape3A_279 = vector.shape_cast %add3A_261 : vector<64x32x32xf32> to vector<2048x32xf32>
      %convert_element_type3A_280 = arith.truncf %reshape3A_279 : vector<2048x32xf32> to vector<2048x32xbf16>
      %dot_general3A_281 = arith.constant dense<0.000000e+00> : vector<2048x128xf32>
      %dot_general3A_282 = tpu.matmul %convert_element_type3A_280, %get3A_31, %dot_general3A_281 {dimension_numbers = #tpu.dot_dimension_numbers<[1], [0], [0], [1], [0, 0, 1, 1], [], []>, transpose_lhs_hint = false} : vector<2048x32xbf16>, vector<32x128xbf16>, vector<2048x128xf32> -> vector<2048x128xf32>
      %slice3A_283 = vector.extract_strided_slice %dot_general3A_282 {offsets = [0, 0], sizes = [2048, 32], strides = [1, 1]} : vector<2048x128xf32> to vector<2048x32xf32>
      %reshape3A_284 = vector.shape_cast %slice3A_283 : vector<2048x32xf32> to vector<64x32x32xf32>
      %slice3A_285 = vector.extract_strided_slice %dot_general3A_282 {offsets = [0, 32], sizes = [2048, 32], strides = [1, 1]} : vector<2048x128xf32> to vector<2048x32xf32>
      %reshape3A_286 = vector.shape_cast %slice3A_285 : vector<2048x32xf32> to vector<64x32x32xf32>
      %slice3A_287 = vector.extract_strided_slice %dot_general3A_282 {offsets = [0, 64], sizes = [2048, 32], strides = [1, 1]} : vector<2048x128xf32> to vector<2048x32xf32>
      %reshape3A_288 = vector.shape_cast %slice3A_287 : vector<2048x32xf32> to vector<64x32x32xf32>
      %slice3A_289 = vector.extract_strided_slice %dot_general3A_282 {offsets = [0, 96], sizes = [2048, 32], strides = [1, 1]} : vector<2048x128xf32> to vector<2048x32xf32>
      %reshape3A_290 = vector.shape_cast %slice3A_289 : vector<2048x32xf32> to vector<64x32x32xf32>
      %broadcast_in_dim3A_291 = vector.shape_cast %gt3A_273 : vector<64x1x1xi1> to vector<64x1x1xi1>
      %broadcast_in_dim3A_292 = vector.broadcast %broadcast_in_dim3A_291 : vector<64x1x1xi1> to vector<64x32x32xi1>
      %select_n3A_293 = arith.select %broadcast_in_dim3A_292, %reshape3A_284, %reshape3A_286 : vector<64x32x32xi1>, vector<64x32x32xf32>
      %broadcast_in_dim3A_294 = vector.shape_cast %gt3A_273 : vector<64x1x1xi1> to vector<64x1x1xi1>
      %broadcast_in_dim3A_295 = vector.broadcast %broadcast_in_dim3A_294 : vector<64x1x1xi1> to vector<64x32x32xi1>
      %select_n3A_296 = arith.select %broadcast_in_dim3A_295, %reshape3A_288, %reshape3A_290 : vector<64x32x32xi1>, vector<64x32x32xf32>
      %broadcast_in_dim3A_297 = vector.shape_cast %gt3A_278 : vector<64x1x1xi1> to vector<64x1x1xi1>
      %broadcast_in_dim3A_298 = vector.broadcast %broadcast_in_dim3A_297 : vector<64x1x1xi1> to vector<64x32x32xi1>
      %select_n3A_299 = arith.select %broadcast_in_dim3A_298, %select_n3A_293, %select_n3A_296 : vector<64x32x32xi1>, vector<64x32x32xf32>
      %get3A_300 = arith.index_cast %mul3A_265 : i32 to index
      %get3A_301 = arith.constant 0 : index
      %get3A_302 = vector.load %arg26[%get3A_300, %get3A_301] : memref<3072x32xf32, #tpu.memory_space<vmem>>, vector<64x32xf32>
      %broadcast_in_dim3A_303 = vector.shape_cast %get3A_302 : vector<64x32xf32> to vector<64x32x1xf32>
      %mul3A_304 = vector.broadcast %broadcast_in_dim3A_303 : vector<64x32x1xf32> to vector<64x32x32xf32>
      %mul3A_305 = arith.mulf %mul3A_304, %select_n3A_299 : vector<64x32x32xf32>
      %reduce_sum3A_306 = arith.constant dense<0.000000e+00> : vector<64x32xf32>
      %reduce_sum3A_307 = vector.multi_reduction <add>, %mul3A_305, %reduce_sum3A_306 [1] : vector<64x32x32xf32> to vector<64x32xf32>
      %swap3A_308 = arith.index_cast %mul3A_265 : i32 to index
      %swap3A_309 = arith.constant 0 : index
      %swap3A_310 = vector.load %arg30[%swap3A_308, %swap3A_309] : memref<3072x32xf32, #tpu.memory_space<vmem>>, vector<64x32xf32>
      tpu.vector_store %arg30[%swap3A_308, %swap3A_309], %reduce_sum3A_307 {strides = array<i32>} : memref<3072x32xf32, #tpu.memory_space<vmem>>, vector<64x32xf32>,
      %get3A_311 = arith.index_cast %mul3A_265 : i32 to index
      %get3A_312 = arith.constant 0 : index
      %get3A_313 = vector.load %arg27[%get3A_311, %get3A_312] : memref<3072x32xf32, #tpu.memory_space<vmem>>, vector<64x32xf32>
      %get3A_314 = arith.index_cast %mul3A_265 : i32 to index
      %get3A_315 = arith.constant 0 : index
      %get3A_316 = vector.load %arg28[%get3A_314, %get3A_315] : memref<3072x32xf32, #tpu.memory_space<vmem>>, vector<64x32xf32>
      %broadcast_in_dim3A_317 = vector.shape_cast %get3A_316 : vector<64x32xf32> to vector<64x1x32xf32>
      %broadcast_in_dim3A_318 = vector.shape_cast %get3A_313 : vector<64x32xf32> to vector<64x1x32xf32>
      %mul3A_319 = vector.broadcast %broadcast_in_dim3A_318 : vector<64x1x32xf32> to vector<64x32x32xf32>
      %mul3A_320 = arith.mulf %select_n3A_299, %mul3A_319 : vector<64x32x32xf32>
      %sub3A_321 = vector.broadcast %broadcast_in_dim3A_317 : vector<64x1x32xf32> to vector<64x32x32xf32>
      %sub3A_322 = arith.subf %sub3A_321, %mul3A_320 : vector<64x32x32xf32>
      %mul3A_323 = vector.broadcast %broadcast_in_dim3A_303 : vector<64x32x1xf32> to vector<64x32x32xf32>
      %mul3A_324 = arith.mulf %mul3A_323, %sub3A_322 : vector<64x32x32xf32>
      %add3A_325 = arith.addf %select_n3A_299, %mul3A_324 : vector<64x32x32xf32>
      scf.yield %add3A_325 : vector<64x32x32xf32>
    }
    %scan3A_75 = arith.constant 48 : i32
    %scan3A_76 = arith.constant 0 : i32
    %scan3A_77 = arith.constant 8 : i32
    %scan3A_78 = arith.addi %scan3A_76, %scan3A_77 : i32
    %scan3A_79 = arith.constant 1 : i32
    scf.for %scan3A_81 = %scan3A_76 to %scan3A_78 step %scan3A_79  : i32 {
      %mul3A = arith.constant 384 : i32
      %mul3A_82 = arith.muli %scan3A_81, %mul3A : i32
      %get3A_83 = arith.index_cast %mul3A_82 : i32 to index
      %get3A_84 = arith.constant 0 : index
      %get3A_85 = vector.load %arg30[%get3A_83, %get3A_84] : memref<3072x32xf32, #tpu.memory_space<vmem>>, vector<384x32xf32>
      %get3A_86 = arith.index_cast %mul3A_82 : i32 to index
      %get3A_87 = arith.constant 0 : index
      %get3A_88 = vector.load %arg2[%get3A_86, %get3A_87] : memref<3072x4xf32, #tpu.memory_space<vmem>>, vector<384x4xf32>
      %dot_general3A = arith.constant dense<0.000000e+00> : vector<384x64xf32>
      %dot_general3A_89 = tpu.matmul %get3A_85, %get3A_40, %dot_general3A {dimension_numbers = #tpu.dot_dimension_numbers<[1], [0], [0], [1], [0, 0, 1, 1], [], []>, transpose_lhs_hint = false} : vector<384x32xf32>, vector<32x64xf32>, vector<384x64xf32> -> vector<384x64xf32>
      %get3A_90 = arith.index_cast %mul3A_82 : i32 to index
      %get3A_91 = arith.constant 0 : index
      %get3A_92 = vector.load %arg29[%get3A_90, %get3A_91] : memref<3072x64xf32, #tpu.memory_space<vmem>>, vector<384x64xf32>
      %add3A = arith.addf %dot_general3A_89, %get3A_92 : vector<384x64xf32>
      %tanh3A = math.tanh %add3A : vector<384x64xf32>
      %mul3A_93 = vector.broadcast %get3A_43 : vector<1x64xf32> to vector<384x64xf32>
      %mul3A_94 = arith.mulf %tanh3A, %mul3A_93 : vector<384x64xf32>
      %reduce_sum3A = arith.constant dense<0.000000e+00> : vector<384xf32>
      %reduce_sum3A_95 = vector.multi_reduction <add>, %mul3A_94, %reduce_sum3A [1] : vector<384x64xf32> to vector<384xf32>
      %broadcast_in_dim3A_96 = vector.shape_cast %reduce_sum3A_95 : vector<384xf32> to vector<384x1xf32>
      %add3A_97 = vector.broadcast %get3A_51 : f32 to vector<384x1xf32>
      %add3A_98 = arith.addf %broadcast_in_dim3A_96, %add3A_97 : vector<384x1xf32>
      %neg3A = arith.constant 0.000000e+00 : f32
      %neg3A_99 = vector.broadcast %neg3A : f32 to vector<384x1xf32>
      %neg3A_100 = arith.subf %neg3A_99, %add3A_98 : vector<384x1xf32>
      %exp3A = math.exp %neg3A_100 : vector<384x1xf32>
      %add3A_101 = arith.constant 1.000000e+00 : f32
      %add3A_102 = vector.broadcast %add3A_101 : f32 to vector<384x1xf32>
      %add3A_103 = arith.addf %add3A_102, %exp3A : vector<384x1xf32>
      %div3A = arith.constant 1.000000e+00 : f32
      %div3A_104 = vector.broadcast %div3A : f32 to vector<384x1xf32>
      %div3A_105 = arith.divf %div3A_104, %add3A_103 : vector<384x1xf32>
      %mul3A_106 = vector.broadcast %get3A_46 : vector<1x32xf32> to vector<384x32xf32>
      %mul3A_107 = arith.mulf %get3A_85, %mul3A_106 : vector<384x32xf32>
      %reduce_sum3A_108 = arith.constant dense<0.000000e+00> : vector<384xf32>
      %reduce_sum3A_109 = vector.multi_reduction <add>, %mul3A_107, %reduce_sum3A_108 [1] : vector<384x32xf32> to vector<384xf32>
      %broadcast_in_dim3A_110 = vector.shape_cast %reduce_sum3A_109 : vector<384xf32> to vector<384x1xf32>
      %add3A_111 = vector.broadcast %get3A_53 : f32 to vector<384x1xf32>
      %add3A_112 = arith.addf %broadcast_in_dim3A_110, %add3A_111 : vector<384x1xf32>
      %mul3A_113 = vector.broadcast %get3A_49 : vector<1x32xf32> to vector<384x32xf32>
      %mul3A_114 = arith.mulf %get3A_85, %mul3A_113 : vector<384x32xf32>
      %reduce_sum3A_115 = arith.constant dense<0.000000e+00> : vector<384xf32>
      %reduce_sum3A_116 = vector.multi_reduction <add>, %mul3A_114, %reduce_sum3A_115 [1] : vector<384x32xf32> to vector<384xf32>
      %broadcast_in_dim3A_117 = vector.shape_cast %reduce_sum3A_116 : vector<384xf32> to vector<384x1xf32>
      %add3A_118 = vector.broadcast %get3A_55 : f32 to vector<384x1xf32>
      %add3A_119 = arith.addf %broadcast_in_dim3A_117, %add3A_118 : vector<384x1xf32>
      %slice3A = vector.extract_strided_slice %get3A_88 {offsets = [0, 0], sizes = [384, 1], strides = [1, 1]} : vector<384x4xf32> to vector<384x1xf32>
      %gt3A = arith.constant 5.000000e-01 : f32
      %gt3A_120 = vector.broadcast %gt3A : f32 to vector<384x1xf32>
      %gt3A_121 = arith.cmpf ogt, %slice3A, %gt3A_120 : vector<384x1xf32>
      %select_n3A = arith.select %gt3A_121, %add3A_112, %add3A_119 : vector<384x1xi1>, vector<384x1xf32>
      %neg3A_122 = arith.constant 0.000000e+00 : f32
      %neg3A_123 = vector.broadcast %neg3A_122 : f32 to vector<384x1xf32>
      %neg3A_124 = arith.subf %neg3A_123, %select_n3A : vector<384x1xf32>
      %exp3A_125 = math.exp %neg3A_124 : vector<384x1xf32>
      %add3A_126 = arith.constant 1.000000e+00 : f32
      %add3A_127 = vector.broadcast %add3A_126 : f32 to vector<384x1xf32>
      %add3A_128 = arith.addf %add3A_127, %exp3A_125 : vector<384x1xf32>
      %div3A_129 = arith.constant 1.000000e+00 : f32
      %div3A_130 = vector.broadcast %div3A_129 : f32 to vector<384x1xf32>
      %div3A_131 = arith.divf %div3A_130, %add3A_128 : vector<384x1xf32>
      %concatenate3A = tpu.concatenate %div3A_105, %div3A_131 in 1 : vector<384x1xf32>, vector<384x1xf32> -> vector<384x2xf32>
      %swap3A = arith.index_cast %mul3A_82 : i32 to index
      %swap3A_132 = arith.constant 0 : index
      %swap3A_133 = vector.load %arg25[%swap3A, %swap3A_132] : memref<3072x2xf32, #tpu.memory_space<vmem>>, vector<384x2xf32>
      tpu.vector_store %arg25[%swap3A, %swap3A_132], %concatenate3A {strides = array<i32>} : memref<3072x2xf32, #tpu.memory_space<vmem>>, vector<384x2xf32>,
    }
    %scan3A_80 = arith.constant 8 : i32
    return
  }
}

</mosaic_0001>

<sc_bundles>
// kernel: kernel.4.cloned.1.call-start
scs
__scs_entry_jumppad:
0x0: {  	(pc) =	sbr.rel $0x88, $3  }
0x1: {  	(tag) =	ssettag $0x0;
	lr =	simm.s32 $0x1  }
0x2: {  	[smem:$0x3F74] =	sst lr;
	_ =	strace $0xD0000000  }
0x3: {  	_ = 	snop  }
0x4: {  	_ = 	snop  }
0x5: {  	_ = 	snop  }
0x6: {  	_ = 	snop  }
0x7: {  	_ = 	snop  }
__scs_overlays_trampoline_lowered:
0x8: {  	[smem:$0x3F83] =	sst s0  }
0x9: {  	[smem:$0x3F84] =	sst s1  }
0xa: {  	[smem:$0x3F85] =	sst s2  }
0xb: {  	[smem:$0x3F86] =	sst s3  }
0xc: {  	[smem:$0x3F87] =	sst s4  }
0xd: {  	[smem:$0x3F88] =	sst s5  }
0xe: {  	[smem:$0x3F89] =	sst s6  }
0xf: {  	[smem:$0x3F8A] =	sst s7  }
0x10: {  	[smem:$0x3F8B] =	sst s8  }
0x11: {  	[smem:$0x3F8C] =	sst s9;
	s0 =	simm.s32 @!p0 $0x0  }
0x12: {  	s1 =	sld [smem:$0x3F72];
	s0 =	simm.s32 @p0 $0x1  }
0x13: {  	[smem:$0x3F8D] =	sst s0;
	s0 =	simm.s32 @!p1 $0x0  }
0x14: {  	s2 =	sld [smem:$0x3F71];
	s0 =	simm.s32 @p1 $0x1  }
0x15: {  	[smem:$0x3F8E] =	sst s0;
	s0 =	simm.s32 @!p2 $0x0  }
0x16: {  	s3 =	sld [smem:$0x3FDB];
	s0 =	simm.s32 @p2 $0x1  }
0x17: {  	s4 =	simm.s32 $0x1BF5;
	[smem:$0x3F90] =	sst s0  }
0x18: {  	s0 =	sld [smem:$0x3F73];
	_ =	swait.ge [sflag:s4], $0x0  }
0x19: {  	s7 =	sld [smem:$0x3F74]  }
0x1a: {  	s8 =	sadd.s32 $0xFFFFE003, lr  }
0x1b: {  	s9 =	sadd.s32 $0xFFFFFEF7, lr;
	s5 =	simm.s32 $0xFFFFFFFF;
	p2 =	slt.u32 s8, $0xFFFFF086  }
0x1c: {  	p1 =	slt.u32 s9, $0xF7A;
	s5 =	simm.s32 @!p2 $0x0  }
0x1d: {  	s5 =	simm.s32 @p1 $0x1;
	p0 =	seq.s32 s7, s2  }
0x1e: {  	s7 =	smul.u32 @!p0 $0xF7A, s2;
	p2 =	seq.s32 @!p0 s5, $0x0  }
0x1f: {  	s9 =	smul.u32 $0xF7A, s1;
	s8 =	simm.s32 @!p0 $0x1BF5;
	p2 =	por !p2, p0  }
0x20: {  	[sflag:s8] =	ssyncset.s32 @!p0 $0xFFFFF086;
	s6 =	sadd.s32 @!p0 s3, s7;
	s7 =	simm.s32 @!p0 $0x108  }
0x21: {  	s3 =	sadd.s32 s3, s9;
	s6 =	sadd.s32 @!p0 $0x88, s6;
	s7 =	simm.s32 @p2 $0x1082  }
0x22: {  	[simem:s7], [sflag:s8] =	dma.local @!p0 [hbm:s6], $0xF7A  }
0x23: {  	s9 =	sor.u32 $0xD0000000, s2;
	s6 =	simm.s32 $0x108;
	_ =	swait.ge @!p0 [sflag:s8], $0x0  }
0x24: {  	s3 =	sadd.s32 $0x88, s3;
	s6 =	simm.s32 @!p1 $0x1082;
	[sflag:s4] =	ssyncset.s32 $0xFFFFF086  }
0x25: {  	[simem:s6], [sflag:s4] =	dma.local [hbm:s3], $0xF7A  }
0x26: {  	[smem:$0x3F74] =	sst s1;
	(tag) =	ssettag s2;
	_ =	strace s9  }
0x27: {  	s1 =	sld [smem:$0x3F84]  }
0x28: {  	s2 =	sld [smem:$0x3F85]  }
0x29: {  	s4 =	sld [smem:$0x3F87]  }
0x2a: {  	p0 =	seq.s32 s5, $0x0;
	s5 =	sld [smem:$0x3F88]  }
0x2b: {  	s6 =	sld [smem:$0x3F89]  }
0x2c: {  	s7 =	sld [smem:$0x3F8A]  }
0x2d: {  	s3 =	simm.s32 $0x108;
	s8 =	sld [smem:$0x3F8B]  }
0x2e: {  	s3 =	simm.s32 @!p0 $0x1082;
	s9 =	sld [smem:$0x3F8C]  }
0x2f: {  	lr =	sadd.s32 s0, s3;
	s0 =	sld [smem:$0x3F83]  }
0x30: {  	s3 =	sld [smem:$0x3F86]  }
0x31: {  	[smem:$0x3F8F] =	sst s10  }
0x32: {  	s10 =	sld [smem:$0x3F8D];
	_ =	sdelay $0x3  }
0x33: {  	p0 =	seq.s32 s10, $0x1;
	s10 =	sld [smem:$0x3F8F];
	_ =	sdelay $0x3  }
0x34: {  	[smem:$0x3F8F] =	sst s10  }
0x35: {  	s10 =	sld [smem:$0x3F8E];
	_ =	sdelay $0x3  }
0x36: {  	p1 =	seq.s32 s10, $0x1;
	s10 =	sld [smem:$0x3F8F];
	_ =	sdelay $0x3  }
0x37: {  	[smem:$0x3F8F] =	sst s10  }
0x38: {  	s10 =	sld [smem:$0x3F90]  }
0x39: {  	_ = 	snop;
	(pc) =	sbr.ind lr, $3  }
0x3a: {  	_ = 	snop  }
0x3b: {  	_ = 	snop  }
0x3c: {  	p2 =	seq.s32 s10, $0x1;
	s10 =	sld [smem:$0x3F8F]  }
0x3d: {  	_ =	shalt  }
0x3e: {  	_ =	shalt  }
0x3f: {  	_ =	shalt  }
0x40: {  	_ =	shalt  }
0x41: {  	_ =	shalt  }
0x42: {  	_ =	shalt  }
0x43: {  	_ =	shalt  }
0x44: {  	_ =	shalt  }
0x45: {  	_ =	shalt  }
0x46: {  	_ =	shalt  }
0x47: {  	_ =	shalt  }
0x48: {  	_ =	shalt  }
0x49: {  	_ =	shalt  }
0x4a: {  	_ =	shalt  }
0x4b: {  	_ =	shalt  }
0x4c: {  	_ =	shalt  }
0x4d: {  	_ =	shalt  }
0x4e: {  	_ =	shalt  }
0x4f: {  	_ =	shalt  }
0x50: {  	_ =	shalt  }
0x51: {  	_ =	shalt  }
0x52: {  	_ =	shalt  }
0x53: {  	_ =	shalt  }
0x54: {  	_ =	shalt  }
0x55: {  	_ =	shalt  }
0x56: {  	_ =	shalt  }
0x57: {  	_ =	shalt  }
0x58: {  	_ =	shalt  }
0x59: {  	_ =	shalt  }
0x5a: {  	_ =	shalt  }
0x5b: {  	_ =	shalt  }
0x5c: {  	_ =	shalt  }
0x5d: {  	_ =	shalt  }
0x5e: {  	_ =	shalt  }
0x5f: {  	_ =	shalt  }
0x60: {  	_ =	shalt  }
0x61: {  	_ =	shalt  }
0x62: {  	_ =	shalt  }
0x63: {  	_ =	shalt  }
0x64: {  	_ =	shalt  }
0x65: {  	_ =	shalt  }
0x66: {  	_ =	shalt  }
0x67: {  	_ =	shalt  }
0x68: {  	_ =	shalt  }
0x69: {  	_ =	shalt  }
0x6a: {  	_ =	shalt  }
0x6b: {  	_ =	shalt  }
0x6c: {  	_ =	shalt  }
0x6d: {  	_ =	shalt  }
0x6e: {  	_ =	shalt  }
0x6f: {  	_ =	shalt  }
0x70: {  	_ =	shalt  }
0x71: {  	_ =	shalt  }
0x72: {  	_ =	shalt  }
0x73: {  	_ =	shalt  }
0x74: {  	_ =	shalt  }
0x75: {  	_ =	shalt  }
0x76: {  	_ =	shalt  }
0x77: {  	_ =	shalt  }
0x78: {  	_ =	shalt  }
0x79: {  	_ =	shalt  }
0x7a: {  	_ =	shalt  }
0x7b: {  	_ =	shalt  }
0x7c: {  	_ =	shalt  }
0x7d: {  	_ =	shalt  }
0x7e: {  	_ =	shalt  }
0x7f: {  	_ =	shalt  }
0x80: {  	_ =	shalt  }
0x81: {  	_ =	shalt  }
0x82: {  	_ =	shalt  }
0x83: {  	_ =	shalt  }
0x84: {  	_ =	shalt  }
0x85: {  	_ =	shalt  }
0x86: {  	_ =	shalt  }
0x87: {  	_ =	shalt  }
.Lfunc_end0:
.L_simem_size_0:
called_computation_lowered:
.L_overlay_start_0:
0x88: {  	s2 =	sld [smem:$0x3FD9]  }
0x89: {  	s3 =	sld [smem:$0x3FFE];
	_ =	sdelay $0x1  }
0x8a: {  	s1 =	srdreg.scid  }
0x8b: {  	s0 =	sand.u32 $0x1, s1  }
0x8c: {  	s17 =	sshll.u32 s0, $0xA;
	s2 =	sadd.s32 s3, s2  }
0x8d: {  	s2 =	sadd.s32 s2, s17  }
0x8e: {  	[smem:$0x3F9B] =	sst s2  }
0x8f: {  	_ = 	snop  }
0x90: {  	s2 =	sld [smem:$0x3FD0];
	(tm) =	ssettm $0x1  }
0x91: {  	s18 =	sld [smem:$0x3FFB];
	_ =	sdelay $0x3  }
0x92: {  	_ =	strace s18  }
0x93: {  	s3 =	sld [smem:$0x3FFC];
	_ =	sdelay $0x3  }
0x94: {  	_ =	strace s3  }
0x95: {  	s3 =	sld [smem:$0x3FFD];
	_ =	sdelay $0x3  }
0x96: {  	_ =	strace s3  }
0x97: {  	_ =	strace $0x8FFFFFFF  }
0x98: {  	s19 =	sld [smem:$0x3FDB];
	_ =	sdelay $0x1  }
0x99: {  	s4 =	simm.s32 $_scs_section_size  }
0x9a: {  	s5 =	simm.s32 $_size__tile_overlayer_lowered;
	s6 =	simm.s32 $_tile_overlayer_lowered  }
0x9b: {  	s22 =	simm.s32 $0x1BFF;
	s21 =	sshll.u32 s6, $0x1;
	s3 =	sadd.s32 s4, s19  }
0x9c: {  	s7 =	simm.s32 $0x0;
	s20 =	sshll.u32 s5, $0x1;
	s5 =	sadd.s32 s21, s3  }
0x9d: {  	[timem:s7], [sflag:s22] =	dma.local [hbm:s5], s20  }
0x9e: {  	_ =	swait.ge [sflag:s22], s20  }
0x9f: {  	s4 =	ssub.s32 $0x0, s20;
	[sflag:s22] =	ssyncset.done $0x0  }
0xa0: {  	[sflag:s22] =	ssyncadd.s32 s4;
	_ =	sdelay $0x1  }
0xa1: {  	s23 =	simm.s32 $0x1B8B  }
0xa2: {  	_ =	swait.ge [sflag:s23], $0x1  }
0xa3: {  	[sflag:s23] =	ssyncset.done $0x0  }
0xa4: {  	s25 =	simm.s32 $0x1B8E;
	s24 =	sld [smem:$0x3FFE];
	[sflag:s23] =	ssyncadd.s32 $0xFFFFFFFF  }
0xa5: {  	s26 =	simm.s32 $execute0_lowered;
	[smem:$0x3FD2] =	sst s25  }
0xa6: {  	s5 =	sshll.u32 s26, $0x1;
	_ =	strace $0x80000046;
	[dreg:$0x1] =	wrdreg $0xFFFFFFFF  }
0xa7: {  	s28 =	simm.s32 $_size_execute0_lowered;
	s3 =	sadd.s32 s3, s5;
	[dreg:$0x0] =	wrdreg $0x0  }
0xa8: {  	s5 =	sshll.u32 s28, $0x1;
	[dreg:$0x2] =	wrdreg s3  }
0xa9: {  	[dreg:$0x3] =	wrdreg s5  }
0xaa: {  	[dreg:$0x4] =	wrdreg $0xC0  }
0xab: {  	_ =	task [dreg:s7], $0x5FFFF  }
0xac: {  	[dreg:$0x1] =	wrdreg $0xFFFFFFFF  }
0xad: {  	[dreg:$0x0] =	wrdreg $0x60  }
0xae: {  	[dreg:$0x2] =	wrdreg s2  }
0xaf: {  	[dreg:$0x3] =	wrdreg s24  }
0xb0: {  	[dreg:$0x4] =	wrdreg $0x9  }
0xb1: {  	_ =	task.clear_ibuf [dreg:s7], $0x5FFFF;
	_ =	strace $0x90000046  }
0xb2: {  	s29 =	simm.s32 $0x9;
	_ =	strace $0x80000048  }
0xb3: {  	_ =	swait.ge [sflag:s29], $0x1  }
0xb4: {  	[sflag:s29] =	ssyncadd.s32 $0xFFFFFFFF  }
0xb5: {  	_ =	strace $0x90000048  }
0xb6: {  	_ =	sfence  }
0xb7: {  	s30 =	sld [smem:$0x0];
	_ =	sdelay $0x2  }
0xb8: {  	s31 =	sshll.u32 s1, $0xD;
	s1 =	sshrl.u32 s1, $0x2  }
0xb9: {  	s3 =	sand.u32 $0x4000, s31;
	s1 =	sadd.s32 s1, s30  }
0xba: {  	s0 =	sor.u32 s3, s0;
	s1 =	sshll.u32 s1, $0x11  }
0xbb: {  	s0 =	sor.u32 s1, s0  }
0xbc: {  	s0 =	sadd.s32 $0x8F2B, s0  }
0xbd: {  	[sflag:s0] =	ssyncadd.remote.s32 $0x1  }
0xbe: {  	_ =	sfence.sel $0xFFFF  }
0xbf: {  	[dreg:$0x0] =	wrdreg $0xFFFFFFFF;
	(pc) =	sbr.abs _section_cstart, $3  }
0xc0: {  	[dreg:$0x1] =	wrdreg $0xFFFFFFFF  }
0xc1: {  	_ =	task.clear_ibuf [dreg:s7], $0x2FFFF;
	_ =	strace $0x9FFFFFFF  }
0xc2: {  	(tm) =	ssettm $0x7FFFFFFF  }
0xc3: {  	_ =	shalt  }
tec
execute0_lowered:
.L_overlay_start_1:
0x0: {  	(tag) =	ssettag $0x1  }
0x1: {  	s0 =	srdreg.scid;
	s1 =	rddreg [dreg:$0x0]  }
0x2: {  	s2 =	stileid.u32;
	s3 =	rddreg [dreg:$0x1]  }
0x3: {  	s18 =	simm.s32 $0x0;
	s14 =	simm.s32 $0x3;
	s11 =	simm.s32 $0xF060  }
0x4: {  	s17 =	simm.s32 $0x1;
	s28 =	simm.s32 $0x3860;
	s30 =	simm.s32 $0x4860  }
0x5: {  	s29 =	simm.s32 $0x8860;
	s31 =	simm.s32 $0x0;
	s0 =	sand.u32 $0x1, s0  }
0x6: {  	s2 =	sshll.u32 s2, $0x1;
	[smem:$0x7FF] =	sst s18;
	s19 =	sadd.s32 $0x6600, s3  }
0x7: {  	s20 =	sadd.s32 $0x37400, s3;
	s5 =	sadd.s32 $0x68200, s3;
	s6 =	sadd.s32 $0x99000, s3  }
0x8: {  	s4 =	sor.u32 s0, s2;
	_ =	strace $0x80000047;
	[dreg:$0x3] =	wrdreg s19  }
0x9: {  	s18 =	simm.s32 $0x2;
	[dreg:$0x4] =	wrdreg s20;
	s7 =	smul.u32 $0xC, s4  }
0xa: {  	s0 =	ssub.s32 $0x2, s0;
	s20 =	simm.s32 $0x40;
	s9 =	smul.u32 $0x300, s4  }
0xb: {  	s19 =	simm.s32 $0x6860;
	s4 =	smul.u32 $0x600, s4;
	s21 =	sshrl.u32 s0, $0x1  }
0xc: {  	s0 =	ssub.s32 s0, s21;
	s8 =	sadd.s32 s7, s3;
	s1 =	sadd.s32 s1, s7  }
0xd: {  	s9 =	sadd.s32 s9, s3;
	s0 =	smax.u32 s0, $0x1;
	[dreg:$0x5] =	wrdreg s1  }
0xe: {  	s3 =	sadd.s32 s4, s3;
	s22 =	sadd.s32 $0xC9E00, s9;
	[dreg:$0xb] =	wrdreg s0  }
0xf: {  	s21 =	simm.s32 $0x80;
	s23 =	sadd.s32 $0xCFE00, s3;
	[dreg:$0x6] =	wrdreg s22  }
0x10: {  	s4 =	simm.s32 $0xA860;
	s24 =	sadd.s32 $0x6400, s8;
	[dreg:$0x7] =	wrdreg s23  }
0x11: {  	s25 =	sadd.s32 $0xC9E04, s9;
	s26 =	sadd.s32 $0xCFE08, s3;
	[dreg:$0x8] =	wrdreg s24  }
0x12: {  	s1 =	simm.s32 $0x5860;
	s3 =	simm.s32 $0x9860;
	[dreg:$0x9] =	wrdreg s25  }
0x13: {  	s0 =	simm.s32 $0xC860;
	[dreg:$0xa] =	wrdreg s26;
	s23 =	simm.s32 $0x1860  }
0x14: {  	s25 =	simm.s32 $0x2860;
	s24 =	simm.s32 $0x7860;
	s26 =	simm.s32 $0xB860  }
.LBB2_1:
0x15: {  	s2 =	simm.s32 $0x0;
	s7 =	rddreg [dreg:$0x5]  }
0x16: {  	[tilespmem:s2], [sflag:$0x3] =	stream.linear.gather [hbm4b:s7+s2], $0x60, $0x38;
	[tilespmem:$0xFC60] =	vst v63  }
0x17: {  	_ =	swait.ge [sflag:s14], $0x60  }
0x18: {  	[sflag:s14] =	ssyncset.done $0x0  }
0x19: {  	s8 =	simm.s32 $0x60;
	[sflag:s14] =	ssyncadd.s32 $0xFFFFFFA0  }
0x1a: {  	[tilespmem:s11], [sflag:$0x2] =	stream.indirect.gather [hbm4b:s5+s8], $0x20, s2, s8, $0xb8;
	[tilespmem:$0xFC60] =	vst v63  }
0x1b: {  	s22 =	rddreg [dreg:$0x3]  }
0x1c: {  	[tilespmem:s8], [sflag:$0x1] =	stream.indirect.gather [hbm4b:s22+s8], $0x20, s2, s8, $0xb8;
	[tilespmem:$0xFC60] =	vst v63  }
0x1d: {  	_ =	swait.ge [sflag:s17], $0xC00  }
0x1e: {  	[sflag:s17] =	ssyncset.done $0x0  }
0x1f: {  	s7 =	simm.s32 $0x70;
	[sflag:s17] =	ssyncadd.s32 $0xFFFFF400  }
0x20: {  	s9 =	simm.s32 $0x0;
	s8 =	simm.s32 $0x40;
	v0 =	vld [tilespmem:s7+$0xFFFFFFF0]  }
.LBB2_2:
0x21: {  	p0 =	sne.s32 s8, $0x17C0;
	_ =	sdelay $0x2  }
0x22: {  	s10 =	sshra.s32 s9, $0x2;
	s9 =	smov.u32 s8  }
0x23: {  	[tilespmem:s10+$0xC60] =	vst v0  }
0x24: {  	v0 =	vld [tilespmem:s7+$0x0];
	_ =	sdelay $0x1  }
.Ltmp0:
0x25: {  	(pc) =	sbr.rel @p0 .LBB2_2-.Ltmp0, $3  }
0x26: {  	_ =	sdelay $0x1  }
0x27: {  	s7 =	sadd.s32 $0x20, s7;
	[tilespmem:s10+$0x1260] =	vst v0  }
0x28: {  	s8 =	sadd.s32 $0x40, s8;
	v0 =	vld [tilespmem:s7+$0xFFFFFFF0]  }
0x29: {  	_ =	sdelay $0x2  }
0x2a: {  	s8 =	sshra.s32 s9, $0x2  }
0x2b: {  	[tilespmem:s8+$0xC60] =	vst v0  }
0x2c: {  	v0 =	vld [tilespmem:s7+$0x0];
	_ =	sdelay $0x4  }
0x2d: {  	[tilespmem:s8+$0x1260] =	vst v0  }
0x2e: {  	_ =	swait.ge [sflag:s18], $0xC00  }
0x2f: {  	[sflag:s18] =	ssyncset.done $0x0  }
0x30: {  	s13 =	simm.s32 $0x20;
	s2 =	rddreg [dreg:$0x6];
	[sflag:s18] =	ssyncadd.s32 $0xFFFFF400  }
0x31: {  	[hbm4b:s2+s13] =	stream.strided.scatter [tilespmem:s11], [sflag:$0x3], $0xC00, s20, s13, $0x38;
	[tilespmem:$0xFC60] =	vst v63  }
0x32: {  	_ =	swait.ge [sflag:s14], $0xC00  }
0x33: {  	[sflag:s14] =	ssyncset.done $0x0  }
0x34: {  	s15 =	simm.s32 $0xC60;
	[sflag:s14] =	ssyncadd.s32 $0xFFFFF400  }
0x35: {  	[tilespmem:s23], [sflag:$0x1] =	stream.indirect.gather [hbm4b:s5+s21], $0x20, s15, s21, $0xb8;
	[tilespmem:$0xFC60] =	vst v63  }
0x36: {  	s16 =	simm.s32 $0xCE0  }
0x37: {  	[tilespmem:s25], [sflag:$0x1] =	stream.indirect.gather [hbm4b:s5+s21], $0x20, s16, s21, $0xb8;
	[tilespmem:$0xFC60] =	vst v63  }
0x38: {  	s22 =	simm.s32 $0xD60  }
0x39: {  	[tilespmem:s28], [sflag:$0x1] =	stream.indirect.gather [hbm4b:s5+s21], $0x20, s22, s21, $0xb8;
	[tilespmem:$0xFC60] =	vst v63  }
0x3a: {  	s7 =	simm.s32 $0xDE0  }
0x3b: {  	[tilespmem:s30], [sflag:$0x1] =	stream.indirect.gather [hbm4b:s5+s21], $0x20, s7, s21, $0xb8;
	[tilespmem:$0xFC60] =	vst v63  }
0x3c: {  	s8 =	simm.s32 $0xE60  }
0x3d: {  	[tilespmem:s1], [sflag:$0x1] =	stream.indirect.gather [hbm4b:s5+s21], $0x20, s8, s21, $0xb8;
	[tilespmem:$0xFC60] =	vst v63  }
0x3e: {  	s9 =	simm.s32 $0xEE0  }
0x3f: {  	[tilespmem:s19], [sflag:$0x1] =	stream.indirect.gather [hbm4b:s5+s21], $0x20, s9, s21, $0xb8;
	[tilespmem:$0xFC60] =	vst v63  }
0x40: {  	s10 =	simm.s32 $0xF60  }
0x41: {  	[tilespmem:s24], [sflag:$0x1] =	stream.indirect.gather [hbm4b:s5+s21], $0x20, s10, s21, $0xb8;
	[tilespmem:$0xFC60] =	vst v63  }
0x42: {  	s11 =	simm.s32 $0xFE0  }
0x43: {  	[tilespmem:s29], [sflag:$0x1] =	stream.indirect.gather [hbm4b:s5+s21], $0x20, s11, s21, $0xb8;
	[tilespmem:$0xFC60] =	vst v63  }
0x44: {  	s12 =	simm.s32 $0x1060  }
0x45: {  	[tilespmem:s3], [sflag:$0x1] =	stream.indirect.gather [hbm4b:s5+s21], $0x20, s12, s21, $0xb8;
	[tilespmem:$0xFC60] =	vst v63  }
0x46: {  	s13 =	simm.s32 $0x10E0  }
0x47: {  	[tilespmem:s4], [sflag:$0x1] =	stream.indirect.gather [hbm4b:s5+s21], $0x20, s13, s21, $0xb8;
	[tilespmem:$0xFC60] =	vst v63  }
0x48: {  	s15 =	simm.s32 $0x1160  }
0x49: {  	[tilespmem:s26], [sflag:$0x1] =	stream.indirect.gather [hbm4b:s5+s21], $0x20, s15, s21, $0xb8;
	[tilespmem:$0xFC60] =	vst v63  }
0x4a: {  	s16 =	simm.s32 $0x11E0  }
0x4b: {  	[tilespmem:s0], [sflag:$0x1] =	stream.indirect.gather [hbm4b:s5+s21], $0x20, s16, s21, $0xb8;
	[tilespmem:$0xFC60] =	vst v63  }
0x4c: {  	_ =	swait.ge [sflag:s17], $0x1000  }
0x4d: {  	[sflag:s17] =	ssyncset.done $0x0  }
0x4e: {  	[sflag:s17] =	ssyncadd.s32 $0xFFFFF000  }
0x4f: {  	_ =	swait.ge [sflag:s17], $0x1000  }
0x50: {  	[sflag:s17] =	ssyncset.done $0x0  }
0x51: {  	[sflag:s17] =	ssyncadd.s32 $0xFFFFF000  }
0x52: {  	_ =	swait.ge [sflag:s17], $0x1000  }
0x53: {  	[sflag:s17] =	ssyncset.done $0x0  }
0x54: {  	[sflag:s17] =	ssyncadd.s32 $0xFFFFF000  }
0x55: {  	_ =	swait.ge [sflag:s17], $0x1000  }
0x56: {  	[sflag:s17] =	ssyncset.done $0x0  }
0x57: {  	[sflag:s17] =	ssyncadd.s32 $0xFFFFF000  }
0x58: {  	_ =	swait.ge [sflag:s17], $0x1000  }
0x59: {  	[sflag:s17] =	ssyncset.done $0x0  }
0x5a: {  	[sflag:s17] =	ssyncadd.s32 $0xFFFFF000  }
0x5b: {  	_ =	swait.ge [sflag:s17], $0x1000  }
0x5c: {  	[sflag:s17] =	ssyncset.done $0x0  }
0x5d: {  	[sflag:s17] =	ssyncadd.s32 $0xFFFFF000  }
0x5e: {  	_ =	swait.ge [sflag:s17], $0x1000  }
0x5f: {  	[sflag:s17] =	ssyncset.done $0x0  }
0x60: {  	[sflag:s17] =	ssyncadd.s32 $0xFFFFF000  }
0x61: {  	_ =	swait.ge [sflag:s17], $0x1000  }
0x62: {  	[sflag:s17] =	ssyncset.done $0x0  }
0x63: {  	[sflag:s17] =	ssyncadd.s32 $0xFFFFF000  }
0x64: {  	_ =	swait.ge [sflag:s17], $0x1000  }
0x65: {  	[sflag:s17] =	ssyncset.done $0x0  }
0x66: {  	[sflag:s17] =	ssyncadd.s32 $0xFFFFF000  }
0x67: {  	_ =	swait.ge [sflag:s17], $0x1000  }
0x68: {  	[sflag:s17] =	ssyncset.done $0x0  }
0x69: {  	[sflag:s17] =	ssyncadd.s32 $0xFFFFF000  }
0x6a: {  	_ =	swait.ge [sflag:s17], $0x1000  }
0x6b: {  	[sflag:s17] =	ssyncset.done $0x0  }
0x6c: {  	[sflag:s17] =	ssyncadd.s32 $0xFFFFF000  }
0x6d: {  	_ =	swait.ge [sflag:s17], $0x1000  }
0x6e: {  	[sflag:s17] =	ssyncset.done $0x0  }
0x6f: {  	s22 =	simm.s32 $0x0;
	[sflag:s17] =	ssyncadd.s32 $0xFFFFF000  }
0x70: {  	v0 =	vld [tilespmem:s22+$0x60];
	_ =	sdelay $0x4  }
0x71: {  	(v2sf) =	vpush v0, $0x8  }
0x72: {  	(v2sf) =	vpush v0, $0x7  }
0x73: {  	(v2sf) =	vpush v0, $0x4  }
0x74: {  	(v2sf) =	vpush v0, $0x3  }
0x75: {  	(v2sf) =	vpush v0, $0x2  }
0x76: {  	(v2sf) =	vpush v0, $0x0  }
0x77: {  	(v2sf) =	vpush v0, $0x1  }
0x78: {  	s7 =	simm.s32 $0xD870;
	s10 =	simm.s32 $0xD870;
	(v2sf) =	vpush v0, $0x5  }
0x79: {  	s11 =	simm.s32 $0x1960;
	s12 =	simm.s32 $0x1960;
	s22 =	simm.s32 $0x80;
	(v2sf) =	vpush v0, $0x6  }
.LBB2_4:
0x7a: {  	p0 =	sne.s32 s22, $0x2F80;
	s7 =	sadd.s32 $0x40, s7;
	s12 =	sadd.s32 $0x200, s12  }
0x7b: {  	s8 =	smov.u32 s22;
	s22 =	sadd.s32 $0x80, s22;
	(v2sf) =	vpush v0, $0xB  }
0x7c: {  	(v2sf) =	vpush v0, $0x9;
	_ =	sdelay $0x1  }
0x7d: {  	(v2sf) =	vpush v0, $0xA;
	_ =	sdelay $0x1  }
0x7e: {  	s9 =	spop (v2sf);
	(v2sf) =	vpush v0, $0xD  }
0x7f: {  	s13 =	sshra.s32 s8, $0x2;
	p1 =	sne.s32 s9, $0x0;
	s8 =	spop (v2sf);
	(v2sf) =	vpush v0, $0xC  }
0x80: {  	v1 =	vld [tilespmem:s11+$0xFFFFFF00];
	p2 =	sne.s32 s8, $0x0;
	s8 =	spop (v2sf)  }
0x81: {  	v2 =	vld [tilespmem:s11+$0xFFFFFF30];
	p4 =	sne.s32 s8, $0x0;
	s8 =	spop (v2sf);
	(v2sf) =	vpush v0, $0xE  }
0x82: {  	p5 =	sne.s32 s8, $0x0;
	s8 =	spop (v2sf)  }
0x83: {  	v3 =	vld [tilespmem:s11+$0xFFFFFF20];
	p3 =	sne.s32 s8, $0x0;
	s8 =	simm.s32 $0x1  }
0x84: {  	s15 =	simm.s32 $0x1;
	v4 =	vld [tilespmem:s11+$0xFFFFFF10];
	s9 =	spop (v2sf);
	(v2sf) =	vpush v0, $0xF;
	s8 =	simm.s32 @!p5 $0x0  }
0x85: {  	p5 =	sne.s32 s9, $0x0;
	s9 =	simm.s32 $0x1;
	s2 =	spop (v2sf)  }
0x86: {  	s16 =	simm.s32 $0x1;
	s9 =	simm.s32 @!p4 $0x0;
	p4 =	sne.s32 s2, $0x0  }
0x87: {  	v0 =	vld [tilespmem:s11+$0xFFFFFF40];
	s15 =	simm.s32 @!p5 $0x0;
	s16 =	simm.s32 @!p4 $0x0  }
0x88: {  	v5 =	vld [tilespmem:s11+$0xFFFFFF50];
	s2 =	spop (v2sf);
	s15 =	sadd.s32 s16, s15;
	s16 =	simm.s32 $0x1  }
0x89: {  	v6 =	vld [tilespmem:s11+$0xFFFFFF60];
	p4 =	sne.s32 s2, $0x0;
	s2 =	spop (v2sf);
	s16 =	simm.s32 @!p3 $0x0  }
0x8a: {  	v1 =	vadd.f32 v3, v1;
	v3 =	vld [tilespmem:s11+$0xFFFFFF70];
	p3 =	sne.s32 s2, $0x0;
	s2 =	sadd.s32 s16, s15  }
0x8b: {  	s15 =	simm.s32 $0x1;
	s16 =	spop (v2sf);
	s2 =	sadd.s32 s8, s2  }
0x8c: {  	v2 =	vadd.f32 v2, v4;
	v4 =	vld [tilespmem:s11+$0xFFFFFF80];
	s15 =	simm.s32 @!p3 $0x0;
	s2 =	sadd.s32 s9, s2;
	s9 =	simm.s32 $0x1  }
0x8d: {  	v0 =	vadd.f32 v0, v1;
	p3 =	sne.s32 s16, $0x0;
	v1 =	vld [tilespmem:s11+$0xFFFFFF90];
	s8 =	spop (v2sf);
	s9 =	simm.s32 @!p4 $0x0  }
0x8e: {  	v2 =	vadd.f32 v5, v2;
	v5 =	vld [tilespmem:s11+$0xFFFFFFA0];
	p4 =	sne.s32 s8, $0x0;
	s2 =	sadd.s32 s9, s2  }
0x8f: {  	s9 =	spop (v2sf);
	s2 =	sadd.s32 s15, s2;
	s15 =	simm.s32 $0x1  }
0x90: {  	s15 =	simm.s32 @!p2 $0x0;
	p2 =	sne.s32 s9, $0x0;
	s9 =	simm.s32 $0x1  }
0x91: {  	s8 =	simm.s32 $0x1;
	s2 =	sadd.s32 s15, s2;
	s9 =	simm.s32 @!p1 $0x0  }
0x92: {  	s8 =	simm.s32 @!p4 $0x0;
	s2 =	sadd.s32 s9, s2  }
0x93: {  	v0 =	vadd.f32 v6, v0;
	v6 =	vld [tilespmem:s11+$0xFFFFFFB0];
	s2 =	sadd.s32 s8, s2;
	s8 =	simm.s32 $0x1  }
0x94: {  	v2 =	vadd.f32 v3, v2;
	v3 =	vld [tilespmem:s11+$0xFFFFFFC0];
	s8 =	simm.s32 @!p2 $0x0  }
0x95: {  	v0 =	vadd.f32 v4, v0;
	v4 =	vld [tilespmem:s11+$0xFFFFFFD0];
	s15 =	spop (v2sf);
	s2 =	sadd.s32 s8, s2;
	s8 =	simm.s32 $0x1  }
0x96: {  	s9 =	spop (v2sf);
	s8 =	simm.s32 @!p3 $0x0  }
0x97: {  	p2 =	sne.s32 s9, $0x0;
	s2 =	sadd.s32 s8, s2;
	s8 =	simm.s32 $0x1  }
0x98: {  	v1 =	vadd.f32 v1, v2;
	v2 =	vld [tilespmem:s11+$0xFFFFFFE0];
	p1 =	sne.s32 s15, $0x0;
	s8 =	simm.s32 @!p2 $0x0  }
0x99: {  	v0 =	vadd.f32 v5, v0;
	v5 =	vld [tilespmem:s11+$0xFFFFFFF0];
	s2 =	sadd.s32 s8, s2;
	s8 =	simm.s32 $0x1  }
0x9a: {  	v1 =	vadd.f32 v6, v1;
	v6 =	vld [tilespmem:s11+$0x0];
	s9 =	spop (v2sf);
	s8 =	simm.s32 @!p1 $0x0  }
0x9b: {  	v0 =	vadd.f32 v3, v0;
	v3 =	vld [tilespmem:s11+$0x10];
	p2 =	sne.s32 s9, $0x0;
	s2 =	sadd.s32 s8, s2;
	s8 =	simm.s32 $0x1  }
0x9c: {  	v1 =	vadd.f32 v4, v1;
	v4 =	vld [tilespmem:s11+$0x20];
	s9 =	spop (v2sf);
	s8 =	simm.s32 @!p2 $0x0  }
0x9d: {  	v0 =	vadd.f32 v2, v0;
	p1 =	sne.s32 s9, $0x0;
	v2 =	vld [tilespmem:s11+$0x30];
	s2 =	sadd.s32 s8, s2;
	s8 =	simm.s32 $0x1  }
0x9e: {  	v1 =	vadd.f32 v5, v1;
	v5 =	vld [tilespmem:s11+$0x40];
	s8 =	simm.s32 @!p1 $0x0  }
0x9f: {  	v0 =	vadd.f32 v6, v0;
	v6 =	vld [tilespmem:s11+$0x50];
	s8 =	sadd.s32 s8, s2  }
0xa0: {  	s9 =	simm.f32 $5.000000000e-01;
	v1 =	vadd.f32 v3, v1;
	v3 =	vld [tilespmem:s11+$0x60];
	p1 =	seq.s32 s8, $0x2  }
0xa1: {  	v0 =	vadd.f32 v4, v0;
	v4 =	vld [tilespmem:s11+$0x70];
	s9 =	simm.s32 @!p1 $0x3F800000;
	p1 =	seq.s32 s8, $0x3  }
0xa2: {  	v1 =	vadd.f32 v2, v1;
	v2 =	vld [tilespmem:s11+$0x80];
	s9 =	simm.s32 @p1 $0x3EAAAAAB;
	p1 =	seq.s32 s8, $0x4  }
0xa3: {  	v0 =	vadd.f32 v5, v0;
	v5 =	vld [tilespmem:s11+$0x90];
	s9 =	simm.s32 @p1 $0x3E800000;
	p1 =	seq.s32 s8, $0x5  }
0xa4: {  	v1 =	vadd.f32 v6, v1;
	v6 =	vld [tilespmem:s11+$0xA0];
	s9 =	simm.s32 @p1 $0x3E4CCCCD;
	p1 =	seq.s32 s8, $0x6  }
0xa5: {  	v0 =	vadd.f32 v3, v0;
	v3 =	vld [tilespmem:s11+$0xB0];
	s9 =	simm.s32 @p1 $0x3E2AAAAB;
	p1 =	seq.s32 s8, $0x7  }
0xa6: {  	v1 =	vadd.f32 v4, v1;
	v4 =	vld [tilespmem:s11+$0xC0];
	s9 =	simm.s32 @p1 $0x3E124925;
	p1 =	seq.s32 s8, $0x8  }
0xa7: {  	v0 =	vadd.f32 v2, v0;
	v2 =	vld [tilespmem:s11+$0xD0];
	s9 =	simm.s32 @p1 $0x3E000000;
	p1 =	seq.s32 s8, $0x9  }
0xa8: {  	v1 =	vadd.f32 v5, v1;
	v5 =	vld [tilespmem:s11+$0xF0];
	s9 =	simm.s32 @p1 $0x3DE38E39;
	p1 =	seq.s32 s8, $0xA  }
0xa9: {  	v0 =	vadd.f32 v6, v0;
	v6 =	vld [tilespmem:s11+$0xE0];
	s9 =	simm.s32 @p1 $0x3DCCCCCD;
	p1 =	seq.s32 s8, $0xB;
	s11 =	smov.u32 s12  }
0xaa: {  	v1 =	vadd.f32 v3, v1;
	s9 =	simm.s32 @p1 $0x3DBA2E8C;
	p1 =	seq.s32 s8, $0xC  }
0xab: {  	v0 =	vadd.f32 v4, v0;
	s9 =	simm.s32 @p1 $0x3DAAAAAB;
	p1 =	seq.s32 s8, $0xD  }
0xac: {  	v1 =	vadd.f32 v2, v1;
	s9 =	simm.s32 @p1 $0x3D9D89D9;
	p1 =	seq.s32 s8, $0xE  }
0xad: {  	s9 =	simm.s32 @p1 $0x3D924925;
	p1 =	seq.s32 s8, $0xF  }
0xae: {  	v0 =	vadd.f32 v6, v0;
	v1 =	vadd.f32 v5, v1;
	s9 =	simm.s32 @p1 $0x3D888889;
	p1 =	seq.s32 s8, $0x10  }
0xaf: {  	s9 =	simm.s32 @p1 $0x3D800000  }
0xb0: {  	v0 =	vmul.f32 s9, v0;
	v1 =	vmul.f32 s9, v1;
	_ =	sdelay $0x1  }
0xb1: {  	[tilespmem:s10+$0xFFFFFFF0] =	vst v0  }
0xb2: {  	[tilespmem:s10+$0x0] =	vst v1;
	s10 =	smov.u32 s7  }
0xb3: {  	v0 =	vld [tilespmem:s13+$0x60];
	_ =	sdelay $0x4  }
0xb4: {  	(v2sf) =	vpush v0, $0x8  }
0xb5: {  	(v2sf) =	vpush v0, $0x7  }
0xb6: {  	(v2sf) =	vpush v0, $0x4  }
0xb7: {  	(v2sf) =	vpush v0, $0x3  }
.Ltmp1:
0xb8: {  	(v2sf) =	vpush v0, $0x2;
	(pc) =	sbr.rel @p0 .LBB2_4-.Ltmp1, $4  }
0xb9: {  	(v2sf) =	vpush v0, $0x0  }
0xba: {  	(v2sf) =	vpush v0, $0x1  }
0xbb: {  	(v2sf) =	vpush v0, $0x5  }
0xbc: {  	(v2sf) =	vpush v0, $0x6  }
0xbd: {  	_ =	sdelay $0x1  }
0xbe: {  	(v2sf) =	vpush v0, $0xB  }
0xbf: {  	(v2sf) =	vpush v0, $0x9;
	_ =	sdelay $0x2  }
0xc0: {  	s2 =	spop (v2sf)  }
0xc1: {  	s7 =	spop (v2sf)  }
0xc2: {  	(v2sf) =	vpush v0, $0xA;
	p0 =	sne.s32 s2, $0x0;
	s8 =	spop (v2sf)  }
0xc3: {  	(v2sf) =	vpush v0, $0xD;
	s2 =	simm.s32 $0x1;
	p1 =	sne.s32 s7, $0x0;
	s9 =	spop (v2sf)  }
0xc4: {  	s7 =	simm.s32 $0x1;
	p2 =	sne.s32 s8, $0x0;
	s12 =	spop (v2sf)  }
0xc5: {  	(v2sf) =	vpush v0, $0xC;
	s8 =	simm.s32 $0x1;
	p3 =	sne.s32 s9, $0x0;
	s13 =	spop (v2sf)  }
0xc6: {  	(v2sf) =	vpush v0, $0xE;
	s9 =	simm.s32 $0x1;
	s2 =	simm.s32 @!p2 $0x0;
	s15 =	spop (v2sf)  }
0xc7: {  	s7 =	simm.s32 @!p3 $0x0;
	p3 =	sne.s32 s13, $0x0;
	p5 =	sne.s32 s15, $0x0  }
0xc8: {  	v1 =	vld [tilespmem:s11+$0xFFFFFF00];
	p4 =	sne.s32 s12, $0x0;
	s8 =	simm.s32 @!p3 $0x0;
	s9 =	simm.s32 @!p5 $0x0  }
0xc9: {  	v2 =	vld [tilespmem:s11+$0xFFFFFF30];
	(v2sf) =	vpush v0, $0xF;
	s16 =	spop (v2sf);
	s8 =	sadd.s32 s9, s8;
	s9 =	simm.s32 $0x1  }
0xca: {  	v3 =	vld [tilespmem:s11+$0xFFFFFF20];
	p3 =	sne.s32 s16, $0x0;
	s22 =	spop (v2sf);
	s9 =	simm.s32 @!p4 $0x0  }
0xcb: {  	v0 =	vld [tilespmem:s11+$0xFFFFFF10];
	s12 =	spop (v2sf);
	p4 =	sne.s32 s22, $0x0;
	s8 =	sadd.s32 s9, s8  }
0xcc: {  	v4 =	vld [tilespmem:s11+$0xFFFFFF40];
	p2 =	sne.s32 s12, $0x0;
	s13 =	spop (v2sf);
	s7 =	sadd.s32 s7, s8  }
0xcd: {  	v5 =	vld [tilespmem:s11+$0xFFFFFF50];
	s9 =	simm.s32 $0x1;
	s2 =	sadd.s32 s2, s7;
	s7 =	simm.s32 $0x1  }
0xce: {  	v6 =	vld [tilespmem:s11+$0xFFFFFF60];
	s8 =	simm.s32 $0x1;
	s7 =	simm.s32 @!p3 $0x0;
	p3 =	sne.s32 s13, $0x0  }
0xcf: {  	v1 =	vadd.f32 v3, v1;
	v3 =	vld [tilespmem:s11+$0xFFFFFF70];
	s8 =	simm.s32 @!p4 $0x0;
	s2 =	sadd.s32 s7, s2;
	s9 =	simm.s32 @!p3 $0x0  }
0xd0: {  	v0 =	vadd.f32 v2, v0;
	v2 =	vld [tilespmem:s11+$0xFFFFFF80];
	s7 =	simm.s32 $0x1;
	s2 =	sadd.s32 s8, s2;
	s8 =	simm.s32 $0x1  }
0xd1: {  	v49 =	vld [tilespmem:s11+$0xFFFFFF90];
	v1 =	vadd.f32 v4, v1;
	s15 =	spop (v2sf);
	s7 =	simm.s32 @!p0 $0x0;
	s8 =	simm.s32 @!p1 $0x0  }
0xd2: {  	v50 =	vld [tilespmem:s11+$0xFFFFFFA0];
	v0 =	vadd.f32 v5, v0;
	s16 =	spop (v2sf);
	p1 =	sne.s32 s15, $0x0;
	s2 =	sadd.s32 s8, s2  }
0xd3: {  	v51 =	vld [tilespmem:s11+$0xFFFFFFB0];
	v1 =	vadd.f32 v6, v1;
	p0 =	sne.s32 s16, $0x0;
	s2 =	sadd.s32 s7, s2;
	s7 =	simm.s32 $0x1  }
0xd4: {  	v0 =	vadd.f32 v3, v0;
	v3 =	vld [tilespmem:s11+$0xFFFFFFC0];
	s22 =	spop (v2sf);
	s2 =	sadd.s32 s9, s2;
	s7 =	simm.s32 @!p1 $0x0  }
0xd5: {  	v1 =	vadd.f32 v2, v1;
	v2 =	vld [tilespmem:s11+$0xFFFFFFD0];
	s12 =	spop (v2sf);
	s2 =	sadd.s32 s7, s2;
	s7 =	simm.s32 $0x1  }
0xd6: {  	v52 =	vld [tilespmem:s11+$0xFFFFFFE0];
	v0 =	vadd.f32 v49, v0;
	p1 =	sne.s32 s22, $0x0;
	s9 =	simm.s32 $0x1;
	s7 =	simm.s32 @!p2 $0x0  }
0xd7: {  	v53 =	vld [tilespmem:s11+$0xFFFFFFF0];
	v1 =	vadd.f32 v50, v1;
	s9 =	simm.s32 @!p1 $0x0;
	s2 =	sadd.s32 s7, s2;
	s7 =	simm.s32 $0x1  }
0xd8: {  	v54 =	vld [tilespmem:s11+$0x0];
	v0 =	vadd.f32 v51, v0;
	s13 =	spop (v2sf);
	s2 =	sadd.s32 s9, s2;
	s7 =	simm.s32 @!p0 $0x0  }
0xd9: {  	v1 =	vadd.f32 v3, v1;
	v3 =	vld [tilespmem:s11+$0x10];
	p1 =	sne.s32 s12, $0x0;
	s2 =	sadd.s32 s7, s2;
	s7 =	simm.s32 $0x1  }
0xda: {  	s8 =	simm.s32 $0x1;
	v0 =	vadd.f32 v2, v0;
	v2 =	vld [tilespmem:s11+$0x20];
	p0 =	sne.s32 s13, $0x0;
	s7 =	simm.s32 @!p1 $0x0  }
0xdb: {  	v55 =	vld [tilespmem:s11+$0x30];
	v1 =	vadd.f32 v52, v1;
	s8 =	simm.s32 @!p0 $0x0;
	s2 =	sadd.s32 s7, s2  }
0xdc: {  	v56 =	vld [tilespmem:s11+$0x40];
	v0 =	vadd.f32 v53, v0;
	s2 =	sadd.s32 s8, s2  }
0xdd: {  	v57 =	vld [tilespmem:s11+$0x50];
	v1 =	vadd.f32 v54, v1;
	s7 =	simm.f32 $5.000000000e-01;
	p0 =	seq.s32 s2, $0x2  }
0xde: {  	v0 =	vadd.f32 v3, v0;
	v3 =	vld [tilespmem:s11+$0x60];
	s7 =	simm.s32 @!p0 $0x3F800000;
	p0 =	seq.s32 s2, $0x3  }
0xdf: {  	v1 =	vadd.f32 v2, v1;
	v2 =	vld [tilespmem:s11+$0x70];
	s7 =	simm.s32 @p0 $0x3EAAAAAB;
	p0 =	seq.s32 s2, $0x4  }
0xe0: {  	v58 =	vld [tilespmem:s11+$0x80];
	v0 =	vadd.f32 v55, v0;
	s7 =	simm.s32 @p0 $0x3E800000;
	p0 =	seq.s32 s2, $0x5  }
0xe1: {  	v59 =	vld [tilespmem:s11+$0x90];
	v1 =	vadd.f32 v56, v1;
	s7 =	simm.s32 @p0 $0x3E4CCCCD;
	p0 =	seq.s32 s2, $0x6  }
0xe2: {  	v60 =	vld [tilespmem:s11+$0xA0];
	v0 =	vadd.f32 v57, v0;
	s7 =	simm.s32 @p0 $0x3E2AAAAB;
	p0 =	seq.s32 s2, $0x7  }
0xe3: {  	v1 =	vadd.f32 v3, v1;
	v3 =	vld [tilespmem:s11+$0xB0];
	s7 =	simm.s32 @p0 $0x3E124925;
	p0 =	seq.s32 s2, $0x8  }
0xe4: {  	v0 =	vadd.f32 v2, v0;
	v2 =	vld [tilespmem:s11+$0xC0];
	s7 =	simm.s32 @p0 $0x3E000000;
	p0 =	seq.s32 s2, $0x9  }
0xe5: {  	v61 =	vld [tilespmem:s11+$0xD0];
	v1 =	vadd.f32 v58, v1;
	s7 =	simm.s32 @p0 $0x3DE38E39;
	p0 =	seq.s32 s2, $0xA  }
0xe6: {  	v62 =	vld [tilespmem:s11+$0xE0];
	v0 =	vadd.f32 v59, v0;
	s7 =	simm.s32 @p0 $0x3DCCCCCD;
	p0 =	seq.s32 s2, $0xB  }
0xe7: {  	v63 =	vld [tilespmem:s11+$0xF0];
	v1 =	vadd.f32 v60, v1;
	s7 =	simm.s32 @p0 $0x3DBA2E8C;
	p0 =	seq.s32 s2, $0xC  }
0xe8: {  	v0 =	vadd.f32 v3, v0;
	s7 =	simm.s32 @p0 $0x3DAAAAAB;
	p0 =	seq.s32 s2, $0xD  }
0xe9: {  	v1 =	vadd.f32 v2, v1;
	s7 =	simm.s32 @p0 $0x3D9D89D9;
	p0 =	seq.s32 s2, $0xE  }
0xea: {  	v0 =	vadd.f32 v61, v0;
	s7 =	simm.s32 @p0 $0x3D924925;
	p0 =	seq.s32 s2, $0xF  }
0xeb: {  	v1 =	vadd.f32 v62, v1;
	s7 =	simm.s32 @p0 $0x3D888889;
	p0 =	seq.s32 s2, $0x10  }
0xec: {  	v0 =	vadd.f32 v63, v0;
	s7 =	simm.s32 @p0 $0x3D800000  }
0xed: {  	v1 =	vmul.f32 s7, v1  }
0xee: {  	v0 =	vmul.f32 s7, v0  }
0xef: {  	[tilespmem:s10+$0xFFFFFFF0] =	vst v1  }
0xf0: {  	s15 =	simm.s32 $0x1260;
	[tilespmem:s10+$0x0] =	vst v0  }
0xf1: {  	[tilespmem:s23], [sflag:$0x1] =	stream.indirect.gather [hbm4b:s6+s21], $0x20, s15, s21, $0xb8;
	[tilespmem:$0xFC60] =	vst v63  }
0xf2: {  	s16 =	simm.s32 $0x12E0  }
0xf3: {  	[tilespmem:s25], [sflag:$0x1] =	stream.indirect.gather [hbm4b:s6+s21], $0x20, s16, s21, $0xb8;
	[tilespmem:$0xFC60] =	vst v63  }
0xf4: {  	s22 =	simm.s32 $0x1360  }
0xf5: {  	[tilespmem:s28], [sflag:$0x1] =	stream.indirect.gather [hbm4b:s6+s21], $0x20, s22, s21, $0xb8;
	[tilespmem:$0xFC60] =	vst v63  }
0xf6: {  	s7 =	simm.s32 $0x13E0  }
0xf7: {  	[tilespmem:s30], [sflag:$0x1] =	stream.indirect.gather [hbm4b:s6+s21], $0x20, s7, s21, $0xb8;
	[tilespmem:$0xFC60] =	vst v63  }
0xf8: {  	s8 =	simm.s32 $0x1460  }
0xf9: {  	[tilespmem:s1], [sflag:$0x1] =	stream.indirect.gather [hbm4b:s6+s21], $0x20, s8, s21, $0xb8;
	[tilespmem:$0xFC60] =	vst v63  }
0xfa: {  	s9 =	simm.s32 $0x14E0  }
0xfb: {  	[tilespmem:s19], [sflag:$0x1] =	stream.indirect.gather [hbm4b:s6+s21], $0x20, s9, s21, $0xb8;
	[tilespmem:$0xFC60] =	vst v63  }
0xfc: {  	s10 =	simm.s32 $0x1560  }
0xfd: {  	[tilespmem:s24], [sflag:$0x1] =	stream.indirect.gather [hbm4b:s6+s21], $0x20, s10, s21, $0xb8;
	[tilespmem:$0xFC60] =	vst v63  }
0xfe: {  	s11 =	simm.s32 $0x15E0  }
0xff: {  	[tilespmem:s29], [sflag:$0x1] =	stream.indirect.gather [hbm4b:s6+s21], $0x20, s11, s21, $0xb8;
	[tilespmem:$0xFC60] =	vst v63  }
0x100: {  	s12 =	simm.s32 $0x1660  }
0x101: {  	[tilespmem:s3], [sflag:$0x1] =	stream.indirect.gather [hbm4b:s6+s21], $0x20, s12, s21, $0xb8;
	[tilespmem:$0xFC60] =	vst v63  }
0x102: {  	s13 =	simm.s32 $0x16E0  }
0x103: {  	[tilespmem:s4], [sflag:$0x1] =	stream.indirect.gather [hbm4b:s6+s21], $0x20, s13, s21, $0xb8;
	[tilespmem:$0xFC60] =	vst v63  }
0x104: {  	s15 =	simm.s32 $0x1760  }
0x105: {  	[tilespmem:s26], [sflag:$0x1] =	stream.indirect.gather [hbm4b:s6+s21], $0x20, s15, s21, $0xb8;
	[tilespmem:$0xFC60] =	vst v63  }
0x106: {  	s16 =	simm.s32 $0x17E0  }
0x107: {  	[tilespmem:s0], [sflag:$0x1] =	stream.indirect.gather [hbm4b:s6+s21], $0x20, s16, s21, $0xb8;
	[tilespmem:$0xFC60] =	vst v63  }
0x108: {  	_ =	swait.ge [sflag:s17], $0x1000  }
0x109: {  	[sflag:s17] =	ssyncset.done $0x0  }
0x10a: {  	[sflag:s17] =	ssyncadd.s32 $0xFFFFF000  }
0x10b: {  	_ =	swait.ge [sflag:s17], $0x1000  }
0x10c: {  	[sflag:s17] =	ssyncset.done $0x0  }
0x10d: {  	[sflag:s17] =	ssyncadd.s32 $0xFFFFF000  }
0x10e: {  	_ =	swait.ge [sflag:s17], $0x1000  }
0x10f: {  	[sflag:s17] =	ssyncset.done $0x0  }
0x110: {  	[sflag:s17] =	ssyncadd.s32 $0xFFFFF000  }
0x111: {  	_ =	swait.ge [sflag:s17], $0x1000  }
0x112: {  	[sflag:s17] =	ssyncset.done $0x0  }
0x113: {  	[sflag:s17] =	ssyncadd.s32 $0xFFFFF000  }
0x114: {  	_ =	swait.ge [sflag:s17], $0x1000  }
0x115: {  	[sflag:s17] =	ssyncset.done $0x0  }
0x116: {  	[sflag:s17] =	ssyncadd.s32 $0xFFFFF000  }
0x117: {  	_ =	swait.ge [sflag:s17], $0x1000  }
0x118: {  	[sflag:s17] =	ssyncset.done $0x0  }
0x119: {  	[sflag:s17] =	ssyncadd.s32 $0xFFFFF000  }
0x11a: {  	_ =	swait.ge [sflag:s17], $0x1000  }
0x11b: {  	[sflag:s17] =	ssyncset.done $0x0  }
0x11c: {  	[sflag:s17] =	ssyncadd.s32 $0xFFFFF000  }
0x11d: {  	_ =	swait.ge [sflag:s17], $0x1000  }
0x11e: {  	[sflag:s17] =	ssyncset.done $0x0  }
0x11f: {  	[sflag:s17] =	ssyncadd.s32 $0xFFFFF000  }
0x120: {  	_ =	swait.ge [sflag:s17], $0x1000  }
0x121: {  	[sflag:s17] =	ssyncset.done $0x0  }
0x122: {  	[sflag:s17] =	ssyncadd.s32 $0xFFFFF000  }
0x123: {  	_ =	swait.ge [sflag:s17], $0x1000  }
0x124: {  	[sflag:s17] =	ssyncset.done $0x0  }
0x125: {  	[sflag:s17] =	ssyncadd.s32 $0xFFFFF000  }
0x126: {  	_ =	swait.ge [sflag:s17], $0x1000  }
0x127: {  	[sflag:s17] =	ssyncset.done $0x0  }
0x128: {  	[sflag:s17] =	ssyncadd.s32 $0xFFFFF000  }
0x129: {  	_ =	swait.ge [sflag:s17], $0x1000  }
0x12a: {  	[sflag:s17] =	ssyncset.done $0x0  }
0x12b: {  	s22 =	simm.s32 $0x10;
	[sflag:s17] =	ssyncadd.s32 $0xFFFFF000  }
0x12c: {  	v0 =	vld [tilespmem:s22+$0x60];
	_ =	sdelay $0x4  }
0x12d: {  	(v2sf) =	vpush v0, $0x8  }
0x12e: {  	(v2sf) =	vpush v0, $0x7  }
0x12f: {  	(v2sf) =	vpush v0, $0x4  }
0x130: {  	(v2sf) =	vpush v0, $0x3  }
0x131: {  	(v2sf) =	vpush v0, $0x2  }
0x132: {  	(v2sf) =	vpush v0, $0x0  }
0x133: {  	(v2sf) =	vpush v0, $0x1  }
0x134: {  	s7 =	simm.s32 $0xD890;
	s10 =	simm.s32 $0xD890;
	(v2sf) =	vpush v0, $0x5  }
0x135: {  	s11 =	simm.s32 $0x1960;
	s12 =	simm.s32 $0x1960;
	s22 =	simm.s32 $0xC0;
	(v2sf) =	vpush v0, $0x6  }
.LBB2_6:
0x136: {  	p0 =	sne.s32 s22, $0x2FC0;
	s7 =	sadd.s32 $0x40, s7;
	s12 =	sadd.s32 $0x200, s12  }
0x137: {  	s2 =	smov.u32 s22;
	s22 =	sadd.s32 $0x80, s22;
	(v2sf) =	vpush v0, $0xB  }
0x138: {  	(v2sf) =	vpush v0, $0x9;
	_ =	sdelay $0x1  }
0x139: {  	(v2sf) =	vpush v0, $0xA;
	_ =	sdelay $0x1  }
0x13a: {  	s8 =	spop (v2sf);
	(v2sf) =	vpush v0, $0xD  }
0x13b: {  	s13 =	sshra.s32 s2, $0x2;
	p1 =	sne.s32 s8, $0x0;
	s2 =	spop (v2sf);
	(v2sf) =	vpush v0, $0xC  }
0x13c: {  	v1 =	vld [tilespmem:s11+$0xFFFFFF00];
	p2 =	sne.s32 s2, $0x0;
	s2 =	spop (v2sf)  }
0x13d: {  	v2 =	vld [tilespmem:s11+$0xFFFFFF30];
	p4 =	sne.s32 s2, $0x0;
	s2 =	spop (v2sf);
	(v2sf) =	vpush v0, $0xE  }
0x13e: {  	p5 =	sne.s32 s2, $0x0;
	s2 =	spop (v2sf)  }
0x13f: {  	v3 =	vld [tilespmem:s11+$0xFFFFFF20];
	p3 =	sne.s32 s2, $0x0;
	s2 =	simm.s32 $0x1  }
0x140: {  	s15 =	simm.s32 $0x1;
	v4 =	vld [tilespmem:s11+$0xFFFFFF10];
	s8 =	spop (v2sf);
	(v2sf) =	vpush v0, $0xF;
	s2 =	simm.s32 @!p5 $0x0  }
0x141: {  	p5 =	sne.s32 s8, $0x0;
	s8 =	simm.s32 $0x1;
	s9 =	spop (v2sf)  }
0x142: {  	s16 =	simm.s32 $0x1;
	s8 =	simm.s32 @!p4 $0x0;
	p4 =	sne.s32 s9, $0x0  }
0x143: {  	v0 =	vld [tilespmem:s11+$0xFFFFFF40];
	s15 =	simm.s32 @!p5 $0x0;
	s16 =	simm.s32 @!p4 $0x0  }
0x144: {  	v5 =	vld [tilespmem:s11+$0xFFFFFF50];
	s9 =	spop (v2sf);
	s15 =	sadd.s32 s16, s15;
	s16 =	simm.s32 $0x1  }
0x145: {  	v6 =	vld [tilespmem:s11+$0xFFFFFF60];
	p4 =	sne.s32 s9, $0x0;
	s9 =	spop (v2sf);
	s16 =	simm.s32 @!p3 $0x0  }
0x146: {  	v1 =	vadd.f32 v3, v1;
	v3 =	vld [tilespmem:s11+$0xFFFFFF70];
	p3 =	sne.s32 s9, $0x0;
	s9 =	sadd.s32 s16, s15  }
0x147: {  	s15 =	simm.s32 $0x1;
	s16 =	spop (v2sf);
	s2 =	sadd.s32 s2, s9  }
0x148: {  	v2 =	vadd.f32 v2, v4;
	v4 =	vld [tilespmem:s11+$0xFFFFFF80];
	s15 =	simm.s32 @!p3 $0x0;
	s2 =	sadd.s32 s8, s2;
	s8 =	simm.s32 $0x1  }
0x149: {  	v0 =	vadd.f32 v0, v1;
	p3 =	sne.s32 s16, $0x0;
	v1 =	vld [tilespmem:s11+$0xFFFFFF90];
	s9 =	spop (v2sf);
	s8 =	simm.s32 @!p4 $0x0  }
0x14a: {  	v2 =	vadd.f32 v5, v2;
	v5 =	vld [tilespmem:s11+$0xFFFFFFA0];
	p4 =	sne.s32 s9, $0x0;
	s2 =	sadd.s32 s8, s2  }
0x14b: {  	s9 =	spop (v2sf);
	s2 =	sadd.s32 s15, s2;
	s15 =	simm.s32 $0x1  }
0x14c: {  	s15 =	simm.s32 @!p2 $0x0;
	p2 =	sne.s32 s9, $0x0;
	s9 =	simm.s32 $0x1  }
0x14d: {  	s8 =	simm.s32 $0x1;
	s2 =	sadd.s32 s15, s2;
	s9 =	simm.s32 @!p1 $0x0  }
0x14e: {  	s8 =	simm.s32 @!p4 $0x0;
	s2 =	sadd.s32 s9, s2  }
0x14f: {  	v0 =	vadd.f32 v6, v0;
	v6 =	vld [tilespmem:s11+$0xFFFFFFB0];
	s2 =	sadd.s32 s8, s2;
	s8 =	simm.s32 $0x1  }
0x150: {  	v2 =	vadd.f32 v3, v2;
	v3 =	vld [tilespmem:s11+$0xFFFFFFC0];
	s8 =	simm.s32 @!p2 $0x0  }
0x151: {  	v0 =	vadd.f32 v4, v0;
	v4 =	vld [tilespmem:s11+$0xFFFFFFD0];
	s15 =	spop (v2sf);
	s2 =	sadd.s32 s8, s2;
	s8 =	simm.s32 $0x1  }
0x152: {  	s9 =	spop (v2sf);
	s8 =	simm.s32 @!p3 $0x0  }
0x153: {  	p2 =	sne.s32 s9, $0x0;
	s2 =	sadd.s32 s8, s2;
	s8 =	simm.s32 $0x1  }
0x154: {  	v1 =	vadd.f32 v1, v2;
	v2 =	vld [tilespmem:s11+$0xFFFFFFE0];
	p1 =	sne.s32 s15, $0x0;
	s8 =	simm.s32 @!p2 $0x0  }
0x155: {  	v0 =	vadd.f32 v5, v0;
	v5 =	vld [tilespmem:s11+$0xFFFFFFF0];
	s2 =	sadd.s32 s8, s2;
	s8 =	simm.s32 $0x1  }
0x156: {  	v1 =	vadd.f32 v6, v1;
	v6 =	vld [tilespmem:s11+$0x0];
	s9 =	spop (v2sf);
	s8 =	simm.s32 @!p1 $0x0  }
0x157: {  	v0 =	vadd.f32 v3, v0;
	v3 =	vld [tilespmem:s11+$0x10];
	p2 =	sne.s32 s9, $0x0;
	s2 =	sadd.s32 s8, s2;
	s8 =	simm.s32 $0x1  }
0x158: {  	v1 =	vadd.f32 v4, v1;
	v4 =	vld [tilespmem:s11+$0x20];
	s9 =	spop (v2sf);
	s8 =	simm.s32 @!p2 $0x0  }
0x159: {  	v0 =	vadd.f32 v2, v0;
	p1 =	sne.s32 s9, $0x0;
	v2 =	vld [tilespmem:s11+$0x30];
	s2 =	sadd.s32 s8, s2;
	s8 =	simm.s32 $0x1  }
0x15a: {  	v1 =	vadd.f32 v5, v1;
	v5 =	vld [tilespmem:s11+$0x40];
	s8 =	simm.s32 @!p1 $0x0  }
0x15b: {  	v0 =	vadd.f32 v6, v0;
	v6 =	vld [tilespmem:s11+$0x50];
	s8 =	sadd.s32 s8, s2  }
0x15c: {  	s9 =	simm.f32 $5.000000000e-01;
	v1 =	vadd.f32 v3, v1;
	v3 =	vld [tilespmem:s11+$0x60];
	p1 =	seq.s32 s8, $0x2  }
0x15d: {  	v0 =	vadd.f32 v4, v0;
	v4 =	vld [tilespmem:s11+$0x70];
	s9 =	simm.s32 @!p1 $0x3F800000;
	p1 =	seq.s32 s8, $0x3  }
0x15e: {  	v1 =	vadd.f32 v2, v1;
	v2 =	vld [tilespmem:s11+$0x80];
	s9 =	simm.s32 @p1 $0x3EAAAAAB;
	p1 =	seq.s32 s8, $0x4  }
0x15f: {  	v0 =	vadd.f32 v5, v0;
	v5 =	vld [tilespmem:s11+$0x90];
	s9 =	simm.s32 @p1 $0x3E800000;
	p1 =	seq.s32 s8, $0x5  }
0x160: {  	v1 =	vadd.f32 v6, v1;
	v6 =	vld [tilespmem:s11+$0xA0];
	s9 =	simm.s32 @p1 $0x3E4CCCCD;
	p1 =	seq.s32 s8, $0x6  }
0x161: {  	v0 =	vadd.f32 v3, v0;
	v3 =	vld [tilespmem:s11+$0xB0];
	s9 =	simm.s32 @p1 $0x3E2AAAAB;
	p1 =	seq.s32 s8, $0x7  }
0x162: {  	v1 =	vadd.f32 v4, v1;
	v4 =	vld [tilespmem:s11+$0xC0];
	s9 =	simm.s32 @p1 $0x3E124925;
	p1 =	seq.s32 s8, $0x8  }
0x163: {  	v0 =	vadd.f32 v2, v0;
	v2 =	vld [tilespmem:s11+$0xD0];
	s9 =	simm.s32 @p1 $0x3E000000;
	p1 =	seq.s32 s8, $0x9  }
0x164: {  	v1 =	vadd.f32 v5, v1;
	v5 =	vld [tilespmem:s11+$0xF0];
	s9 =	simm.s32 @p1 $0x3DE38E39;
	p1 =	seq.s32 s8, $0xA  }
0x165: {  	v0 =	vadd.f32 v6, v0;
	v6 =	vld [tilespmem:s11+$0xE0];
	s9 =	simm.s32 @p1 $0x3DCCCCCD;
	p1 =	seq.s32 s8, $0xB;
	s11 =	smov.u32 s12  }
0x166: {  	v1 =	vadd.f32 v3, v1;
	s9 =	simm.s32 @p1 $0x3DBA2E8C;
	p1 =	seq.s32 s8, $0xC  }
0x167: {  	v0 =	vadd.f32 v4, v0;
	s9 =	simm.s32 @p1 $0x3DAAAAAB;
	p1 =	seq.s32 s8, $0xD  }
0x168: {  	v1 =	vadd.f32 v2, v1;
	s9 =	simm.s32 @p1 $0x3D9D89D9;
	p1 =	seq.s32 s8, $0xE  }
0x169: {  	s9 =	simm.s32 @p1 $0x3D924925;
	p1 =	seq.s32 s8, $0xF  }
0x16a: {  	v0 =	vadd.f32 v6, v0;
	v1 =	vadd.f32 v5, v1;
	s9 =	simm.s32 @p1 $0x3D888889;
	p1 =	seq.s32 s8, $0x10  }
0x16b: {  	s9 =	simm.s32 @p1 $0x3D800000  }
0x16c: {  	v0 =	vmul.f32 s9, v0;
	v1 =	vmul.f32 s9, v1;
	_ =	sdelay $0x1  }
0x16d: {  	[tilespmem:s10+$0xFFFFFFF0] =	vst v0  }
0x16e: {  	[tilespmem:s10+$0x0] =	vst v1;
	s10 =	smov.u32 s7  }
0x16f: {  	v0 =	vld [tilespmem:s13+$0x60];
	_ =	sdelay $0x4  }
0x170: {  	(v2sf) =	vpush v0, $0x8  }
0x171: {  	(v2sf) =	vpush v0, $0x7  }
0x172: {  	(v2sf) =	vpush v0, $0x4  }
0x173: {  	(v2sf) =	vpush v0, $0x3  }
.Ltmp2:
0x174: {  	(v2sf) =	vpush v0, $0x2;
	(pc) =	sbr.rel @p0 .LBB2_6-.Ltmp2, $4  }
0x175: {  	(v2sf) =	vpush v0, $0x0  }
0x176: {  	(v2sf) =	vpush v0, $0x1  }
0x177: {  	(v2sf) =	vpush v0, $0x5  }
0x178: {  	(v2sf) =	vpush v0, $0x6  }
0x179: {  	_ = 	snop  }
0x17a: {  	(v2sf) =	vpush v0, $0xB  }
0x17b: {  	(v2sf) =	vpush v0, $0x9;
	_ =	sdelay $0x3  }
0x17c: {  	s2 =	spop (v2sf)  }
0x17d: {  	s9 =	simm.s32 $0x1;
	(v2sf) =	vpush v0, $0xA;
	s7 =	spop (v2sf);
	p0 =	sne.s32 s2, $0x0  }
0x17e: {  	(v2sf) =	vpush v0, $0xD;
	s2 =	simm.s32 $0x1;
	s15 =	spop (v2sf);
	p1 =	sne.s32 s7, $0x0  }
0x17f: {  	s7 =	simm.s32 $0x1;
	p2 =	sne.s32 s15, $0x0;
	s16 =	spop (v2sf)  }
0x180: {  	(v2sf) =	vpush v0, $0xC;
	p3 =	sne.s32 s16, $0x0;
	s22 =	spop (v2sf);
	s9 =	simm.s32 @!p2 $0x0  }
0x181: {  	s7 =	simm.s32 @!p3 $0x0;
	s8 =	spop (v2sf);
	p3 =	sne.s32 s22, $0x0  }
0x182: {  	(v2sf) =	vpush v0, $0xE;
	p4 =	sne.s32 s8, $0x0;
	s8 =	simm.s32 $0x1;
	s12 =	spop (v2sf)  }
0x183: {  	v1 =	vld [tilespmem:s11+$0xFFFFFF00];
	s2 =	simm.s32 @!p3 $0x0;
	p2 =	sne.s32 s12, $0x0;
	s12 =	simm.s32 $0x1  }
0x184: {  	v2 =	vld [tilespmem:s11+$0xFFFFFF30];
	s8 =	simm.s32 @!p4 $0x0;
	s13 =	spop (v2sf);
	s12 =	simm.s32 @!p2 $0x0  }
0x185: {  	v3 =	vld [tilespmem:s11+$0xFFFFFF20];
	(v2sf) =	vpush v0, $0xF;
	p2 =	sne.s32 s13, $0x0;
	s15 =	spop (v2sf);
	s8 =	sadd.s32 s12, s8  }
0x186: {  	v0 =	vld [tilespmem:s11+$0xFFFFFF10];
	p3 =	sne.s32 s15, $0x0;
	s16 =	spop (v2sf);
	s2 =	sadd.s32 s2, s8  }
0x187: {  	v4 =	vld [tilespmem:s11+$0xFFFFFF40];
	s8 =	simm.s32 $0x1;
	s22 =	spop (v2sf);
	s2 =	sadd.s32 s7, s2  }
0x188: {  	v5 =	vld [tilespmem:s11+$0xFFFFFF50];
	s8 =	simm.s32 @!p3 $0x0;
	s2 =	sadd.s32 s9, s2;
	s9 =	simm.s32 $0x1  }
0x189: {  	v6 =	vld [tilespmem:s11+$0xFFFFFF60];
	p3 =	sne.s32 s22, $0x0;
	s7 =	simm.s32 $0x1;
	s9 =	simm.s32 @!p2 $0x0  }
0x18a: {  	v1 =	vadd.f32 v3, v1;
	v3 =	vld [tilespmem:s11+$0xFFFFFF70];
	s7 =	simm.s32 @!p3 $0x0;
	p2 =	sne.s32 s16, $0x0;
	s2 =	sadd.s32 s9, s2  }
0x18b: {  	v0 =	vadd.f32 v2, v0;
	v2 =	vld [tilespmem:s11+$0xFFFFFF80];
	s9 =	simm.s32 $0x1;
	s2 =	sadd.s32 s8, s2;
	s8 =	simm.s32 $0x1  }
0x18c: {  	v49 =	vld [tilespmem:s11+$0xFFFFFF90];
	v1 =	vadd.f32 v4, v1;
	s13 =	spop (v2sf);
	s9 =	simm.s32 @!p0 $0x0;
	s8 =	simm.s32 @!p1 $0x0  }
0x18d: {  	v50 =	vld [tilespmem:s11+$0xFFFFFFA0];
	v0 =	vadd.f32 v5, v0;
	p1 =	sne.s32 s13, $0x0;
	s15 =	spop (v2sf);
	s2 =	sadd.s32 s8, s2  }
0x18e: {  	v51 =	vld [tilespmem:s11+$0xFFFFFFB0];
	v1 =	vadd.f32 v6, v1;
	p0 =	sne.s32 s15, $0x0;
	s8 =	simm.s32 $0x1;
	s2 =	sadd.s32 s9, s2  }
0x18f: {  	v0 =	vadd.f32 v3, v0;
	v3 =	vld [tilespmem:s11+$0xFFFFFFC0];
	s16 =	spop (v2sf);
	s8 =	simm.s32 @!p1 $0x0;
	s9 =	simm.s32 $0x1  }
0x190: {  	v1 =	vadd.f32 v2, v1;
	v2 =	vld [tilespmem:s11+$0xFFFFFFD0];
	s2 =	sadd.s32 s7, s2;
	p1 =	sne.s32 s16, $0x0;
	s7 =	simm.s32 $0x1  }
0x191: {  	v52 =	vld [tilespmem:s11+$0xFFFFFFE0];
	v0 =	vadd.f32 v49, v0;
	s2 =	sadd.s32 s8, s2;
	s7 =	simm.s32 @!p2 $0x0;
	s22 =	spop (v2sf)  }
0x192: {  	v53 =	vld [tilespmem:s11+$0xFFFFFFF0];
	v1 =	vadd.f32 v50, v1;
	s9 =	simm.s32 @!p1 $0x0;
	s2 =	sadd.s32 s7, s2;
	s7 =	simm.s32 $0x1  }
0x193: {  	v54 =	vld [tilespmem:s11+$0x0];
	v0 =	vadd.f32 v51, v0;
	p1 =	sne.s32 s22, $0x0;
	s2 =	sadd.s32 s9, s2;
	s7 =	simm.s32 @!p0 $0x0  }
0x194: {  	v1 =	vadd.f32 v3, v1;
	v3 =	vld [tilespmem:s11+$0x10];
	s9 =	spop (v2sf);
	s2 =	sadd.s32 s7, s2;
	s7 =	simm.s32 $0x1  }
0x195: {  	s8 =	simm.s32 $0x1;
	v0 =	vadd.f32 v2, v0;
	v2 =	vld [tilespmem:s11+$0x20];
	p0 =	sne.s32 s9, $0x0;
	s7 =	simm.s32 @!p1 $0x0  }
0x196: {  	v55 =	vld [tilespmem:s11+$0x30];
	v1 =	vadd.f32 v52, v1;
	s8 =	simm.s32 @!p0 $0x0;
	s2 =	sadd.s32 s7, s2  }
0x197: {  	v56 =	vld [tilespmem:s11+$0x40];
	v0 =	vadd.f32 v53, v0;
	s2 =	sadd.s32 s8, s2  }
0x198: {  	v57 =	vld [tilespmem:s11+$0x50];
	v1 =	vadd.f32 v54, v1;
	s7 =	simm.f32 $5.000000000e-01;
	p0 =	seq.s32 s2, $0x2  }
0x199: {  	v0 =	vadd.f32 v3, v0;
	v3 =	vld [tilespmem:s11+$0x60];
	s7 =	simm.s32 @!p0 $0x3F800000;
	p0 =	seq.s32 s2, $0x3  }
0x19a: {  	v1 =	vadd.f32 v2, v1;
	v2 =	vld [tilespmem:s11+$0x70];
	s7 =	simm.s32 @p0 $0x3EAAAAAB;
	p0 =	seq.s32 s2, $0x4  }
0x19b: {  	v58 =	vld [tilespmem:s11+$0x80];
	v0 =	vadd.f32 v55, v0;
	s7 =	simm.s32 @p0 $0x3E800000;
	p0 =	seq.s32 s2, $0x5  }
0x19c: {  	v59 =	vld [tilespmem:s11+$0x90];
	v1 =	vadd.f32 v56, v1;
	s7 =	simm.s32 @p0 $0x3E4CCCCD;
	p0 =	seq.s32 s2, $0x6  }
0x19d: {  	v60 =	vld [tilespmem:s11+$0xA0];
	v0 =	vadd.f32 v57, v0;
	s7 =	simm.s32 @p0 $0x3E2AAAAB;
	p0 =	seq.s32 s2, $0x7  }
0x19e: {  	v1 =	vadd.f32 v3, v1;
	v3 =	vld [tilespmem:s11+$0xB0];
	s7 =	simm.s32 @p0 $0x3E124925;
	p0 =	seq.s32 s2, $0x8  }
0x19f: {  	v0 =	vadd.f32 v2, v0;
	v2 =	vld [tilespmem:s11+$0xC0];
	s7 =	simm.s32 @p0 $0x3E000000;
	p0 =	seq.s32 s2, $0x9  }
0x1a0: {  	v61 =	vld [tilespmem:s11+$0xD0];
	v1 =	vadd.f32 v58, v1;
	s7 =	simm.s32 @p0 $0x3DE38E39;
	p0 =	seq.s32 s2, $0xA  }
0x1a1: {  	v62 =	vld [tilespmem:s11+$0xE0];
	v0 =	vadd.f32 v59, v0;
	s7 =	simm.s32 @p0 $0x3DCCCCCD;
	p0 =	seq.s32 s2, $0xB  }
0x1a2: {  	v63 =	vld [tilespmem:s11+$0xF0];
	v1 =	vadd.f32 v60, v1;
	s7 =	simm.s32 @p0 $0x3DBA2E8C;
	p0 =	seq.s32 s2, $0xC  }
0x1a3: {  	v0 =	vadd.f32 v3, v0;
	s7 =	simm.s32 @p0 $0x3DAAAAAB;
	p0 =	seq.s32 s2, $0xD  }
0x1a4: {  	v1 =	vadd.f32 v2, v1;
	s7 =	simm.s32 @p0 $0x3D9D89D9;
	p0 =	seq.s32 s2, $0xE  }
0x1a5: {  	v0 =	vadd.f32 v61, v0;
	s7 =	simm.s32 @p0 $0x3D924925;
	p0 =	seq.s32 s2, $0xF  }
0x1a6: {  	v1 =	vadd.f32 v62, v1;
	s7 =	simm.s32 @p0 $0x3D888889;
	p0 =	seq.s32 s2, $0x10  }
0x1a7: {  	v0 =	vadd.f32 v63, v0;
	s7 =	simm.s32 @p0 $0x3D800000  }
0x1a8: {  	v1 =	vmul.f32 s7, v1  }
0x1a9: {  	v0 =	vmul.f32 s7, v0  }
0x1aa: {  	[tilespmem:s10+$0xFFFFFFF0] =	vst v1  }
0x1ab: {  	s12 =	rddreg [dreg:$0x7];
	s13 =	simm.s32 $0xD860;
	[tilespmem:s10+$0x0] =	vst v0  }
0x1ac: {  	[hbm4b:s12+s20] =	stream.strided.scatter [tilespmem:s13], [sflag:$0x3], $0x1800, s21, s20, $0x38;
	[tilespmem:$0xFC60] =	vst v63  }
0x1ad: {  	_ =	swait.ge [sflag:s14], $0x1800  }
0x1ae: {  	[sflag:s14] =	ssyncset.done $0x0  }
0x1af: {  	s7 =	simm.s32 $0x0;
	s15 =	rddreg [dreg:$0x8];
	[sflag:s14] =	ssyncadd.s32 $0xFFFFE800  }
0x1b0: {  	[tilespmem:s7], [sflag:$0x3] =	stream.linear.gather [hbm4b:s15+s7], $0x60, $0x38;
	[tilespmem:$0xFC60] =	vst v63  }
0x1b1: {  	_ =	swait.ge [sflag:s14], $0x60  }
0x1b2: {  	[sflag:s14] =	ssyncset.done $0x0  }
0x1b3: {  	s16 =	simm.s32 $0x60;
	s10 =	simm.s32 $0xF060;
	[sflag:s14] =	ssyncadd.s32 $0xFFFFFFA0  }
0x1b4: {  	[tilespmem:s10], [sflag:$0x2] =	stream.indirect.gather [hbm4b:s6+s16], $0x20, s7, s16, $0xb8;
	[tilespmem:$0xFC60] =	vst v63  }
0x1b5: {  	s22 =	rddreg [dreg:$0x4]  }
0x1b6: {  	[tilespmem:s16], [sflag:$0x1] =	stream.indirect.gather [hbm4b:s22+s16], $0x20, s7, s16, $0xb8;
	[tilespmem:$0xFC60] =	vst v63  }
0x1b7: {  	_ =	swait.ge [sflag:s17], $0xC00  }
0x1b8: {  	[sflag:s17] =	ssyncset.done $0x0  }
0x1b9: {  	s8 =	simm.s32 $0x70;
	[sflag:s17] =	ssyncadd.s32 $0xFFFFF400  }
0x1ba: {  	s9 =	simm.s32 $0x40;
	v0 =	vld [tilespmem:s8+$0xFFFFFFF0]  }
.LBB2_8:
0x1bb: {  	p0 =	sne.s32 s9, $0x17C0;
	_ =	sdelay $0x2  }
0x1bc: {  	s2 =	sshra.s32 s7, $0x2;
	s7 =	smov.u32 s9  }
0x1bd: {  	[tilespmem:s2+$0xC60] =	vst v0  }
0x1be: {  	v0 =	vld [tilespmem:s8+$0x0];
	_ =	sdelay $0x1  }
.Ltmp3:
0x1bf: {  	(pc) =	sbr.rel @p0 .LBB2_8-.Ltmp3, $3  }
0x1c0: {  	_ =	sdelay $0x1  }
0x1c1: {  	s8 =	sadd.s32 $0x20, s8;
	[tilespmem:s2+$0x1260] =	vst v0  }
0x1c2: {  	s9 =	sadd.s32 $0x40, s9;
	v0 =	vld [tilespmem:s8+$0xFFFFFFF0]  }
0x1c3: {  	_ =	sdelay $0x2  }
0x1c4: {  	s2 =	sshra.s32 s7, $0x2  }
0x1c5: {  	[tilespmem:s2+$0xC60] =	vst v0  }
0x1c6: {  	v0 =	vld [tilespmem:s8+$0x0];
	_ =	sdelay $0x4  }
0x1c7: {  	[tilespmem:s2+$0x1260] =	vst v0  }
0x1c8: {  	_ =	swait.ge [sflag:s18], $0xC00  }
0x1c9: {  	[sflag:s18] =	ssyncset.done $0x0  }
0x1ca: {  	s13 =	simm.s32 $0x20;
	s12 =	rddreg [dreg:$0x9];
	[sflag:s18] =	ssyncadd.s32 $0xFFFFF400  }
0x1cb: {  	[hbm4b:s12+s13] =	stream.strided.scatter [tilespmem:s10], [sflag:$0x3], $0xC00, s20, s13, $0x38;
	[tilespmem:$0xFC60] =	vst v63  }
0x1cc: {  	_ =	swait.ge [sflag:s14], $0xC00  }
0x1cd: {  	[sflag:s14] =	ssyncset.done $0x0  }
0x1ce: {  	s15 =	simm.s32 $0xC60;
	[sflag:s14] =	ssyncadd.s32 $0xFFFFF400  }
0x1cf: {  	[tilespmem:s23], [sflag:$0x1] =	stream.indirect.gather [hbm4b:s6+s21], $0x20, s15, s21, $0xb8;
	[tilespmem:$0xFC60] =	vst v63  }
0x1d0: {  	s16 =	simm.s32 $0xCE0  }
0x1d1: {  	[tilespmem:s25], [sflag:$0x1] =	stream.indirect.gather [hbm4b:s6+s21], $0x20, s16, s21, $0xb8;
	[tilespmem:$0xFC60] =	vst v63  }
0x1d2: {  	s22 =	simm.s32 $0xD60  }
0x1d3: {  	[tilespmem:s28], [sflag:$0x1] =	stream.indirect.gather [hbm4b:s6+s21], $0x20, s22, s21, $0xb8;
	[tilespmem:$0xFC60] =	vst v63  }
0x1d4: {  	s7 =	simm.s32 $0xDE0  }
0x1d5: {  	[tilespmem:s30], [sflag:$0x1] =	stream.indirect.gather [hbm4b:s6+s21], $0x20, s7, s21, $0xb8;
	[tilespmem:$0xFC60] =	vst v63  }
0x1d6: {  	s8 =	simm.s32 $0xE60  }
0x1d7: {  	[tilespmem:s1], [sflag:$0x1] =	stream.indirect.gather [hbm4b:s6+s21], $0x20, s8, s21, $0xb8;
	[tilespmem:$0xFC60] =	vst v63  }
0x1d8: {  	s9 =	simm.s32 $0xEE0  }
0x1d9: {  	[tilespmem:s19], [sflag:$0x1] =	stream.indirect.gather [hbm4b:s6+s21], $0x20, s9, s21, $0xb8;
	[tilespmem:$0xFC60] =	vst v63  }
0x1da: {  	s10 =	simm.s32 $0xF60  }
0x1db: {  	[tilespmem:s24], [sflag:$0x1] =	stream.indirect.gather [hbm4b:s6+s21], $0x20, s10, s21, $0xb8;
	[tilespmem:$0xFC60] =	vst v63  }
0x1dc: {  	s11 =	simm.s32 $0xFE0  }
0x1dd: {  	[tilespmem:s29], [sflag:$0x1] =	stream.indirect.gather [hbm4b:s6+s21], $0x20, s11, s21, $0xb8;
	[tilespmem:$0xFC60] =	vst v63  }
0x1de: {  	s12 =	simm.s32 $0x1060  }
0x1df: {  	[tilespmem:s3], [sflag:$0x1] =	stream.indirect.gather [hbm4b:s6+s21], $0x20, s12, s21, $0xb8;
	[tilespmem:$0xFC60] =	vst v63  }
0x1e0: {  	s13 =	simm.s32 $0x10E0  }
0x1e1: {  	[tilespmem:s4], [sflag:$0x1] =	stream.indirect.gather [hbm4b:s6+s21], $0x20, s13, s21, $0xb8;
	[tilespmem:$0xFC60] =	vst v63  }
0x1e2: {  	s15 =	simm.s32 $0x1160  }
0x1e3: {  	[tilespmem:s26], [sflag:$0x1] =	stream.indirect.gather [hbm4b:s6+s21], $0x20, s15, s21, $0xb8;
	[tilespmem:$0xFC60] =	vst v63  }
0x1e4: {  	s16 =	simm.s32 $0x11E0  }
0x1e5: {  	[tilespmem:s0], [sflag:$0x1] =	stream.indirect.gather [hbm4b:s6+s21], $0x20, s16, s21, $0xb8;
	[tilespmem:$0xFC60] =	vst v63  }
0x1e6: {  	_ =	swait.ge [sflag:s17], $0x1000  }
0x1e7: {  	[sflag:s17] =	ssyncset.done $0x0  }
0x1e8: {  	[sflag:s17] =	ssyncadd.s32 $0xFFFFF000  }
0x1e9: {  	_ =	swait.ge [sflag:s17], $0x1000  }
0x1ea: {  	[sflag:s17] =	ssyncset.done $0x0  }
0x1eb: {  	[sflag:s17] =	ssyncadd.s32 $0xFFFFF000  }
0x1ec: {  	_ =	swait.ge [sflag:s17], $0x1000  }
0x1ed: {  	[sflag:s17] =	ssyncset.done $0x0  }
0x1ee: {  	[sflag:s17] =	ssyncadd.s32 $0xFFFFF000  }
0x1ef: {  	_ =	swait.ge [sflag:s17], $0x1000  }
0x1f0: {  	[sflag:s17] =	ssyncset.done $0x0  }
0x1f1: {  	[sflag:s17] =	ssyncadd.s32 $0xFFFFF000  }
0x1f2: {  	_ =	swait.ge [sflag:s17], $0x1000  }
0x1f3: {  	[sflag:s17] =	ssyncset.done $0x0  }
0x1f4: {  	[sflag:s17] =	ssyncadd.s32 $0xFFFFF000  }
0x1f5: {  	_ =	swait.ge [sflag:s17], $0x1000  }
0x1f6: {  	[sflag:s17] =	ssyncset.done $0x0  }
0x1f7: {  	[sflag:s17] =	ssyncadd.s32 $0xFFFFF000  }
0x1f8: {  	_ =	swait.ge [sflag:s17], $0x1000  }
0x1f9: {  	[sflag:s17] =	ssyncset.done $0x0  }
0x1fa: {  	[sflag:s17] =	ssyncadd.s32 $0xFFFFF000  }
0x1fb: {  	_ =	swait.ge [sflag:s17], $0x1000  }
0x1fc: {  	[sflag:s17] =	ssyncset.done $0x0  }
0x1fd: {  	[sflag:s17] =	ssyncadd.s32 $0xFFFFF000  }
0x1fe: {  	_ =	swait.ge [sflag:s17], $0x1000  }
0x1ff: {  	[sflag:s17] =	ssyncset.done $0x0  }
0x200: {  	[sflag:s17] =	ssyncadd.s32 $0xFFFFF000  }
0x201: {  	_ =	swait.ge [sflag:s17], $0x1000  }
0x202: {  	[sflag:s17] =	ssyncset.done $0x0  }
0x203: {  	[sflag:s17] =	ssyncadd.s32 $0xFFFFF000  }
0x204: {  	_ =	swait.ge [sflag:s17], $0x1000  }
0x205: {  	[sflag:s17] =	ssyncset.done $0x0  }
0x206: {  	[sflag:s17] =	ssyncadd.s32 $0xFFFFF000  }
0x207: {  	_ =	swait.ge [sflag:s17], $0x1000  }
0x208: {  	[sflag:s17] =	ssyncset.done $0x0  }
0x209: {  	s22 =	simm.s32 $0x0;
	[sflag:s17] =	ssyncadd.s32 $0xFFFFF000  }
0x20a: {  	v0 =	vld [tilespmem:s22+$0x60];
	_ =	sdelay $0x4  }
0x20b: {  	(v2sf) =	vpush v0, $0x8  }
0x20c: {  	(v2sf) =	vpush v0, $0x7  }
0x20d: {  	(v2sf) =	vpush v0, $0x4  }
0x20e: {  	(v2sf) =	vpush v0, $0x3  }
0x20f: {  	(v2sf) =	vpush v0, $0x2  }
0x210: {  	(v2sf) =	vpush v0, $0x0  }
0x211: {  	(v2sf) =	vpush v0, $0x1  }
0x212: {  	s7 =	simm.s32 $0xD870;
	s10 =	simm.s32 $0xD870;
	(v2sf) =	vpush v0, $0x5  }
0x213: {  	s11 =	simm.s32 $0x1960;
	s12 =	simm.s32 $0x1960;
	s22 =	simm.s32 $0x80;
	(v2sf) =	vpush v0, $0x6  }
.LBB2_10:
0x214: {  	p0 =	sne.s32 s22, $0x2F80;
	s7 =	sadd.s32 $0x40, s7;
	s12 =	sadd.s32 $0x200, s12  }
0x215: {  	s2 =	smov.u32 s22;
	s22 =	sadd.s32 $0x80, s22;
	(v2sf) =	vpush v0, $0xB  }
0x216: {  	(v2sf) =	vpush v0, $0x9;
	_ =	sdelay $0x1  }
0x217: {  	(v2sf) =	vpush v0, $0xA;
	_ =	sdelay $0x1  }
0x218: {  	s8 =	spop (v2sf);
	(v2sf) =	vpush v0, $0xD  }
0x219: {  	s13 =	sshra.s32 s2, $0x2;
	p1 =	sne.s32 s8, $0x0;
	s2 =	spop (v2sf);
	(v2sf) =	vpush v0, $0xC  }
0x21a: {  	v1 =	vld [tilespmem:s11+$0xFFFFFF00];
	p2 =	sne.s32 s2, $0x0;
	s2 =	spop (v2sf)  }
0x21b: {  	v2 =	vld [tilespmem:s11+$0xFFFFFF30];
	p4 =	sne.s32 s2, $0x0;
	s2 =	spop (v2sf);
	(v2sf) =	vpush v0, $0xE  }
0x21c: {  	p5 =	sne.s32 s2, $0x0;
	s2 =	spop (v2sf)  }
0x21d: {  	v3 =	vld [tilespmem:s11+$0xFFFFFF20];
	p3 =	sne.s32 s2, $0x0;
	s2 =	simm.s32 $0x1  }
0x21e: {  	s15 =	simm.s32 $0x1;
	v4 =	vld [tilespmem:s11+$0xFFFFFF10];
	s8 =	spop (v2sf);
	(v2sf) =	vpush v0, $0xF;
	s2 =	simm.s32 @!p5 $0x0  }
0x21f: {  	p5 =	sne.s32 s8, $0x0;
	s8 =	simm.s32 $0x1;
	s9 =	spop (v2sf)  }
0x220: {  	s16 =	simm.s32 $0x1;
	s8 =	simm.s32 @!p4 $0x0;
	p4 =	sne.s32 s9, $0x0  }
0x221: {  	v0 =	vld [tilespmem:s11+$0xFFFFFF40];
	s15 =	simm.s32 @!p5 $0x0;
	s16 =	simm.s32 @!p4 $0x0  }
0x222: {  	v5 =	vld [tilespmem:s11+$0xFFFFFF50];
	s9 =	spop (v2sf);
	s15 =	sadd.s32 s16, s15;
	s16 =	simm.s32 $0x1  }
0x223: {  	v6 =	vld [tilespmem:s11+$0xFFFFFF60];
	p4 =	sne.s32 s9, $0x0;
	s9 =	spop (v2sf);
	s16 =	simm.s32 @!p3 $0x0  }
0x224: {  	v1 =	vadd.f32 v3, v1;
	v3 =	vld [tilespmem:s11+$0xFFFFFF70];
	p3 =	sne.s32 s9, $0x0;
	s9 =	sadd.s32 s16, s15  }
0x225: {  	s15 =	simm.s32 $0x1;
	s16 =	spop (v2sf);
	s2 =	sadd.s32 s2, s9  }
0x226: {  	v2 =	vadd.f32 v2, v4;
	v4 =	vld [tilespmem:s11+$0xFFFFFF80];
	s15 =	simm.s32 @!p3 $0x0;
	s2 =	sadd.s32 s8, s2;
	s8 =	simm.s32 $0x1  }
0x227: {  	v0 =	vadd.f32 v0, v1;
	p3 =	sne.s32 s16, $0x0;
	v1 =	vld [tilespmem:s11+$0xFFFFFF90];
	s9 =	spop (v2sf);
	s8 =	simm.s32 @!p4 $0x0  }
0x228: {  	v2 =	vadd.f32 v5, v2;
	v5 =	vld [tilespmem:s11+$0xFFFFFFA0];
	p4 =	sne.s32 s9, $0x0;
	s2 =	sadd.s32 s8, s2  }
0x229: {  	s9 =	spop (v2sf);
	s2 =	sadd.s32 s15, s2;
	s15 =	simm.s32 $0x1  }
0x22a: {  	s15 =	simm.s32 @!p2 $0x0;
	p2 =	sne.s32 s9, $0x0;
	s9 =	simm.s32 $0x1  }
0x22b: {  	s8 =	simm.s32 $0x1;
	s2 =	sadd.s32 s15, s2;
	s9 =	simm.s32 @!p1 $0x0  }
0x22c: {  	s8 =	simm.s32 @!p4 $0x0;
	s2 =	sadd.s32 s9, s2  }
0x22d: {  	v0 =	vadd.f32 v6, v0;
	v6 =	vld [tilespmem:s11+$0xFFFFFFB0];
	s2 =	sadd.s32 s8, s2;
	s8 =	simm.s32 $0x1  }
0x22e: {  	v2 =	vadd.f32 v3, v2;
	v3 =	vld [tilespmem:s11+$0xFFFFFFC0];
	s8 =	simm.s32 @!p2 $0x0  }
0x22f: {  	v0 =	vadd.f32 v4, v0;
	v4 =	vld [tilespmem:s11+$0xFFFFFFD0];
	s15 =	spop (v2sf);
	s2 =	sadd.s32 s8, s2;
	s8 =	simm.s32 $0x1  }
0x230: {  	s9 =	spop (v2sf);
	s8 =	simm.s32 @!p3 $0x0  }
0x231: {  	p2 =	sne.s32 s9, $0x0;
	s2 =	sadd.s32 s8, s2;
	s8 =	simm.s32 $0x1  }
0x232: {  	v1 =	vadd.f32 v1, v2;
	v2 =	vld [tilespmem:s11+$0xFFFFFFE0];
	p1 =	sne.s32 s15, $0x0;
	s8 =	simm.s32 @!p2 $0x0  }
0x233: {  	v0 =	vadd.f32 v5, v0;
	v5 =	vld [tilespmem:s11+$0xFFFFFFF0];
	s2 =	sadd.s32 s8, s2;
	s8 =	simm.s32 $0x1  }
0x234: {  	v1 =	vadd.f32 v6, v1;
	v6 =	vld [tilespmem:s11+$0x0];
	s9 =	spop (v2sf);
	s8 =	simm.s32 @!p1 $0x0  }
0x235: {  	v0 =	vadd.f32 v3, v0;
	v3 =	vld [tilespmem:s11+$0x10];
	p2 =	sne.s32 s9, $0x0;
	s2 =	sadd.s32 s8, s2;
	s8 =	simm.s32 $0x1  }
0x236: {  	v1 =	vadd.f32 v4, v1;
	v4 =	vld [tilespmem:s11+$0x20];
	s9 =	spop (v2sf);
	s8 =	simm.s32 @!p2 $0x0  }
0x237: {  	v0 =	vadd.f32 v2, v0;
	p1 =	sne.s32 s9, $0x0;
	v2 =	vld [tilespmem:s11+$0x30];
	s2 =	sadd.s32 s8, s2;
	s8 =	simm.s32 $0x1  }
0x238: {  	v1 =	vadd.f32 v5, v1;
	v5 =	vld [tilespmem:s11+$0x40];
	s8 =	simm.s32 @!p1 $0x0  }
0x239: {  	v0 =	vadd.f32 v6, v0;
	v6 =	vld [tilespmem:s11+$0x50];
	s8 =	sadd.s32 s8, s2  }
0x23a: {  	s9 =	simm.f32 $5.000000000e-01;
	v1 =	vadd.f32 v3, v1;
	v3 =	vld [tilespmem:s11+$0x60];
	p1 =	seq.s32 s8, $0x2  }
0x23b: {  	v0 =	vadd.f32 v4, v0;
	v4 =	vld [tilespmem:s11+$0x70];
	s9 =	simm.s32 @!p1 $0x3F800000;
	p1 =	seq.s32 s8, $0x3  }
0x23c: {  	v1 =	vadd.f32 v2, v1;
	v2 =	vld [tilespmem:s11+$0x80];
	s9 =	simm.s32 @p1 $0x3EAAAAAB;
	p1 =	seq.s32 s8, $0x4  }
0x23d: {  	v0 =	vadd.f32 v5, v0;
	v5 =	vld [tilespmem:s11+$0x90];
	s9 =	simm.s32 @p1 $0x3E800000;
	p1 =	seq.s32 s8, $0x5  }
0x23e: {  	v1 =	vadd.f32 v6, v1;
	v6 =	vld [tilespmem:s11+$0xA0];
	s9 =	simm.s32 @p1 $0x3E4CCCCD;
	p1 =	seq.s32 s8, $0x6  }
0x23f: {  	v0 =	vadd.f32 v3, v0;
	v3 =	vld [tilespmem:s11+$0xB0];
	s9 =	simm.s32 @p1 $0x3E2AAAAB;
	p1 =	seq.s32 s8, $0x7  }
0x240: {  	v1 =	vadd.f32 v4, v1;
	v4 =	vld [tilespmem:s11+$0xC0];
	s9 =	simm.s32 @p1 $0x3E124925;
	p1 =	seq.s32 s8, $0x8  }
0x241: {  	v0 =	vadd.f32 v2, v0;
	v2 =	vld [tilespmem:s11+$0xD0];
	s9 =	simm.s32 @p1 $0x3E000000;
	p1 =	seq.s32 s8, $0x9  }
0x242: {  	v1 =	vadd.f32 v5, v1;
	v5 =	vld [tilespmem:s11+$0xF0];
	s9 =	simm.s32 @p1 $0x3DE38E39;
	p1 =	seq.s32 s8, $0xA  }
0x243: {  	v0 =	vadd.f32 v6, v0;
	v6 =	vld [tilespmem:s11+$0xE0];
	s9 =	simm.s32 @p1 $0x3DCCCCCD;
	p1 =	seq.s32 s8, $0xB;
	s11 =	smov.u32 s12  }
0x244: {  	v1 =	vadd.f32 v3, v1;
	s9 =	simm.s32 @p1 $0x3DBA2E8C;
	p1 =	seq.s32 s8, $0xC  }
0x245: {  	v0 =	vadd.f32 v4, v0;
	s9 =	simm.s32 @p1 $0x3DAAAAAB;
	p1 =	seq.s32 s8, $0xD  }
0x246: {  	v1 =	vadd.f32 v2, v1;
	s9 =	simm.s32 @p1 $0x3D9D89D9;
	p1 =	seq.s32 s8, $0xE  }
0x247: {  	s9 =	simm.s32 @p1 $0x3D924925;
	p1 =	seq.s32 s8, $0xF  }
0x248: {  	v0 =	vadd.f32 v6, v0;
	v1 =	vadd.f32 v5, v1;
	s9 =	simm.s32 @p1 $0x3D888889;
	p1 =	seq.s32 s8, $0x10  }
0x249: {  	s9 =	simm.s32 @p1 $0x3D800000  }
0x24a: {  	v0 =	vmul.f32 s9, v0;
	v1 =	vmul.f32 s9, v1;
	_ =	sdelay $0x1  }
0x24b: {  	[tilespmem:s10+$0xFFFFFFF0] =	vst v0  }
0x24c: {  	[tilespmem:s10+$0x0] =	vst v1;
	s10 =	smov.u32 s7  }
0x24d: {  	v0 =	vld [tilespmem:s13+$0x60];
	_ =	sdelay $0x4  }
0x24e: {  	(v2sf) =	vpush v0, $0x8  }
0x24f: {  	(v2sf) =	vpush v0, $0x7  }
0x250: {  	(v2sf) =	vpush v0, $0x4  }
0x251: {  	(v2sf) =	vpush v0, $0x3  }
.Ltmp4:
0x252: {  	(v2sf) =	vpush v0, $0x2;
	(pc) =	sbr.rel @p0 .LBB2_10-.Ltmp4, $4  }
0x253: {  	(v2sf) =	vpush v0, $0x0  }
0x254: {  	(v2sf) =	vpush v0, $0x1  }
0x255: {  	(v2sf) =	vpush v0, $0x5  }
0x256: {  	(v2sf) =	vpush v0, $0x6  }
0x257: {  	_ =	sdelay $0x1  }
0x258: {  	(v2sf) =	vpush v0, $0xB  }
0x259: {  	(v2sf) =	vpush v0, $0x9;
	_ =	sdelay $0x2  }
0x25a: {  	s2 =	spop (v2sf)  }
0x25b: {  	s7 =	spop (v2sf)  }
0x25c: {  	(v2sf) =	vpush v0, $0xA;
	p0 =	sne.s32 s2, $0x0;
	s8 =	spop (v2sf)  }
0x25d: {  	(v2sf) =	vpush v0, $0xD;
	s2 =	simm.s32 $0x1;
	p1 =	sne.s32 s7, $0x0;
	s9 =	spop (v2sf)  }
0x25e: {  	s7 =	simm.s32 $0x1;
	p2 =	sne.s32 s8, $0x0;
	s12 =	spop (v2sf)  }
0x25f: {  	(v2sf) =	vpush v0, $0xC;
	s8 =	simm.s32 $0x1;
	p3 =	sne.s32 s9, $0x0;
	s13 =	spop (v2sf)  }
0x260: {  	(v2sf) =	vpush v0, $0xE;
	s9 =	simm.s32 $0x1;
	s2 =	simm.s32 @!p2 $0x0;
	s15 =	spop (v2sf)  }
0x261: {  	s7 =	simm.s32 @!p3 $0x0;
	p3 =	sne.s32 s13, $0x0;
	p5 =	sne.s32 s15, $0x0  }
0x262: {  	v1 =	vld [tilespmem:s11+$0xFFFFFF00];
	p4 =	sne.s32 s12, $0x0;
	s8 =	simm.s32 @!p3 $0x0;
	s9 =	simm.s32 @!p5 $0x0  }
0x263: {  	v2 =	vld [tilespmem:s11+$0xFFFFFF30];
	(v2sf) =	vpush v0, $0xF;
	s16 =	spop (v2sf);
	s8 =	sadd.s32 s9, s8;
	s9 =	simm.s32 $0x1  }
0x264: {  	v3 =	vld [tilespmem:s11+$0xFFFFFF20];
	p3 =	sne.s32 s16, $0x0;
	s22 =	spop (v2sf);
	s9 =	simm.s32 @!p4 $0x0  }
0x265: {  	v0 =	vld [tilespmem:s11+$0xFFFFFF10];
	s12 =	spop (v2sf);
	p4 =	sne.s32 s22, $0x0;
	s8 =	sadd.s32 s9, s8  }
0x266: {  	v4 =	vld [tilespmem:s11+$0xFFFFFF40];
	p2 =	sne.s32 s12, $0x0;
	s13 =	spop (v2sf);
	s7 =	sadd.s32 s7, s8  }
0x267: {  	v5 =	vld [tilespmem:s11+$0xFFFFFF50];
	s9 =	simm.s32 $0x1;
	s2 =	sadd.s32 s2, s7;
	s7 =	simm.s32 $0x1  }
0x268: {  	v6 =	vld [tilespmem:s11+$0xFFFFFF60];
	s8 =	simm.s32 $0x1;
	s7 =	simm.s32 @!p3 $0x0;
	p3 =	sne.s32 s13, $0x0  }
0x269: {  	v1 =	vadd.f32 v3, v1;
	v3 =	vld [tilespmem:s11+$0xFFFFFF70];
	s8 =	simm.s32 @!p4 $0x0;
	s2 =	sadd.s32 s7, s2;
	s9 =	simm.s32 @!p3 $0x0  }
0x26a: {  	v0 =	vadd.f32 v2, v0;
	v2 =	vld [tilespmem:s11+$0xFFFFFF80];
	s7 =	simm.s32 $0x1;
	s2 =	sadd.s32 s8, s2;
	s8 =	simm.s32 $0x1  }
0x26b: {  	v49 =	vld [tilespmem:s11+$0xFFFFFF90];
	v1 =	vadd.f32 v4, v1;
	s15 =	spop (v2sf);
	s7 =	simm.s32 @!p0 $0x0;
	s8 =	simm.s32 @!p1 $0x0  }
0x26c: {  	v50 =	vld [tilespmem:s11+$0xFFFFFFA0];
	v0 =	vadd.f32 v5, v0;
	s16 =	spop (v2sf);
	p1 =	sne.s32 s15, $0x0;
	s2 =	sadd.s32 s8, s2  }
0x26d: {  	v51 =	vld [tilespmem:s11+$0xFFFFFFB0];
	v1 =	vadd.f32 v6, v1;
	p0 =	sne.s32 s16, $0x0;
	s2 =	sadd.s32 s7, s2;
	s7 =	simm.s32 $0x1  }
0x26e: {  	v0 =	vadd.f32 v3, v0;
	v3 =	vld [tilespmem:s11+$0xFFFFFFC0];
	s22 =	spop (v2sf);
	s2 =	sadd.s32 s9, s2;
	s7 =	simm.s32 @!p1 $0x0  }
0x26f: {  	v1 =	vadd.f32 v2, v1;
	v2 =	vld [tilespmem:s11+$0xFFFFFFD0];
	s12 =	spop (v2sf);
	s2 =	sadd.s32 s7, s2;
	s7 =	simm.s32 $0x1  }
0x270: {  	v52 =	vld [tilespmem:s11+$0xFFFFFFE0];
	v0 =	vadd.f32 v49, v0;
	p1 =	sne.s32 s22, $0x0;
	s9 =	simm.s32 $0x1;
	s7 =	simm.s32 @!p2 $0x0  }
0x271: {  	v53 =	vld [tilespmem:s11+$0xFFFFFFF0];
	v1 =	vadd.f32 v50, v1;
	s9 =	simm.s32 @!p1 $0x0;
	s2 =	sadd.s32 s7, s2;
	s7 =	simm.s32 $0x1  }
0x272: {  	v54 =	vld [tilespmem:s11+$0x0];
	v0 =	vadd.f32 v51, v0;
	s13 =	spop (v2sf);
	s2 =	sadd.s32 s9, s2;
	s7 =	simm.s32 @!p0 $0x0  }
0x273: {  	v1 =	vadd.f32 v3, v1;
	v3 =	vld [tilespmem:s11+$0x10];
	p1 =	sne.s32 s12, $0x0;
	s2 =	sadd.s32 s7, s2;
	s7 =	simm.s32 $0x1  }
0x274: {  	s8 =	simm.s32 $0x1;
	v0 =	vadd.f32 v2, v0;
	v2 =	vld [tilespmem:s11+$0x20];
	p0 =	sne.s32 s13, $0x0;
	s7 =	simm.s32 @!p1 $0x0  }
0x275: {  	v55 =	vld [tilespmem:s11+$0x30];
	v1 =	vadd.f32 v52, v1;
	s8 =	simm.s32 @!p0 $0x0;
	s2 =	sadd.s32 s7, s2  }
0x276: {  	v56 =	vld [tilespmem:s11+$0x40];
	v0 =	vadd.f32 v53, v0;
	s2 =	sadd.s32 s8, s2  }
0x277: {  	v57 =	vld [tilespmem:s11+$0x50];
	v1 =	vadd.f32 v54, v1;
	s7 =	simm.f32 $5.000000000e-01;
	p0 =	seq.s32 s2, $0x2  }
0x278: {  	v0 =	vadd.f32 v3, v0;
	v3 =	vld [tilespmem:s11+$0x60];
	s7 =	simm.s32 @!p0 $0x3F800000;
	p0 =	seq.s32 s2, $0x3  }
0x279: {  	v1 =	vadd.f32 v2, v1;
	v2 =	vld [tilespmem:s11+$0x70];
	s7 =	simm.s32 @p0 $0x3EAAAAAB;
	p0 =	seq.s32 s2, $0x4  }
0x27a: {  	v58 =	vld [tilespmem:s11+$0x80];
	v0 =	vadd.f32 v55, v0;
	s7 =	simm.s32 @p0 $0x3E800000;
	p0 =	seq.s32 s2, $0x5  }
0x27b: {  	v59 =	vld [tilespmem:s11+$0x90];
	v1 =	vadd.f32 v56, v1;
	s7 =	simm.s32 @p0 $0x3E4CCCCD;
	p0 =	seq.s32 s2, $0x6  }
0x27c: {  	v60 =	vld [tilespmem:s11+$0xA0];
	v0 =	vadd.f32 v57, v0;
	s7 =	simm.s32 @p0 $0x3E2AAAAB;
	p0 =	seq.s32 s2, $0x7  }
0x27d: {  	v1 =	vadd.f32 v3, v1;
	v3 =	vld [tilespmem:s11+$0xB0];
	s7 =	simm.s32 @p0 $0x3E124925;
	p0 =	seq.s32 s2, $0x8  }
0x27e: {  	v0 =	vadd.f32 v2, v0;
	v2 =	vld [tilespmem:s11+$0xC0];
	s7 =	simm.s32 @p0 $0x3E000000;
	p0 =	seq.s32 s2, $0x9  }
0x27f: {  	v61 =	vld [tilespmem:s11+$0xD0];
	v1 =	vadd.f32 v58, v1;
	s7 =	simm.s32 @p0 $0x3DE38E39;
	p0 =	seq.s32 s2, $0xA  }
0x280: {  	v62 =	vld [tilespmem:s11+$0xE0];
	v0 =	vadd.f32 v59, v0;
	s7 =	simm.s32 @p0 $0x3DCCCCCD;
	p0 =	seq.s32 s2, $0xB  }
0x281: {  	v63 =	vld [tilespmem:s11+$0xF0];
	v1 =	vadd.f32 v60, v1;
	s7 =	simm.s32 @p0 $0x3DBA2E8C;
	p0 =	seq.s32 s2, $0xC  }
0x282: {  	v0 =	vadd.f32 v3, v0;
	s7 =	simm.s32 @p0 $0x3DAAAAAB;
	p0 =	seq.s32 s2, $0xD  }
0x283: {  	v1 =	vadd.f32 v2, v1;
	s7 =	simm.s32 @p0 $0x3D9D89D9;
	p0 =	seq.s32 s2, $0xE  }
0x284: {  	v0 =	vadd.f32 v61, v0;
	s7 =	simm.s32 @p0 $0x3D924925;
	p0 =	seq.s32 s2, $0xF  }
0x285: {  	v1 =	vadd.f32 v62, v1;
	s7 =	simm.s32 @p0 $0x3D888889;
	p0 =	seq.s32 s2, $0x10  }
0x286: {  	v0 =	vadd.f32 v63, v0;
	s7 =	simm.s32 @p0 $0x3D800000  }
0x287: {  	v1 =	vmul.f32 s7, v1  }
0x288: {  	v0 =	vmul.f32 s7, v0  }
0x289: {  	[tilespmem:s10+$0xFFFFFFF0] =	vst v1  }
0x28a: {  	s15 =	simm.s32 $0x1260;
	[tilespmem:s10+$0x0] =	vst v0  }
0x28b: {  	[tilespmem:s23], [sflag:$0x1] =	stream.indirect.gather [hbm4b:s5+s21], $0x20, s15, s21, $0xb8;
	[tilespmem:$0xFC60] =	vst v63  }
0x28c: {  	s16 =	simm.s32 $0x12E0  }
0x28d: {  	[tilespmem:s25], [sflag:$0x1] =	stream.indirect.gather [hbm4b:s5+s21], $0x20, s16, s21, $0xb8;
	[tilespmem:$0xFC60] =	vst v63  }
0x28e: {  	s22 =	simm.s32 $0x1360  }
0x28f: {  	[tilespmem:s28], [sflag:$0x1] =	stream.indirect.gather [hbm4b:s5+s21], $0x20, s22, s21, $0xb8;
	[tilespmem:$0xFC60] =	vst v63  }
0x290: {  	s7 =	simm.s32 $0x13E0  }
0x291: {  	[tilespmem:s30], [sflag:$0x1] =	stream.indirect.gather [hbm4b:s5+s21], $0x20, s7, s21, $0xb8;
	[tilespmem:$0xFC60] =	vst v63  }
0x292: {  	s8 =	simm.s32 $0x1460  }
0x293: {  	[tilespmem:s1], [sflag:$0x1] =	stream.indirect.gather [hbm4b:s5+s21], $0x20, s8, s21, $0xb8;
	[tilespmem:$0xFC60] =	vst v63  }
0x294: {  	s9 =	simm.s32 $0x14E0  }
0x295: {  	[tilespmem:s19], [sflag:$0x1] =	stream.indirect.gather [hbm4b:s5+s21], $0x20, s9, s21, $0xb8;
	[tilespmem:$0xFC60] =	vst v63  }
0x296: {  	s10 =	simm.s32 $0x1560  }
0x297: {  	[tilespmem:s24], [sflag:$0x1] =	stream.indirect.gather [hbm4b:s5+s21], $0x20, s10, s21, $0xb8;
	[tilespmem:$0xFC60] =	vst v63  }
0x298: {  	s11 =	simm.s32 $0x15E0  }
0x299: {  	[tilespmem:s29], [sflag:$0x1] =	stream.indirect.gather [hbm4b:s5+s21], $0x20, s11, s21, $0xb8;
	[tilespmem:$0xFC60] =	vst v63  }
0x29a: {  	s12 =	simm.s32 $0x1660  }
0x29b: {  	[tilespmem:s3], [sflag:$0x1] =	stream.indirect.gather [hbm4b:s5+s21], $0x20, s12, s21, $0xb8;
	[tilespmem:$0xFC60] =	vst v63  }
0x29c: {  	s13 =	simm.s32 $0x16E0  }
0x29d: {  	[tilespmem:s4], [sflag:$0x1] =	stream.indirect.gather [hbm4b:s5+s21], $0x20, s13, s21, $0xb8;
	[tilespmem:$0xFC60] =	vst v63  }
0x29e: {  	s15 =	simm.s32 $0x1760  }
0x29f: {  	[tilespmem:s26], [sflag:$0x1] =	stream.indirect.gather [hbm4b:s5+s21], $0x20, s15, s21, $0xb8;
	[tilespmem:$0xFC60] =	vst v63  }
0x2a0: {  	s16 =	simm.s32 $0x17E0  }
0x2a1: {  	[tilespmem:s0], [sflag:$0x1] =	stream.indirect.gather [hbm4b:s5+s21], $0x20, s16, s21, $0xb8;
	[tilespmem:$0xFC60] =	vst v63  }
0x2a2: {  	_ =	swait.ge [sflag:s17], $0x1000  }
0x2a3: {  	[sflag:s17] =	ssyncset.done $0x0  }
0x2a4: {  	[sflag:s17] =	ssyncadd.s32 $0xFFFFF000  }
0x2a5: {  	_ =	swait.ge [sflag:s17], $0x1000  }
0x2a6: {  	[sflag:s17] =	ssyncset.done $0x0  }
0x2a7: {  	[sflag:s17] =	ssyncadd.s32 $0xFFFFF000  }
0x2a8: {  	_ =	swait.ge [sflag:s17], $0x1000  }
0x2a9: {  	[sflag:s17] =	ssyncset.done $0x0  }
0x2aa: {  	[sflag:s17] =	ssyncadd.s32 $0xFFFFF000  }
0x2ab: {  	_ =	swait.ge [sflag:s17], $0x1000  }
0x2ac: {  	[sflag:s17] =	ssyncset.done $0x0  }
0x2ad: {  	[sflag:s17] =	ssyncadd.s32 $0xFFFFF000  }
0x2ae: {  	_ =	swait.ge [sflag:s17], $0x1000  }
0x2af: {  	[sflag:s17] =	ssyncset.done $0x0  }
0x2b0: {  	[sflag:s17] =	ssyncadd.s32 $0xFFFFF000  }
0x2b1: {  	_ =	swait.ge [sflag:s17], $0x1000  }
0x2b2: {  	[sflag:s17] =	ssyncset.done $0x0  }
0x2b3: {  	[sflag:s17] =	ssyncadd.s32 $0xFFFFF000  }
0x2b4: {  	_ =	swait.ge [sflag:s17], $0x1000  }
0x2b5: {  	[sflag:s17] =	ssyncset.done $0x0  }
0x2b6: {  	[sflag:s17] =	ssyncadd.s32 $0xFFFFF000  }
0x2b7: {  	_ =	swait.ge [sflag:s17], $0x1000  }
0x2b8: {  	[sflag:s17] =	ssyncset.done $0x0  }
0x2b9: {  	[sflag:s17] =	ssyncadd.s32 $0xFFFFF000  }
0x2ba: {  	_ =	swait.ge [sflag:s17], $0x1000  }
0x2bb: {  	[sflag:s17] =	ssyncset.done $0x0  }
0x2bc: {  	[sflag:s17] =	ssyncadd.s32 $0xFFFFF000  }
0x2bd: {  	_ =	swait.ge [sflag:s17], $0x1000  }
0x2be: {  	[sflag:s17] =	ssyncset.done $0x0  }
0x2bf: {  	[sflag:s17] =	ssyncadd.s32 $0xFFFFF000  }
0x2c0: {  	_ =	swait.ge [sflag:s17], $0x1000  }
0x2c1: {  	[sflag:s17] =	ssyncset.done $0x0  }
0x2c2: {  	[sflag:s17] =	ssyncadd.s32 $0xFFFFF000  }
0x2c3: {  	_ =	swait.ge [sflag:s17], $0x1000  }
0x2c4: {  	[sflag:s17] =	ssyncset.done $0x0  }
0x2c5: {  	s22 =	simm.s32 $0x10;
	[sflag:s17] =	ssyncadd.s32 $0xFFFFF000  }
0x2c6: {  	v0 =	vld [tilespmem:s22+$0x60];
	_ =	sdelay $0x4  }
0x2c7: {  	(v2sf) =	vpush v0, $0x8  }
0x2c8: {  	(v2sf) =	vpush v0, $0x7  }
0x2c9: {  	(v2sf) =	vpush v0, $0x4  }
0x2ca: {  	(v2sf) =	vpush v0, $0x3  }
0x2cb: {  	(v2sf) =	vpush v0, $0x2  }
0x2cc: {  	(v2sf) =	vpush v0, $0x0  }
0x2cd: {  	(v2sf) =	vpush v0, $0x1  }
0x2ce: {  	s7 =	simm.s32 $0xD890;
	s10 =	simm.s32 $0xD890;
	(v2sf) =	vpush v0, $0x5  }
0x2cf: {  	s11 =	simm.s32 $0x1960;
	s12 =	simm.s32 $0x1960;
	s22 =	simm.s32 $0xC0;
	(v2sf) =	vpush v0, $0x6  }
.LBB2_12:
0x2d0: {  	p0 =	sne.s32 s22, $0x2FC0;
	s7 =	sadd.s32 $0x40, s7;
	s12 =	sadd.s32 $0x200, s12  }
0x2d1: {  	s2 =	smov.u32 s22;
	s22 =	sadd.s32 $0x80, s22;
	(v2sf) =	vpush v0, $0xB  }
0x2d2: {  	(v2sf) =	vpush v0, $0x9;
	_ =	sdelay $0x1  }
0x2d3: {  	(v2sf) =	vpush v0, $0xA;
	_ =	sdelay $0x1  }
0x2d4: {  	s8 =	spop (v2sf);
	(v2sf) =	vpush v0, $0xD  }
0x2d5: {  	s13 =	sshra.s32 s2, $0x2;
	p1 =	sne.s32 s8, $0x0;
	s2 =	spop (v2sf);
	(v2sf) =	vpush v0, $0xC  }
0x2d6: {  	v1 =	vld [tilespmem:s11+$0xFFFFFF00];
	p2 =	sne.s32 s2, $0x0;
	s2 =	spop (v2sf)  }
0x2d7: {  	v2 =	vld [tilespmem:s11+$0xFFFFFF30];
	p4 =	sne.s32 s2, $0x0;
	s2 =	spop (v2sf);
	(v2sf) =	vpush v0, $0xE  }
0x2d8: {  	p5 =	sne.s32 s2, $0x0;
	s2 =	spop (v2sf)  }
0x2d9: {  	v3 =	vld [tilespmem:s11+$0xFFFFFF20];
	p3 =	sne.s32 s2, $0x0;
	s2 =	simm.s32 $0x1  }
0x2da: {  	s15 =	simm.s32 $0x1;
	v4 =	vld [tilespmem:s11+$0xFFFFFF10];
	s8 =	spop (v2sf);
	(v2sf) =	vpush v0, $0xF;
	s2 =	simm.s32 @!p5 $0x0  }
0x2db: {  	p5 =	sne.s32 s8, $0x0;
	s8 =	simm.s32 $0x1;
	s9 =	spop (v2sf)  }
0x2dc: {  	s16 =	simm.s32 $0x1;
	s8 =	simm.s32 @!p4 $0x0;
	p4 =	sne.s32 s9, $0x0  }
0x2dd: {  	v0 =	vld [tilespmem:s11+$0xFFFFFF40];
	s15 =	simm.s32 @!p5 $0x0;
	s16 =	simm.s32 @!p4 $0x0  }
0x2de: {  	v5 =	vld [tilespmem:s11+$0xFFFFFF50];
	s9 =	spop (v2sf);
	s15 =	sadd.s32 s16, s15;
	s16 =	simm.s32 $0x1  }
0x2df: {  	v6 =	vld [tilespmem:s11+$0xFFFFFF60];
	p4 =	sne.s32 s9, $0x0;
	s9 =	spop (v2sf);
	s16 =	simm.s32 @!p3 $0x0  }
0x2e0: {  	v1 =	vadd.f32 v3, v1;
	v3 =	vld [tilespmem:s11+$0xFFFFFF70];
	p3 =	sne.s32 s9, $0x0;
	s9 =	sadd.s32 s16, s15  }
0x2e1: {  	s15 =	simm.s32 $0x1;
	s16 =	spop (v2sf);
	s2 =	sadd.s32 s2, s9  }
0x2e2: {  	v2 =	vadd.f32 v2, v4;
	v4 =	vld [tilespmem:s11+$0xFFFFFF80];
	s15 =	simm.s32 @!p3 $0x0;
	s2 =	sadd.s32 s8, s2;
	s8 =	simm.s32 $0x1  }
0x2e3: {  	v0 =	vadd.f32 v0, v1;
	p3 =	sne.s32 s16, $0x0;
	v1 =	vld [tilespmem:s11+$0xFFFFFF90];
	s9 =	spop (v2sf);
	s8 =	simm.s32 @!p4 $0x0  }
0x2e4: {  	v2 =	vadd.f32 v5, v2;
	v5 =	vld [tilespmem:s11+$0xFFFFFFA0];
	p4 =	sne.s32 s9, $0x0;
	s2 =	sadd.s32 s8, s2  }
0x2e5: {  	s9 =	spop (v2sf);
	s2 =	sadd.s32 s15, s2;
	s15 =	simm.s32 $0x1  }
0x2e6: {  	s15 =	simm.s32 @!p2 $0x0;
	p2 =	sne.s32 s9, $0x0;
	s9 =	simm.s32 $0x1  }
0x2e7: {  	s8 =	simm.s32 $0x1;
	s2 =	sadd.s32 s15, s2;
	s9 =	simm.s32 @!p1 $0x0  }
0x2e8: {  	s8 =	simm.s32 @!p4 $0x0;
	s2 =	sadd.s32 s9, s2  }
0x2e9: {  	v0 =	vadd.f32 v6, v0;
	v6 =	vld [tilespmem:s11+$0xFFFFFFB0];
	s2 =	sadd.s32 s8, s2;
	s8 =	simm.s32 $0x1  }
0x2ea: {  	v2 =	vadd.f32 v3, v2;
	v3 =	vld [tilespmem:s11+$0xFFFFFFC0];
	s8 =	simm.s32 @!p2 $0x0  }
0x2eb: {  	v0 =	vadd.f32 v4, v0;
	v4 =	vld [tilespmem:s11+$0xFFFFFFD0];
	s15 =	spop (v2sf);
	s2 =	sadd.s32 s8, s2;
	s8 =	simm.s32 $0x1  }
0x2ec: {  	s9 =	spop (v2sf);
	s8 =	simm.s32 @!p3 $0x0  }
0x2ed: {  	p2 =	sne.s32 s9, $0x0;
	s2 =	sadd.s32 s8, s2;
	s8 =	simm.s32 $0x1  }
0x2ee: {  	v1 =	vadd.f32 v1, v2;
	v2 =	vld [tilespmem:s11+$0xFFFFFFE0];
	p1 =	sne.s32 s15, $0x0;
	s8 =	simm.s32 @!p2 $0x0  }
0x2ef: {  	v0 =	vadd.f32 v5, v0;
	v5 =	vld [tilespmem:s11+$0xFFFFFFF0];
	s2 =	sadd.s32 s8, s2;
	s8 =	simm.s32 $0x1  }
0x2f0: {  	v1 =	vadd.f32 v6, v1;
	v6 =	vld [tilespmem:s11+$0x0];
	s9 =	spop (v2sf);
	s8 =	simm.s32 @!p1 $0x0  }
0x2f1: {  	v0 =	vadd.f32 v3, v0;
	v3 =	vld [tilespmem:s11+$0x10];
	p2 =	sne.s32 s9, $0x0;
	s2 =	sadd.s32 s8, s2;
	s8 =	simm.s32 $0x1  }
0x2f2: {  	v1 =	vadd.f32 v4, v1;
	v4 =	vld [tilespmem:s11+$0x20];
	s9 =	spop (v2sf);
	s8 =	simm.s32 @!p2 $0x0  }
0x2f3: {  	v0 =	vadd.f32 v2, v0;
	p1 =	sne.s32 s9, $0x0;
	v2 =	vld [tilespmem:s11+$0x30];
	s2 =	sadd.s32 s8, s2;
	s8 =	simm.s32 $0x1  }
0x2f4: {  	v1 =	vadd.f32 v5, v1;
	v5 =	vld [tilespmem:s11+$0x40];
	s8 =	simm.s32 @!p1 $0x0  }
0x2f5: {  	v0 =	vadd.f32 v6, v0;
	v6 =	vld [tilespmem:s11+$0x50];
	s8 =	sadd.s32 s8, s2  }
0x2f6: {  	s9 =	simm.f32 $5.000000000e-01;
	v1 =	vadd.f32 v3, v1;
	v3 =	vld [tilespmem:s11+$0x60];
	p1 =	seq.s32 s8, $0x2  }
0x2f7: {  	v0 =	vadd.f32 v4, v0;
	v4 =	vld [tilespmem:s11+$0x70];
	s9 =	simm.s32 @!p1 $0x3F800000;
	p1 =	seq.s32 s8, $0x3  }
0x2f8: {  	v1 =	vadd.f32 v2, v1;
	v2 =	vld [tilespmem:s11+$0x80];
	s9 =	simm.s32 @p1 $0x3EAAAAAB;
	p1 =	seq.s32 s8, $0x4  }
0x2f9: {  	v0 =	vadd.f32 v5, v0;
	v5 =	vld [tilespmem:s11+$0x90];
	s9 =	simm.s32 @p1 $0x3E800000;
	p1 =	seq.s32 s8, $0x5  }
0x2fa: {  	v1 =	vadd.f32 v6, v1;
	v6 =	vld [tilespmem:s11+$0xA0];
	s9 =	simm.s32 @p1 $0x3E4CCCCD;
	p1 =	seq.s32 s8, $0x6  }
0x2fb: {  	v0 =	vadd.f32 v3, v0;
	v3 =	vld [tilespmem:s11+$0xB0];
	s9 =	simm.s32 @p1 $0x3E2AAAAB;
	p1 =	seq.s32 s8, $0x7  }
0x2fc: {  	v1 =	vadd.f32 v4, v1;
	v4 =	vld [tilespmem:s11+$0xC0];
	s9 =	simm.s32 @p1 $0x3E124925;
	p1 =	seq.s32 s8, $0x8  }
0x2fd: {  	v0 =	vadd.f32 v2, v0;
	v2 =	vld [tilespmem:s11+$0xD0];
	s9 =	simm.s32 @p1 $0x3E000000;
	p1 =	seq.s32 s8, $0x9  }
0x2fe: {  	v1 =	vadd.f32 v5, v1;
	v5 =	vld [tilespmem:s11+$0xF0];
	s9 =	simm.s32 @p1 $0x3DE38E39;
	p1 =	seq.s32 s8, $0xA  }
0x2ff: {  	v0 =	vadd.f32 v6, v0;
	v6 =	vld [tilespmem:s11+$0xE0];
	s9 =	simm.s32 @p1 $0x3DCCCCCD;
	p1 =	seq.s32 s8, $0xB;
	s11 =	smov.u32 s12  }
0x300: {  	v1 =	vadd.f32 v3, v1;
	s9 =	simm.s32 @p1 $0x3DBA2E8C;
	p1 =	seq.s32 s8, $0xC  }
0x301: {  	v0 =	vadd.f32 v4, v0;
	s9 =	simm.s32 @p1 $0x3DAAAAAB;
	p1 =	seq.s32 s8, $0xD  }
0x302: {  	v1 =	vadd.f32 v2, v1;
	s9 =	simm.s32 @p1 $0x3D9D89D9;
	p1 =	seq.s32 s8, $0xE  }
0x303: {  	s9 =	simm.s32 @p1 $0x3D924925;
	p1 =	seq.s32 s8, $0xF  }
0x304: {  	v0 =	vadd.f32 v6, v0;
	v1 =	vadd.f32 v5, v1;
	s9 =	simm.s32 @p1 $0x3D888889;
	p1 =	seq.s32 s8, $0x10  }
0x305: {  	s9 =	simm.s32 @p1 $0x3D800000  }
0x306: {  	v0 =	vmul.f32 s9, v0;
	v1 =	vmul.f32 s9, v1;
	_ =	sdelay $0x1  }
0x307: {  	[tilespmem:s10+$0xFFFFFFF0] =	vst v0  }
0x308: {  	[tilespmem:s10+$0x0] =	vst v1;
	s10 =	smov.u32 s7  }
0x309: {  	v0 =	vld [tilespmem:s13+$0x60];
	_ =	sdelay $0x4  }
0x30a: {  	(v2sf) =	vpush v0, $0x8  }
0x30b: {  	(v2sf) =	vpush v0, $0x7  }
0x30c: {  	(v2sf) =	vpush v0, $0x4  }
0x30d: {  	(v2sf) =	vpush v0, $0x3  }
.Ltmp5:
0x30e: {  	(v2sf) =	vpush v0, $0x2;
	(pc) =	sbr.rel @p0 .LBB2_12-.Ltmp5, $4  }
0x30f: {  	(v2sf) =	vpush v0, $0x0  }
0x310: {  	(v2sf) =	vpush v0, $0x1  }
0x311: {  	(v2sf) =	vpush v0, $0x5  }
0x312: {  	(v2sf) =	vpush v0, $0x6  }
0x313: {  	_ =	sdelay $0x1  }
0x314: {  	(v2sf) =	vpush v0, $0xB  }
0x315: {  	(v2sf) =	vpush v0, $0x9;
	_ =	sdelay $0x2  }
0x316: {  	s2 =	spop (v2sf)  }
0x317: {  	s7 =	spop (v2sf)  }
0x318: {  	(v2sf) =	vpush v0, $0xA;
	p0 =	sne.s32 s2, $0x0;
	s8 =	spop (v2sf)  }
0x319: {  	(v2sf) =	vpush v0, $0xD;
	s2 =	simm.s32 $0x1;
	p1 =	sne.s32 s7, $0x0;
	s9 =	spop (v2sf)  }
0x31a: {  	s7 =	simm.s32 $0x1;
	p2 =	sne.s32 s8, $0x0;
	p3 =	sne.s32 s9, $0x0  }
0x31b: {  	(v2sf) =	vpush v0, $0xC;
	s12 =	spop (v2sf);
	s9 =	simm.s32 $0x1;
	s7 =	simm.s32 @!p3 $0x0  }
0x31c: {  	s8 =	spop (v2sf);
	s9 =	simm.s32 @!p2 $0x0;
	p3 =	sne.s32 s12, $0x0  }
0x31d: {  	(v2sf) =	vpush v0, $0xE;
	s12 =	simm.s32 $0x1;
	p4 =	sne.s32 s8, $0x0;
	s13 =	spop (v2sf)  }
0x31e: {  	v1 =	vld [tilespmem:s11+$0xFFFFFF00];
	s8 =	simm.s32 $0x1;
	s2 =	simm.s32 @!p3 $0x0;
	p2 =	sne.s32 s13, $0x0  }
0x31f: {  	v2 =	vld [tilespmem:s11+$0xFFFFFF30];
	s8 =	simm.s32 @!p4 $0x0;
	s15 =	spop (v2sf);
	s12 =	simm.s32 @!p2 $0x0  }
0x320: {  	v3 =	vld [tilespmem:s11+$0xFFFFFF20];
	(v2sf) =	vpush v0, $0xF;
	p2 =	sne.s32 s15, $0x0;
	s16 =	spop (v2sf);
	s8 =	sadd.s32 s12, s8  }
0x321: {  	v38 =	vld [tilespmem:s11+$0xFFFFFF10];
	p3 =	sne.s32 s16, $0x0;
	s22 =	spop (v2sf);
	s2 =	sadd.s32 s2, s8  }
0x322: {  	v4 =	vld [tilespmem:s11+$0xFFFFFF40];
	s8 =	simm.s32 $0x1;
	s13 =	spop (v2sf);
	s2 =	sadd.s32 s7, s2  }
0x323: {  	v5 =	vld [tilespmem:s11+$0xFFFFFF50];
	s8 =	simm.s32 @!p3 $0x0;
	s2 =	sadd.s32 s9, s2;
	s9 =	simm.s32 $0x1  }
0x324: {  	v6 =	vld [tilespmem:s11+$0xFFFFFF60];
	p3 =	sne.s32 s13, $0x0;
	s7 =	simm.s32 $0x1;
	s9 =	simm.s32 @!p2 $0x0  }
0x325: {  	v39 =	vld [tilespmem:s11+$0xFFFFFF70];
	v1 =	vadd.f32 v3, v1;
	s7 =	simm.s32 @!p3 $0x0;
	p2 =	sne.s32 s22, $0x0;
	s2 =	sadd.s32 s9, s2  }
0x326: {  	v40 =	vld [tilespmem:s11+$0xFFFFFF80];
	v0 =	vadd.f32 v2, v38;
	s9 =	simm.s32 $0x1;
	s2 =	sadd.s32 s8, s2;
	s8 =	simm.s32 $0x1  }
0x327: {  	v41 =	vld [tilespmem:s11+$0xFFFFFF90];
	v1 =	vadd.f32 v4, v1;
	s15 =	spop (v2sf);
	s9 =	simm.s32 @!p0 $0x0;
	s8 =	simm.s32 @!p1 $0x0  }
0x328: {  	v42 =	vld [tilespmem:s11+$0xFFFFFFA0];
	v0 =	vadd.f32 v5, v0;
	p1 =	sne.s32 s15, $0x0;
	s16 =	spop (v2sf);
	s2 =	sadd.s32 s8, s2  }
0x329: {  	v43 =	vld [tilespmem:s11+$0xFFFFFFB0];
	v1 =	vadd.f32 v6, v1;
	p0 =	sne.s32 s16, $0x0;
	s8 =	simm.s32 $0x1;
	s2 =	sadd.s32 s9, s2  }
0x32a: {  	v44 =	vld [tilespmem:s11+$0xFFFFFFC0];
	v0 =	vadd.f32 v39, v0;
	s22 =	spop (v2sf);
	s8 =	simm.s32 @!p1 $0x0;
	s9 =	simm.s32 $0x1  }
0x32b: {  	v45 =	vld [tilespmem:s11+$0xFFFFFFD0];
	v1 =	vadd.f32 v40, v1;
	s2 =	sadd.s32 s7, s2;
	p1 =	sne.s32 s22, $0x0;
	s7 =	simm.s32 $0x1  }
0x32c: {  	v46 =	vld [tilespmem:s11+$0xFFFFFFE0];
	v0 =	vadd.f32 v41, v0;
	s2 =	sadd.s32 s8, s2;
	s7 =	simm.s32 @!p2 $0x0;
	s12 =	spop (v2sf)  }
0x32d: {  	v47 =	vld [tilespmem:s11+$0xFFFFFFF0];
	v1 =	vadd.f32 v42, v1;
	s9 =	simm.s32 @!p1 $0x0;
	s2 =	sadd.s32 s7, s2;
	s7 =	simm.s32 $0x1  }
0x32e: {  	v48 =	vld [tilespmem:s11+$0x0];
	v0 =	vadd.f32 v43, v0;
	p1 =	sne.s32 s12, $0x0;
	s2 =	sadd.s32 s9, s2;
	s7 =	simm.s32 @!p0 $0x0  }
0x32f: {  	v49 =	vld [tilespmem:s11+$0x10];
	v1 =	vadd.f32 v44, v1;
	s13 =	spop (v2sf);
	s2 =	sadd.s32 s7, s2;
	s7 =	simm.s32 $0x1  }
0x330: {  	v50 =	vld [tilespmem:s11+$0x20];
	v0 =	vadd.f32 v45, v0;
	s8 =	simm.s32 $0x1;
	p0 =	sne.s32 s13, $0x0;
	s7 =	simm.s32 @!p1 $0x0  }
0x331: {  	v51 =	vld [tilespmem:s11+$0x30];
	v1 =	vadd.f32 v46, v1;
	s8 =	simm.s32 @!p0 $0x0;
	s2 =	sadd.s32 s7, s2  }
0x332: {  	v52 =	vld [tilespmem:s11+$0x40];
	v0 =	vadd.f32 v47, v0;
	s2 =	sadd.s32 s8, s2  }
0x333: {  	v53 =	vld [tilespmem:s11+$0x50];
	v1 =	vadd.f32 v48, v1;
	s7 =	simm.f32 $5.000000000e-01;
	p0 =	seq.s32 s2, $0x2  }
0x334: {  	v54 =	vld [tilespmem:s11+$0x60];
	v0 =	vadd.f32 v49, v0;
	s7 =	simm.s32 @!p0 $0x3F800000;
	p0 =	seq.s32 s2, $0x3  }
0x335: {  	v55 =	vld [tilespmem:s11+$0x70];
	v1 =	vadd.f32 v50, v1;
	s7 =	simm.s32 @p0 $0x3EAAAAAB;
	p0 =	seq.s32 s2, $0x4  }
0x336: {  	v56 =	vld [tilespmem:s11+$0x80];
	v0 =	vadd.f32 v51, v0;
	s7 =	simm.s32 @p0 $0x3E800000;
	p0 =	seq.s32 s2, $0x5  }
0x337: {  	v57 =	vld [tilespmem:s11+$0x90];
	v1 =	vadd.f32 v52, v1;
	s7 =	simm.s32 @p0 $0x3E4CCCCD;
	p0 =	seq.s32 s2, $0x6  }
0x338: {  	v58 =	vld [tilespmem:s11+$0xA0];
	v0 =	vadd.f32 v53, v0;
	s7 =	simm.s32 @p0 $0x3E2AAAAB;
	p0 =	seq.s32 s2, $0x7  }
0x339: {  	v59 =	vld [tilespmem:s11+$0xB0];
	v1 =	vadd.f32 v54, v1;
	s7 =	simm.s32 @p0 $0x3E124925;
	p0 =	seq.s32 s2, $0x8  }
0x33a: {  	v60 =	vld [tilespmem:s11+$0xC0];
	v0 =	vadd.f32 v55, v0;
	s7 =	simm.s32 @p0 $0x3E000000;
	p0 =	seq.s32 s2, $0x9  }
0x33b: {  	v61 =	vld [tilespmem:s11+$0xD0];
	v1 =	vadd.f32 v56, v1;
	s7 =	simm.s32 @p0 $0x3DE38E39;
	p0 =	seq.s32 s2, $0xA  }
0x33c: {  	v62 =	vld [tilespmem:s11+$0xE0];
	v0 =	vadd.f32 v57, v0;
	s7 =	simm.s32 @p0 $0x3DCCCCCD;
	p0 =	seq.s32 s2, $0xB  }
0x33d: {  	v63 =	vld [tilespmem:s11+$0xF0];
	v1 =	vadd.f32 v58, v1;
	s7 =	simm.s32 @p0 $0x3DBA2E8C;
	p0 =	seq.s32 s2, $0xC  }
0x33e: {  	v0 =	vadd.f32 v59, v0;
	s7 =	simm.s32 @p0 $0x3DAAAAAB;
	p0 =	seq.s32 s2, $0xD  }
0x33f: {  	v1 =	vadd.f32 v60, v1;
	s7 =	simm.s32 @p0 $0x3D9D89D9;
	p0 =	seq.s32 s2, $0xE  }
0x340: {  	v0 =	vadd.f32 v61, v0;
	s7 =	simm.s32 @p0 $0x3D924925;
	p0 =	seq.s32 s2, $0xF  }
0x341: {  	v1 =	vadd.f32 v62, v1;
	s7 =	simm.s32 @p0 $0x3D888889;
	p0 =	seq.s32 s2, $0x10  }
0x342: {  	v0 =	vadd.f32 v63, v0;
	s7 =	simm.s32 @p0 $0x3D800000  }
0x343: {  	v1 =	vmul.f32 s7, v1  }
0x344: {  	v0 =	vmul.f32 s7, v0  }
0x345: {  	[tilespmem:s10+$0xFFFFFFF0] =	vst v1  }
0x346: {  	s15 =	rddreg [dreg:$0xa];
	s16 =	simm.s32 $0xD860;
	[tilespmem:s10+$0x0] =	vst v0  }
0x347: {  	[hbm4b:s15+s20] =	stream.strided.scatter [tilespmem:s16], [sflag:$0x3], $0x1800, s21, s20, $0x38;
	[tilespmem:$0xFC60] =	vst v63  }
0x348: {  	_ =	swait.ge [sflag:s14], $0x1800  }
0x349: {  	s31 =	sadd.s32 $0x1, s31;
	s22 =	rddreg [dreg:$0xb]  }
0x34a: {  	p0 =	sne.s32 s31, s22  }
.Ltmp6:
0x34b: {  	_ = 	snop;
	(pc) =	sbr.rel @p0 .LBB2_1-.Ltmp6, $3  }
0x34c: {  	_ =	sdelay $0x1  }
0x34d: {  	[sflag:s14] =	ssyncset.done $0x0  }
0x34e: {  	s11 =	simm.s32 $0xF060;
	[sflag:s14] =	ssyncadd.s32 $0xFFFFE800  }
0x34f: {  	_ =	sfence.sel $0x180000  }
0x350: {  	[bflag:$0x0] =	sbarrier.arrive $0xFFFF  }
0x351: {  	_ =	strace $0x90000047  }
0x352: {  	s0 =	stileid.u32;
	[bflag:$0x2] =	sbarrier.arrive $0xFFFF  }
0x353: {  	p0 =	sne.s32 s0, $0x0;
	s0 =	rddreg [dreg:$0x2]  }
0x354: {  	s0 =	sadd.s32 @!p0 $0x100000, s0  }
0x355: {  	[sflag:s0] =	ssyncadd.tile.s32 @!p0 $0x1;
	_ =	shalt  }
.Lfunc_end2:
_tile_overlayer_lowered:
.L_overlay_start_2:
0x356: {  	(tag) =	ssettag $0x2  }
0x357: {  	s0 =	rddreg [dreg:$0x0];
	s2 =	stileid.u32  }
0x358: {  	s1 =	rddreg [dreg:$0x1];
	p0 =	sne.s32 s2, $0x0  }
0x359: {  	s3 =	rddreg [dreg:$0x2];
	[bflag:$0x3] =	sbarrier.arrive $0xFFFF;
	s2 =	simm.s32 @!p0 $0x1C03  }
0x35a: {  	[timem:s3], [sflag:s2] =	dma.local @!p0 [hbm:s0], s1  }
0x35b: {  	s0 =	simm.s32 @!p0 $0x3  }
0x35c: {  	_ =	swait.ge @!p0 [sflag:s0], s1  }
0x35d: {  	s1 =	ssub.s32 @!p0 $0x0, s1;
	[sflag:s0] =	ssyncset.done @!p0 $0x0  }
0x35e: {  	[sflag:s0] =	ssyncadd.s32 @!p0 s1  }
0x35f: {  	[bflag:$0x3] =	sbarrier.arrive $0xFFFF  }
0x360: {  	_ =	shalt  }

</sc_bundles>
